<compile_context>
chip_gen: v7x
topology: tpu7x:2x2x1
jax: 0.10.2.dev20260603
libtpu: 0.0.44.dev20260713+nightly
codegen_flags: <defaults>
</compile_context>

<pallas_src>
import functools

import jax
import jax.numpy as jnp
from jax import lax
from jax.experimental import pallas as pl
from jax.experimental.pallas import tpu as pltpu
from jax.experimental.pallas import tpu_sc as plsc

B, K, D = 16384, 8, 256
L = 16

NC, NS = 2, 16
NW = NC * NS
ROWS_PER_W = B // NW
CH = 8
NCHUNK = ROWS_PER_W // CH
NBUF = 2
NPAIR = NCHUNK // NBUF

_mesh = plsc.VectorSubcoreMesh(core_axis_name="c", subcore_axis_name="s")


def _sc_body(pf_hbm, idx_hbm, gamma_hbm, beta_hbm, out_hbm,
             gamma_v, beta_v, idx_v,
             ibuf0, ibuf1, obuf0, obuf1,
             sin0, sin1, sout0, sout1):
    ibufs = (ibuf0, ibuf1)
    obufs = (obuf0, obuf1)
    sin = (sin0, sin1)
    sout = (sout0, sout1)

    wid = lax.axis_index("s") * NC + lax.axis_index("c")
    base = wid * ROWS_PER_W

    pltpu.sync_copy(gamma_hbm, gamma_v)
    pltpu.sync_copy(beta_hbm, beta_v)
    pltpu.sync_copy(idx_hbm.at[pl.ds(base, ROWS_PER_W)],
                    idx_v.at[pl.ds(0, ROWS_PER_W)])

    for p in range(NBUF):
        pltpu.make_async_copy(
            pf_hbm.at[pl.ds(base + p * CH, CH)], ibufs[p], sin[p]).start()

    def chunk_pair(i, carry):
        for p in range(NBUF):
            c = i * NBUF + p
            row0 = base + c * CH
            pltpu.make_async_copy(
                pf_hbm.at[pl.ds(row0, CH)], ibufs[p], sin[p]).wait()

            @pl.when(c >= NBUF)
            def _drain():
                pltpu.make_async_copy(
                    obufs[p], out_hbm.at[pl.ds(row0 - NBUF * CH, CH)],
                    sout[p]).wait()

            def row_body(r, _):
                av = idx_v[pl.ds(c * CH + r, L)]
                a = av[0]
                for j in range(D // L):
                    g = gamma_v[a, pl.ds(j * L, L)]
                    bt = beta_v[a, pl.ds(j * L, L)]
                    for k in range(K):
                        obufs[p][r, k, pl.ds(j * L, L)] = (
                            ibufs[p][r, k, pl.ds(j * L, L)] * g + bt)
                return 0

            lax.fori_loop(0, CH, row_body, 0, unroll=False)

            pltpu.make_async_copy(
                obufs[p], out_hbm.at[pl.ds(row0, CH)], sout[p]).start()

            @pl.when(c + NBUF < NCHUNK)
            def _prefetch():
                pltpu.make_async_copy(
                    pf_hbm.at[pl.ds(row0 + NBUF * CH, CH)], ibufs[p],
                    sin[p]).start()
        return carry

    lax.fori_loop(0, NPAIR, chunk_pair, 0, unroll=False)

    for p in range(NBUF):
        c = NCHUNK - NBUF + p
        pltpu.make_async_copy(
            obufs[p], out_hbm.at[pl.ds(base + c * CH, CH)], sout[p]).wait()


_film_sc = functools.partial(
    pl.kernel,
    mesh=_mesh,
    out_type=jax.ShapeDtypeStruct((B, K, D), jnp.float32),
    scratch_types=[
        pltpu.VMEM((4, D), jnp.float32),
        pltpu.VMEM((4, D), jnp.float32),
        pltpu.VMEM((ROWS_PER_W + L,), jnp.int32),
        pltpu.VMEM((CH, K, D), jnp.float32),
        pltpu.VMEM((CH, K, D), jnp.float32),
        pltpu.VMEM((CH, K, D), jnp.float32),
        pltpu.VMEM((CH, K, D), jnp.float32),
        pltpu.SemaphoreType.DMA,
        pltpu.SemaphoreType.DMA,
        pltpu.SemaphoreType.DMA,
        pltpu.SemaphoreType.DMA,
    ],
)(_sc_body)


def kernel(part_features, altitude_idx, gamma, beta):
    idx32 = altitude_idx.astype(jnp.int32)
    return _film_sc(part_features, idx32, gamma, beta)

# --- scband reference (transcript-rebuilt; emitter-appended) ---
"""Pipeline reference for scband-altitude-fi-lm-45672682225759 (READ-ONLY COPY).

The authoritative reference and input builder live on the scoring server;
editing this copy changes nothing except your own understanding.
"""

import jax, jax.numpy as jnp
import numpy as np


def setup_inputs(seed: int = 0) -> dict:
    key = jax.random.key(seed)
    k1, k2 = jax.random.split(key)
    part_features = jax.random.normal(k1, (16384, 8, 256), dtype=jnp.float32)
    altitude_idx = jax.random.randint(k2, (16384,), 0, 4, dtype=jnp.int64 if jax.config.jax_enable_x64 else jnp.int32)
    # learned parameters per init_kwargs: n_altitudes=4, feat_dim=256
    gamma = jnp.ones((4, 256), dtype=jnp.float32)
    beta = jnp.zeros((4, 256), dtype=jnp.float32)
    return {"part_features": part_features, "altitude_idx": altitude_idx, "gamma": gamma, "beta": beta}


def reference(part_features, altitude_idx, gamma, beta):
    # gather per-sample modulation params (embedding lookup)
    g = jnp.take(gamma, altitude_idx, axis=0)  # [B, D]
    b = jnp.take(beta, altitude_idx, axis=0)   # [B, D]
    # broadcast over the K parts dimension: [B, 1, D]
    return part_features * g[:, None, :] + b[:, None, :]

if __name__ == "__main__":
    import jax
    _d = setup_inputs()
    print(jax.jit(kernel)(*tuple(_d.values())))

</pallas_src>

<mosaic_0001>
#map = affine_map<(d0, d1) -> (0, 0, 0)>
#map1 = affine_map<(d0, d1) -> (0)>
#map2 = affine_map<(d0, d1) -> (0, 0)>
module attributes {stable_mosaic.version = 14 : i64} {
  func.func @_sc_body(%arg0: i32, %arg1: i32, %arg2: memref<16384x8x256xf32, #tpu.memory_space<hbm>>, %arg3: memref<16384xi32, #tpu.memory_space<hbm>>, %arg4: memref<4x256xf32, #tpu.memory_space<hbm>>, %arg5: memref<4x256xf32, #tpu.memory_space<hbm>>, %arg6: memref<16384x8x256xf32, #tpu.memory_space<hbm>>, %arg7: memref<4x256xf32, #tpu.memory_space<vmem>>, %arg8: memref<4x256xf32, #tpu.memory_space<vmem>>, %arg9: memref<528xi32, #tpu.memory_space<vmem>>, %arg10: memref<8x8x256xf32, #tpu.memory_space<vmem>>, %arg11: memref<8x8x256xf32, #tpu.memory_space<vmem>>, %arg12: memref<8x8x256xf32, #tpu.memory_space<vmem>>, %arg13: memref<8x8x256xf32, #tpu.memory_space<vmem>>, %arg14: memref<!tpu.dma_semaphore, #tpu.memory_space<semaphore_mem>>, %arg15: memref<!tpu.dma_semaphore, #tpu.memory_space<semaphore_mem>>, %arg16: memref<!tpu.dma_semaphore, #tpu.memory_space<semaphore_mem>>, %arg17: memref<!tpu.dma_semaphore, #tpu.memory_space<semaphore_mem>>) attributes {dimension_semantics = [#tpu.dimension_semantics<core_parallel>, #tpu.dimension_semantics<subcore_parallel>], iteration_bounds = array<i64: 2, 16>, scalar_prefetch = 0 : i64, scratch_operands = 11 : i64, tpu.core_type = #tpu.core_type<sc_vector_subcore>, window_params = [{transform_indices = #map}, {transform_indices = #map1}, {transform_indices = #map2}, {transform_indices = #map2}, {transform_indices = #map}]} {
    %mul3A = arith.constant 2 : i32
    %mul3A_0 = arith.muli %arg1, %mul3A : i32
    %add3A = arith.addi %mul3A_0, %arg0 : i32
    %mul3A_1 = arith.constant 512 : i32
    %mul3A_2 = arith.muli %add3A, %mul3A_1 : i32
    "tpu.region"() ({
      %run_scoped3A = tpu.sem_alloc : memref<!tpu.dma_semaphore, #tpu.memory_space<semaphore_mem>>
      tpu.enqueue_dma source(%arg4 : memref<4x256xf32, #tpu.memory_space<hbm>>) target(%arg7 : memref<4x256xf32, #tpu.memory_space<vmem>>) target_semaphore(%run_scoped3A : memref<!tpu.dma_semaphore, #tpu.memory_space<semaphore_mem>>)
      tpu.wait_dma2 semaphore(%run_scoped3A : memref<!tpu.dma_semaphore, #tpu.memory_space<semaphore_mem>>) src(%arg4 : memref<4x256xf32, #tpu.memory_space<hbm>>) dst(%arg7 : memref<4x256xf32, #tpu.memory_space<vmem>>)
      tpu.yield
    }) : () -> ()
    "tpu.region"() ({
      %run_scoped3A = tpu.sem_alloc : memref<!tpu.dma_semaphore, #tpu.memory_space<semaphore_mem>>
      tpu.enqueue_dma source(%arg5 : memref<4x256xf32, #tpu.memory_space<hbm>>) target(%arg8 : memref<4x256xf32, #tpu.memory_space<vmem>>) target_semaphore(%run_scoped3A : memref<!tpu.dma_semaphore, #tpu.memory_space<semaphore_mem>>)
      tpu.wait_dma2 semaphore(%run_scoped3A : memref<!tpu.dma_semaphore, #tpu.memory_space<semaphore_mem>>) src(%arg5 : memref<4x256xf32, #tpu.memory_space<hbm>>) dst(%arg8 : memref<4x256xf32, #tpu.memory_space<vmem>>)
      tpu.yield
    }) : () -> ()
    "tpu.region"() ({
      %run_scoped3A = tpu.sem_alloc : memref<!tpu.dma_semaphore, #tpu.memory_space<semaphore_mem>>
      %dma_start3A_38 = arith.constant 0 : i32
      %dma_start3A_39 = tpu.memref_slice %arg9[%dma_start3A_38] : memref<528xi32, #tpu.memory_space<vmem>> -> memref<512xi32, #tpu.memory_space<vmem>>
      %dma_start3A_40 = tpu.memref_slice %arg3[%mul3A_2] : memref<16384xi32, #tpu.memory_space<hbm>> -> memref<512xi32, #tpu.memory_space<hbm>>
      %dma_start3A_41 = arith.constant 0 : i32
      %dma_start3A_42 = tpu.memref_slice %arg9[%dma_start3A_41] : memref<528xi32, #tpu.memory_space<vmem>> -> memref<512xi32, #tpu.memory_space<vmem>>
      %dma_start3A_43 = tpu.memref_slice %arg3[%mul3A_2] : memref<16384xi32, #tpu.memory_space<hbm>> -> memref<512xi32, #tpu.memory_space<hbm>>
      tpu.enqueue_dma source(%dma_start3A_43 : memref<512xi32, #tpu.memory_space<hbm>>) target(%dma_start3A_42 : memref<512xi32, #tpu.memory_space<vmem>>) target_semaphore(%run_scoped3A : memref<!tpu.dma_semaphore, #tpu.memory_space<semaphore_mem>>)
      %dma_wait3A_44 = arith.constant 0 : i32
      %dma_wait3A_45 = tpu.memref_slice %arg9[%dma_wait3A_44] : memref<528xi32, #tpu.memory_space<vmem>> -> memref<512xi32, #tpu.memory_space<vmem>>
      %dma_wait3A_46 = tpu.memref_slice %arg3[%mul3A_2] : memref<16384xi32, #tpu.memory_space<hbm>> -> memref<512xi32, #tpu.memory_space<hbm>>
      %dma_wait3A_47 = arith.constant 0 : i32
      %dma_wait3A_48 = tpu.memref_slice %arg9[%dma_wait3A_47] : memref<528xi32, #tpu.memory_space<vmem>> -> memref<512xi32, #tpu.memory_space<vmem>>
      %dma_wait3A_49 = tpu.memref_slice %arg3[%mul3A_2] : memref<16384xi32, #tpu.memory_space<hbm>> -> memref<512xi32, #tpu.memory_space<hbm>>
      tpu.wait_dma2 semaphore(%run_scoped3A : memref<!tpu.dma_semaphore, #tpu.memory_space<semaphore_mem>>) src(%dma_wait3A_49 : memref<512xi32, #tpu.memory_space<hbm>>) dst(%dma_wait3A_48 : memref<512xi32, #tpu.memory_space<vmem>>)
      tpu.yield
    }) : () -> ()
    %add3A_3 = arith.constant 0 : i32
    %add3A_4 = arith.addi %mul3A_2, %add3A_3 : i32
    %dma_start3A = arith.constant 0 : i32
    %dma_start3A_5 = arith.constant 0 : i32
    %dma_start3A_6 = tpu.memref_slice %arg2[%add3A_4, %dma_start3A, %dma_start3A_5] : memref<16384x8x256xf32, #tpu.memory_space<hbm>> -> memref<8x8x256xf32, #tpu.memory_space<hbm>>
    %dma_start3A_7 = arith.constant 0 : i32
    %dma_start3A_8 = arith.constant 0 : i32
    %dma_start3A_9 = tpu.memref_slice %arg2[%add3A_4, %dma_start3A_7, %dma_start3A_8] : memref<16384x8x256xf32, #tpu.memory_space<hbm>> -> memref<8x8x256xf32, #tpu.memory_space<hbm>>
    tpu.enqueue_dma source(%dma_start3A_9 : memref<8x8x256xf32, #tpu.memory_space<hbm>>) target(%arg10 : memref<8x8x256xf32, #tpu.memory_space<vmem>>) target_semaphore(%arg14 : memref<!tpu.dma_semaphore, #tpu.memory_space<semaphore_mem>>)
    %add3A_10 = arith.constant 8 : i32
    %add3A_11 = arith.addi %mul3A_2, %add3A_10 : i32
    %dma_start3A_12 = arith.constant 0 : i32
    %dma_start3A_13 = arith.constant 0 : i32
    %dma_start3A_14 = tpu.memref_slice %arg2[%add3A_11, %dma_start3A_12, %dma_start3A_13] : memref<16384x8x256xf32, #tpu.memory_space<hbm>> -> memref<8x8x256xf32, #tpu.memory_space<hbm>>
    %dma_start3A_15 = arith.constant 0 : i32
    %dma_start3A_16 = arith.constant 0 : i32
    %dma_start3A_17 = tpu.memref_slice %arg2[%add3A_11, %dma_start3A_15, %dma_start3A_16] : memref<16384x8x256xf32, #tpu.memory_space<hbm>> -> memref<8x8x256xf32, #tpu.memory_space<hbm>>
    tpu.enqueue_dma source(%dma_start3A_17 : memref<8x8x256xf32, #tpu.memory_space<hbm>>) target(%arg11 : memref<8x8x256xf32, #tpu.memory_space<vmem>>) target_semaphore(%arg15 : memref<!tpu.dma_semaphore, #tpu.memory_space<semaphore_mem>>)
    %scan3A = arith.constant 0 : i32
    %scan3A_18 = arith.constant 0 : i32
    %scan3A_19 = arith.constant 32 : i32
    %scan3A_20 = arith.addi %scan3A_18, %scan3A_19 : i32
    %scan3A_21 = arith.constant 1 : i32
    scf.for %scan3A_38 = %scan3A_18 to %scan3A_20 step %scan3A_21  : i32 {
      %mul3A_39 = arith.constant 2 : i32
      %mul3A_40 = arith.muli %scan3A_38, %mul3A_39 : i32
      %add3A_41 = arith.constant 0 : i32
      %add3A_42 = arith.addi %mul3A_40, %add3A_41 : i32
      %mul3A_43 = arith.constant 8 : i32
      %mul3A_44 = arith.muli %add3A_42, %mul3A_43 : i32
      %add3A_45 = arith.addi %mul3A_2, %mul3A_44 : i32
      %dma_wait3A_46 = arith.constant 0 : i32
      %dma_wait3A_47 = arith.constant 0 : i32
      %dma_wait3A_48 = tpu.memref_slice %arg2[%add3A_45, %dma_wait3A_46, %dma_wait3A_47] : memref<16384x8x256xf32, #tpu.memory_space<hbm>> -> memref<8x8x256xf32, #tpu.memory_space<hbm>>
      %dma_wait3A_49 = arith.constant 0 : i32
      %dma_wait3A_50 = arith.constant 0 : i32
      %dma_wait3A_51 = tpu.memref_slice %arg2[%add3A_45, %dma_wait3A_49, %dma_wait3A_50] : memref<16384x8x256xf32, #tpu.memory_space<hbm>> -> memref<8x8x256xf32, #tpu.memory_space<hbm>>
      tpu.wait_dma2 semaphore(%arg14 : memref<!tpu.dma_semaphore, #tpu.memory_space<semaphore_mem>>) src(%dma_wait3A_51 : memref<8x8x256xf32, #tpu.memory_space<hbm>>) dst(%arg10 : memref<8x8x256xf32, #tpu.memory_space<vmem>>)
      %ge3A = arith.constant 2 : i32
      %ge3A_52 = arith.cmpi sge, %add3A_42, %ge3A : i32
      %convert_element_type3A = arith.extui %ge3A_52 : i1 to i32
      %cond3A = arith.constant 0 : i32
      %cond3A_53 = arith.cmpi ne, %convert_element_type3A, %cond3A : i32
      scf.if %cond3A_53 {
        %sub3A = arith.constant 16 : i32
        %sub3A_111 = arith.subi %add3A_45, %sub3A : i32
        %dma_wait3A_112 = arith.constant 0 : i32
        %dma_wait3A_113 = arith.constant 0 : i32
        %dma_wait3A_114 = tpu.memref_slice %arg6[%sub3A_111, %dma_wait3A_112, %dma_wait3A_113] : memref<16384x8x256xf32, #tpu.memory_space<hbm>> -> memref<8x8x256xf32, #tpu.memory_space<hbm>>
        %dma_wait3A_115 = arith.constant 0 : i32
        %dma_wait3A_116 = arith.constant 0 : i32
        %dma_wait3A_117 = tpu.memref_slice %arg6[%sub3A_111, %dma_wait3A_115, %dma_wait3A_116] : memref<16384x8x256xf32, #tpu.memory_space<hbm>> -> memref<8x8x256xf32, #tpu.memory_space<hbm>>
        tpu.wait_dma2 semaphore(%arg16 : memref<!tpu.dma_semaphore, #tpu.memory_space<semaphore_mem>>) src(%arg12 : memref<8x8x256xf32, #tpu.memory_space<vmem>>) dst(%dma_wait3A_117 : memref<8x8x256xf32, #tpu.memory_space<hbm>>)
      } else {
      }
      %scan3A_54 = arith.constant 0 : i32
      %scan3A_55 = arith.constant 0 : i32
      %scan3A_56 = arith.constant 8 : i32
      %scan3A_57 = arith.addi %scan3A_55, %scan3A_56 : i32
      %scan3A_58 = arith.constant 1 : i32
      %scan3A_59 = scf.for %scan3A_111 = %scan3A_55 to %scan3A_57 step %scan3A_58 iter_args(%scan3A_112 = %scan3A_54) -> (i32)  : i32 {
        %mul3A_113 = arith.constant 8 : i32
        %mul3A_114 = arith.muli %add3A_42, %mul3A_113 : i32
        %add3A_115 = arith.addi %mul3A_114, %scan3A_111 : i32
        %get3A = arith.index_cast %add3A_115 : i32 to index
        %get3A_116 = tpu.vector_load %arg9[%get3A] {strides = array<i32>} : memref<528xi32, #tpu.memory_space<vmem>>, vector<16xi32>,
        %get3A_117 = vector.shape_cast %get3A_116 : vector<16xi32> to vector<16xi32>
        %slice3A = vector.extract_strided_slice %get3A_117 {offsets = [0], sizes = [1], strides = [1]} : vector<16xi32> to vector<1xi32>
        %squeeze3A = vector.extract %slice3A[0] : i32 from vector<1xi32>
        %get3A_118 = arith.index_cast %squeeze3A : i32 to index
        %get3A_119 = arith.constant 0 : index
        %get3A_120 = tpu.vector_load %arg7[%get3A_118, %get3A_119] {strides = array<i32>} : memref<4x256xf32, #tpu.memory_space<vmem>>, vector<1x16xf32>,
        %get3A_121 = vector.shape_cast %get3A_120 : vector<1x16xf32> to vector<16xf32>
        %get3A_122 = arith.index_cast %squeeze3A : i32 to index
        %get3A_123 = arith.constant 0 : index
        %get3A_124 = tpu.vector_load %arg8[%get3A_122, %get3A_123] {strides = array<i32>} : memref<4x256xf32, #tpu.memory_space<vmem>>, vector<1x16xf32>,
        %get3A_125 = vector.shape_cast %get3A_124 : vector<1x16xf32> to vector<16xf32>
        %get3A_126 = arith.constant 0 : i32
        %get3A_127 = arith.index_cast %scan3A_111 : i32 to index
        %get3A_128 = arith.index_cast %get3A_126 : i32 to index
        %get3A_129 = arith.constant 0 : index
        %get3A_130 = tpu.vector_load %arg10[%get3A_127, %get3A_128, %get3A_129] {strides = array<i32>} : memref<8x8x256xf32, #tpu.memory_space<vmem>>, vector<1x1x16xf32>,
        %get3A_131 = vector.shape_cast %get3A_130 : vector<1x1x16xf32> to vector<16xf32>
        %mul3A_132 = arith.mulf %get3A_131, %get3A_121 : vector<16xf32>
        %add3A_133 = arith.addf %mul3A_132, %get3A_125 : vector<16xf32>
        %swap3A = arith.constant 0 : i32
        %swap3A_134 = arith.index_cast %scan3A_111 : i32 to index
        %swap3A_135 = arith.index_cast %swap3A : i32 to index
        %swap3A_136 = arith.constant 0 : index
        %swap3A_137 = tpu.vector_load %arg12[%swap3A_134, %swap3A_135, %swap3A_136] {strides = array<i32>} : memref<8x8x256xf32, #tpu.memory_space<vmem>>, vector<1x1x16xf32>,
        %swap3A_138 = vector.shape_cast %swap3A_137 : vector<1x1x16xf32> to vector<16xf32>
        %swap3A_139 = vector.shape_cast %add3A_133 : vector<16xf32> to vector<1x1x16xf32>
        tpu.vector_store %arg12[%swap3A_134, %swap3A_135, %swap3A_136], %swap3A_139 {strides = array<i32>} : memref<8x8x256xf32, #tpu.memory_space<vmem>>, vector<1x1x16xf32>,
        %get3A_140 = arith.constant 1 : i32
        %get3A_141 = arith.index_cast %scan3A_111 : i32 to index
        %get3A_142 = arith.index_cast %get3A_140 : i32 to index
        %get3A_143 = arith.constant 0 : index
        %get3A_144 = tpu.vector_load %arg10[%get3A_141, %get3A_142, %get3A_143] {strides = array<i32>} : memref<8x8x256xf32, #tpu.memory_space<vmem>>, vector<1x1x16xf32>,
        %get3A_145 = vector.shape_cast %get3A_144 : vector<1x1x16xf32> to vector<16xf32>
        %mul3A_146 = arith.mulf %get3A_145, %get3A_121 : vector<16xf32>
        %add3A_147 = arith.addf %mul3A_146, %get3A_125 : vector<16xf32>
        %swap3A_148 = arith.constant 1 : i32
        %swap3A_149 = arith.index_cast %scan3A_111 : i32 to index
        %swap3A_150 = arith.index_cast %swap3A_148 : i32 to index
        %swap3A_151 = arith.constant 0 : index
        %swap3A_152 = tpu.vector_load %arg12[%swap3A_149, %swap3A_150, %swap3A_151] {strides = array<i32>} : memref<8x8x256xf32, #tpu.memory_space<vmem>>, vector<1x1x16xf32>,
        %swap3A_153 = vector.shape_cast %swap3A_152 : vector<1x1x16xf32> to vector<16xf32>
        %swap3A_154 = vector.shape_cast %add3A_147 : vector<16xf32> to vector<1x1x16xf32>
        tpu.vector_store %arg12[%swap3A_149, %swap3A_150, %swap3A_151], %swap3A_154 {strides = array<i32>} : memref<8x8x256xf32, #tpu.memory_space<vmem>>, vector<1x1x16xf32>,
        %get3A_155 = arith.constant 2 : i32
        %get3A_156 = arith.index_cast %scan3A_111 : i32 to index
        %get3A_157 = arith.index_cast %get3A_155 : i32 to index
        %get3A_158 = arith.constant 0 : index
        %get3A_159 = tpu.vector_load %arg10[%get3A_156, %get3A_157, %get3A_158] {strides = array<i32>} : memref<8x8x256xf32, #tpu.memory_space<vmem>>, vector<1x1x16xf32>,
        %get3A_160 = vector.shape_cast %get3A_159 : vector<1x1x16xf32> to vector<16xf32>
        %mul3A_161 = arith.mulf %get3A_160, %get3A_121 : vector<16xf32>
        %add3A_162 = arith.addf %mul3A_161, %get3A_125 : vector<16xf32>
        %swap3A_163 = arith.constant 2 : i32
        %swap3A_164 = arith.index_cast %scan3A_111 : i32 to index
        %swap3A_165 = arith.index_cast %swap3A_163 : i32 to index
        %swap3A_166 = arith.constant 0 : index
        %swap3A_167 = tpu.vector_load %arg12[%swap3A_164, %swap3A_165, %swap3A_166] {strides = array<i32>} : memref<8x8x256xf32, #tpu.memory_space<vmem>>, vector<1x1x16xf32>,
        %swap3A_168 = vector.shape_cast %swap3A_167 : vector<1x1x16xf32> to vector<16xf32>
        %swap3A_169 = vector.shape_cast %add3A_162 : vector<16xf32> to vector<1x1x16xf32>
        tpu.vector_store %arg12[%swap3A_164, %swap3A_165, %swap3A_166], %swap3A_169 {strides = array<i32>} : memref<8x8x256xf32, #tpu.memory_space<vmem>>, vector<1x1x16xf32>,
        %get3A_170 = arith.constant 3 : i32
        %get3A_171 = arith.index_cast %scan3A_111 : i32 to index
        %get3A_172 = arith.index_cast %get3A_170 : i32 to index
        %get3A_173 = arith.constant 0 : index
        %get3A_174 = tpu.vector_load %arg10[%get3A_171, %get3A_172, %get3A_173] {strides = array<i32>} : memref<8x8x256xf32, #tpu.memory_space<vmem>>, vector<1x1x16xf32>,
        %get3A_175 = vector.shape_cast %get3A_174 : vector<1x1x16xf32> to vector<16xf32>
        %mul3A_176 = arith.mulf %get3A_175, %get3A_121 : vector<16xf32>
        %add3A_177 = arith.addf %mul3A_176, %get3A_125 : vector<16xf32>
        %swap3A_178 = arith.constant 3 : i32
        %swap3A_179 = arith.index_cast %scan3A_111 : i32 to index
        %swap3A_180 = arith.index_cast %swap3A_178 : i32 to index
        %swap3A_181 = arith.constant 0 : index
        %swap3A_182 = tpu.vector_load %arg12[%swap3A_179, %swap3A_180, %swap3A_181] {strides = array<i32>} : memref<8x8x256xf32, #tpu.memory_space<vmem>>, vector<1x1x16xf32>,
        %swap3A_183 = vector.shape_cast %swap3A_182 : vector<1x1x16xf32> to vector<16xf32>
        %swap3A_184 = vector.shape_cast %add3A_177 : vector<16xf32> to vector<1x1x16xf32>
        tpu.vector_store %arg12[%swap3A_179, %swap3A_180, %swap3A_181], %swap3A_184 {strides = array<i32>} : memref<8x8x256xf32, #tpu.memory_space<vmem>>, vector<1x1x16xf32>,
        %get3A_185 = arith.constant 4 : i32
        %get3A_186 = arith.index_cast %scan3A_111 : i32 to index
        %get3A_187 = arith.index_cast %get3A_185 : i32 to index
        %get3A_188 = arith.constant 0 : index
        %get3A_189 = tpu.vector_load %arg10[%get3A_186, %get3A_187, %get3A_188] {strides = array<i32>} : memref<8x8x256xf32, #tpu.memory_space<vmem>>, vector<1x1x16xf32>,
        %get3A_190 = vector.shape_cast %get3A_189 : vector<1x1x16xf32> to vector<16xf32>
        %mul3A_191 = arith.mulf %get3A_190, %get3A_121 : vector<16xf32>
        %add3A_192 = arith.addf %mul3A_191, %get3A_125 : vector<16xf32>
        %swap3A_193 = arith.constant 4 : i32
        %swap3A_194 = arith.index_cast %scan3A_111 : i32 to index
        %swap3A_195 = arith.index_cast %swap3A_193 : i32 to index
        %swap3A_196 = arith.constant 0 : index
        %swap3A_197 = tpu.vector_load %arg12[%swap3A_194, %swap3A_195, %swap3A_196] {strides = array<i32>} : memref<8x8x256xf32, #tpu.memory_space<vmem>>, vector<1x1x16xf32>,
        %swap3A_198 = vector.shape_cast %swap3A_197 : vector<1x1x16xf32> to vector<16xf32>
        %swap3A_199 = vector.shape_cast %add3A_192 : vector<16xf32> to vector<1x1x16xf32>
        tpu.vector_store %arg12[%swap3A_194, %swap3A_195, %swap3A_196], %swap3A_199 {strides = array<i32>} : memref<8x8x256xf32, #tpu.memory_space<vmem>>, vector<1x1x16xf32>,
        %get3A_200 = arith.constant 5 : i32
        %get3A_201 = arith.index_cast %scan3A_111 : i32 to index
        %get3A_202 = arith.index_cast %get3A_200 : i32 to index
        %get3A_203 = arith.constant 0 : index
        %get3A_204 = tpu.vector_load %arg10[%get3A_201, %get3A_202, %get3A_203] {strides = array<i32>} : memref<8x8x256xf32, #tpu.memory_space<vmem>>, vector<1x1x16xf32>,
        %get3A_205 = vector.shape_cast %get3A_204 : vector<1x1x16xf32> to vector<16xf32>
        %mul3A_206 = arith.mulf %get3A_205, %get3A_121 : vector<16xf32>
        %add3A_207 = arith.addf %mul3A_206, %get3A_125 : vector<16xf32>
        %swap3A_208 = arith.constant 5 : i32
        %swap3A_209 = arith.index_cast %scan3A_111 : i32 to index
        %swap3A_210 = arith.index_cast %swap3A_208 : i32 to index
        %swap3A_211 = arith.constant 0 : index
        %swap3A_212 = tpu.vector_load %arg12[%swap3A_209, %swap3A_210, %swap3A_211] {strides = array<i32>} : memref<8x8x256xf32, #tpu.memory_space<vmem>>, vector<1x1x16xf32>,
        %swap3A_213 = vector.shape_cast %swap3A_212 : vector<1x1x16xf32> to vector<16xf32>
        %swap3A_214 = vector.shape_cast %add3A_207 : vector<16xf32> to vector<1x1x16xf32>
        tpu.vector_store %arg12[%swap3A_209, %swap3A_210, %swap3A_211], %swap3A_214 {strides = array<i32>} : memref<8x8x256xf32, #tpu.memory_space<vmem>>, vector<1x1x16xf32>,
        %get3A_215 = arith.constant 6 : i32
        %get3A_216 = arith.index_cast %scan3A_111 : i32 to index
        %get3A_217 = arith.index_cast %get3A_215 : i32 to index
        %get3A_218 = arith.constant 0 : index
        %get3A_219 = tpu.vector_load %arg10[%get3A_216, %get3A_217, %get3A_218] {strides = array<i32>} : memref<8x8x256xf32, #tpu.memory_space<vmem>>, vector<1x1x16xf32>,
        %get3A_220 = vector.shape_cast %get3A_219 : vector<1x1x16xf32> to vector<16xf32>
        %mul3A_221 = arith.mulf %get3A_220, %get3A_121 : vector<16xf32>
        %add3A_222 = arith.addf %mul3A_221, %get3A_125 : vector<16xf32>
        %swap3A_223 = arith.constant 6 : i32
        %swap3A_224 = arith.index_cast %scan3A_111 : i32 to index
        %swap3A_225 = arith.index_cast %swap3A_223 : i32 to index
        %swap3A_226 = arith.constant 0 : index
        %swap3A_227 = tpu.vector_load %arg12[%swap3A_224, %swap3A_225, %swap3A_226] {strides = array<i32>} : memref<8x8x256xf32, #tpu.memory_space<vmem>>, vector<1x1x16xf32>,
        %swap3A_228 = vector.shape_cast %swap3A_227 : vector<1x1x16xf32> to vector<16xf32>
        %swap3A_229 = vector.shape_cast %add3A_222 : vector<16xf32> to vector<1x1x16xf32>
        tpu.vector_store %arg12[%swap3A_224, %swap3A_225, %swap3A_226], %swap3A_229 {strides = array<i32>} : memref<8x8x256xf32, #tpu.memory_space<vmem>>, vector<1x1x16xf32>,
        %get3A_230 = arith.constant 7 : i32
        %get3A_231 = arith.index_cast %scan3A_111 : i32 to index
        %get3A_232 = arith.index_cast %get3A_230 : i32 to index
        %get3A_233 = arith.constant 0 : index
        %get3A_234 = tpu.vector_load %arg10[%get3A_231, %get3A_232, %get3A_233] {strides = array<i32>} : memref<8x8x256xf32, #tpu.memory_space<vmem>>, vector<1x1x16xf32>,
        %get3A_235 = vector.shape_cast %get3A_234 : vector<1x1x16xf32> to vector<16xf32>
        %mul3A_236 = arith.mulf %get3A_235, %get3A_121 : vector<16xf32>
        %add3A_237 = arith.addf %mul3A_236, %get3A_125 : vector<16xf32>
        %swap3A_238 = arith.constant 7 : i32
        %swap3A_239 = arith.index_cast %scan3A_111 : i32 to index
        %swap3A_240 = arith.index_cast %swap3A_238 : i32 to index
        %swap3A_241 = arith.constant 0 : index
        %swap3A_242 = tpu.vector_load %arg12[%swap3A_239, %swap3A_240, %swap3A_241] {strides = array<i32>} : memref<8x8x256xf32, #tpu.memory_space<vmem>>, vector<1x1x16xf32>,
        %swap3A_243 = vector.shape_cast %swap3A_242 : vector<1x1x16xf32> to vector<16xf32>
        %swap3A_244 = vector.shape_cast %add3A_237 : vector<16xf32> to vector<1x1x16xf32>
        tpu.vector_store %arg12[%swap3A_239, %swap3A_240, %swap3A_241], %swap3A_244 {strides = array<i32>} : memref<8x8x256xf32, #tpu.memory_space<vmem>>, vector<1x1x16xf32>,
        %get3A_245 = arith.index_cast %squeeze3A : i32 to index
        %get3A_246 = arith.constant 16 : index
        %get3A_247 = tpu.vector_load %arg7[%get3A_245, %get3A_246] {strides = array<i32>} : memref<4x256xf32, #tpu.memory_space<vmem>>, vector<1x16xf32>,
        %get3A_248 = vector.shape_cast %get3A_247 : vector<1x16xf32> to vector<16xf32>
        %get3A_249 = arith.index_cast %squeeze3A : i32 to index
        %get3A_250 = arith.constant 16 : index
        %get3A_251 = tpu.vector_load %arg8[%get3A_249, %get3A_250] {strides = array<i32>} : memref<4x256xf32, #tpu.memory_space<vmem>>, vector<1x16xf32>,
        %get3A_252 = vector.shape_cast %get3A_251 : vector<1x16xf32> to vector<16xf32>
        %get3A_253 = arith.constant 0 : i32
        %get3A_254 = arith.index_cast %scan3A_111 : i32 to index
        %get3A_255 = arith.index_cast %get3A_253 : i32 to index
        %get3A_256 = arith.constant 16 : index
        %get3A_257 = tpu.vector_load %arg10[%get3A_254, %get3A_255, %get3A_256] {strides = array<i32>} : memref<8x8x256xf32, #tpu.memory_space<vmem>>, vector<1x1x16xf32>,
        %get3A_258 = vector.shape_cast %get3A_257 : vector<1x1x16xf32> to vector<16xf32>
        %mul3A_259 = arith.mulf %get3A_258, %get3A_248 : vector<16xf32>
        %add3A_260 = arith.addf %mul3A_259, %get3A_252 : vector<16xf32>
        %swap3A_261 = arith.constant 0 : i32
        %swap3A_262 = arith.index_cast %scan3A_111 : i32 to index
        %swap3A_263 = arith.index_cast %swap3A_261 : i32 to index
        %swap3A_264 = arith.constant 16 : index
        %swap3A_265 = tpu.vector_load %arg12[%swap3A_262, %swap3A_263, %swap3A_264] {strides = array<i32>} : memref<8x8x256xf32, #tpu.memory_space<vmem>>, vector<1x1x16xf32>,
        %swap3A_266 = vector.shape_cast %swap3A_265 : vector<1x1x16xf32> to vector<16xf32>
        %swap3A_267 = vector.shape_cast %add3A_260 : vector<16xf32> to vector<1x1x16xf32>
        tpu.vector_store %arg12[%swap3A_262, %swap3A_263, %swap3A_264], %swap3A_267 {strides = array<i32>} : memref<8x8x256xf32, #tpu.memory_space<vmem>>, vector<1x1x16xf32>,
        %get3A_268 = arith.constant 1 : i32
        %get3A_269 = arith.index_cast %scan3A_111 : i32 to index
        %get3A_270 = arith.index_cast %get3A_268 : i32 to index
        %get3A_271 = arith.constant 16 : index
        %get3A_272 = tpu.vector_load %arg10[%get3A_269, %get3A_270, %get3A_271] {strides = array<i32>} : memref<8x8x256xf32, #tpu.memory_space<vmem>>, vector<1x1x16xf32>,
        %get3A_273 = vector.shape_cast %get3A_272 : vector<1x1x16xf32> to vector<16xf32>
        %mul3A_274 = arith.mulf %get3A_273, %get3A_248 : vector<16xf32>
        %add3A_275 = arith.addf %mul3A_274, %get3A_252 : vector<16xf32>
        %swap3A_276 = arith.constant 1 : i32
        %swap3A_277 = arith.index_cast %scan3A_111 : i32 to index
        %swap3A_278 = arith.index_cast %swap3A_276 : i32 to index
        %swap3A_279 = arith.constant 16 : index
        %swap3A_280 = tpu.vector_load %arg12[%swap3A_277, %swap3A_278, %swap3A_279] {strides = array<i32>} : memref<8x8x256xf32, #tpu.memory_space<vmem>>, vector<1x1x16xf32>,
        %swap3A_281 = vector.shape_cast %swap3A_280 : vector<1x1x16xf32> to vector<16xf32>
        %swap3A_282 = vector.shape_cast %add3A_275 : vector<16xf32> to vector<1x1x16xf32>
        tpu.vector_store %arg12[%swap3A_277, %swap3A_278, %swap3A_279], %swap3A_282 {strides = array<i32>} : memref<8x8x256xf32, #tpu.memory_space<vmem>>, vector<1x1x16xf32>,
        %get3A_283 = arith.constant 2 : i32
        %get3A_284 = arith.index_cast %scan3A_111 : i32 to index
        %get3A_285 = arith.index_cast %get3A_283 : i32 to index
        %get3A_286 = arith.constant 16 : index
        %get3A_287 = tpu.vector_load %arg10[%get3A_284, %get3A_285, %get3A_286] {strides = array<i32>} : memref<8x8x256xf32, #tpu.memory_space<vmem>>, vector<1x1x16xf32>,
        %get3A_288 = vector.shape_cast %get3A_287 : vector<1x1x16xf32> to vector<16xf32>
        %mul3A_289 = arith.mulf %get3A_288, %get3A_248 : vector<16xf32>
        %add3A_290 = arith.addf %mul3A_289, %get3A_252 : vector<16xf32>
        %swap3A_291 = arith.constant 2 : i32
        %swap3A_292 = arith.index_cast %scan3A_111 : i32 to index
        %swap3A_293 = arith.index_cast %swap3A_291 : i32 to index
        %swap3A_294 = arith.constant 16 : index
        %swap3A_295 = tpu.vector_load %arg12[%swap3A_292, %swap3A_293, %swap3A_294] {strides = array<i32>} : memref<8x8x256xf32, #tpu.memory_space<vmem>>, vector<1x1x16xf32>,
        %swap3A_296 = vector.shape_cast %swap3A_295 : vector<1x1x16xf32> to vector<16xf32>
        %swap3A_297 = vector.shape_cast %add3A_290 : vector<16xf32> to vector<1x1x16xf32>
        tpu.vector_store %arg12[%swap3A_292, %swap3A_293, %swap3A_294], %swap3A_297 {strides = array<i32>} : memref<8x8x256xf32, #tpu.memory_space<vmem>>, vector<1x1x16xf32>,
        %get3A_298 = arith.constant 3 : i32
        %get3A_299 = arith.index_cast %scan3A_111 : i32 to index
        %get3A_300 = arith.index_cast %get3A_298 : i32 to index
        %get3A_301 = arith.constant 16 : index
        %get3A_302 = tpu.vector_load %arg10[%get3A_299, %get3A_300, %get3A_301] {strides = array<i32>} : memref<8x8x256xf32, #tpu.memory_space<vmem>>, vector<1x1x16xf32>,
        %get3A_303 = vector.shape_cast %get3A_302 : vector<1x1x16xf32> to vector<16xf32>
        %mul3A_304 = arith.mulf %get3A_303, %get3A_248 : vector<16xf32>
        %add3A_305 = arith.addf %mul3A_304, %get3A_252 : vector<16xf32>
        %swap3A_306 = arith.constant 3 : i32
        %swap3A_307 = arith.index_cast %scan3A_111 : i32 to index
        %swap3A_308 = arith.index_cast %swap3A_306 : i32 to index
        %swap3A_309 = arith.constant 16 : index
        %swap3A_310 = tpu.vector_load %arg12[%swap3A_307, %swap3A_308, %swap3A_309] {strides = array<i32>} : memref<8x8x256xf32, #tpu.memory_space<vmem>>, vector<1x1x16xf32>,
        %swap3A_311 = vector.shape_cast %swap3A_310 : vector<1x1x16xf32> to vector<16xf32>
        %swap3A_312 = vector.shape_cast %add3A_305 : vector<16xf32> to vector<1x1x16xf32>
        tpu.vector_store %arg12[%swap3A_307, %swap3A_308, %swap3A_309], %swap3A_312 {strides = array<i32>} : memref<8x8x256xf32, #tpu.memory_space<vmem>>, vector<1x1x16xf32>,
        %get3A_313 = arith.constant 4 : i32
        %get3A_314 = arith.index_cast %scan3A_111 : i32 to index
        %get3A_315 = arith.index_cast %get3A_313 : i32 to index
        %get3A_316 = arith.constant 16 : index
        %get3A_317 = tpu.vector_load %arg10[%get3A_314, %get3A_315, %get3A_316] {strides = array<i32>} : memref<8x8x256xf32, #tpu.memory_space<vmem>>, vector<1x1x16xf32>,
        %get3A_318 = vector.shape_cast %get3A_317 : vector<1x1x16xf32> to vector<16xf32>
        %mul3A_319 = arith.mulf %get3A_318, %get3A_248 : vector<16xf32>
        %add3A_320 = arith.addf %mul3A_319, %get3A_252 : vector<16xf32>
        %swap3A_321 = arith.constant 4 : i32
        %swap3A_322 = arith.index_cast %scan3A_111 : i32 to index
        %swap3A_323 = arith.index_cast %swap3A_321 : i32 to index
        %swap3A_324 = arith.constant 16 : index
        %swap3A_325 = tpu.vector_load %arg12[%swap3A_322, %swap3A_323, %swap3A_324] {strides = array<i32>} : memref<8x8x256xf32, #tpu.memory_space<vmem>>, vector<1x1x16xf32>,
        %swap3A_326 = vector.shape_cast %swap3A_325 : vector<1x1x16xf32> to vector<16xf32>
        %swap3A_327 = vector.shape_cast %add3A_320 : vector<16xf32> to vector<1x1x16xf32>
        tpu.vector_store %arg12[%swap3A_322, %swap3A_323, %swap3A_324], %swap3A_327 {strides = array<i32>} : memref<8x8x256xf32, #tpu.memory_space<vmem>>, vector<1x1x16xf32>,
        %get3A_328 = arith.constant 5 : i32
        %get3A_329 = arith.index_cast %scan3A_111 : i32 to index
        %get3A_330 = arith.index_cast %get3A_328 : i32 to index
        %get3A_331 = arith.constant 16 : index
        %get3A_332 = tpu.vector_load %arg10[%get3A_329, %get3A_330, %get3A_331] {strides = array<i32>} : memref<8x8x256xf32, #tpu.memory_space<vmem>>, vector<1x1x16xf32>,
        %get3A_333 = vector.shape_cast %get3A_332 : vector<1x1x16xf32> to vector<16xf32>
        %mul3A_334 = arith.mulf %get3A_333, %get3A_248 : vector<16xf32>
        %add3A_335 = arith.addf %mul3A_334, %get3A_252 : vector<16xf32>
        %swap3A_336 = arith.constant 5 : i32
        %swap3A_337 = arith.index_cast %scan3A_111 : i32 to index
        %swap3A_338 = arith.index_cast %swap3A_336 : i32 to index
        %swap3A_339 = arith.constant 16 : index
        %swap3A_340 = tpu.vector_load %arg12[%swap3A_337, %swap3A_338, %swap3A_339] {strides = array<i32>} : memref<8x8x256xf32, #tpu.memory_space<vmem>>, vector<1x1x16xf32>,
        %swap3A_341 = vector.shape_cast %swap3A_340 : vector<1x1x16xf32> to vector<16xf32>
        %swap3A_342 = vector.shape_cast %add3A_335 : vector<16xf32> to vector<1x1x16xf32>
        tpu.vector_store %arg12[%swap3A_337, %swap3A_338, %swap3A_339], %swap3A_342 {strides = array<i32>} : memref<8x8x256xf32, #tpu.memory_space<vmem>>, vector<1x1x16xf32>,
        %get3A_343 = arith.constant 6 : i32
        %get3A_344 = arith.index_cast %scan3A_111 : i32 to index
        %get3A_345 = arith.index_cast %get3A_343 : i32 to index
        %get3A_346 = arith.constant 16 : index
        %get3A_347 = tpu.vector_load %arg10[%get3A_344, %get3A_345, %get3A_346] {strides = array<i32>} : memref<8x8x256xf32, #tpu.memory_space<vmem>>, vector<1x1x16xf32>,
        %get3A_348 = vector.shape_cast %get3A_347 : vector<1x1x16xf32> to vector<16xf32>
        %mul3A_349 = arith.mulf %get3A_348, %get3A_248 : vector<16xf32>
        %add3A_350 = arith.addf %mul3A_349, %get3A_252 : vector<16xf32>
        %swap3A_351 = arith.constant 6 : i32
        %swap3A_352 = arith.index_cast %scan3A_111 : i32 to index
        %swap3A_353 = arith.index_cast %swap3A_351 : i32 to index
        %swap3A_354 = arith.constant 16 : index
        %swap3A_355 = tpu.vector_load %arg12[%swap3A_352, %swap3A_353, %swap3A_354] {strides = array<i32>} : memref<8x8x256xf32, #tpu.memory_space<vmem>>, vector<1x1x16xf32>,
        %swap3A_356 = vector.shape_cast %swap3A_355 : vector<1x1x16xf32> to vector<16xf32>
        %swap3A_357 = vector.shape_cast %add3A_350 : vector<16xf32> to vector<1x1x16xf32>
        tpu.vector_store %arg12[%swap3A_352, %swap3A_353, %swap3A_354], %swap3A_357 {strides = array<i32>} : memref<8x8x256xf32, #tpu.memory_space<vmem>>, vector<1x1x16xf32>,
        %get3A_358 = arith.constant 7 : i32
        %get3A_359 = arith.index_cast %scan3A_111 : i32 to index
        %get3A_360 = arith.index_cast %get3A_358 : i32 to index
        %get3A_361 = arith.constant 16 : index
        %get3A_362 = tpu.vector_load %arg10[%get3A_359, %get3A_360, %get3A_361] {strides = array<i32>} : memref<8x8x256xf32, #tpu.memory_space<vmem>>, vector<1x1x16xf32>,
        %get3A_363 = vector.shape_cast %get3A_362 : vector<1x1x16xf32> to vector<16xf32>
        %mul3A_364 = arith.mulf %get3A_363, %get3A_248 : vector<16xf32>
        %add3A_365 = arith.addf %mul3A_364, %get3A_252 : vector<16xf32>
        %swap3A_366 = arith.constant 7 : i32
        %swap3A_367 = arith.index_cast %scan3A_111 : i32 to index
        %swap3A_368 = arith.index_cast %swap3A_366 : i32 to index
        %swap3A_369 = arith.constant 16 : index
        %swap3A_370 = tpu.vector_load %arg12[%swap3A_367, %swap3A_368, %swap3A_369] {strides = array<i32>} : memref<8x8x256xf32, #tpu.memory_space<vmem>>, vector<1x1x16xf32>,
        %swap3A_371 = vector.shape_cast %swap3A_370 : vector<1x1x16xf32> to vector<16xf32>
        %swap3A_372 = vector.shape_cast %add3A_365 : vector<16xf32> to vector<1x1x16xf32>
        tpu.vector_store %arg12[%swap3A_367, %swap3A_368, %swap3A_369], %swap3A_372 {strides = array<i32>} : memref<8x8x256xf32, #tpu.memory_space<vmem>>, vector<1x1x16xf32>,
        %get3A_373 = arith.index_cast %squeeze3A : i32 to index
        %get3A_374 = arith.constant 32 : index
        %get3A_375 = tpu.vector_load %arg7[%get3A_373, %get3A_374] {strides = array<i32>} : memref<4x256xf32, #tpu.memory_space<vmem>>, vector<1x16xf32>,
        %get3A_376 = vector.shape_cast %get3A_375 : vector<1x16xf32> to vector<16xf32>
        %get3A_377 = arith.index_cast %squeeze3A : i32 to index
        %get3A_378 = arith.constant 32 : index
        %get3A_379 = tpu.vector_load %arg8[%get3A_377, %get3A_378] {strides = array<i32>} : memref<4x256xf32, #tpu.memory_space<vmem>>, vector<1x16xf32>,
        %get3A_380 = vector.shape_cast %get3A_379 : vector<1x16xf32> to vector<16xf32>
        %get3A_381 = arith.constant 0 : i32
        %get3A_382 = arith.index_cast %scan3A_111 : i32 to index
        %get3A_383 = arith.index_cast %get3A_381 : i32 to index
        %get3A_384 = arith.constant 32 : index
        %get3A_385 = tpu.vector_load %arg10[%get3A_382, %get3A_383, %get3A_384] {strides = array<i32>} : memref<8x8x256xf32, #tpu.memory_space<vmem>>, vector<1x1x16xf32>,
        %get3A_386 = vector.shape_cast %get3A_385 : vector<1x1x16xf32> to vector<16xf32>
        %mul3A_387 = arith.mulf %get3A_386, %get3A_376 : vector<16xf32>
        %add3A_388 = arith.addf %mul3A_387, %get3A_380 : vector<16xf32>
        %swap3A_389 = arith.constant 0 : i32
        %swap3A_390 = arith.index_cast %scan3A_111 : i32 to index
        %swap3A_391 = arith.index_cast %swap3A_389 : i32 to index
        %swap3A_392 = arith.constant 32 : index
        %swap3A_393 = tpu.vector_load %arg12[%swap3A_390, %swap3A_391, %swap3A_392] {strides = array<i32>} : memref<8x8x256xf32, #tpu.memory_space<vmem>>, vector<1x1x16xf32>,
        %swap3A_394 = vector.shape_cast %swap3A_393 : vector<1x1x16xf32> to vector<16xf32>
        %swap3A_395 = vector.shape_cast %add3A_388 : vector<16xf32> to vector<1x1x16xf32>
        tpu.vector_store %arg12[%swap3A_390, %swap3A_391, %swap3A_392], %swap3A_395 {strides = array<i32>} : memref<8x8x256xf32, #tpu.memory_space<vmem>>, vector<1x1x16xf32>,
        %get3A_396 = arith.constant 1 : i32
        %get3A_397 = arith.index_cast %scan3A_111 : i32 to index
        %get3A_398 = arith.index_cast %get3A_396 : i32 to index
        %get3A_399 = arith.constant 32 : index
        %get3A_400 = tpu.vector_load %arg10[%get3A_397, %get3A_398, %get3A_399] {strides = array<i32>} : memref<8x8x256xf32, #tpu.memory_space<vmem>>, vector<1x1x16xf32>,
        %get3A_401 = vector.shape_cast %get3A_400 : vector<1x1x16xf32> to vector<16xf32>
        %mul3A_402 = arith.mulf %get3A_401, %get3A_376 : vector<16xf32>
        %add3A_403 = arith.addf %mul3A_402, %get3A_380 : vector<16xf32>
        %swap3A_404 = arith.constant 1 : i32
        %swap3A_405 = arith.index_cast %scan3A_111 : i32 to index
        %swap3A_406 = arith.index_cast %swap3A_404 : i32 to index
        %swap3A_407 = arith.constant 32 : index
        %swap3A_408 = tpu.vector_load %arg12[%swap3A_405, %swap3A_406, %swap3A_407] {strides = array<i32>} : memref<8x8x256xf32, #tpu.memory_space<vmem>>, vector<1x1x16xf32>,
        %swap3A_409 = vector.shape_cast %swap3A_408 : vector<1x1x16xf32> to vector<16xf32>
        %swap3A_410 = vector.shape_cast %add3A_403 : vector<16xf32> to vector<1x1x16xf32>
        tpu.vector_store %arg12[%swap3A_405, %swap3A_406, %swap3A_407], %swap3A_410 {strides = array<i32>} : memref<8x8x256xf32, #tpu.memory_space<vmem>>, vector<1x1x16xf32>,
        %get3A_411 = arith.constant 2 : i32
        %get3A_412 = arith.index_cast %scan3A_111 : i32 to index
        %get3A_413 = arith.index_cast %get3A_411 : i32 to index
        %get3A_414 = arith.constant 32 : index
        %get3A_415 = tpu.vector_load %arg10[%get3A_412, %get3A_413, %get3A_414] {strides = array<i32>} : memref<8x8x256xf32, #tpu.memory_space<vmem>>, vector<1x1x16xf32>,
        %get3A_416 = vector.shape_cast %get3A_415 : vector<1x1x16xf32> to vector<16xf32>
        %mul3A_417 = arith.mulf %get3A_416, %get3A_376 : vector<16xf32>
        %add3A_418 = arith.addf %mul3A_417, %get3A_380 : vector<16xf32>
        %swap3A_419 = arith.constant 2 : i32
        %swap3A_420 = arith.index_cast %scan3A_111 : i32 to index
        %swap3A_421 = arith.index_cast %swap3A_419 : i32 to index
        %swap3A_422 = arith.constant 32 : index
        %swap3A_423 = tpu.vector_load %arg12[%swap3A_420, %swap3A_421, %swap3A_422] {strides = array<i32>} : memref<8x8x256xf32, #tpu.memory_space<vmem>>, vector<1x1x16xf32>,
        %swap3A_424 = vector.shape_cast %swap3A_423 : vector<1x1x16xf32> to vector<16xf32>
        %swap3A_425 = vector.shape_cast %add3A_418 : vector<16xf32> to vector<1x1x16xf32>
        tpu.vector_store %arg12[%swap3A_420, %swap3A_421, %swap3A_422], %swap3A_425 {strides = array<i32>} : memref<8x8x256xf32, #tpu.memory_space<vmem>>, vector<1x1x16xf32>,
        %get3A_426 = arith.constant 3 : i32
        %get3A_427 = arith.index_cast %scan3A_111 : i32 to index
        %get3A_428 = arith.index_cast %get3A_426 : i32 to index
        %get3A_429 = arith.constant 32 : index
        %get3A_430 = tpu.vector_load %arg10[%get3A_427, %get3A_428, %get3A_429] {strides = array<i32>} : memref<8x8x256xf32, #tpu.memory_space<vmem>>, vector<1x1x16xf32>,
        %get3A_431 = vector.shape_cast %get3A_430 : vector<1x1x16xf32> to vector<16xf32>
        %mul3A_432 = arith.mulf %get3A_431, %get3A_376 : vector<16xf32>
        %add3A_433 = arith.addf %mul3A_432, %get3A_380 : vector<16xf32>
        %swap3A_434 = arith.constant 3 : i32
        %swap3A_435 = arith.index_cast %scan3A_111 : i32 to index
        %swap3A_436 = arith.index_cast %swap3A_434 : i32 to index
        %swap3A_437 = arith.constant 32 : index
        %swap3A_438 = tpu.vector_load %arg12[%swap3A_435, %swap3A_436, %swap3A_437] {strides = array<i32>} : memref<8x8x256xf32, #tpu.memory_space<vmem>>, vector<1x1x16xf32>,
        %swap3A_439 = vector.shape_cast %swap3A_438 : vector<1x1x16xf32> to vector<16xf32>
        %swap3A_440 = vector.shape_cast %add3A_433 : vector<16xf32> to vector<1x1x16xf32>
        tpu.vector_store %arg12[%swap3A_435, %swap3A_436, %swap3A_437], %swap3A_440 {strides = array<i32>} : memref<8x8x256xf32, #tpu.memory_space<vmem>>, vector<1x1x16xf32>,
        %get3A_441 = arith.constant 4 : i32
        %get3A_442 = arith.index_cast %scan3A_111 : i32 to index
        %get3A_443 = arith.index_cast %get3A_441 : i32 to index
        %get3A_444 = arith.constant 32 : index
        %get3A_445 = tpu.vector_load %arg10[%get3A_442, %get3A_443, %get3A_444] {strides = array<i32>} : memref<8x8x256xf32, #tpu.memory_space<vmem>>, vector<1x1x16xf32>,
        %get3A_446 = vector.shape_cast %get3A_445 : vector<1x1x16xf32> to vector<16xf32>
        %mul3A_447 = arith.mulf %get3A_446, %get3A_376 : vector<16xf32>
        %add3A_448 = arith.addf %mul3A_447, %get3A_380 : vector<16xf32>
        %swap3A_449 = arith.constant 4 : i32
        %swap3A_450 = arith.index_cast %scan3A_111 : i32 to index
        %swap3A_451 = arith.index_cast %swap3A_449 : i32 to index
        %swap3A_452 = arith.constant 32 : index
        %swap3A_453 = tpu.vector_load %arg12[%swap3A_450, %swap3A_451, %swap3A_452] {strides = array<i32>} : memref<8x8x256xf32, #tpu.memory_space<vmem>>, vector<1x1x16xf32>,
        %swap3A_454 = vector.shape_cast %swap3A_453 : vector<1x1x16xf32> to vector<16xf32>
        %swap3A_455 = vector.shape_cast %add3A_448 : vector<16xf32> to vector<1x1x16xf32>
        tpu.vector_store %arg12[%swap3A_450, %swap3A_451, %swap3A_452], %swap3A_455 {strides = array<i32>} : memref<8x8x256xf32, #tpu.memory_space<vmem>>, vector<1x1x16xf32>,
        %get3A_456 = arith.constant 5 : i32
        %get3A_457 = arith.index_cast %scan3A_111 : i32 to index
        %get3A_458 = arith.index_cast %get3A_456 : i32 to index
        %get3A_459 = arith.constant 32 : index
        %get3A_460 = tpu.vector_load %arg10[%get3A_457, %get3A_458, %get3A_459] {strides = array<i32>} : memref<8x8x256xf32, #tpu.memory_space<vmem>>, vector<1x1x16xf32>,
        %get3A_461 = vector.shape_cast %get3A_460 : vector<1x1x16xf32> to vector<16xf32>
        %mul3A_462 = arith.mulf %get3A_461, %get3A_376 : vector<16xf32>
        %add3A_463 = arith.addf %mul3A_462, %get3A_380 : vector<16xf32>
        %swap3A_464 = arith.constant 5 : i32
        %swap3A_465 = arith.index_cast %scan3A_111 : i32 to index
        %swap3A_466 = arith.index_cast %swap3A_464 : i32 to index
        %swap3A_467 = arith.constant 32 : index
        %swap3A_468 = tpu.vector_load %arg12[%swap3A_465, %swap3A_466, %swap3A_467] {strides = array<i32>} : memref<8x8x256xf32, #tpu.memory_space<vmem>>, vector<1x1x16xf32>,
        %swap3A_469 = vector.shape_cast %swap3A_468 : vector<1x1x16xf32> to vector<16xf32>
        %swap3A_470 = vector.shape_cast %add3A_463 : vector<16xf32> to vector<1x1x16xf32>
        tpu.vector_store %arg12[%swap3A_465, %swap3A_466, %swap3A_467], %swap3A_470 {strides = array<i32>} : memref<8x8x256xf32, #tpu.memory_space<vmem>>, vector<1x1x16xf32>,
        %get3A_471 = arith.constant 6 : i32
        %get3A_472 = arith.index_cast %scan3A_111 : i32 to index
        %get3A_473 = arith.index_cast %get3A_471 : i32 to index
        %get3A_474 = arith.constant 32 : index
        %get3A_475 = tpu.vector_load %arg10[%get3A_472, %get3A_473, %get3A_474] {strides = array<i32>} : memref<8x8x256xf32, #tpu.memory_space<vmem>>, vector<1x1x16xf32>,
        %get3A_476 = vector.shape_cast %get3A_475 : vector<1x1x16xf32> to vector<16xf32>
        %mul3A_477 = arith.mulf %get3A_476, %get3A_376 : vector<16xf32>
        %add3A_478 = arith.addf %mul3A_477, %get3A_380 : vector<16xf32>
        %swap3A_479 = arith.constant 6 : i32
        %swap3A_480 = arith.index_cast %scan3A_111 : i32 to index
        %swap3A_481 = arith.index_cast %swap3A_479 : i32 to index
        %swap3A_482 = arith.constant 32 : index
        %swap3A_483 = tpu.vector_load %arg12[%swap3A_480, %swap3A_481, %swap3A_482] {strides = array<i32>} : memref<8x8x256xf32, #tpu.memory_space<vmem>>, vector<1x1x16xf32>,
        %swap3A_484 = vector.shape_cast %swap3A_483 : vector<1x1x16xf32> to vector<16xf32>
        %swap3A_485 = vector.shape_cast %add3A_478 : vector<16xf32> to vector<1x1x16xf32>
        tpu.vector_store %arg12[%swap3A_480, %swap3A_481, %swap3A_482], %swap3A_485 {strides = array<i32>} : memref<8x8x256xf32, #tpu.memory_space<vmem>>, vector<1x1x16xf32>,
        %get3A_486 = arith.constant 7 : i32
        %get3A_487 = arith.index_cast %scan3A_111 : i32 to index
        %get3A_488 = arith.index_cast %get3A_486 : i32 to index
        %get3A_489 = arith.constant 32 : index
        %get3A_490 = tpu.vector_load %arg10[%get3A_487, %get3A_488, %get3A_489] {strides = array<i32>} : memref<8x8x256xf32, #tpu.memory_space<vmem>>, vector<1x1x16xf32>,
        %get3A_491 = vector.shape_cast %get3A_490 : vector<1x1x16xf32> to vector<16xf32>
        %mul3A_492 = arith.mulf %get3A_491, %get3A_376 : vector<16xf32>
        %add3A_493 = arith.addf %mul3A_492, %get3A_380 : vector<16xf32>
        %swap3A_494 = arith.constant 7 : i32
        %swap3A_495 = arith.index_cast %scan3A_111 : i32 to index
        %swap3A_496 = arith.index_cast %swap3A_494 : i32 to index
        %swap3A_497 = arith.constant 32 : index
        %swap3A_498 = tpu.vector_load %arg12[%swap3A_495, %swap3A_496, %swap3A_497] {strides = array<i32>} : memref<8x8x256xf32, #tpu.memory_space<vmem>>, vector<1x1x16xf32>,
        %swap3A_499 = vector.shape_cast %swap3A_498 : vector<1x1x16xf32> to vector<16xf32>
        %swap3A_500 = vector.shape_cast %add3A_493 : vector<16xf32> to vector<1x1x16xf32>
        tpu.vector_store %arg12[%swap3A_495, %swap3A_496, %swap3A_497], %swap3A_500 {strides = array<i32>} : memref<8x8x256xf32, #tpu.memory_space<vmem>>, vector<1x1x16xf32>,
        %get3A_501 = arith.index_cast %squeeze3A : i32 to index
        %get3A_502 = arith.constant 48 : index
        %get3A_503 = tpu.vector_load %arg7[%get3A_501, %get3A_502] {strides = array<i32>} : memref<4x256xf32, #tpu.memory_space<vmem>>, vector<1x16xf32>,
        %get3A_504 = vector.shape_cast %get3A_503 : vector<1x16xf32> to vector<16xf32>
        %get3A_505 = arith.index_cast %squeeze3A : i32 to index
        %get3A_506 = arith.constant 48 : index
        %get3A_507 = tpu.vector_load %arg8[%get3A_505, %get3A_506] {strides = array<i32>} : memref<4x256xf32, #tpu.memory_space<vmem>>, vector<1x16xf32>,
        %get3A_508 = vector.shape_cast %get3A_507 : vector<1x16xf32> to vector<16xf32>
        %get3A_509 = arith.constant 0 : i32
        %get3A_510 = arith.index_cast %scan3A_111 : i32 to index
        %get3A_511 = arith.index_cast %get3A_509 : i32 to index
        %get3A_512 = arith.constant 48 : index
        %get3A_513 = tpu.vector_load %arg10[%get3A_510, %get3A_511, %get3A_512] {strides = array<i32>} : memref<8x8x256xf32, #tpu.memory_space<vmem>>, vector<1x1x16xf32>,
        %get3A_514 = vector.shape_cast %get3A_513 : vector<1x1x16xf32> to vector<16xf32>
        %mul3A_515 = arith.mulf %get3A_514, %get3A_504 : vector<16xf32>
        %add3A_516 = arith.addf %mul3A_515, %get3A_508 : vector<16xf32>
        %swap3A_517 = arith.constant 0 : i32
        %swap3A_518 = arith.index_cast %scan3A_111 : i32 to index
        %swap3A_519 = arith.index_cast %swap3A_517 : i32 to index
        %swap3A_520 = arith.constant 48 : index
        %swap3A_521 = tpu.vector_load %arg12[%swap3A_518, %swap3A_519, %swap3A_520] {strides = array<i32>} : memref<8x8x256xf32, #tpu.memory_space<vmem>>, vector<1x1x16xf32>,
        %swap3A_522 = vector.shape_cast %swap3A_521 : vector<1x1x16xf32> to vector<16xf32>
        %swap3A_523 = vector.shape_cast %add3A_516 : vector<16xf32> to vector<1x1x16xf32>
        tpu.vector_store %arg12[%swap3A_518, %swap3A_519, %swap3A_520], %swap3A_523 {strides = array<i32>} : memref<8x8x256xf32, #tpu.memory_space<vmem>>, vector<1x1x16xf32>,
        %get3A_524 = arith.constant 1 : i32
        %get3A_525 = arith.index_cast %scan3A_111 : i32 to index
        %get3A_526 = arith.index_cast %get3A_524 : i32 to index
        %get3A_527 = arith.constant 48 : index
        %get3A_528 = tpu.vector_load %arg10[%get3A_525, %get3A_526, %get3A_527] {strides = array<i32>} : memref<8x8x256xf32, #tpu.memory_space<vmem>>, vector<1x1x16xf32>,
        %get3A_529 = vector.shape_cast %get3A_528 : vector<1x1x16xf32> to vector<16xf32>
        %mul3A_530 = arith.mulf %get3A_529, %get3A_504 : vector<16xf32>
        %add3A_531 = arith.addf %mul3A_530, %get3A_508 : vector<16xf32>
        %swap3A_532 = arith.constant 1 : i32
        %swap3A_533 = arith.index_cast %scan3A_111 : i32 to index
        %swap3A_534 = arith.index_cast %swap3A_532 : i32 to index
        %swap3A_535 = arith.constant 48 : index
        %swap3A_536 = tpu.vector_load %arg12[%swap3A_533, %swap3A_534, %swap3A_535] {strides = array<i32>} : memref<8x8x256xf32, #tpu.memory_space<vmem>>, vector<1x1x16xf32>,
        %swap3A_537 = vector.shape_cast %swap3A_536 : vector<1x1x16xf32> to vector<16xf32>
        %swap3A_538 = vector.shape_cast %add3A_531 : vector<16xf32> to vector<1x1x16xf32>
        tpu.vector_store %arg12[%swap3A_533, %swap3A_534, %swap3A_535], %swap3A_538 {strides = array<i32>} : memref<8x8x256xf32, #tpu.memory_space<vmem>>, vector<1x1x16xf32>,
        %get3A_539 = arith.constant 2 : i32
        %get3A_540 = arith.index_cast %scan3A_111 : i32 to index
        %get3A_541 = arith.index_cast %get3A_539 : i32 to index
        %get3A_542 = arith.constant 48 : index
        %get3A_543 = tpu.vector_load %arg10[%get3A_540, %get3A_541, %get3A_542] {strides = array<i32>} : memref<8x8x256xf32, #tpu.memory_space<vmem>>, vector<1x1x16xf32>,
        %get3A_544 = vector.shape_cast %get3A_543 : vector<1x1x16xf32> to vector<16xf32>
        %mul3A_545 = arith.mulf %get3A_544, %get3A_504 : vector<16xf32>
        %add3A_546 = arith.addf %mul3A_545, %get3A_508 : vector<16xf32>
        %swap3A_547 = arith.constant 2 : i32
        %swap3A_548 = arith.index_cast %scan3A_111 : i32 to index
        %swap3A_549 = arith.index_cast %swap3A_547 : i32 to index
        %swap3A_550 = arith.constant 48 : index
        %swap3A_551 = tpu.vector_load %arg12[%swap3A_548, %swap3A_549, %swap3A_550] {strides = array<i32>} : memref<8x8x256xf32, #tpu.memory_space<vmem>>, vector<1x1x16xf32>,
        %swap3A_552 = vector.shape_cast %swap3A_551 : vector<1x1x16xf32> to vector<16xf32>
        %swap3A_553 = vector.shape_cast %add3A_546 : vector<16xf32> to vector<1x1x16xf32>
        tpu.vector_store %arg12[%swap3A_548, %swap3A_549, %swap3A_550], %swap3A_553 {strides = array<i32>} : memref<8x8x256xf32, #tpu.memory_space<vmem>>, vector<1x1x16xf32>,
        %get3A_554 = arith.constant 3 : i32
        %get3A_555 = arith.index_cast %scan3A_111 : i32 to index
        %get3A_556 = arith.index_cast %get3A_554 : i32 to index
        %get3A_557 = arith.constant 48 : index
        %get3A_558 = tpu.vector_load %arg10[%get3A_555, %get3A_556, %get3A_557] {strides = array<i32>} : memref<8x8x256xf32, #tpu.memory_space<vmem>>, vector<1x1x16xf32>,
        %get3A_559 = vector.shape_cast %get3A_558 : vector<1x1x16xf32> to vector<16xf32>
        %mul3A_560 = arith.mulf %get3A_559, %get3A_504 : vector<16xf32>
        %add3A_561 = arith.addf %mul3A_560, %get3A_508 : vector<16xf32>
        %swap3A_562 = arith.constant 3 : i32
        %swap3A_563 = arith.index_cast %scan3A_111 : i32 to index
        %swap3A_564 = arith.index_cast %swap3A_562 : i32 to index
        %swap3A_565 = arith.constant 48 : index
        %swap3A_566 = tpu.vector_load %arg12[%swap3A_563, %swap3A_564, %swap3A_565] {strides = array<i32>} : memref<8x8x256xf32, #tpu.memory_space<vmem>>, vector<1x1x16xf32>,
        %swap3A_567 = vector.shape_cast %swap3A_566 : vector<1x1x16xf32> to vector<16xf32>
        %swap3A_568 = vector.shape_cast %add3A_561 : vector<16xf32> to vector<1x1x16xf32>
        tpu.vector_store %arg12[%swap3A_563, %swap3A_564, %swap3A_565], %swap3A_568 {strides = array<i32>} : memref<8x8x256xf32, #tpu.memory_space<vmem>>, vector<1x1x16xf32>,
        %get3A_569 = arith.constant 4 : i32
        %get3A_570 = arith.index_cast %scan3A_111 : i32 to index
        %get3A_571 = arith.index_cast %get3A_569 : i32 to index
        %get3A_572 = arith.constant 48 : index
        %get3A_573 = tpu.vector_load %arg10[%get3A_570, %get3A_571, %get3A_572] {strides = array<i32>} : memref<8x8x256xf32, #tpu.memory_space<vmem>>, vector<1x1x16xf32>,
        %get3A_574 = vector.shape_cast %get3A_573 : vector<1x1x16xf32> to vector<16xf32>
        %mul3A_575 = arith.mulf %get3A_574, %get3A_504 : vector<16xf32>
        %add3A_576 = arith.addf %mul3A_575, %get3A_508 : vector<16xf32>
        %swap3A_577 = arith.constant 4 : i32
        %swap3A_578 = arith.index_cast %scan3A_111 : i32 to index
        %swap3A_579 = arith.index_cast %swap3A_577 : i32 to index
        %swap3A_580 = arith.constant 48 : index
        %swap3A_581 = tpu.vector_load %arg12[%swap3A_578, %swap3A_579, %swap3A_580] {strides = array<i32>} : memref<8x8x256xf32, #tpu.memory_space<vmem>>, vector<1x1x16xf32>,
        %swap3A_582 = vector.shape_cast %swap3A_581 : vector<1x1x16xf32> to vector<16xf32>
        %swap3A_583 = vector.shape_cast %add3A_576 : vector<16xf32> to vector<1x1x16xf32>
        tpu.vector_store %arg12[%swap3A_578, %swap3A_579, %swap3A_580], %swap3A_583 {strides = array<i32>} : memref<8x8x256xf32, #tpu.memory_space<vmem>>, vector<1x1x16xf32>,
        %get3A_584 = arith.constant 5 : i32
        %get3A_585 = arith.index_cast %scan3A_111 : i32 to index
        %get3A_586 = arith.index_cast %get3A_584 : i32 to index
        %get3A_587 = arith.constant 48 : index
        %get3A_588 = tpu.vector_load %arg10[%get3A_585, %get3A_586, %get3A_587] {strides = array<i32>} : memref<8x8x256xf32, #tpu.memory_space<vmem>>, vector<1x1x16xf32>,
        %get3A_589 = vector.shape_cast %get3A_588 : vector<1x1x16xf32> to vector<16xf32>
        %mul3A_590 = arith.mulf %get3A_589, %get3A_504 : vector<16xf32>
        %add3A_591 = arith.addf %mul3A_590, %get3A_508 : vector<16xf32>
        %swap3A_592 = arith.constant 5 : i32
        %swap3A_593 = arith.index_cast %scan3A_111 : i32 to index
        %swap3A_594 = arith.index_cast %swap3A_592 : i32 to index
        %swap3A_595 = arith.constant 48 : index
        %swap3A_596 = tpu.vector_load %arg12[%swap3A_593, %swap3A_594, %swap3A_595] {strides = array<i32>} : memref<8x8x256xf32, #tpu.memory_space<vmem>>, vector<1x1x16xf32>,
        %swap3A_597 = vector.shape_cast %swap3A_596 : vector<1x1x16xf32> to vector<16xf32>
        %swap3A_598 = vector.shape_cast %add3A_591 : vector<16xf32> to vector<1x1x16xf32>
        tpu.vector_store %arg12[%swap3A_593, %swap3A_594, %swap3A_595], %swap3A_598 {strides = array<i32>} : memref<8x8x256xf32, #tpu.memory_space<vmem>>, vector<1x1x16xf32>,
        %get3A_599 = arith.constant 6 : i32
        %get3A_600 = arith.index_cast %scan3A_111 : i32 to index
        %get3A_601 = arith.index_cast %get3A_599 : i32 to index
        %get3A_602 = arith.constant 48 : index
        %get3A_603 = tpu.vector_load %arg10[%get3A_600, %get3A_601, %get3A_602] {strides = array<i32>} : memref<8x8x256xf32, #tpu.memory_space<vmem>>, vector<1x1x16xf32>,
        %get3A_604 = vector.shape_cast %get3A_603 : vector<1x1x16xf32> to vector<16xf32>
        %mul3A_605 = arith.mulf %get3A_604, %get3A_504 : vector<16xf32>
        %add3A_606 = arith.addf %mul3A_605, %get3A_508 : vector<16xf32>
        %swap3A_607 = arith.constant 6 : i32
        %swap3A_608 = arith.index_cast %scan3A_111 : i32 to index
        %swap3A_609 = arith.index_cast %swap3A_607 : i32 to index
        %swap3A_610 = arith.constant 48 : index
        %swap3A_611 = tpu.vector_load %arg12[%swap3A_608, %swap3A_609, %swap3A_610] {strides = array<i32>} : memref<8x8x256xf32, #tpu.memory_space<vmem>>, vector<1x1x16xf32>,
        %swap3A_612 = vector.shape_cast %swap3A_611 : vector<1x1x16xf32> to vector<16xf32>
        %swap3A_613 = vector.shape_cast %add3A_606 : vector<16xf32> to vector<1x1x16xf32>
        tpu.vector_store %arg12[%swap3A_608, %swap3A_609, %swap3A_610], %swap3A_613 {strides = array<i32>} : memref<8x8x256xf32, #tpu.memory_space<vmem>>, vector<1x1x16xf32>,
        %get3A_614 = arith.constant 7 : i32
        %get3A_615 = arith.index_cast %scan3A_111 : i32 to index
        %get3A_616 = arith.index_cast %get3A_614 : i32 to index
        %get3A_617 = arith.constant 48 : index
        %get3A_618 = tpu.vector_load %arg10[%get3A_615, %get3A_616, %get3A_617] {strides = array<i32>} : memref<8x8x256xf32, #tpu.memory_space<vmem>>, vector<1x1x16xf32>,
        %get3A_619 = vector.shape_cast %get3A_618 : vector<1x1x16xf32> to vector<16xf32>
        %mul3A_620 = arith.mulf %get3A_619, %get3A_504 : vector<16xf32>
        %add3A_621 = arith.addf %mul3A_620, %get3A_508 : vector<16xf32>
        %swap3A_622 = arith.constant 7 : i32
        %swap3A_623 = arith.index_cast %scan3A_111 : i32 to index
        %swap3A_624 = arith.index_cast %swap3A_622 : i32 to index
        %swap3A_625 = arith.constant 48 : index
        %swap3A_626 = tpu.vector_load %arg12[%swap3A_623, %swap3A_624, %swap3A_625] {strides = array<i32>} : memref<8x8x256xf32, #tpu.memory_space<vmem>>, vector<1x1x16xf32>,
        %swap3A_627 = vector.shape_cast %swap3A_626 : vector<1x1x16xf32> to vector<16xf32>
        %swap3A_628 = vector.shape_cast %add3A_621 : vector<16xf32> to vector<1x1x16xf32>
        tpu.vector_store %arg12[%swap3A_623, %swap3A_624, %swap3A_625], %swap3A_628 {strides = array<i32>} : memref<8x8x256xf32, #tpu.memory_space<vmem>>, vector<1x1x16xf32>,
        %get3A_629 = arith.index_cast %squeeze3A : i32 to index
        %get3A_630 = arith.constant 64 : index
        %get3A_631 = tpu.vector_load %arg7[%get3A_629, %get3A_630] {strides = array<i32>} : memref<4x256xf32, #tpu.memory_space<vmem>>, vector<1x16xf32>,
        %get3A_632 = vector.shape_cast %get3A_631 : vector<1x16xf32> to vector<16xf32>
        %get3A_633 = arith.index_cast %squeeze3A : i32 to index
        %get3A_634 = arith.constant 64 : index
        %get3A_635 = tpu.vector_load %arg8[%get3A_633, %get3A_634] {strides = array<i32>} : memref<4x256xf32, #tpu.memory_space<vmem>>, vector<1x16xf32>,
        %get3A_636 = vector.shape_cast %get3A_635 : vector<1x16xf32> to vector<16xf32>
        %get3A_637 = arith.constant 0 : i32
        %get3A_638 = arith.index_cast %scan3A_111 : i32 to index
        %get3A_639 = arith.index_cast %get3A_637 : i32 to index
        %get3A_640 = arith.constant 64 : index
        %get3A_641 = tpu.vector_load %arg10[%get3A_638, %get3A_639, %get3A_640] {strides = array<i32>} : memref<8x8x256xf32, #tpu.memory_space<vmem>>, vector<1x1x16xf32>,
        %get3A_642 = vector.shape_cast %get3A_641 : vector<1x1x16xf32> to vector<16xf32>
        %mul3A_643 = arith.mulf %get3A_642, %get3A_632 : vector<16xf32>
        %add3A_644 = arith.addf %mul3A_643, %get3A_636 : vector<16xf32>
        %swap3A_645 = arith.constant 0 : i32
        %swap3A_646 = arith.index_cast %scan3A_111 : i32 to index
        %swap3A_647 = arith.index_cast %swap3A_645 : i32 to index
        %swap3A_648 = arith.constant 64 : index
        %swap3A_649 = tpu.vector_load %arg12[%swap3A_646, %swap3A_647, %swap3A_648] {strides = array<i32>} : memref<8x8x256xf32, #tpu.memory_space<vmem>>, vector<1x1x16xf32>,
        %swap3A_650 = vector.shape_cast %swap3A_649 : vector<1x1x16xf32> to vector<16xf32>
        %swap3A_651 = vector.shape_cast %add3A_644 : vector<16xf32> to vector<1x1x16xf32>
        tpu.vector_store %arg12[%swap3A_646, %swap3A_647, %swap3A_648], %swap3A_651 {strides = array<i32>} : memref<8x8x256xf32, #tpu.memory_space<vmem>>, vector<1x1x16xf32>,
        %get3A_652 = arith.constant 1 : i32
        %get3A_653 = arith.index_cast %scan3A_111 : i32 to index
        %get3A_654 = arith.index_cast %get3A_652 : i32 to index
        %get3A_655 = arith.constant 64 : index
        %get3A_656 = tpu.vector_load %arg10[%get3A_653, %get3A_654, %get3A_655] {strides = array<i32>} : memref<8x8x256xf32, #tpu.memory_space<vmem>>, vector<1x1x16xf32>,
        %get3A_657 = vector.shape_cast %get3A_656 : vector<1x1x16xf32> to vector<16xf32>
        %mul3A_658 = arith.mulf %get3A_657, %get3A_632 : vector<16xf32>
        %add3A_659 = arith.addf %mul3A_658, %get3A_636 : vector<16xf32>
        %swap3A_660 = arith.constant 1 : i32
        %swap3A_661 = arith.index_cast %scan3A_111 : i32 to index
        %swap3A_662 = arith.index_cast %swap3A_660 : i32 to index
        %swap3A_663 = arith.constant 64 : index
        %swap3A_664 = tpu.vector_load %arg12[%swap3A_661, %swap3A_662, %swap3A_663] {strides = array<i32>} : memref<8x8x256xf32, #tpu.memory_space<vmem>>, vector<1x1x16xf32>,
        %swap3A_665 = vector.shape_cast %swap3A_664 : vector<1x1x16xf32> to vector<16xf32>
        %swap3A_666 = vector.shape_cast %add3A_659 : vector<16xf32> to vector<1x1x16xf32>
        tpu.vector_store %arg12[%swap3A_661, %swap3A_662, %swap3A_663], %swap3A_666 {strides = array<i32>} : memref<8x8x256xf32, #tpu.memory_space<vmem>>, vector<1x1x16xf32>,
        %get3A_667 = arith.constant 2 : i32
        %get3A_668 = arith.index_cast %scan3A_111 : i32 to index
        %get3A_669 = arith.index_cast %get3A_667 : i32 to index
        %get3A_670 = arith.constant 64 : index
        %get3A_671 = tpu.vector_load %arg10[%get3A_668, %get3A_669, %get3A_670] {strides = array<i32>} : memref<8x8x256xf32, #tpu.memory_space<vmem>>, vector<1x1x16xf32>,
        %get3A_672 = vector.shape_cast %get3A_671 : vector<1x1x16xf32> to vector<16xf32>
        %mul3A_673 = arith.mulf %get3A_672, %get3A_632 : vector<16xf32>
        %add3A_674 = arith.addf %mul3A_673, %get3A_636 : vector<16xf32>
        %swap3A_675 = arith.constant 2 : i32
        %swap3A_676 = arith.index_cast %scan3A_111 : i32 to index
        %swap3A_677 = arith.index_cast %swap3A_675 : i32 to index
        %swap3A_678 = arith.constant 64 : index
        %swap3A_679 = tpu.vector_load %arg12[%swap3A_676, %swap3A_677, %swap3A_678] {strides = array<i32>} : memref<8x8x256xf32, #tpu.memory_space<vmem>>, vector<1x1x16xf32>,
        %swap3A_680 = vector.shape_cast %swap3A_679 : vector<1x1x16xf32> to vector<16xf32>
        %swap3A_681 = vector.shape_cast %add3A_674 : vector<16xf32> to vector<1x1x16xf32>
        tpu.vector_store %arg12[%swap3A_676, %swap3A_677, %swap3A_678], %swap3A_681 {strides = array<i32>} : memref<8x8x256xf32, #tpu.memory_space<vmem>>, vector<1x1x16xf32>,
        %get3A_682 = arith.constant 3 : i32
        %get3A_683 = arith.index_cast %scan3A_111 : i32 to index
        %get3A_684 = arith.index_cast %get3A_682 : i32 to index
        %get3A_685 = arith.constant 64 : index
        %get3A_686 = tpu.vector_load %arg10[%get3A_683, %get3A_684, %get3A_685] {strides = array<i32>} : memref<8x8x256xf32, #tpu.memory_space<vmem>>, vector<1x1x16xf32>,
        %get3A_687 = vector.shape_cast %get3A_686 : vector<1x1x16xf32> to vector<16xf32>
        %mul3A_688 = arith.mulf %get3A_687, %get3A_632 : vector<16xf32>
        %add3A_689 = arith.addf %mul3A_688, %get3A_636 : vector<16xf32>
        %swap3A_690 = arith.constant 3 : i32
        %swap3A_691 = arith.index_cast %scan3A_111 : i32 to index
        %swap3A_692 = arith.index_cast %swap3A_690 : i32 to index
        %swap3A_693 = arith.constant 64 : index
        %swap3A_694 = tpu.vector_load %arg12[%swap3A_691, %swap3A_692, %swap3A_693] {strides = array<i32>} : memref<8x8x256xf32, #tpu.memory_space<vmem>>, vector<1x1x16xf32>,
        %swap3A_695 = vector.shape_cast %swap3A_694 : vector<1x1x16xf32> to vector<16xf32>
        %swap3A_696 = vector.shape_cast %add3A_689 : vector<16xf32> to vector<1x1x16xf32>
        tpu.vector_store %arg12[%swap3A_691, %swap3A_692, %swap3A_693], %swap3A_696 {strides = array<i32>} : memref<8x8x256xf32, #tpu.memory_space<vmem>>, vector<1x1x16xf32>,
        %get3A_697 = arith.constant 4 : i32
        %get3A_698 = arith.index_cast %scan3A_111 : i32 to index
        %get3A_699 = arith.index_cast %get3A_697 : i32 to index
        %get3A_700 = arith.constant 64 : index
        %get3A_701 = tpu.vector_load %arg10[%get3A_698, %get3A_699, %get3A_700] {strides = array<i32>} : memref<8x8x256xf32, #tpu.memory_space<vmem>>, vector<1x1x16xf32>,
        %get3A_702 = vector.shape_cast %get3A_701 : vector<1x1x16xf32> to vector<16xf32>
        %mul3A_703 = arith.mulf %get3A_702, %get3A_632 : vector<16xf32>
        %add3A_704 = arith.addf %mul3A_703, %get3A_636 : vector<16xf32>
        %swap3A_705 = arith.constant 4 : i32
        %swap3A_706 = arith.index_cast %scan3A_111 : i32 to index
        %swap3A_707 = arith.index_cast %swap3A_705 : i32 to index
        %swap3A_708 = arith.constant 64 : index
        %swap3A_709 = tpu.vector_load %arg12[%swap3A_706, %swap3A_707, %swap3A_708] {strides = array<i32>} : memref<8x8x256xf32, #tpu.memory_space<vmem>>, vector<1x1x16xf32>,
        %swap3A_710 = vector.shape_cast %swap3A_709 : vector<1x1x16xf32> to vector<16xf32>
        %swap3A_711 = vector.shape_cast %add3A_704 : vector<16xf32> to vector<1x1x16xf32>
        tpu.vector_store %arg12[%swap3A_706, %swap3A_707, %swap3A_708], %swap3A_711 {strides = array<i32>} : memref<8x8x256xf32, #tpu.memory_space<vmem>>, vector<1x1x16xf32>,
        %get3A_712 = arith.constant 5 : i32
        %get3A_713 = arith.index_cast %scan3A_111 : i32 to index
        %get3A_714 = arith.index_cast %get3A_712 : i32 to index
        %get3A_715 = arith.constant 64 : index
        %get3A_716 = tpu.vector_load %arg10[%get3A_713, %get3A_714, %get3A_715] {strides = array<i32>} : memref<8x8x256xf32, #tpu.memory_space<vmem>>, vector<1x1x16xf32>,
        %get3A_717 = vector.shape_cast %get3A_716 : vector<1x1x16xf32> to vector<16xf32>
        %mul3A_718 = arith.mulf %get3A_717, %get3A_632 : vector<16xf32>
        %add3A_719 = arith.addf %mul3A_718, %get3A_636 : vector<16xf32>
        %swap3A_720 = arith.constant 5 : i32
        %swap3A_721 = arith.index_cast %scan3A_111 : i32 to index
        %swap3A_722 = arith.index_cast %swap3A_720 : i32 to index
        %swap3A_723 = arith.constant 64 : index
        %swap3A_724 = tpu.vector_load %arg12[%swap3A_721, %swap3A_722, %swap3A_723] {strides = array<i32>} : memref<8x8x256xf32, #tpu.memory_space<vmem>>, vector<1x1x16xf32>,
        %swap3A_725 = vector.shape_cast %swap3A_724 : vector<1x1x16xf32> to vector<16xf32>
        %swap3A_726 = vector.shape_cast %add3A_719 : vector<16xf32> to vector<1x1x16xf32>
        tpu.vector_store %arg12[%swap3A_721, %swap3A_722, %swap3A_723], %swap3A_726 {strides = array<i32>} : memref<8x8x256xf32, #tpu.memory_space<vmem>>, vector<1x1x16xf32>,
        %get3A_727 = arith.constant 6 : i32
        %get3A_728 = arith.index_cast %scan3A_111 : i32 to index
        %get3A_729 = arith.index_cast %get3A_727 : i32 to index
        %get3A_730 = arith.constant 64 : index
        %get3A_731 = tpu.vector_load %arg10[%get3A_728, %get3A_729, %get3A_730] {strides = array<i32>} : memref<8x8x256xf32, #tpu.memory_space<vmem>>, vector<1x1x16xf32>,
        %get3A_732 = vector.shape_cast %get3A_731 : vector<1x1x16xf32> to vector<16xf32>
        %mul3A_733 = arith.mulf %get3A_732, %get3A_632 : vector<16xf32>
        %add3A_734 = arith.addf %mul3A_733, %get3A_636 : vector<16xf32>
        %swap3A_735 = arith.constant 6 : i32
        %swap3A_736 = arith.index_cast %scan3A_111 : i32 to index
        %swap3A_737 = arith.index_cast %swap3A_735 : i32 to index
        %swap3A_738 = arith.constant 64 : index
        %swap3A_739 = tpu.vector_load %arg12[%swap3A_736, %swap3A_737, %swap3A_738] {strides = array<i32>} : memref<8x8x256xf32, #tpu.memory_space<vmem>>, vector<1x1x16xf32>,
        %swap3A_740 = vector.shape_cast %swap3A_739 : vector<1x1x16xf32> to vector<16xf32>
        %swap3A_741 = vector.shape_cast %add3A_734 : vector<16xf32> to vector<1x1x16xf32>
        tpu.vector_store %arg12[%swap3A_736, %swap3A_737, %swap3A_738], %swap3A_741 {strides = array<i32>} : memref<8x8x256xf32, #tpu.memory_space<vmem>>, vector<1x1x16xf32>,
        %get3A_742 = arith.constant 7 : i32
        %get3A_743 = arith.index_cast %scan3A_111 : i32 to index
        %get3A_744 = arith.index_cast %get3A_742 : i32 to index
        %get3A_745 = arith.constant 64 : index
        %get3A_746 = tpu.vector_load %arg10[%get3A_743, %get3A_744, %get3A_745] {strides = array<i32>} : memref<8x8x256xf32, #tpu.memory_space<vmem>>, vector<1x1x16xf32>,
        %get3A_747 = vector.shape_cast %get3A_746 : vector<1x1x16xf32> to vector<16xf32>
        %mul3A_748 = arith.mulf %get3A_747, %get3A_632 : vector<16xf32>
        %add3A_749 = arith.addf %mul3A_748, %get3A_636 : vector<16xf32>
        %swap3A_750 = arith.constant 7 : i32
        %swap3A_751 = arith.index_cast %scan3A_111 : i32 to index
        %swap3A_752 = arith.index_cast %swap3A_750 : i32 to index
        %swap3A_753 = arith.constant 64 : index
        %swap3A_754 = tpu.vector_load %arg12[%swap3A_751, %swap3A_752, %swap3A_753] {strides = array<i32>} : memref<8x8x256xf32, #tpu.memory_space<vmem>>, vector<1x1x16xf32>,
        %swap3A_755 = vector.shape_cast %swap3A_754 : vector<1x1x16xf32> to vector<16xf32>
        %swap3A_756 = vector.shape_cast %add3A_749 : vector<16xf32> to vector<1x1x16xf32>
        tpu.vector_store %arg12[%swap3A_751, %swap3A_752, %swap3A_753], %swap3A_756 {strides = array<i32>} : memref<8x8x256xf32, #tpu.memory_space<vmem>>, vector<1x1x16xf32>,
        %get3A_757 = arith.index_cast %squeeze3A : i32 to index
        %get3A_758 = arith.constant 80 : index
        %get3A_759 = tpu.vector_load %arg7[%get3A_757, %get3A_758] {strides = array<i32>} : memref<4x256xf32, #tpu.memory_space<vmem>>, vector<1x16xf32>,
        %get3A_760 = vector.shape_cast %get3A_759 : vector<1x16xf32> to vector<16xf32>
        %get3A_761 = arith.index_cast %squeeze3A : i32 to index
        %get3A_762 = arith.constant 80 : index
        %get3A_763 = tpu.vector_load %arg8[%get3A_761, %get3A_762] {strides = array<i32>} : memref<4x256xf32, #tpu.memory_space<vmem>>, vector<1x16xf32>,
        %get3A_764 = vector.shape_cast %get3A_763 : vector<1x16xf32> to vector<16xf32>
        %get3A_765 = arith.constant 0 : i32
        %get3A_766 = arith.index_cast %scan3A_111 : i32 to index
        %get3A_767 = arith.index_cast %get3A_765 : i32 to index
        %get3A_768 = arith.constant 80 : index
        %get3A_769 = tpu.vector_load %arg10[%get3A_766, %get3A_767, %get3A_768] {strides = array<i32>} : memref<8x8x256xf32, #tpu.memory_space<vmem>>, vector<1x1x16xf32>,
        %get3A_770 = vector.shape_cast %get3A_769 : vector<1x1x16xf32> to vector<16xf32>
        %mul3A_771 = arith.mulf %get3A_770, %get3A_760 : vector<16xf32>
        %add3A_772 = arith.addf %mul3A_771, %get3A_764 : vector<16xf32>
        %swap3A_773 = arith.constant 0 : i32
        %swap3A_774 = arith.index_cast %scan3A_111 : i32 to index
        %swap3A_775 = arith.index_cast %swap3A_773 : i32 to index
        %swap3A_776 = arith.constant 80 : index
        %swap3A_777 = tpu.vector_load %arg12[%swap3A_774, %swap3A_775, %swap3A_776] {strides = array<i32>} : memref<8x8x256xf32, #tpu.memory_space<vmem>>, vector<1x1x16xf32>,
        %swap3A_778 = vector.shape_cast %swap3A_777 : vector<1x1x16xf32> to vector<16xf32>
        %swap3A_779 = vector.shape_cast %add3A_772 : vector<16xf32> to vector<1x1x16xf32>
        tpu.vector_store %arg12[%swap3A_774, %swap3A_775, %swap3A_776], %swap3A_779 {strides = array<i32>} : memref<8x8x256xf32, #tpu.memory_space<vmem>>, vector<1x1x16xf32>,
        %get3A_780 = arith.constant 1 : i32
        %get3A_781 = arith.index_cast %scan3A_111 : i32 to index
        %get3A_782 = arith.index_cast %get3A_780 : i32 to index
        %get3A_783 = arith.constant 80 : index
        %get3A_784 = tpu.vector_load %arg10[%get3A_781, %get3A_782, %get3A_783] {strides = array<i32>} : memref<8x8x256xf32, #tpu.memory_space<vmem>>, vector<1x1x16xf32>,
        %get3A_785 = vector.shape_cast %get3A_784 : vector<1x1x16xf32> to vector<16xf32>
        %mul3A_786 = arith.mulf %get3A_785, %get3A_760 : vector<16xf32>
        %add3A_787 = arith.addf %mul3A_786, %get3A_764 : vector<16xf32>
        %swap3A_788 = arith.constant 1 : i32
        %swap3A_789 = arith.index_cast %scan3A_111 : i32 to index
        %swap3A_790 = arith.index_cast %swap3A_788 : i32 to index
        %swap3A_791 = arith.constant 80 : index
        %swap3A_792 = tpu.vector_load %arg12[%swap3A_789, %swap3A_790, %swap3A_791] {strides = array<i32>} : memref<8x8x256xf32, #tpu.memory_space<vmem>>, vector<1x1x16xf32>,
        %swap3A_793 = vector.shape_cast %swap3A_792 : vector<1x1x16xf32> to vector<16xf32>
        %swap3A_794 = vector.shape_cast %add3A_787 : vector<16xf32> to vector<1x1x16xf32>
        tpu.vector_store %arg12[%swap3A_789, %swap3A_790, %swap3A_791], %swap3A_794 {strides = array<i32>} : memref<8x8x256xf32, #tpu.memory_space<vmem>>, vector<1x1x16xf32>,
        %get3A_795 = arith.constant 2 : i32
        %get3A_796 = arith.index_cast %scan3A_111 : i32 to index
        %get3A_797 = arith.index_cast %get3A_795 : i32 to index
        %get3A_798 = arith.constant 80 : index
        %get3A_799 = tpu.vector_load %arg10[%get3A_796, %get3A_797, %get3A_798] {strides = array<i32>} : memref<8x8x256xf32, #tpu.memory_space<vmem>>, vector<1x1x16xf32>,
        %get3A_800 = vector.shape_cast %get3A_799 : vector<1x1x16xf32> to vector<16xf32>
        %mul3A_801 = arith.mulf %get3A_800, %get3A_760 : vector<16xf32>
        %add3A_802 = arith.addf %mul3A_801, %get3A_764 : vector<16xf32>
        %swap3A_803 = arith.constant 2 : i32
        %swap3A_804 = arith.index_cast %scan3A_111 : i32 to index
        %swap3A_805 = arith.index_cast %swap3A_803 : i32 to index
        %swap3A_806 = arith.constant 80 : index
        %swap3A_807 = tpu.vector_load %arg12[%swap3A_804, %swap3A_805, %swap3A_806] {strides = array<i32>} : memref<8x8x256xf32, #tpu.memory_space<vmem>>, vector<1x1x16xf32>,
        %swap3A_808 = vector.shape_cast %swap3A_807 : vector<1x1x16xf32> to vector<16xf32>
        %swap3A_809 = vector.shape_cast %add3A_802 : vector<16xf32> to vector<1x1x16xf32>
        tpu.vector_store %arg12[%swap3A_804, %swap3A_805, %swap3A_806], %swap3A_809 {strides = array<i32>} : memref<8x8x256xf32, #tpu.memory_space<vmem>>, vector<1x1x16xf32>,
        %get3A_810 = arith.constant 3 : i32
        %get3A_811 = arith.index_cast %scan3A_111 : i32 to index
        %get3A_812 = arith.index_cast %get3A_810 : i32 to index
        %get3A_813 = arith.constant 80 : index
        %get3A_814 = tpu.vector_load %arg10[%get3A_811, %get3A_812, %get3A_813] {strides = array<i32>} : memref<8x8x256xf32, #tpu.memory_space<vmem>>, vector<1x1x16xf32>,
        %get3A_815 = vector.shape_cast %get3A_814 : vector<1x1x16xf32> to vector<16xf32>
        %mul3A_816 = arith.mulf %get3A_815, %get3A_760 : vector<16xf32>
        %add3A_817 = arith.addf %mul3A_816, %get3A_764 : vector<16xf32>
        %swap3A_818 = arith.constant 3 : i32
        %swap3A_819 = arith.index_cast %scan3A_111 : i32 to index
        %swap3A_820 = arith.index_cast %swap3A_818 : i32 to index
        %swap3A_821 = arith.constant 80 : index
        %swap3A_822 = tpu.vector_load %arg12[%swap3A_819, %swap3A_820, %swap3A_821] {strides = array<i32>} : memref<8x8x256xf32, #tpu.memory_space<vmem>>, vector<1x1x16xf32>,
        %swap3A_823 = vector.shape_cast %swap3A_822 : vector<1x1x16xf32> to vector<16xf32>
        %swap3A_824 = vector.shape_cast %add3A_817 : vector<16xf32> to vector<1x1x16xf32>
        tpu.vector_store %arg12[%swap3A_819, %swap3A_820, %swap3A_821], %swap3A_824 {strides = array<i32>} : memref<8x8x256xf32, #tpu.memory_space<vmem>>, vector<1x1x16xf32>,
        %get3A_825 = arith.constant 4 : i32
        %get3A_826 = arith.index_cast %scan3A_111 : i32 to index
        %get3A_827 = arith.index_cast %get3A_825 : i32 to index
        %get3A_828 = arith.constant 80 : index
        %get3A_829 = tpu.vector_load %arg10[%get3A_826, %get3A_827, %get3A_828] {strides = array<i32>} : memref<8x8x256xf32, #tpu.memory_space<vmem>>, vector<1x1x16xf32>,
        %get3A_830 = vector.shape_cast %get3A_829 : vector<1x1x16xf32> to vector<16xf32>
        %mul3A_831 = arith.mulf %get3A_830, %get3A_760 : vector<16xf32>
        %add3A_832 = arith.addf %mul3A_831, %get3A_764 : vector<16xf32>
        %swap3A_833 = arith.constant 4 : i32
        %swap3A_834 = arith.index_cast %scan3A_111 : i32 to index
        %swap3A_835 = arith.index_cast %swap3A_833 : i32 to index
        %swap3A_836 = arith.constant 80 : index
        %swap3A_837 = tpu.vector_load %arg12[%swap3A_834, %swap3A_835, %swap3A_836] {strides = array<i32>} : memref<8x8x256xf32, #tpu.memory_space<vmem>>, vector<1x1x16xf32>,
        %swap3A_838 = vector.shape_cast %swap3A_837 : vector<1x1x16xf32> to vector<16xf32>
        %swap3A_839 = vector.shape_cast %add3A_832 : vector<16xf32> to vector<1x1x16xf32>
        tpu.vector_store %arg12[%swap3A_834, %swap3A_835, %swap3A_836], %swap3A_839 {strides = array<i32>} : memref<8x8x256xf32, #tpu.memory_space<vmem>>, vector<1x1x16xf32>,
        %get3A_840 = arith.constant 5 : i32
        %get3A_841 = arith.index_cast %scan3A_111 : i32 to index
        %get3A_842 = arith.index_cast %get3A_840 : i32 to index
        %get3A_843 = arith.constant 80 : index
        %get3A_844 = tpu.vector_load %arg10[%get3A_841, %get3A_842, %get3A_843] {strides = array<i32>} : memref<8x8x256xf32, #tpu.memory_space<vmem>>, vector<1x1x16xf32>,
        %get3A_845 = vector.shape_cast %get3A_844 : vector<1x1x16xf32> to vector<16xf32>
        %mul3A_846 = arith.mulf %get3A_845, %get3A_760 : vector<16xf32>
        %add3A_847 = arith.addf %mul3A_846, %get3A_764 : vector<16xf32>
        %swap3A_848 = arith.constant 5 : i32
        %swap3A_849 = arith.index_cast %scan3A_111 : i32 to index
        %swap3A_850 = arith.index_cast %swap3A_848 : i32 to index
        %swap3A_851 = arith.constant 80 : index
        %swap3A_852 = tpu.vector_load %arg12[%swap3A_849, %swap3A_850, %swap3A_851] {strides = array<i32>} : memref<8x8x256xf32, #tpu.memory_space<vmem>>, vector<1x1x16xf32>,
        %swap3A_853 = vector.shape_cast %swap3A_852 : vector<1x1x16xf32> to vector<16xf32>
        %swap3A_854 = vector.shape_cast %add3A_847 : vector<16xf32> to vector<1x1x16xf32>
        tpu.vector_store %arg12[%swap3A_849, %swap3A_850, %swap3A_851], %swap3A_854 {strides = array<i32>} : memref<8x8x256xf32, #tpu.memory_space<vmem>>, vector<1x1x16xf32>,
        %get3A_855 = arith.constant 6 : i32
        %get3A_856 = arith.index_cast %scan3A_111 : i32 to index
        %get3A_857 = arith.index_cast %get3A_855 : i32 to index
        %get3A_858 = arith.constant 80 : index
        %get3A_859 = tpu.vector_load %arg10[%get3A_856, %get3A_857, %get3A_858] {strides = array<i32>} : memref<8x8x256xf32, #tpu.memory_space<vmem>>, vector<1x1x16xf32>,
        %get3A_860 = vector.shape_cast %get3A_859 : vector<1x1x16xf32> to vector<16xf32>
        %mul3A_861 = arith.mulf %get3A_860, %get3A_760 : vector<16xf32>
        %add3A_862 = arith.addf %mul3A_861, %get3A_764 : vector<16xf32>
        %swap3A_863 = arith.constant 6 : i32
        %swap3A_864 = arith.index_cast %scan3A_111 : i32 to index
        %swap3A_865 = arith.index_cast %swap3A_863 : i32 to index
        %swap3A_866 = arith.constant 80 : index
        %swap3A_867 = tpu.vector_load %arg12[%swap3A_864, %swap3A_865, %swap3A_866] {strides = array<i32>} : memref<8x8x256xf32, #tpu.memory_space<vmem>>, vector<1x1x16xf32>,
        %swap3A_868 = vector.shape_cast %swap3A_867 : vector<1x1x16xf32> to vector<16xf32>
        %swap3A_869 = vector.shape_cast %add3A_862 : vector<16xf32> to vector<1x1x16xf32>
        tpu.vector_store %arg12[%swap3A_864, %swap3A_865, %swap3A_866], %swap3A_869 {strides = array<i32>} : memref<8x8x256xf32, #tpu.memory_space<vmem>>, vector<1x1x16xf32>,
        %get3A_870 = arith.constant 7 : i32
        %get3A_871 = arith.index_cast %scan3A_111 : i32 to index
        %get3A_872 = arith.index_cast %get3A_870 : i32 to index
        %get3A_873 = arith.constant 80 : index
        %get3A_874 = tpu.vector_load %arg10[%get3A_871, %get3A_872, %get3A_873] {strides = array<i32>} : memref<8x8x256xf32, #tpu.memory_space<vmem>>, vector<1x1x16xf32>,
        %get3A_875 = vector.shape_cast %get3A_874 : vector<1x1x16xf32> to vector<16xf32>
        %mul3A_876 = arith.mulf %get3A_875, %get3A_760 : vector<16xf32>
        %add3A_877 = arith.addf %mul3A_876, %get3A_764 : vector<16xf32>
        %swap3A_878 = arith.constant 7 : i32
        %swap3A_879 = arith.index_cast %scan3A_111 : i32 to index
        %swap3A_880 = arith.index_cast %swap3A_878 : i32 to index
        %swap3A_881 = arith.constant 80 : index
        %swap3A_882 = tpu.vector_load %arg12[%swap3A_879, %swap3A_880, %swap3A_881] {strides = array<i32>} : memref<8x8x256xf32, #tpu.memory_space<vmem>>, vector<1x1x16xf32>,
        %swap3A_883 = vector.shape_cast %swap3A_882 : vector<1x1x16xf32> to vector<16xf32>
        %swap3A_884 = vector.shape_cast %add3A_877 : vector<16xf32> to vector<1x1x16xf32>
        tpu.vector_store %arg12[%swap3A_879, %swap3A_880, %swap3A_881], %swap3A_884 {strides = array<i32>} : memref<8x8x256xf32, #tpu.memory_space<vmem>>, vector<1x1x16xf32>,
        %get3A_885 = arith.index_cast %squeeze3A : i32 to index
        %get3A_886 = arith.constant 96 : index
        %get3A_887 = tpu.vector_load %arg7[%get3A_885, %get3A_886] {strides = array<i32>} : memref<4x256xf32, #tpu.memory_space<vmem>>, vector<1x16xf32>,
        %get3A_888 = vector.shape_cast %get3A_887 : vector<1x16xf32> to vector<16xf32>
        %get3A_889 = arith.index_cast %squeeze3A : i32 to index
        %get3A_890 = arith.constant 96 : index
        %get3A_891 = tpu.vector_load %arg8[%get3A_889, %get3A_890] {strides = array<i32>} : memref<4x256xf32, #tpu.memory_space<vmem>>, vector<1x16xf32>,
        %get3A_892 = vector.shape_cast %get3A_891 : vector<1x16xf32> to vector<16xf32>
        %get3A_893 = arith.constant 0 : i32
        %get3A_894 = arith.index_cast %scan3A_111 : i32 to index
        %get3A_895 = arith.index_cast %get3A_893 : i32 to index
        %get3A_896 = arith.constant 96 : index
        %get3A_897 = tpu.vector_load %arg10[%get3A_894, %get3A_895, %get3A_896] {strides = array<i32>} : memref<8x8x256xf32, #tpu.memory_space<vmem>>, vector<1x1x16xf32>,
        %get3A_898 = vector.shape_cast %get3A_897 : vector<1x1x16xf32> to vector<16xf32>
        %mul3A_899 = arith.mulf %get3A_898, %get3A_888 : vector<16xf32>
        %add3A_900 = arith.addf %mul3A_899, %get3A_892 : vector<16xf32>
        %swap3A_901 = arith.constant 0 : i32
        %swap3A_902 = arith.index_cast %scan3A_111 : i32 to index
        %swap3A_903 = arith.index_cast %swap3A_901 : i32 to index
        %swap3A_904 = arith.constant 96 : index
        %swap3A_905 = tpu.vector_load %arg12[%swap3A_902, %swap3A_903, %swap3A_904] {strides = array<i32>} : memref<8x8x256xf32, #tpu.memory_space<vmem>>, vector<1x1x16xf32>,
        %swap3A_906 = vector.shape_cast %swap3A_905 : vector<1x1x16xf32> to vector<16xf32>
        %swap3A_907 = vector.shape_cast %add3A_900 : vector<16xf32> to vector<1x1x16xf32>
        tpu.vector_store %arg12[%swap3A_902, %swap3A_903, %swap3A_904], %swap3A_907 {strides = array<i32>} : memref<8x8x256xf32, #tpu.memory_space<vmem>>, vector<1x1x16xf32>,
        %get3A_908 = arith.constant 1 : i32
        %get3A_909 = arith.index_cast %scan3A_111 : i32 to index
        %get3A_910 = arith.index_cast %get3A_908 : i32 to index
        %get3A_911 = arith.constant 96 : index
        %get3A_912 = tpu.vector_load %arg10[%get3A_909, %get3A_910, %get3A_911] {strides = array<i32>} : memref<8x8x256xf32, #tpu.memory_space<vmem>>, vector<1x1x16xf32>,
        %get3A_913 = vector.shape_cast %get3A_912 : vector<1x1x16xf32> to vector<16xf32>
        %mul3A_914 = arith.mulf %get3A_913, %get3A_888 : vector<16xf32>
        %add3A_915 = arith.addf %mul3A_914, %get3A_892 : vector<16xf32>
        %swap3A_916 = arith.constant 1 : i32
        %swap3A_917 = arith.index_cast %scan3A_111 : i32 to index
        %swap3A_918 = arith.index_cast %swap3A_916 : i32 to index
        %swap3A_919 = arith.constant 96 : index
        %swap3A_920 = tpu.vector_load %arg12[%swap3A_917, %swap3A_918, %swap3A_919] {strides = array<i32>} : memref<8x8x256xf32, #tpu.memory_space<vmem>>, vector<1x1x16xf32>,
        %swap3A_921 = vector.shape_cast %swap3A_920 : vector<1x1x16xf32> to vector<16xf32>
        %swap3A_922 = vector.shape_cast %add3A_915 : vector<16xf32> to vector<1x1x16xf32>
        tpu.vector_store %arg12[%swap3A_917, %swap3A_918, %swap3A_919], %swap3A_922 {strides = array<i32>} : memref<8x8x256xf32, #tpu.memory_space<vmem>>, vector<1x1x16xf32>,
        %get3A_923 = arith.constant 2 : i32
        %get3A_924 = arith.index_cast %scan3A_111 : i32 to index
        %get3A_925 = arith.index_cast %get3A_923 : i32 to index
        %get3A_926 = arith.constant 96 : index
        %get3A_927 = tpu.vector_load %arg10[%get3A_924, %get3A_925, %get3A_926] {strides = array<i32>} : memref<8x8x256xf32, #tpu.memory_space<vmem>>, vector<1x1x16xf32>,
        %get3A_928 = vector.shape_cast %get3A_927 : vector<1x1x16xf32> to vector<16xf32>
        %mul3A_929 = arith.mulf %get3A_928, %get3A_888 : vector<16xf32>
        %add3A_930 = arith.addf %mul3A_929, %get3A_892 : vector<16xf32>
        %swap3A_931 = arith.constant 2 : i32
        %swap3A_932 = arith.index_cast %scan3A_111 : i32 to index
        %swap3A_933 = arith.index_cast %swap3A_931 : i32 to index
        %swap3A_934 = arith.constant 96 : index
        %swap3A_935 = tpu.vector_load %arg12[%swap3A_932, %swap3A_933, %swap3A_934] {strides = array<i32>} : memref<8x8x256xf32, #tpu.memory_space<vmem>>, vector<1x1x16xf32>,
        %swap3A_936 = vector.shape_cast %swap3A_935 : vector<1x1x16xf32> to vector<16xf32>
        %swap3A_937 = vector.shape_cast %add3A_930 : vector<16xf32> to vector<1x1x16xf32>
        tpu.vector_store %arg12[%swap3A_932, %swap3A_933, %swap3A_934], %swap3A_937 {strides = array<i32>} : memref<8x8x256xf32, #tpu.memory_space<vmem>>, vector<1x1x16xf32>,
        %get3A_938 = arith.constant 3 : i32
        %get3A_939 = arith.index_cast %scan3A_111 : i32 to index
        %get3A_940 = arith.index_cast %get3A_938 : i32 to index
        %get3A_941 = arith.constant 96 : index
        %get3A_942 = tpu.vector_load %arg10[%get3A_939, %get3A_940, %get3A_941] {strides = array<i32>} : memref<8x8x256xf32, #tpu.memory_space<vmem>>, vector<1x1x16xf32>,
        %get3A_943 = vector.shape_cast %get3A_942 : vector<1x1x16xf32> to vector<16xf32>
        %mul3A_944 = arith.mulf %get3A_943, %get3A_888 : vector<16xf32>
        %add3A_945 = arith.addf %mul3A_944, %get3A_892 : vector<16xf32>
        %swap3A_946 = arith.constant 3 : i32
        %swap3A_947 = arith.index_cast %scan3A_111 : i32 to index
        %swap3A_948 = arith.index_cast %swap3A_946 : i32 to index
        %swap3A_949 = arith.constant 96 : index
        %swap3A_950 = tpu.vector_load %arg12[%swap3A_947, %swap3A_948, %swap3A_949] {strides = array<i32>} : memref<8x8x256xf32, #tpu.memory_space<vmem>>, vector<1x1x16xf32>,
        %swap3A_951 = vector.shape_cast %swap3A_950 : vector<1x1x16xf32> to vector<16xf32>
        %swap3A_952 = vector.shape_cast %add3A_945 : vector<16xf32> to vector<1x1x16xf32>
        tpu.vector_store %arg12[%swap3A_947, %swap3A_948, %swap3A_949], %swap3A_952 {strides = array<i32>} : memref<8x8x256xf32, #tpu.memory_space<vmem>>, vector<1x1x16xf32>,
        %get3A_953 = arith.constant 4 : i32
        %get3A_954 = arith.index_cast %scan3A_111 : i32 to index
        %get3A_955 = arith.index_cast %get3A_953 : i32 to index
        %get3A_956 = arith.constant 96 : index
        %get3A_957 = tpu.vector_load %arg10[%get3A_954, %get3A_955, %get3A_956] {strides = array<i32>} : memref<8x8x256xf32, #tpu.memory_space<vmem>>, vector<1x1x16xf32>,
        %get3A_958 = vector.shape_cast %get3A_957 : vector<1x1x16xf32> to vector<16xf32>
        %mul3A_959 = arith.mulf %get3A_958, %get3A_888 : vector<16xf32>
        %add3A_960 = arith.addf %mul3A_959, %get3A_892 : vector<16xf32>
        %swap3A_961 = arith.constant 4 : i32
        %swap3A_962 = arith.index_cast %scan3A_111 : i32 to index
        %swap3A_963 = arith.index_cast %swap3A_961 : i32 to index
        %swap3A_964 = arith.constant 96 : index
        %swap3A_965 = tpu.vector_load %arg12[%swap3A_962, %swap3A_963, %swap3A_964] {strides = array<i32>} : memref<8x8x256xf32, #tpu.memory_space<vmem>>, vector<1x1x16xf32>,
        %swap3A_966 = vector.shape_cast %swap3A_965 : vector<1x1x16xf32> to vector<16xf32>
        %swap3A_967 = vector.shape_cast %add3A_960 : vector<16xf32> to vector<1x1x16xf32>
        tpu.vector_store %arg12[%swap3A_962, %swap3A_963, %swap3A_964], %swap3A_967 {strides = array<i32>} : memref<8x8x256xf32, #tpu.memory_space<vmem>>, vector<1x1x16xf32>,
        %get3A_968 = arith.constant 5 : i32
        %get3A_969 = arith.index_cast %scan3A_111 : i32 to index
        %get3A_970 = arith.index_cast %get3A_968 : i32 to index
        %get3A_971 = arith.constant 96 : index
        %get3A_972 = tpu.vector_load %arg10[%get3A_969, %get3A_970, %get3A_971] {strides = array<i32>} : memref<8x8x256xf32, #tpu.memory_space<vmem>>, vector<1x1x16xf32>,
        %get3A_973 = vector.shape_cast %get3A_972 : vector<1x1x16xf32> to vector<16xf32>
        %mul3A_974 = arith.mulf %get3A_973, %get3A_888 : vector<16xf32>
        %add3A_975 = arith.addf %mul3A_974, %get3A_892 : vector<16xf32>
        %swap3A_976 = arith.constant 5 : i32
        %swap3A_977 = arith.index_cast %scan3A_111 : i32 to index
        %swap3A_978 = arith.index_cast %swap3A_976 : i32 to index
        %swap3A_979 = arith.constant 96 : index
        %swap3A_980 = tpu.vector_load %arg12[%swap3A_977, %swap3A_978, %swap3A_979] {strides = array<i32>} : memref<8x8x256xf32, #tpu.memory_space<vmem>>, vector<1x1x16xf32>,
        %swap3A_981 = vector.shape_cast %swap3A_980 : vector<1x1x16xf32> to vector<16xf32>
        %swap3A_982 = vector.shape_cast %add3A_975 : vector<16xf32> to vector<1x1x16xf32>
        tpu.vector_store %arg12[%swap3A_977, %swap3A_978, %swap3A_979], %swap3A_982 {strides = array<i32>} : memref<8x8x256xf32, #tpu.memory_space<vmem>>, vector<1x1x16xf32>,
        %get3A_983 = arith.constant 6 : i32
        %get3A_984 = arith.index_cast %scan3A_111 : i32 to index
        %get3A_985 = arith.index_cast %get3A_983 : i32 to index
        %get3A_986 = arith.constant 96 : index
        %get3A_987 = tpu.vector_load %arg10[%get3A_984, %get3A_985, %get3A_986] {strides = array<i32>} : memref<8x8x256xf32, #tpu.memory_space<vmem>>, vector<1x1x16xf32>,
        %get3A_988 = vector.shape_cast %get3A_987 : vector<1x1x16xf32> to vector<16xf32>
        %mul3A_989 = arith.mulf %get3A_988, %get3A_888 : vector<16xf32>
        %add3A_990 = arith.addf %mul3A_989, %get3A_892 : vector<16xf32>
        %swap3A_991 = arith.constant 6 : i32
        %swap3A_992 = arith.index_cast %scan3A_111 : i32 to index
        %swap3A_993 = arith.index_cast %swap3A_991 : i32 to index
        %swap3A_994 = arith.constant 96 : index
        %swap3A_995 = tpu.vector_load %arg12[%swap3A_992, %swap3A_993, %swap3A_994] {strides = array<i32>} : memref<8x8x256xf32, #tpu.memory_space<vmem>>, vector<1x1x16xf32>,
        %swap3A_996 = vector.shape_cast %swap3A_995 : vector<1x1x16xf32> to vector<16xf32>
        %swap3A_997 = vector.shape_cast %add3A_990 : vector<16xf32> to vector<1x1x16xf32>
        tpu.vector_store %arg12[%swap3A_992, %swap3A_993, %swap3A_994], %swap3A_997 {strides = array<i32>} : memref<8x8x256xf32, #tpu.memory_space<vmem>>, vector<1x1x16xf32>,
        %get3A_998 = arith.constant 7 : i32
        %get3A_999 = arith.index_cast %scan3A_111 : i32 to index
        %get3A_1000 = arith.index_cast %get3A_998 : i32 to index
        %get3A_1001 = arith.constant 96 : index
        %get3A_1002 = tpu.vector_load %arg10[%get3A_999, %get3A_1000, %get3A_1001] {strides = array<i32>} : memref<8x8x256xf32, #tpu.memory_space<vmem>>, vector<1x1x16xf32>,
        %get3A_1003 = vector.shape_cast %get3A_1002 : vector<1x1x16xf32> to vector<16xf32>
        %mul3A_1004 = arith.mulf %get3A_1003, %get3A_888 : vector<16xf32>
        %add3A_1005 = arith.addf %mul3A_1004, %get3A_892 : vector<16xf32>
        %swap3A_1006 = arith.constant 7 : i32
        %swap3A_1007 = arith.index_cast %scan3A_111 : i32 to index
        %swap3A_1008 = arith.index_cast %swap3A_1006 : i32 to index
        %swap3A_1009 = arith.constant 96 : index
        %swap3A_1010 = tpu.vector_load %arg12[%swap3A_1007, %swap3A_1008, %swap3A_1009] {strides = array<i32>} : memref<8x8x256xf32, #tpu.memory_space<vmem>>, vector<1x1x16xf32>,
        %swap3A_1011 = vector.shape_cast %swap3A_1010 : vector<1x1x16xf32> to vector<16xf32>
        %swap3A_1012 = vector.shape_cast %add3A_1005 : vector<16xf32> to vector<1x1x16xf32>
        tpu.vector_store %arg12[%swap3A_1007, %swap3A_1008, %swap3A_1009], %swap3A_1012 {strides = array<i32>} : memref<8x8x256xf32, #tpu.memory_space<vmem>>, vector<1x1x16xf32>,
        %get3A_1013 = arith.index_cast %squeeze3A : i32 to index
        %get3A_1014 = arith.constant 112 : index
        %get3A_1015 = tpu.vector_load %arg7[%get3A_1013, %get3A_1014] {strides = array<i32>} : memref<4x256xf32, #tpu.memory_space<vmem>>, vector<1x16xf32>,
        %get3A_1016 = vector.shape_cast %get3A_1015 : vector<1x16xf32> to vector<16xf32>
        %get3A_1017 = arith.index_cast %squeeze3A : i32 to index
        %get3A_1018 = arith.constant 112 : index
        %get3A_1019 = tpu.vector_load %arg8[%get3A_1017, %get3A_1018] {strides = array<i32>} : memref<4x256xf32, #tpu.memory_space<vmem>>, vector<1x16xf32>,
        %get3A_1020 = vector.shape_cast %get3A_1019 : vector<1x16xf32> to vector<16xf32>
        %get3A_1021 = arith.constant 0 : i32
        %get3A_1022 = arith.index_cast %scan3A_111 : i32 to index
        %get3A_1023 = arith.index_cast %get3A_1021 : i32 to index
        %get3A_1024 = arith.constant 112 : index
        %get3A_1025 = tpu.vector_load %arg10[%get3A_1022, %get3A_1023, %get3A_1024] {strides = array<i32>} : memref<8x8x256xf32, #tpu.memory_space<vmem>>, vector<1x1x16xf32>,
        %get3A_1026 = vector.shape_cast %get3A_1025 : vector<1x1x16xf32> to vector<16xf32>
        %mul3A_1027 = arith.mulf %get3A_1026, %get3A_1016 : vector<16xf32>
        %add3A_1028 = arith.addf %mul3A_1027, %get3A_1020 : vector<16xf32>
        %swap3A_1029 = arith.constant 0 : i32
        %swap3A_1030 = arith.index_cast %scan3A_111 : i32 to index
        %swap3A_1031 = arith.index_cast %swap3A_1029 : i32 to index
        %swap3A_1032 = arith.constant 112 : index
        %swap3A_1033 = tpu.vector_load %arg12[%swap3A_1030, %swap3A_1031, %swap3A_1032] {strides = array<i32>} : memref<8x8x256xf32, #tpu.memory_space<vmem>>, vector<1x1x16xf32>,
        %swap3A_1034 = vector.shape_cast %swap3A_1033 : vector<1x1x16xf32> to vector<16xf32>
        %swap3A_1035 = vector.shape_cast %add3A_1028 : vector<16xf32> to vector<1x1x16xf32>
        tpu.vector_store %arg12[%swap3A_1030, %swap3A_1031, %swap3A_1032], %swap3A_1035 {strides = array<i32>} : memref<8x8x256xf32, #tpu.memory_space<vmem>>, vector<1x1x16xf32>,
        %get3A_1036 = arith.constant 1 : i32
        %get3A_1037 = arith.index_cast %scan3A_111 : i32 to index
        %get3A_1038 = arith.index_cast %get3A_1036 : i32 to index
        %get3A_1039 = arith.constant 112 : index
        %get3A_1040 = tpu.vector_load %arg10[%get3A_1037, %get3A_1038, %get3A_1039] {strides = array<i32>} : memref<8x8x256xf32, #tpu.memory_space<vmem>>, vector<1x1x16xf32>,
        %get3A_1041 = vector.shape_cast %get3A_1040 : vector<1x1x16xf32> to vector<16xf32>
        %mul3A_1042 = arith.mulf %get3A_1041, %get3A_1016 : vector<16xf32>
        %add3A_1043 = arith.addf %mul3A_1042, %get3A_1020 : vector<16xf32>
        %swap3A_1044 = arith.constant 1 : i32
        %swap3A_1045 = arith.index_cast %scan3A_111 : i32 to index
        %swap3A_1046 = arith.index_cast %swap3A_1044 : i32 to index
        %swap3A_1047 = arith.constant 112 : index
        %swap3A_1048 = tpu.vector_load %arg12[%swap3A_1045, %swap3A_1046, %swap3A_1047] {strides = array<i32>} : memref<8x8x256xf32, #tpu.memory_space<vmem>>, vector<1x1x16xf32>,
        %swap3A_1049 = vector.shape_cast %swap3A_1048 : vector<1x1x16xf32> to vector<16xf32>
        %swap3A_1050 = vector.shape_cast %add3A_1043 : vector<16xf32> to vector<1x1x16xf32>
        tpu.vector_store %arg12[%swap3A_1045, %swap3A_1046, %swap3A_1047], %swap3A_1050 {strides = array<i32>} : memref<8x8x256xf32, #tpu.memory_space<vmem>>, vector<1x1x16xf32>,
        %get3A_1051 = arith.constant 2 : i32
        %get3A_1052 = arith.index_cast %scan3A_111 : i32 to index
        %get3A_1053 = arith.index_cast %get3A_1051 : i32 to index
        %get3A_1054 = arith.constant 112 : index
        %get3A_1055 = tpu.vector_load %arg10[%get3A_1052, %get3A_1053, %get3A_1054] {strides = array<i32>} : memref<8x8x256xf32, #tpu.memory_space<vmem>>, vector<1x1x16xf32>,
        %get3A_1056 = vector.shape_cast %get3A_1055 : vector<1x1x16xf32> to vector<16xf32>
        %mul3A_1057 = arith.mulf %get3A_1056, %get3A_1016 : vector<16xf32>
        %add3A_1058 = arith.addf %mul3A_1057, %get3A_1020 : vector<16xf32>
        %swap3A_1059 = arith.constant 2 : i32
        %swap3A_1060 = arith.index_cast %scan3A_111 : i32 to index
        %swap3A_1061 = arith.index_cast %swap3A_1059 : i32 to index
        %swap3A_1062 = arith.constant 112 : index
        %swap3A_1063 = tpu.vector_load %arg12[%swap3A_1060, %swap3A_1061, %swap3A_1062] {strides = array<i32>} : memref<8x8x256xf32, #tpu.memory_space<vmem>>, vector<1x1x16xf32>,
        %swap3A_1064 = vector.shape_cast %swap3A_1063 : vector<1x1x16xf32> to vector<16xf32>
        %swap3A_1065 = vector.shape_cast %add3A_1058 : vector<16xf32> to vector<1x1x16xf32>
        tpu.vector_store %arg12[%swap3A_1060, %swap3A_1061, %swap3A_1062], %swap3A_1065 {strides = array<i32>} : memref<8x8x256xf32, #tpu.memory_space<vmem>>, vector<1x1x16xf32>,
        %get3A_1066 = arith.constant 3 : i32
        %get3A_1067 = arith.index_cast %scan3A_111 : i32 to index
        %get3A_1068 = arith.index_cast %get3A_1066 : i32 to index
        %get3A_1069 = arith.constant 112 : index
        %get3A_1070 = tpu.vector_load %arg10[%get3A_1067, %get3A_1068, %get3A_1069] {strides = array<i32>} : memref<8x8x256xf32, #tpu.memory_space<vmem>>, vector<1x1x16xf32>,
        %get3A_1071 = vector.shape_cast %get3A_1070 : vector<1x1x16xf32> to vector<16xf32>
        %mul3A_1072 = arith.mulf %get3A_1071, %get3A_1016 : vector<16xf32>
        %add3A_1073 = arith.addf %mul3A_1072, %get3A_1020 : vector<16xf32>
        %swap3A_1074 = arith.constant 3 : i32
        %swap3A_1075 = arith.index_cast %scan3A_111 : i32 to index
        %swap3A_1076 = arith.index_cast %swap3A_1074 : i32 to index
        %swap3A_1077 = arith.constant 112 : index
        %swap3A_1078 = tpu.vector_load %arg12[%swap3A_1075, %swap3A_1076, %swap3A_1077] {strides = array<i32>} : memref<8x8x256xf32, #tpu.memory_space<vmem>>, vector<1x1x16xf32>,
        %swap3A_1079 = vector.shape_cast %swap3A_1078 : vector<1x1x16xf32> to vector<16xf32>
        %swap3A_1080 = vector.shape_cast %add3A_1073 : vector<16xf32> to vector<1x1x16xf32>
        tpu.vector_store %arg12[%swap3A_1075, %swap3A_1076, %swap3A_1077], %swap3A_1080 {strides = array<i32>} : memref<8x8x256xf32, #tpu.memory_space<vmem>>, vector<1x1x16xf32>,
        %get3A_1081 = arith.constant 4 : i32
        %get3A_1082 = arith.index_cast %scan3A_111 : i32 to index
        %get3A_1083 = arith.index_cast %get3A_1081 : i32 to index
        %get3A_1084 = arith.constant 112 : index
        %get3A_1085 = tpu.vector_load %arg10[%get3A_1082, %get3A_1083, %get3A_1084] {strides = array<i32>} : memref<8x8x256xf32, #tpu.memory_space<vmem>>, vector<1x1x16xf32>,
        %get3A_1086 = vector.shape_cast %get3A_1085 : vector<1x1x16xf32> to vector<16xf32>
        %mul3A_1087 = arith.mulf %get3A_1086, %get3A_1016 : vector<16xf32>
        %add3A_1088 = arith.addf %mul3A_1087, %get3A_1020 : vector<16xf32>
        %swap3A_1089 = arith.constant 4 : i32
        %swap3A_1090 = arith.index_cast %scan3A_111 : i32 to index
        %swap3A_1091 = arith.index_cast %swap3A_1089 : i32 to index
        %swap3A_1092 = arith.constant 112 : index
        %swap3A_1093 = tpu.vector_load %arg12[%swap3A_1090, %swap3A_1091, %swap3A_1092] {strides = array<i32>} : memref<8x8x256xf32, #tpu.memory_space<vmem>>, vector<1x1x16xf32>,
        %swap3A_1094 = vector.shape_cast %swap3A_1093 : vector<1x1x16xf32> to vector<16xf32>
        %swap3A_1095 = vector.shape_cast %add3A_1088 : vector<16xf32> to vector<1x1x16xf32>
        tpu.vector_store %arg12[%swap3A_1090, %swap3A_1091, %swap3A_1092], %swap3A_1095 {strides = array<i32>} : memref<8x8x256xf32, #tpu.memory_space<vmem>>, vector<1x1x16xf32>,
        %get3A_1096 = arith.constant 5 : i32
        %get3A_1097 = arith.index_cast %scan3A_111 : i32 to index
        %get3A_1098 = arith.index_cast %get3A_1096 : i32 to index
        %get3A_1099 = arith.constant 112 : index
        %get3A_1100 = tpu.vector_load %arg10[%get3A_1097, %get3A_1098, %get3A_1099] {strides = array<i32>} : memref<8x8x256xf32, #tpu.memory_space<vmem>>, vector<1x1x16xf32>,
        %get3A_1101 = vector.shape_cast %get3A_1100 : vector<1x1x16xf32> to vector<16xf32>
        %mul3A_1102 = arith.mulf %get3A_1101, %get3A_1016 : vector<16xf32>
        %add3A_1103 = arith.addf %mul3A_1102, %get3A_1020 : vector<16xf32>
        %swap3A_1104 = arith.constant 5 : i32
        %swap3A_1105 = arith.index_cast %scan3A_111 : i32 to index
        %swap3A_1106 = arith.index_cast %swap3A_1104 : i32 to index
        %swap3A_1107 = arith.constant 112 : index
        %swap3A_1108 = tpu.vector_load %arg12[%swap3A_1105, %swap3A_1106, %swap3A_1107] {strides = array<i32>} : memref<8x8x256xf32, #tpu.memory_space<vmem>>, vector<1x1x16xf32>,
        %swap3A_1109 = vector.shape_cast %swap3A_1108 : vector<1x1x16xf32> to vector<16xf32>
        %swap3A_1110 = vector.shape_cast %add3A_1103 : vector<16xf32> to vector<1x1x16xf32>
        tpu.vector_store %arg12[%swap3A_1105, %swap3A_1106, %swap3A_1107], %swap3A_1110 {strides = array<i32>} : memref<8x8x256xf32, #tpu.memory_space<vmem>>, vector<1x1x16xf32>,
        %get3A_1111 = arith.constant 6 : i32
        %get3A_1112 = arith.index_cast %scan3A_111 : i32 to index
        %get3A_1113 = arith.index_cast %get3A_1111 : i32 to index
        %get3A_1114 = arith.constant 112 : index
        %get3A_1115 = tpu.vector_load %arg10[%get3A_1112, %get3A_1113, %get3A_1114] {strides = array<i32>} : memref<8x8x256xf32, #tpu.memory_space<vmem>>, vector<1x1x16xf32>,
        %get3A_1116 = vector.shape_cast %get3A_1115 : vector<1x1x16xf32> to vector<16xf32>
        %mul3A_1117 = arith.mulf %get3A_1116, %get3A_1016 : vector<16xf32>
        %add3A_1118 = arith.addf %mul3A_1117, %get3A_1020 : vector<16xf32>
        %swap3A_1119 = arith.constant 6 : i32
        %swap3A_1120 = arith.index_cast %scan3A_111 : i32 to index
        %swap3A_1121 = arith.index_cast %swap3A_1119 : i32 to index
        %swap3A_1122 = arith.constant 112 : index
        %swap3A_1123 = tpu.vector_load %arg12[%swap3A_1120, %swap3A_1121, %swap3A_1122] {strides = array<i32>} : memref<8x8x256xf32, #tpu.memory_space<vmem>>, vector<1x1x16xf32>,
        %swap3A_1124 = vector.shape_cast %swap3A_1123 : vector<1x1x16xf32> to vector<16xf32>
        %swap3A_1125 = vector.shape_cast %add3A_1118 : vector<16xf32> to vector<1x1x16xf32>
        tpu.vector_store %arg12[%swap3A_1120, %swap3A_1121, %swap3A_1122], %swap3A_1125 {strides = array<i32>} : memref<8x8x256xf32, #tpu.memory_space<vmem>>, vector<1x1x16xf32>,
        %get3A_1126 = arith.constant 7 : i32
        %get3A_1127 = arith.index_cast %scan3A_111 : i32 to index
        %get3A_1128 = arith.index_cast %get3A_1126 : i32 to index
        %get3A_1129 = arith.constant 112 : index
        %get3A_1130 = tpu.vector_load %arg10[%get3A_1127, %get3A_1128, %get3A_1129] {strides = array<i32>} : memref<8x8x256xf32, #tpu.memory_space<vmem>>, vector<1x1x16xf32>,
        %get3A_1131 = vector.shape_cast %get3A_1130 : vector<1x1x16xf32> to vector<16xf32>
        %mul3A_1132 = arith.mulf %get3A_1131, %get3A_1016 : vector<16xf32>
        %add3A_1133 = arith.addf %mul3A_1132, %get3A_1020 : vector<16xf32>
        %swap3A_1134 = arith.constant 7 : i32
        %swap3A_1135 = arith.index_cast %scan3A_111 : i32 to index
        %swap3A_1136 = arith.index_cast %swap3A_1134 : i32 to index
        %swap3A_1137 = arith.constant 112 : index
        %swap3A_1138 = tpu.vector_load %arg12[%swap3A_1135, %swap3A_1136, %swap3A_1137] {strides = array<i32>} : memref<8x8x256xf32, #tpu.memory_space<vmem>>, vector<1x1x16xf32>,
        %swap3A_1139 = vector.shape_cast %swap3A_1138 : vector<1x1x16xf32> to vector<16xf32>
        %swap3A_1140 = vector.shape_cast %add3A_1133 : vector<16xf32> to vector<1x1x16xf32>
        tpu.vector_store %arg12[%swap3A_1135, %swap3A_1136, %swap3A_1137], %swap3A_1140 {strides = array<i32>} : memref<8x8x256xf32, #tpu.memory_space<vmem>>, vector<1x1x16xf32>,
        %get3A_1141 = arith.index_cast %squeeze3A : i32 to index
        %get3A_1142 = arith.constant 128 : index
        %get3A_1143 = tpu.vector_load %arg7[%get3A_1141, %get3A_1142] {strides = array<i32>} : memref<4x256xf32, #tpu.memory_space<vmem>>, vector<1x16xf32>,
        %get3A_1144 = vector.shape_cast %get3A_1143 : vector<1x16xf32> to vector<16xf32>
        %get3A_1145 = arith.index_cast %squeeze3A : i32 to index
        %get3A_1146 = arith.constant 128 : index
        %get3A_1147 = tpu.vector_load %arg8[%get3A_1145, %get3A_1146] {strides = array<i32>} : memref<4x256xf32, #tpu.memory_space<vmem>>, vector<1x16xf32>,
        %get3A_1148 = vector.shape_cast %get3A_1147 : vector<1x16xf32> to vector<16xf32>
        %get3A_1149 = arith.constant 0 : i32
        %get3A_1150 = arith.index_cast %scan3A_111 : i32 to index
        %get3A_1151 = arith.index_cast %get3A_1149 : i32 to index
        %get3A_1152 = arith.constant 128 : index
        %get3A_1153 = tpu.vector_load %arg10[%get3A_1150, %get3A_1151, %get3A_1152] {strides = array<i32>} : memref<8x8x256xf32, #tpu.memory_space<vmem>>, vector<1x1x16xf32>,
        %get3A_1154 = vector.shape_cast %get3A_1153 : vector<1x1x16xf32> to vector<16xf32>
        %mul3A_1155 = arith.mulf %get3A_1154, %get3A_1144 : vector<16xf32>
        %add3A_1156 = arith.addf %mul3A_1155, %get3A_1148 : vector<16xf32>
        %swap3A_1157 = arith.constant 0 : i32
        %swap3A_1158 = arith.index_cast %scan3A_111 : i32 to index
        %swap3A_1159 = arith.index_cast %swap3A_1157 : i32 to index
        %swap3A_1160 = arith.constant 128 : index
        %swap3A_1161 = tpu.vector_load %arg12[%swap3A_1158, %swap3A_1159, %swap3A_1160] {strides = array<i32>} : memref<8x8x256xf32, #tpu.memory_space<vmem>>, vector<1x1x16xf32>,
        %swap3A_1162 = vector.shape_cast %swap3A_1161 : vector<1x1x16xf32> to vector<16xf32>
        %swap3A_1163 = vector.shape_cast %add3A_1156 : vector<16xf32> to vector<1x1x16xf32>
        tpu.vector_store %arg12[%swap3A_1158, %swap3A_1159, %swap3A_1160], %swap3A_1163 {strides = array<i32>} : memref<8x8x256xf32, #tpu.memory_space<vmem>>, vector<1x1x16xf32>,
        %get3A_1164 = arith.constant 1 : i32
        %get3A_1165 = arith.index_cast %scan3A_111 : i32 to index
        %get3A_1166 = arith.index_cast %get3A_1164 : i32 to index
        %get3A_1167 = arith.constant 128 : index
        %get3A_1168 = tpu.vector_load %arg10[%get3A_1165, %get3A_1166, %get3A_1167] {strides = array<i32>} : memref<8x8x256xf32, #tpu.memory_space<vmem>>, vector<1x1x16xf32>,
        %get3A_1169 = vector.shape_cast %get3A_1168 : vector<1x1x16xf32> to vector<16xf32>
        %mul3A_1170 = arith.mulf %get3A_1169, %get3A_1144 : vector<16xf32>
        %add3A_1171 = arith.addf %mul3A_1170, %get3A_1148 : vector<16xf32>
        %swap3A_1172 = arith.constant 1 : i32
        %swap3A_1173 = arith.index_cast %scan3A_111 : i32 to index
        %swap3A_1174 = arith.index_cast %swap3A_1172 : i32 to index
        %swap3A_1175 = arith.constant 128 : index
        %swap3A_1176 = tpu.vector_load %arg12[%swap3A_1173, %swap3A_1174, %swap3A_1175] {strides = array<i32>} : memref<8x8x256xf32, #tpu.memory_space<vmem>>, vector<1x1x16xf32>,
        %swap3A_1177 = vector.shape_cast %swap3A_1176 : vector<1x1x16xf32> to vector<16xf32>
        %swap3A_1178 = vector.shape_cast %add3A_1171 : vector<16xf32> to vector<1x1x16xf32>
        tpu.vector_store %arg12[%swap3A_1173, %swap3A_1174, %swap3A_1175], %swap3A_1178 {strides = array<i32>} : memref<8x8x256xf32, #tpu.memory_space<vmem>>, vector<1x1x16xf32>,
        %get3A_1179 = arith.constant 2 : i32
        %get3A_1180 = arith.index_cast %scan3A_111 : i32 to index
        %get3A_1181 = arith.index_cast %get3A_1179 : i32 to index
        %get3A_1182 = arith.constant 128 : index
        %get3A_1183 = tpu.vector_load %arg10[%get3A_1180, %get3A_1181, %get3A_1182] {strides = array<i32>} : memref<8x8x256xf32, #tpu.memory_space<vmem>>, vector<1x1x16xf32>,
        %get3A_1184 = vector.shape_cast %get3A_1183 : vector<1x1x16xf32> to vector<16xf32>
        %mul3A_1185 = arith.mulf %get3A_1184, %get3A_1144 : vector<16xf32>
        %add3A_1186 = arith.addf %mul3A_1185, %get3A_1148 : vector<16xf32>
        %swap3A_1187 = arith.constant 2 : i32
        %swap3A_1188 = arith.index_cast %scan3A_111 : i32 to index
        %swap3A_1189 = arith.index_cast %swap3A_1187 : i32 to index
        %swap3A_1190 = arith.constant 128 : index
        %swap3A_1191 = tpu.vector_load %arg12[%swap3A_1188, %swap3A_1189, %swap3A_1190] {strides = array<i32>} : memref<8x8x256xf32, #tpu.memory_space<vmem>>, vector<1x1x16xf32>,
        %swap3A_1192 = vector.shape_cast %swap3A_1191 : vector<1x1x16xf32> to vector<16xf32>
        %swap3A_1193 = vector.shape_cast %add3A_1186 : vector<16xf32> to vector<1x1x16xf32>
        tpu.vector_store %arg12[%swap3A_1188, %swap3A_1189, %swap3A_1190], %swap3A_1193 {strides = array<i32>} : memref<8x8x256xf32, #tpu.memory_space<vmem>>, vector<1x1x16xf32>,
        %get3A_1194 = arith.constant 3 : i32
        %get3A_1195 = arith.index_cast %scan3A_111 : i32 to index
        %get3A_1196 = arith.index_cast %get3A_1194 : i32 to index
        %get3A_1197 = arith.constant 128 : index
        %get3A_1198 = tpu.vector_load %arg10[%get3A_1195, %get3A_1196, %get3A_1197] {strides = array<i32>} : memref<8x8x256xf32, #tpu.memory_space<vmem>>, vector<1x1x16xf32>,
        %get3A_1199 = vector.shape_cast %get3A_1198 : vector<1x1x16xf32> to vector<16xf32>
        %mul3A_1200 = arith.mulf %get3A_1199, %get3A_1144 : vector<16xf32>
        %add3A_1201 = arith.addf %mul3A_1200, %get3A_1148 : vector<16xf32>
        %swap3A_1202 = arith.constant 3 : i32
        %swap3A_1203 = arith.index_cast %scan3A_111 : i32 to index
        %swap3A_1204 = arith.index_cast %swap3A_1202 : i32 to index
        %swap3A_1205 = arith.constant 128 : index
        %swap3A_1206 = tpu.vector_load %arg12[%swap3A_1203, %swap3A_1204, %swap3A_1205] {strides = array<i32>} : memref<8x8x256xf32, #tpu.memory_space<vmem>>, vector<1x1x16xf32>,
        %swap3A_1207 = vector.shape_cast %swap3A_1206 : vector<1x1x16xf32> to vector<16xf32>
        %swap3A_1208 = vector.shape_cast %add3A_1201 : vector<16xf32> to vector<1x1x16xf32>
        tpu.vector_store %arg12[%swap3A_1203, %swap3A_1204, %swap3A_1205], %swap3A_1208 {strides = array<i32>} : memref<8x8x256xf32, #tpu.memory_space<vmem>>, vector<1x1x16xf32>,
        %get3A_1209 = arith.constant 4 : i32
        %get3A_1210 = arith.index_cast %scan3A_111 : i32 to index
        %get3A_1211 = arith.index_cast %get3A_1209 : i32 to index
        %get3A_1212 = arith.constant 128 : index
        %get3A_1213 = tpu.vector_load %arg10[%get3A_1210, %get3A_1211, %get3A_1212] {strides = array<i32>} : memref<8x8x256xf32, #tpu.memory_space<vmem>>, vector<1x1x16xf32>,
        %get3A_1214 = vector.shape_cast %get3A_1213 : vector<1x1x16xf32> to vector<16xf32>
        %mul3A_1215 = arith.mulf %get3A_1214, %get3A_1144 : vector<16xf32>
        %add3A_1216 = arith.addf %mul3A_1215, %get3A_1148 : vector<16xf32>
        %swap3A_1217 = arith.constant 4 : i32
        %swap3A_1218 = arith.index_cast %scan3A_111 : i32 to index
        %swap3A_1219 = arith.index_cast %swap3A_1217 : i32 to index
        %swap3A_1220 = arith.constant 128 : index
        %swap3A_1221 = tpu.vector_load %arg12[%swap3A_1218, %swap3A_1219, %swap3A_1220] {strides = array<i32>} : memref<8x8x256xf32, #tpu.memory_space<vmem>>, vector<1x1x16xf32>,
        %swap3A_1222 = vector.shape_cast %swap3A_1221 : vector<1x1x16xf32> to vector<16xf32>
        %swap3A_1223 = vector.shape_cast %add3A_1216 : vector<16xf32> to vector<1x1x16xf32>
        tpu.vector_store %arg12[%swap3A_1218, %swap3A_1219, %swap3A_1220], %swap3A_1223 {strides = array<i32>} : memref<8x8x256xf32, #tpu.memory_space<vmem>>, vector<1x1x16xf32>,
        %get3A_1224 = arith.constant 5 : i32
        %get3A_1225 = arith.index_cast %scan3A_111 : i32 to index
        %get3A_1226 = arith.index_cast %get3A_1224 : i32 to index
        %get3A_1227 = arith.constant 128 : index
        %get3A_1228 = tpu.vector_load %arg10[%get3A_1225, %get3A_1226, %get3A_1227] {strides = array<i32>} : memref<8x8x256xf32, #tpu.memory_space<vmem>>, vector<1x1x16xf32>,
        %get3A_1229 = vector.shape_cast %get3A_1228 : vector<1x1x16xf32> to vector<16xf32>
        %mul3A_1230 = arith.mulf %get3A_1229, %get3A_1144 : vector<16xf32>
        %add3A_1231 = arith.addf %mul3A_1230, %get3A_1148 : vector<16xf32>
        %swap3A_1232 = arith.constant 5 : i32
        %swap3A_1233 = arith.index_cast %scan3A_111 : i32 to index
        %swap3A_1234 = arith.index_cast %swap3A_1232 : i32 to index
        %swap3A_1235 = arith.constant 128 : index
        %swap3A_1236 = tpu.vector_load %arg12[%swap3A_1233, %swap3A_1234, %swap3A_1235] {strides = array<i32>} : memref<8x8x256xf32, #tpu.memory_space<vmem>>, vector<1x1x16xf32>,
        %swap3A_1237 = vector.shape_cast %swap3A_1236 : vector<1x1x16xf32> to vector<16xf32>
        %swap3A_1238 = vector.shape_cast %add3A_1231 : vector<16xf32> to vector<1x1x16xf32>
        tpu.vector_store %arg12[%swap3A_1233, %swap3A_1234, %swap3A_1235], %swap3A_1238 {strides = array<i32>} : memref<8x8x256xf32, #tpu.memory_space<vmem>>, vector<1x1x16xf32>,
        %get3A_1239 = arith.constant 6 : i32
        %get3A_1240 = arith.index_cast %scan3A_111 : i32 to index
        %get3A_1241 = arith.index_cast %get3A_1239 : i32 to index
        %get3A_1242 = arith.constant 128 : index
        %get3A_1243 = tpu.vector_load %arg10[%get3A_1240, %get3A_1241, %get3A_1242] {strides = array<i32>} : memref<8x8x256xf32, #tpu.memory_space<vmem>>, vector<1x1x16xf32>,
        %get3A_1244 = vector.shape_cast %get3A_1243 : vector<1x1x16xf32> to vector<16xf32>
        %mul3A_1245 = arith.mulf %get3A_1244, %get3A_1144 : vector<16xf32>
        %add3A_1246 = arith.addf %mul3A_1245, %get3A_1148 : vector<16xf32>
        %swap3A_1247 = arith.constant 6 : i32
        %swap3A_1248 = arith.index_cast %scan3A_111 : i32 to index
        %swap3A_1249 = arith.index_cast %swap3A_1247 : i32 to index
        %swap3A_1250 = arith.constant 128 : index
        %swap3A_1251 = tpu.vector_load %arg12[%swap3A_1248, %swap3A_1249, %swap3A_1250] {strides = array<i32>} : memref<8x8x256xf32, #tpu.memory_space<vmem>>, vector<1x1x16xf32>,
        %swap3A_1252 = vector.shape_cast %swap3A_1251 : vector<1x1x16xf32> to vector<16xf32>
        %swap3A_1253 = vector.shape_cast %add3A_1246 : vector<16xf32> to vector<1x1x16xf32>
        tpu.vector_store %arg12[%swap3A_1248, %swap3A_1249, %swap3A_1250], %swap3A_1253 {strides = array<i32>} : memref<8x8x256xf32, #tpu.memory_space<vmem>>, vector<1x1x16xf32>,
        %get3A_1254 = arith.constant 7 : i32
        %get3A_1255 = arith.index_cast %scan3A_111 : i32 to index
        %get3A_1256 = arith.index_cast %get3A_1254 : i32 to index
        %get3A_1257 = arith.constant 128 : index
        %get3A_1258 = tpu.vector_load %arg10[%get3A_1255, %get3A_1256, %get3A_1257] {strides = array<i32>} : memref<8x8x256xf32, #tpu.memory_space<vmem>>, vector<1x1x16xf32>,
        %get3A_1259 = vector.shape_cast %get3A_1258 : vector<1x1x16xf32> to vector<16xf32>
        %mul3A_1260 = arith.mulf %get3A_1259, %get3A_1144 : vector<16xf32>
        %add3A_1261 = arith.addf %mul3A_1260, %get3A_1148 : vector<16xf32>
        %swap3A_1262 = arith.constant 7 : i32
        %swap3A_1263 = arith.index_cast %scan3A_111 : i32 to index
        %swap3A_1264 = arith.index_cast %swap3A_1262 : i32 to index
        %swap3A_1265 = arith.constant 128 : index
        %swap3A_1266 = tpu.vector_load %arg12[%swap3A_1263, %swap3A_1264, %swap3A_1265] {strides = array<i32>} : memref<8x8x256xf32, #tpu.memory_space<vmem>>, vector<1x1x16xf32>,
        %swap3A_1267 = vector.shape_cast %swap3A_1266 : vector<1x1x16xf32> to vector<16xf32>
        %swap3A_1268 = vector.shape_cast %add3A_1261 : vector<16xf32> to vector<1x1x16xf32>
        tpu.vector_store %arg12[%swap3A_1263, %swap3A_1264, %swap3A_1265], %swap3A_1268 {strides = array<i32>} : memref<8x8x256xf32, #tpu.memory_space<vmem>>, vector<1x1x16xf32>,
        %get3A_1269 = arith.index_cast %squeeze3A : i32 to index
        %get3A_1270 = arith.constant 144 : index
        %get3A_1271 = tpu.vector_load %arg7[%get3A_1269, %get3A_1270] {strides = array<i32>} : memref<4x256xf32, #tpu.memory_space<vmem>>, vector<1x16xf32>,
        %get3A_1272 = vector.shape_cast %get3A_1271 : vector<1x16xf32> to vector<16xf32>
        %get3A_1273 = arith.index_cast %squeeze3A : i32 to index
        %get3A_1274 = arith.constant 144 : index
        %get3A_1275 = tpu.vector_load %arg8[%get3A_1273, %get3A_1274] {strides = array<i32>} : memref<4x256xf32, #tpu.memory_space<vmem>>, vector<1x16xf32>,
        %get3A_1276 = vector.shape_cast %get3A_1275 : vector<1x16xf32> to vector<16xf32>
        %get3A_1277 = arith.constant 0 : i32
        %get3A_1278 = arith.index_cast %scan3A_111 : i32 to index
        %get3A_1279 = arith.index_cast %get3A_1277 : i32 to index
        %get3A_1280 = arith.constant 144 : index
        %get3A_1281 = tpu.vector_load %arg10[%get3A_1278, %get3A_1279, %get3A_1280] {strides = array<i32>} : memref<8x8x256xf32, #tpu.memory_space<vmem>>, vector<1x1x16xf32>,
        %get3A_1282 = vector.shape_cast %get3A_1281 : vector<1x1x16xf32> to vector<16xf32>
        %mul3A_1283 = arith.mulf %get3A_1282, %get3A_1272 : vector<16xf32>
        %add3A_1284 = arith.addf %mul3A_1283, %get3A_1276 : vector<16xf32>
        %swap3A_1285 = arith.constant 0 : i32
        %swap3A_1286 = arith.index_cast %scan3A_111 : i32 to index
        %swap3A_1287 = arith.index_cast %swap3A_1285 : i32 to index
        %swap3A_1288 = arith.constant 144 : index
        %swap3A_1289 = tpu.vector_load %arg12[%swap3A_1286, %swap3A_1287, %swap3A_1288] {strides = array<i32>} : memref<8x8x256xf32, #tpu.memory_space<vmem>>, vector<1x1x16xf32>,
        %swap3A_1290 = vector.shape_cast %swap3A_1289 : vector<1x1x16xf32> to vector<16xf32>
        %swap3A_1291 = vector.shape_cast %add3A_1284 : vector<16xf32> to vector<1x1x16xf32>
        tpu.vector_store %arg12[%swap3A_1286, %swap3A_1287, %swap3A_1288], %swap3A_1291 {strides = array<i32>} : memref<8x8x256xf32, #tpu.memory_space<vmem>>, vector<1x1x16xf32>,
        %get3A_1292 = arith.constant 1 : i32
        %get3A_1293 = arith.index_cast %scan3A_111 : i32 to index
        %get3A_1294 = arith.index_cast %get3A_1292 : i32 to index
        %get3A_1295 = arith.constant 144 : index
        %get3A_1296 = tpu.vector_load %arg10[%get3A_1293, %get3A_1294, %get3A_1295] {strides = array<i32>} : memref<8x8x256xf32, #tpu.memory_space<vmem>>, vector<1x1x16xf32>,
        %get3A_1297 = vector.shape_cast %get3A_1296 : vector<1x1x16xf32> to vector<16xf32>
        %mul3A_1298 = arith.mulf %get3A_1297, %get3A_1272 : vector<16xf32>
        %add3A_1299 = arith.addf %mul3A_1298, %get3A_1276 : vector<16xf32>
        %swap3A_1300 = arith.constant 1 : i32
        %swap3A_1301 = arith.index_cast %scan3A_111 : i32 to index
        %swap3A_1302 = arith.index_cast %swap3A_1300 : i32 to index
        %swap3A_1303 = arith.constant 144 : index
        %swap3A_1304 = tpu.vector_load %arg12[%swap3A_1301, %swap3A_1302, %swap3A_1303] {strides = array<i32>} : memref<8x8x256xf32, #tpu.memory_space<vmem>>, vector<1x1x16xf32>,
        %swap3A_1305 = vector.shape_cast %swap3A_1304 : vector<1x1x16xf32> to vector<16xf32>
        %swap3A_1306 = vector.shape_cast %add3A_1299 : vector<16xf32> to vector<1x1x16xf32>
        tpu.vector_store %arg12[%swap3A_1301, %swap3A_1302, %swap3A_1303], %swap3A_1306 {strides = array<i32>} : memref<8x8x256xf32, #tpu.memory_space<vmem>>, vector<1x1x16xf32>,
        %get3A_1307 = arith.constant 2 : i32
        %get3A_1308 = arith.index_cast %scan3A_111 : i32 to index
        %get3A_1309 = arith.index_cast %get3A_1307 : i32 to index
        %get3A_1310 = arith.constant 144 : index
        %get3A_1311 = tpu.vector_load %arg10[%get3A_1308, %get3A_1309, %get3A_1310] {strides = array<i32>} : memref<8x8x256xf32, #tpu.memory_space<vmem>>, vector<1x1x16xf32>,
        %get3A_1312 = vector.shape_cast %get3A_1311 : vector<1x1x16xf32> to vector<16xf32>
        %mul3A_1313 = arith.mulf %get3A_1312, %get3A_1272 : vector<16xf32>
        %add3A_1314 = arith.addf %mul3A_1313, %get3A_1276 : vector<16xf32>
        %swap3A_1315 = arith.constant 2 : i32
        %swap3A_1316 = arith.index_cast %scan3A_111 : i32 to index
        %swap3A_1317 = arith.index_cast %swap3A_1315 : i32 to index
        %swap3A_1318 = arith.constant 144 : index
        %swap3A_1319 = tpu.vector_load %arg12[%swap3A_1316, %swap3A_1317, %swap3A_1318] {strides = array<i32>} : memref<8x8x256xf32, #tpu.memory_space<vmem>>, vector<1x1x16xf32>,
        %swap3A_1320 = vector.shape_cast %swap3A_1319 : vector<1x1x16xf32> to vector<16xf32>
        %swap3A_1321 = vector.shape_cast %add3A_1314 : vector<16xf32> to vector<1x1x16xf32>
        tpu.vector_store %arg12[%swap3A_1316, %swap3A_1317, %swap3A_1318], %swap3A_1321 {strides = array<i32>} : memref<8x8x256xf32, #tpu.memory_space<vmem>>, vector<1x1x16xf32>,
        %get3A_1322 = arith.constant 3 : i32
        %get3A_1323 = arith.index_cast %scan3A_111 : i32 to index
        %get3A_1324 = arith.index_cast %get3A_1322 : i32 to index
        %get3A_1325 = arith.constant 144 : index
        %get3A_1326 = tpu.vector_load %arg10[%get3A_1323, %get3A_1324, %get3A_1325] {strides = array<i32>} : memref<8x8x256xf32, #tpu.memory_space<vmem>>, vector<1x1x16xf32>,
        %get3A_1327 = vector.shape_cast %get3A_1326 : vector<1x1x16xf32> to vector<16xf32>
        %mul3A_1328 = arith.mulf %get3A_1327, %get3A_1272 : vector<16xf32>
        %add3A_1329 = arith.addf %mul3A_1328, %get3A_1276 : vector<16xf32>
        %swap3A_1330 = arith.constant 3 : i32
        %swap3A_1331 = arith.index_cast %scan3A_111 : i32 to index
        %swap3A_1332 = arith.index_cast %swap3A_1330 : i32 to index
        %swap3A_1333 = arith.constant 144 : index
        %swap3A_1334 = tpu.vector_load %arg12[%swap3A_1331, %swap3A_1332, %swap3A_1333] {strides = array<i32>} : memref<8x8x256xf32, #tpu.memory_space<vmem>>, vector<1x1x16xf32>,
        %swap3A_1335 = vector.shape_cast %swap3A_1334 : vector<1x1x16xf32> to vector<16xf32>
        %swap3A_1336 = vector.shape_cast %add3A_1329 : vector<16xf32> to vector<1x1x16xf32>
        tpu.vector_store %arg12[%swap3A_1331, %swap3A_1332, %swap3A_1333], %swap3A_1336 {strides = array<i32>} : memref<8x8x256xf32, #tpu.memory_space<vmem>>, vector<1x1x16xf32>,
        %get3A_1337 = arith.constant 4 : i32
        %get3A_1338 = arith.index_cast %scan3A_111 : i32 to index
        %get3A_1339 = arith.index_cast %get3A_1337 : i32 to index
        %get3A_1340 = arith.constant 144 : index
        %get3A_1341 = tpu.vector_load %arg10[%get3A_1338, %get3A_1339, %get3A_1340] {strides = array<i32>} : memref<8x8x256xf32, #tpu.memory_space<vmem>>, vector<1x1x16xf32>,
        %get3A_1342 = vector.shape_cast %get3A_1341 : vector<1x1x16xf32> to vector<16xf32>
        %mul3A_1343 = arith.mulf %get3A_1342, %get3A_1272 : vector<16xf32>
        %add3A_1344 = arith.addf %mul3A_1343, %get3A_1276 : vector<16xf32>
        %swap3A_1345 = arith.constant 4 : i32
        %swap3A_1346 = arith.index_cast %scan3A_111 : i32 to index
        %swap3A_1347 = arith.index_cast %swap3A_1345 : i32 to index
        %swap3A_1348 = arith.constant 144 : index
        %swap3A_1349 = tpu.vector_load %arg12[%swap3A_1346, %swap3A_1347, %swap3A_1348] {strides = array<i32>} : memref<8x8x256xf32, #tpu.memory_space<vmem>>, vector<1x1x16xf32>,
        %swap3A_1350 = vector.shape_cast %swap3A_1349 : vector<1x1x16xf32> to vector<16xf32>
        %swap3A_1351 = vector.shape_cast %add3A_1344 : vector<16xf32> to vector<1x1x16xf32>
        tpu.vector_store %arg12[%swap3A_1346, %swap3A_1347, %swap3A_1348], %swap3A_1351 {strides = array<i32>} : memref<8x8x256xf32, #tpu.memory_space<vmem>>, vector<1x1x16xf32>,
        %get3A_1352 = arith.constant 5 : i32
        %get3A_1353 = arith.index_cast %scan3A_111 : i32 to index
        %get3A_1354 = arith.index_cast %get3A_1352 : i32 to index
        %get3A_1355 = arith.constant 144 : index
        %get3A_1356 = tpu.vector_load %arg10[%get3A_1353, %get3A_1354, %get3A_1355] {strides = array<i32>} : memref<8x8x256xf32, #tpu.memory_space<vmem>>, vector<1x1x16xf32>,
        %get3A_1357 = vector.shape_cast %get3A_1356 : vector<1x1x16xf32> to vector<16xf32>
        %mul3A_1358 = arith.mulf %get3A_1357, %get3A_1272 : vector<16xf32>
        %add3A_1359 = arith.addf %mul3A_1358, %get3A_1276 : vector<16xf32>
        %swap3A_1360 = arith.constant 5 : i32
        %swap3A_1361 = arith.index_cast %scan3A_111 : i32 to index
        %swap3A_1362 = arith.index_cast %swap3A_1360 : i32 to index
        %swap3A_1363 = arith.constant 144 : index
        %swap3A_1364 = tpu.vector_load %arg12[%swap3A_1361, %swap3A_1362, %swap3A_1363] {strides = array<i32>} : memref<8x8x256xf32, #tpu.memory_space<vmem>>, vector<1x1x16xf32>,
        %swap3A_1365 = vector.shape_cast %swap3A_1364 : vector<1x1x16xf32> to vector<16xf32>
        %swap3A_1366 = vector.shape_cast %add3A_1359 : vector<16xf32> to vector<1x1x16xf32>
        tpu.vector_store %arg12[%swap3A_1361, %swap3A_1362, %swap3A_1363], %swap3A_1366 {strides = array<i32>} : memref<8x8x256xf32, #tpu.memory_space<vmem>>, vector<1x1x16xf32>,
        %get3A_1367 = arith.constant 6 : i32
        %get3A_1368 = arith.index_cast %scan3A_111 : i32 to index
        %get3A_1369 = arith.index_cast %get3A_1367 : i32 to index
        %get3A_1370 = arith.constant 144 : index
        %get3A_1371 = tpu.vector_load %arg10[%get3A_1368, %get3A_1369, %get3A_1370] {strides = array<i32>} : memref<8x8x256xf32, #tpu.memory_space<vmem>>, vector<1x1x16xf32>,
        %get3A_1372 = vector.shape_cast %get3A_1371 : vector<1x1x16xf32> to vector<16xf32>
        %mul3A_1373 = arith.mulf %get3A_1372, %get3A_1272 : vector<16xf32>
        %add3A_1374 = arith.addf %mul3A_1373, %get3A_1276 : vector<16xf32>
        %swap3A_1375 = arith.constant 6 : i32
        %swap3A_1376 = arith.index_cast %scan3A_111 : i32 to index
        %swap3A_1377 = arith.index_cast %swap3A_1375 : i32 to index
        %swap3A_1378 = arith.constant 144 : index
        %swap3A_1379 = tpu.vector_load %arg12[%swap3A_1376, %swap3A_1377, %swap3A_1378] {strides = array<i32>} : memref<8x8x256xf32, #tpu.memory_space<vmem>>, vector<1x1x16xf32>,
        %swap3A_1380 = vector.shape_cast %swap3A_1379 : vector<1x1x16xf32> to vector<16xf32>
        %swap3A_1381 = vector.shape_cast %add3A_1374 : vector<16xf32> to vector<1x1x16xf32>
        tpu.vector_store %arg12[%swap3A_1376, %swap3A_1377, %swap3A_1378], %swap3A_1381 {strides = array<i32>} : memref<8x8x256xf32, #tpu.memory_space<vmem>>, vector<1x1x16xf32>,
        %get3A_1382 = arith.constant 7 : i32
        %get3A_1383 = arith.index_cast %scan3A_111 : i32 to index
        %get3A_1384 = arith.index_cast %get3A_1382 : i32 to index
        %get3A_1385 = arith.constant 144 : index
        %get3A_1386 = tpu.vector_load %arg10[%get3A_1383, %get3A_1384, %get3A_1385] {strides = array<i32>} : memref<8x8x256xf32, #tpu.memory_space<vmem>>, vector<1x1x16xf32>,
        %get3A_1387 = vector.shape_cast %get3A_1386 : vector<1x1x16xf32> to vector<16xf32>
        %mul3A_1388 = arith.mulf %get3A_1387, %get3A_1272 : vector<16xf32>
        %add3A_1389 = arith.addf %mul3A_1388, %get3A_1276 : vector<16xf32>
        %swap3A_1390 = arith.constant 7 : i32
        %swap3A_1391 = arith.index_cast %scan3A_111 : i32 to index
        %swap3A_1392 = arith.index_cast %swap3A_1390 : i32 to index
        %swap3A_1393 = arith.constant 144 : index
        %swap3A_1394 = tpu.vector_load %arg12[%swap3A_1391, %swap3A_1392, %swap3A_1393] {strides = array<i32>} : memref<8x8x256xf32, #tpu.memory_space<vmem>>, vector<1x1x16xf32>,
        %swap3A_1395 = vector.shape_cast %swap3A_1394 : vector<1x1x16xf32> to vector<16xf32>
        %swap3A_1396 = vector.shape_cast %add3A_1389 : vector<16xf32> to vector<1x1x16xf32>
        tpu.vector_store %arg12[%swap3A_1391, %swap3A_1392, %swap3A_1393], %swap3A_1396 {strides = array<i32>} : memref<8x8x256xf32, #tpu.memory_space<vmem>>, vector<1x1x16xf32>,
        %get3A_1397 = arith.index_cast %squeeze3A : i32 to index
        %get3A_1398 = arith.constant 160 : index
        %get3A_1399 = tpu.vector_load %arg7[%get3A_1397, %get3A_1398] {strides = array<i32>} : memref<4x256xf32, #tpu.memory_space<vmem>>, vector<1x16xf32>,
        %get3A_1400 = vector.shape_cast %get3A_1399 : vector<1x16xf32> to vector<16xf32>
        %get3A_1401 = arith.index_cast %squeeze3A : i32 to index
        %get3A_1402 = arith.constant 160 : index
        %get3A_1403 = tpu.vector_load %arg8[%get3A_1401, %get3A_1402] {strides = array<i32>} : memref<4x256xf32, #tpu.memory_space<vmem>>, vector<1x16xf32>,
        %get3A_1404 = vector.shape_cast %get3A_1403 : vector<1x16xf32> to vector<16xf32>
        %get3A_1405 = arith.constant 0 : i32
        %get3A_1406 = arith.index_cast %scan3A_111 : i32 to index
        %get3A_1407 = arith.index_cast %get3A_1405 : i32 to index
        %get3A_1408 = arith.constant 160 : index
        %get3A_1409 = tpu.vector_load %arg10[%get3A_1406, %get3A_1407, %get3A_1408] {strides = array<i32>} : memref<8x8x256xf32, #tpu.memory_space<vmem>>, vector<1x1x16xf32>,
        %get3A_1410 = vector.shape_cast %get3A_1409 : vector<1x1x16xf32> to vector<16xf32>
        %mul3A_1411 = arith.mulf %get3A_1410, %get3A_1400 : vector<16xf32>
        %add3A_1412 = arith.addf %mul3A_1411, %get3A_1404 : vector<16xf32>
        %swap3A_1413 = arith.constant 0 : i32
        %swap3A_1414 = arith.index_cast %scan3A_111 : i32 to index
        %swap3A_1415 = arith.index_cast %swap3A_1413 : i32 to index
        %swap3A_1416 = arith.constant 160 : index
        %swap3A_1417 = tpu.vector_load %arg12[%swap3A_1414, %swap3A_1415, %swap3A_1416] {strides = array<i32>} : memref<8x8x256xf32, #tpu.memory_space<vmem>>, vector<1x1x16xf32>,
        %swap3A_1418 = vector.shape_cast %swap3A_1417 : vector<1x1x16xf32> to vector<16xf32>
        %swap3A_1419 = vector.shape_cast %add3A_1412 : vector<16xf32> to vector<1x1x16xf32>
        tpu.vector_store %arg12[%swap3A_1414, %swap3A_1415, %swap3A_1416], %swap3A_1419 {strides = array<i32>} : memref<8x8x256xf32, #tpu.memory_space<vmem>>, vector<1x1x16xf32>,
        %get3A_1420 = arith.constant 1 : i32
        %get3A_1421 = arith.index_cast %scan3A_111 : i32 to index
        %get3A_1422 = arith.index_cast %get3A_1420 : i32 to index
        %get3A_1423 = arith.constant 160 : index
        %get3A_1424 = tpu.vector_load %arg10[%get3A_1421, %get3A_1422, %get3A_1423] {strides = array<i32>} : memref<8x8x256xf32, #tpu.memory_space<vmem>>, vector<1x1x16xf32>,
        %get3A_1425 = vector.shape_cast %get3A_1424 : vector<1x1x16xf32> to vector<16xf32>
        %mul3A_1426 = arith.mulf %get3A_1425, %get3A_1400 : vector<16xf32>
        %add3A_1427 = arith.addf %mul3A_1426, %get3A_1404 : vector<16xf32>
        %swap3A_1428 = arith.constant 1 : i32
        %swap3A_1429 = arith.index_cast %scan3A_111 : i32 to index
        %swap3A_1430 = arith.index_cast %swap3A_1428 : i32 to index
        %swap3A_1431 = arith.constant 160 : index
        %swap3A_1432 = tpu.vector_load %arg12[%swap3A_1429, %swap3A_1430, %swap3A_1431] {strides = array<i32>} : memref<8x8x256xf32, #tpu.memory_space<vmem>>, vector<1x1x16xf32>,
        %swap3A_1433 = vector.shape_cast %swap3A_1432 : vector<1x1x16xf32> to vector<16xf32>
        %swap3A_1434 = vector.shape_cast %add3A_1427 : vector<16xf32> to vector<1x1x16xf32>
        tpu.vector_store %arg12[%swap3A_1429, %swap3A_1430, %swap3A_1431], %swap3A_1434 {strides = array<i32>} : memref<8x8x256xf32, #tpu.memory_space<vmem>>, vector<1x1x16xf32>,
        %get3A_1435 = arith.constant 2 : i32
        %get3A_1436 = arith.index_cast %scan3A_111 : i32 to index
        %get3A_1437 = arith.index_cast %get3A_1435 : i32 to index
        %get3A_1438 = arith.constant 160 : index
        %get3A_1439 = tpu.vector_load %arg10[%get3A_1436, %get3A_1437, %get3A_1438] {strides = array<i32>} : memref<8x8x256xf32, #tpu.memory_space<vmem>>, vector<1x1x16xf32>,
        %get3A_1440 = vector.shape_cast %get3A_1439 : vector<1x1x16xf32> to vector<16xf32>
        %mul3A_1441 = arith.mulf %get3A_1440, %get3A_1400 : vector<16xf32>
        %add3A_1442 = arith.addf %mul3A_1441, %get3A_1404 : vector<16xf32>
        %swap3A_1443 = arith.constant 2 : i32
        %swap3A_1444 = arith.index_cast %scan3A_111 : i32 to index
        %swap3A_1445 = arith.index_cast %swap3A_1443 : i32 to index
        %swap3A_1446 = arith.constant 160 : index
        %swap3A_1447 = tpu.vector_load %arg12[%swap3A_1444, %swap3A_1445, %swap3A_1446] {strides = array<i32>} : memref<8x8x256xf32, #tpu.memory_space<vmem>>, vector<1x1x16xf32>,
        %swap3A_1448 = vector.shape_cast %swap3A_1447 : vector<1x1x16xf32> to vector<16xf32>
        %swap3A_1449 = vector.shape_cast %add3A_1442 : vector<16xf32> to vector<1x1x16xf32>
        tpu.vector_store %arg12[%swap3A_1444, %swap3A_1445, %swap3A_1446], %swap3A_1449 {strides = array<i32>} : memref<8x8x256xf32, #tpu.memory_space<vmem>>, vector<1x1x16xf32>,
        %get3A_1450 = arith.constant 3 : i32
        %get3A_1451 = arith.index_cast %scan3A_111 : i32 to index
        %get3A_1452 = arith.index_cast %get3A_1450 : i32 to index
        %get3A_1453 = arith.constant 160 : index
        %get3A_1454 = tpu.vector_load %arg10[%get3A_1451, %get3A_1452, %get3A_1453] {strides = array<i32>} : memref<8x8x256xf32, #tpu.memory_space<vmem>>, vector<1x1x16xf32>,
        %get3A_1455 = vector.shape_cast %get3A_1454 : vector<1x1x16xf32> to vector<16xf32>
        %mul3A_1456 = arith.mulf %get3A_1455, %get3A_1400 : vector<16xf32>
        %add3A_1457 = arith.addf %mul3A_1456, %get3A_1404 : vector<16xf32>
        %swap3A_1458 = arith.constant 3 : i32
        %swap3A_1459 = arith.index_cast %scan3A_111 : i32 to index
        %swap3A_1460 = arith.index_cast %swap3A_1458 : i32 to index
        %swap3A_1461 = arith.constant 160 : index
        %swap3A_1462 = tpu.vector_load %arg12[%swap3A_1459, %swap3A_1460, %swap3A_1461] {strides = array<i32>} : memref<8x8x256xf32, #tpu.memory_space<vmem>>, vector<1x1x16xf32>,
        %swap3A_1463 = vector.shape_cast %swap3A_1462 : vector<1x1x16xf32> to vector<16xf32>
        %swap3A_1464 = vector.shape_cast %add3A_1457 : vector<16xf32> to vector<1x1x16xf32>
        tpu.vector_store %arg12[%swap3A_1459, %swap3A_1460, %swap3A_1461], %swap3A_1464 {strides = array<i32>} : memref<8x8x256xf32, #tpu.memory_space<vmem>>, vector<1x1x16xf32>,
        %get3A_1465 = arith.constant 4 : i32
        %get3A_1466 = arith.index_cast %scan3A_111 : i32 to index
        %get3A_1467 = arith.index_cast %get3A_1465 : i32 to index
        %get3A_1468 = arith.constant 160 : index
        %get3A_1469 = tpu.vector_load %arg10[%get3A_1466, %get3A_1467, %get3A_1468] {strides = array<i32>} : memref<8x8x256xf32, #tpu.memory_space<vmem>>, vector<1x1x16xf32>,
        %get3A_1470 = vector.shape_cast %get3A_1469 : vector<1x1x16xf32> to vector<16xf32>
        %mul3A_1471 = arith.mulf %get3A_1470, %get3A_1400 : vector<16xf32>
        %add3A_1472 = arith.addf %mul3A_1471, %get3A_1404 : vector<16xf32>
        %swap3A_1473 = arith.constant 4 : i32
        %swap3A_1474 = arith.index_cast %scan3A_111 : i32 to index
        %swap3A_1475 = arith.index_cast %swap3A_1473 : i32 to index
        %swap3A_1476 = arith.constant 160 : index
        %swap3A_1477 = tpu.vector_load %arg12[%swap3A_1474, %swap3A_1475, %swap3A_1476] {strides = array<i32>} : memref<8x8x256xf32, #tpu.memory_space<vmem>>, vector<1x1x16xf32>,
        %swap3A_1478 = vector.shape_cast %swap3A_1477 : vector<1x1x16xf32> to vector<16xf32>
        %swap3A_1479 = vector.shape_cast %add3A_1472 : vector<16xf32> to vector<1x1x16xf32>
        tpu.vector_store %arg12[%swap3A_1474, %swap3A_1475, %swap3A_1476], %swap3A_1479 {strides = array<i32>} : memref<8x8x256xf32, #tpu.memory_space<vmem>>, vector<1x1x16xf32>,
        %get3A_1480 = arith.constant 5 : i32
        %get3A_1481 = arith.index_cast %scan3A_111 : i32 to index
        %get3A_1482 = arith.index_cast %get3A_1480 : i32 to index
        %get3A_1483 = arith.constant 160 : index
        %get3A_1484 = tpu.vector_load %arg10[%get3A_1481, %get3A_1482, %get3A_1483] {strides = array<i32>} : memref<8x8x256xf32, #tpu.memory_space<vmem>>, vector<1x1x16xf32>,
        %get3A_1485 = vector.shape_cast %get3A_1484 : vector<1x1x16xf32> to vector<16xf32>
        %mul3A_1486 = arith.mulf %get3A_1485, %get3A_1400 : vector<16xf32>
        %add3A_1487 = arith.addf %mul3A_1486, %get3A_1404 : vector<16xf32>
        %swap3A_1488 = arith.constant 5 : i32
        %swap3A_1489 = arith.index_cast %scan3A_111 : i32 to index
        %swap3A_1490 = arith.index_cast %swap3A_1488 : i32 to index
        %swap3A_1491 = arith.constant 160 : index
        %swap3A_1492 = tpu.vector_load %arg12[%swap3A_1489, %swap3A_1490, %swap3A_1491] {strides = array<i32>} : memref<8x8x256xf32, #tpu.memory_space<vmem>>, vector<1x1x16xf32>,
        %swap3A_1493 = vector.shape_cast %swap3A_1492 : vector<1x1x16xf32> to vector<16xf32>
        %swap3A_1494 = vector.shape_cast %add3A_1487 : vector<16xf32> to vector<1x1x16xf32>
        tpu.vector_store %arg12[%swap3A_1489, %swap3A_1490, %swap3A_1491], %swap3A_1494 {strides = array<i32>} : memref<8x8x256xf32, #tpu.memory_space<vmem>>, vector<1x1x16xf32>,
        %get3A_1495 = arith.constant 6 : i32
        %get3A_1496 = arith.index_cast %scan3A_111 : i32 to index
        %get3A_1497 = arith.index_cast %get3A_1495 : i32 to index
        %get3A_1498 = arith.constant 160 : index
        %get3A_1499 = tpu.vector_load %arg10[%get3A_1496, %get3A_1497, %get3A_1498] {strides = array<i32>} : memref<8x8x256xf32, #tpu.memory_space<vmem>>, vector<1x1x16xf32>,
        %get3A_1500 = vector.shape_cast %get3A_1499 : vector<1x1x16xf32> to vector<16xf32>
        %mul3A_1501 = arith.mulf %get3A_1500, %get3A_1400 : vector<16xf32>
        %add3A_1502 = arith.addf %mul3A_1501, %get3A_1404 : vector<16xf32>
        %swap3A_1503 = arith.constant 6 : i32
        %swap3A_1504 = arith.index_cast %scan3A_111 : i32 to index
        %swap3A_1505 = arith.index_cast %swap3A_1503 : i32 to index
        %swap3A_1506 = arith.constant 160 : index
        %swap3A_1507 = tpu.vector_load %arg12[%swap3A_1504, %swap3A_1505, %swap3A_1506] {strides = array<i32>} : memref<8x8x256xf32, #tpu.memory_space<vmem>>, vector<1x1x16xf32>,
        %swap3A_1508 = vector.shape_cast %swap3A_1507 : vector<1x1x16xf32> to vector<16xf32>
        %swap3A_1509 = vector.shape_cast %add3A_1502 : vector<16xf32> to vector<1x1x16xf32>
        tpu.vector_store %arg12[%swap3A_1504, %swap3A_1505, %swap3A_1506], %swap3A_1509 {strides = array<i32>} : memref<8x8x256xf32, #tpu.memory_space<vmem>>, vector<1x1x16xf32>,
        %get3A_1510 = arith.constant 7 : i32
        %get3A_1511 = arith.index_cast %scan3A_111 : i32 to index
        %get3A_1512 = arith.index_cast %get3A_1510 : i32 to index
        %get3A_1513 = arith.constant 160 : index
        %get3A_1514 = tpu.vector_load %arg10[%get3A_1511, %get3A_1512, %get3A_1513] {strides = array<i32>} : memref<8x8x256xf32, #tpu.memory_space<vmem>>, vector<1x1x16xf32>,
        %get3A_1515 = vector.shape_cast %get3A_1514 : vector<1x1x16xf32> to vector<16xf32>
        %mul3A_1516 = arith.mulf %get3A_1515, %get3A_1400 : vector<16xf32>
        %add3A_1517 = arith.addf %mul3A_1516, %get3A_1404 : vector<16xf32>
        %swap3A_1518 = arith.constant 7 : i32
        %swap3A_1519 = arith.index_cast %scan3A_111 : i32 to index
        %swap3A_1520 = arith.index_cast %swap3A_1518 : i32 to index
        %swap3A_1521 = arith.constant 160 : index
        %swap3A_1522 = tpu.vector_load %arg12[%swap3A_1519, %swap3A_1520, %swap3A_1521] {strides = array<i32>} : memref<8x8x256xf32, #tpu.memory_space<vmem>>, vector<1x1x16xf32>,
        %swap3A_1523 = vector.shape_cast %swap3A_1522 : vector<1x1x16xf32> to vector<16xf32>
        %swap3A_1524 = vector.shape_cast %add3A_1517 : vector<16xf32> to vector<1x1x16xf32>
        tpu.vector_store %arg12[%swap3A_1519, %swap3A_1520, %swap3A_1521], %swap3A_1524 {strides = array<i32>} : memref<8x8x256xf32, #tpu.memory_space<vmem>>, vector<1x1x16xf32>,
        %get3A_1525 = arith.index_cast %squeeze3A : i32 to index
        %get3A_1526 = arith.constant 176 : index
        %get3A_1527 = tpu.vector_load %arg7[%get3A_1525, %get3A_1526] {strides = array<i32>} : memref<4x256xf32, #tpu.memory_space<vmem>>, vector<1x16xf32>,
        %get3A_1528 = vector.shape_cast %get3A_1527 : vector<1x16xf32> to vector<16xf32>
        %get3A_1529 = arith.index_cast %squeeze3A : i32 to index
        %get3A_1530 = arith.constant 176 : index
        %get3A_1531 = tpu.vector_load %arg8[%get3A_1529, %get3A_1530] {strides = array<i32>} : memref<4x256xf32, #tpu.memory_space<vmem>>, vector<1x16xf32>,
        %get3A_1532 = vector.shape_cast %get3A_1531 : vector<1x16xf32> to vector<16xf32>
        %get3A_1533 = arith.constant 0 : i32
        %get3A_1534 = arith.index_cast %scan3A_111 : i32 to index
        %get3A_1535 = arith.index_cast %get3A_1533 : i32 to index
        %get3A_1536 = arith.constant 176 : index
        %get3A_1537 = tpu.vector_load %arg10[%get3A_1534, %get3A_1535, %get3A_1536] {strides = array<i32>} : memref<8x8x256xf32, #tpu.memory_space<vmem>>, vector<1x1x16xf32>,
        %get3A_1538 = vector.shape_cast %get3A_1537 : vector<1x1x16xf32> to vector<16xf32>
        %mul3A_1539 = arith.mulf %get3A_1538, %get3A_1528 : vector<16xf32>
        %add3A_1540 = arith.addf %mul3A_1539, %get3A_1532 : vector<16xf32>
        %swap3A_1541 = arith.constant 0 : i32
        %swap3A_1542 = arith.index_cast %scan3A_111 : i32 to index
        %swap3A_1543 = arith.index_cast %swap3A_1541 : i32 to index
        %swap3A_1544 = arith.constant 176 : index
        %swap3A_1545 = tpu.vector_load %arg12[%swap3A_1542, %swap3A_1543, %swap3A_1544] {strides = array<i32>} : memref<8x8x256xf32, #tpu.memory_space<vmem>>, vector<1x1x16xf32>,
        %swap3A_1546 = vector.shape_cast %swap3A_1545 : vector<1x1x16xf32> to vector<16xf32>
        %swap3A_1547 = vector.shape_cast %add3A_1540 : vector<16xf32> to vector<1x1x16xf32>
        tpu.vector_store %arg12[%swap3A_1542, %swap3A_1543, %swap3A_1544], %swap3A_1547 {strides = array<i32>} : memref<8x8x256xf32, #tpu.memory_space<vmem>>, vector<1x1x16xf32>,
        %get3A_1548 = arith.constant 1 : i32
        %get3A_1549 = arith.index_cast %scan3A_111 : i32 to index
        %get3A_1550 = arith.index_cast %get3A_1548 : i32 to index
        %get3A_1551 = arith.constant 176 : index
        %get3A_1552 = tpu.vector_load %arg10[%get3A_1549, %get3A_1550, %get3A_1551] {strides = array<i32>} : memref<8x8x256xf32, #tpu.memory_space<vmem>>, vector<1x1x16xf32>,
        %get3A_1553 = vector.shape_cast %get3A_1552 : vector<1x1x16xf32> to vector<16xf32>
        %mul3A_1554 = arith.mulf %get3A_1553, %get3A_1528 : vector<16xf32>
        %add3A_1555 = arith.addf %mul3A_1554, %get3A_1532 : vector<16xf32>
        %swap3A_1556 = arith.constant 1 : i32
        %swap3A_1557 = arith.index_cast %scan3A_111 : i32 to index
        %swap3A_1558 = arith.index_cast %swap3A_1556 : i32 to index
        %swap3A_1559 = arith.constant 176 : index
        %swap3A_1560 = tpu.vector_load %arg12[%swap3A_1557, %swap3A_1558, %swap3A_1559] {strides = array<i32>} : memref<8x8x256xf32, #tpu.memory_space<vmem>>, vector<1x1x16xf32>,
        %swap3A_1561 = vector.shape_cast %swap3A_1560 : vector<1x1x16xf32> to vector<16xf32>
        %swap3A_1562 = vector.shape_cast %add3A_1555 : vector<16xf32> to vector<1x1x16xf32>
        tpu.vector_store %arg12[%swap3A_1557, %swap3A_1558, %swap3A_1559], %swap3A_1562 {strides = array<i32>} : memref<8x8x256xf32, #tpu.memory_space<vmem>>, vector<1x1x16xf32>,
        %get3A_1563 = arith.constant 2 : i32
        %get3A_1564 = arith.index_cast %scan3A_111 : i32 to index
        %get3A_1565 = arith.index_cast %get3A_1563 : i32 to index
        %get3A_1566 = arith.constant 176 : index
        %get3A_1567 = tpu.vector_load %arg10[%get3A_1564, %get3A_1565, %get3A_1566] {strides = array<i32>} : memref<8x8x256xf32, #tpu.memory_space<vmem>>, vector<1x1x16xf32>,
        %get3A_1568 = vector.shape_cast %get3A_1567 : vector<1x1x16xf32> to vector<16xf32>
        %mul3A_1569 = arith.mulf %get3A_1568, %get3A_1528 : vector<16xf32>
        %add3A_1570 = arith.addf %mul3A_1569, %get3A_1532 : vector<16xf32>
        %swap3A_1571 = arith.constant 2 : i32
        %swap3A_1572 = arith.index_cast %scan3A_111 : i32 to index
        %swap3A_1573 = arith.index_cast %swap3A_1571 : i32 to index
        %swap3A_1574 = arith.constant 176 : index
        %swap3A_1575 = tpu.vector_load %arg12[%swap3A_1572, %swap3A_1573, %swap3A_1574] {strides = array<i32>} : memref<8x8x256xf32, #tpu.memory_space<vmem>>, vector<1x1x16xf32>,
        %swap3A_1576 = vector.shape_cast %swap3A_1575 : vector<1x1x16xf32> to vector<16xf32>
        %swap3A_1577 = vector.shape_cast %add3A_1570 : vector<16xf32> to vector<1x1x16xf32>
        tpu.vector_store %arg12[%swap3A_1572, %swap3A_1573, %swap3A_1574], %swap3A_1577 {strides = array<i32>} : memref<8x8x256xf32, #tpu.memory_space<vmem>>, vector<1x1x16xf32>,
        %get3A_1578 = arith.constant 3 : i32
        %get3A_1579 = arith.index_cast %scan3A_111 : i32 to index
        %get3A_1580 = arith.index_cast %get3A_1578 : i32 to index
        %get3A_1581 = arith.constant 176 : index
        %get3A_1582 = tpu.vector_load %arg10[%get3A_1579, %get3A_1580, %get3A_1581] {strides = array<i32>} : memref<8x8x256xf32, #tpu.memory_space<vmem>>, vector<1x1x16xf32>,
        %get3A_1583 = vector.shape_cast %get3A_1582 : vector<1x1x16xf32> to vector<16xf32>
        %mul3A_1584 = arith.mulf %get3A_1583, %get3A_1528 : vector<16xf32>
        %add3A_1585 = arith.addf %mul3A_1584, %get3A_1532 : vector<16xf32>
        %swap3A_1586 = arith.constant 3 : i32
        %swap3A_1587 = arith.index_cast %scan3A_111 : i32 to index
        %swap3A_1588 = arith.index_cast %swap3A_1586 : i32 to index
        %swap3A_1589 = arith.constant 176 : index
        %swap3A_1590 = tpu.vector_load %arg12[%swap3A_1587, %swap3A_1588, %swap3A_1589] {strides = array<i32>} : memref<8x8x256xf32, #tpu.memory_space<vmem>>, vector<1x1x16xf32>,
        %swap3A_1591 = vector.shape_cast %swap3A_1590 : vector<1x1x16xf32> to vector<16xf32>
        %swap3A_1592 = vector.shape_cast %add3A_1585 : vector<16xf32> to vector<1x1x16xf32>
        tpu.vector_store %arg12[%swap3A_1587, %swap3A_1588, %swap3A_1589], %swap3A_1592 {strides = array<i32>} : memref<8x8x256xf32, #tpu.memory_space<vmem>>, vector<1x1x16xf32>,
        %get3A_1593 = arith.constant 4 : i32
        %get3A_1594 = arith.index_cast %scan3A_111 : i32 to index
        %get3A_1595 = arith.index_cast %get3A_1593 : i32 to index
        %get3A_1596 = arith.constant 176 : index
        %get3A_1597 = tpu.vector_load %arg10[%get3A_1594, %get3A_1595, %get3A_1596] {strides = array<i32>} : memref<8x8x256xf32, #tpu.memory_space<vmem>>, vector<1x1x16xf32>,
        %get3A_1598 = vector.shape_cast %get3A_1597 : vector<1x1x16xf32> to vector<16xf32>
        %mul3A_1599 = arith.mulf %get3A_1598, %get3A_1528 : vector<16xf32>
        %add3A_1600 = arith.addf %mul3A_1599, %get3A_1532 : vector<16xf32>
        %swap3A_1601 = arith.constant 4 : i32
        %swap3A_1602 = arith.index_cast %scan3A_111 : i32 to index
        %swap3A_1603 = arith.index_cast %swap3A_1601 : i32 to index
        %swap3A_1604 = arith.constant 176 : index
        %swap3A_1605 = tpu.vector_load %arg12[%swap3A_1602, %swap3A_1603, %swap3A_1604] {strides = array<i32>} : memref<8x8x256xf32, #tpu.memory_space<vmem>>, vector<1x1x16xf32>,
        %swap3A_1606 = vector.shape_cast %swap3A_1605 : vector<1x1x16xf32> to vector<16xf32>
        %swap3A_1607 = vector.shape_cast %add3A_1600 : vector<16xf32> to vector<1x1x16xf32>
        tpu.vector_store %arg12[%swap3A_1602, %swap3A_1603, %swap3A_1604], %swap3A_1607 {strides = array<i32>} : memref<8x8x256xf32, #tpu.memory_space<vmem>>, vector<1x1x16xf32>,
        %get3A_1608 = arith.constant 5 : i32
        %get3A_1609 = arith.index_cast %scan3A_111 : i32 to index
        %get3A_1610 = arith.index_cast %get3A_1608 : i32 to index
        %get3A_1611 = arith.constant 176 : index
        %get3A_1612 = tpu.vector_load %arg10[%get3A_1609, %get3A_1610, %get3A_1611] {strides = array<i32>} : memref<8x8x256xf32, #tpu.memory_space<vmem>>, vector<1x1x16xf32>,
        %get3A_1613 = vector.shape_cast %get3A_1612 : vector<1x1x16xf32> to vector<16xf32>
        %mul3A_1614 = arith.mulf %get3A_1613, %get3A_1528 : vector<16xf32>
        %add3A_1615 = arith.addf %mul3A_1614, %get3A_1532 : vector<16xf32>
        %swap3A_1616 = arith.constant 5 : i32
        %swap3A_1617 = arith.index_cast %scan3A_111 : i32 to index
        %swap3A_1618 = arith.index_cast %swap3A_1616 : i32 to index
        %swap3A_1619 = arith.constant 176 : index
        %swap3A_1620 = tpu.vector_load %arg12[%swap3A_1617, %swap3A_1618, %swap3A_1619] {strides = array<i32>} : memref<8x8x256xf32, #tpu.memory_space<vmem>>, vector<1x1x16xf32>,
        %swap3A_1621 = vector.shape_cast %swap3A_1620 : vector<1x1x16xf32> to vector<16xf32>
        %swap3A_1622 = vector.shape_cast %add3A_1615 : vector<16xf32> to vector<1x1x16xf32>
        tpu.vector_store %arg12[%swap3A_1617, %swap3A_1618, %swap3A_1619], %swap3A_1622 {strides = array<i32>} : memref<8x8x256xf32, #tpu.memory_space<vmem>>, vector<1x1x16xf32>,
        %get3A_1623 = arith.constant 6 : i32
        %get3A_1624 = arith.index_cast %scan3A_111 : i32 to index
        %get3A_1625 = arith.index_cast %get3A_1623 : i32 to index
        %get3A_1626 = arith.constant 176 : index
        %get3A_1627 = tpu.vector_load %arg10[%get3A_1624, %get3A_1625, %get3A_1626] {strides = array<i32>} : memref<8x8x256xf32, #tpu.memory_space<vmem>>, vector<1x1x16xf32>,
        %get3A_1628 = vector.shape_cast %get3A_1627 : vector<1x1x16xf32> to vector<16xf32>
        %mul3A_1629 = arith.mulf %get3A_1628, %get3A_1528 : vector<16xf32>
        %add3A_1630 = arith.addf %mul3A_1629, %get3A_1532 : vector<16xf32>
        %swap3A_1631 = arith.constant 6 : i32
        %swap3A_1632 = arith.index_cast %scan3A_111 : i32 to index
        %swap3A_1633 = arith.index_cast %swap3A_1631 : i32 to index
        %swap3A_1634 = arith.constant 176 : index
        %swap3A_1635 = tpu.vector_load %arg12[%swap3A_1632, %swap3A_1633, %swap3A_1634] {strides = array<i32>} : memref<8x8x256xf32, #tpu.memory_space<vmem>>, vector<1x1x16xf32>,
        %swap3A_1636 = vector.shape_cast %swap3A_1635 : vector<1x1x16xf32> to vector<16xf32>
        %swap3A_1637 = vector.shape_cast %add3A_1630 : vector<16xf32> to vector<1x1x16xf32>
        tpu.vector_store %arg12[%swap3A_1632, %swap3A_1633, %swap3A_1634], %swap3A_1637 {strides = array<i32>} : memref<8x8x256xf32, #tpu.memory_space<vmem>>, vector<1x1x16xf32>,
        %get3A_1638 = arith.constant 7 : i32
        %get3A_1639 = arith.index_cast %scan3A_111 : i32 to index
        %get3A_1640 = arith.index_cast %get3A_1638 : i32 to index
        %get3A_1641 = arith.constant 176 : index
        %get3A_1642 = tpu.vector_load %arg10[%get3A_1639, %get3A_1640, %get3A_1641] {strides = array<i32>} : memref<8x8x256xf32, #tpu.memory_space<vmem>>, vector<1x1x16xf32>,
        %get3A_1643 = vector.shape_cast %get3A_1642 : vector<1x1x16xf32> to vector<16xf32>
        %mul3A_1644 = arith.mulf %get3A_1643, %get3A_1528 : vector<16xf32>
        %add3A_1645 = arith.addf %mul3A_1644, %get3A_1532 : vector<16xf32>
        %swap3A_1646 = arith.constant 7 : i32
        %swap3A_1647 = arith.index_cast %scan3A_111 : i32 to index
        %swap3A_1648 = arith.index_cast %swap3A_1646 : i32 to index
        %swap3A_1649 = arith.constant 176 : index
        %swap3A_1650 = tpu.vector_load %arg12[%swap3A_1647, %swap3A_1648, %swap3A_1649] {strides = array<i32>} : memref<8x8x256xf32, #tpu.memory_space<vmem>>, vector<1x1x16xf32>,
        %swap3A_1651 = vector.shape_cast %swap3A_1650 : vector<1x1x16xf32> to vector<16xf32>
        %swap3A_1652 = vector.shape_cast %add3A_1645 : vector<16xf32> to vector<1x1x16xf32>
        tpu.vector_store %arg12[%swap3A_1647, %swap3A_1648, %swap3A_1649], %swap3A_1652 {strides = array<i32>} : memref<8x8x256xf32, #tpu.memory_space<vmem>>, vector<1x1x16xf32>,
        %get3A_1653 = arith.index_cast %squeeze3A : i32 to index
        %get3A_1654 = arith.constant 192 : index
        %get3A_1655 = tpu.vector_load %arg7[%get3A_1653, %get3A_1654] {strides = array<i32>} : memref<4x256xf32, #tpu.memory_space<vmem>>, vector<1x16xf32>,
        %get3A_1656 = vector.shape_cast %get3A_1655 : vector<1x16xf32> to vector<16xf32>
        %get3A_1657 = arith.index_cast %squeeze3A : i32 to index
        %get3A_1658 = arith.constant 192 : index
        %get3A_1659 = tpu.vector_load %arg8[%get3A_1657, %get3A_1658] {strides = array<i32>} : memref<4x256xf32, #tpu.memory_space<vmem>>, vector<1x16xf32>,
        %get3A_1660 = vector.shape_cast %get3A_1659 : vector<1x16xf32> to vector<16xf32>
        %get3A_1661 = arith.constant 0 : i32
        %get3A_1662 = arith.index_cast %scan3A_111 : i32 to index
        %get3A_1663 = arith.index_cast %get3A_1661 : i32 to index
        %get3A_1664 = arith.constant 192 : index
        %get3A_1665 = tpu.vector_load %arg10[%get3A_1662, %get3A_1663, %get3A_1664] {strides = array<i32>} : memref<8x8x256xf32, #tpu.memory_space<vmem>>, vector<1x1x16xf32>,
        %get3A_1666 = vector.shape_cast %get3A_1665 : vector<1x1x16xf32> to vector<16xf32>
        %mul3A_1667 = arith.mulf %get3A_1666, %get3A_1656 : vector<16xf32>
        %add3A_1668 = arith.addf %mul3A_1667, %get3A_1660 : vector<16xf32>
        %swap3A_1669 = arith.constant 0 : i32
        %swap3A_1670 = arith.index_cast %scan3A_111 : i32 to index
        %swap3A_1671 = arith.index_cast %swap3A_1669 : i32 to index
        %swap3A_1672 = arith.constant 192 : index
        %swap3A_1673 = tpu.vector_load %arg12[%swap3A_1670, %swap3A_1671, %swap3A_1672] {strides = array<i32>} : memref<8x8x256xf32, #tpu.memory_space<vmem>>, vector<1x1x16xf32>,
        %swap3A_1674 = vector.shape_cast %swap3A_1673 : vector<1x1x16xf32> to vector<16xf32>
        %swap3A_1675 = vector.shape_cast %add3A_1668 : vector<16xf32> to vector<1x1x16xf32>
        tpu.vector_store %arg12[%swap3A_1670, %swap3A_1671, %swap3A_1672], %swap3A_1675 {strides = array<i32>} : memref<8x8x256xf32, #tpu.memory_space<vmem>>, vector<1x1x16xf32>,
        %get3A_1676 = arith.constant 1 : i32
        %get3A_1677 = arith.index_cast %scan3A_111 : i32 to index
        %get3A_1678 = arith.index_cast %get3A_1676 : i32 to index
        %get3A_1679 = arith.constant 192 : index
        %get3A_1680 = tpu.vector_load %arg10[%get3A_1677, %get3A_1678, %get3A_1679] {strides = array<i32>} : memref<8x8x256xf32, #tpu.memory_space<vmem>>, vector<1x1x16xf32>,
        %get3A_1681 = vector.shape_cast %get3A_1680 : vector<1x1x16xf32> to vector<16xf32>
        %mul3A_1682 = arith.mulf %get3A_1681, %get3A_1656 : vector<16xf32>
        %add3A_1683 = arith.addf %mul3A_1682, %get3A_1660 : vector<16xf32>
        %swap3A_1684 = arith.constant 1 : i32
        %swap3A_1685 = arith.index_cast %scan3A_111 : i32 to index
        %swap3A_1686 = arith.index_cast %swap3A_1684 : i32 to index
        %swap3A_1687 = arith.constant 192 : index
        %swap3A_1688 = tpu.vector_load %arg12[%swap3A_1685, %swap3A_1686, %swap3A_1687] {strides = array<i32>} : memref<8x8x256xf32, #tpu.memory_space<vmem>>, vector<1x1x16xf32>,
        %swap3A_1689 = vector.shape_cast %swap3A_1688 : vector<1x1x16xf32> to vector<16xf32>
        %swap3A_1690 = vector.shape_cast %add3A_1683 : vector<16xf32> to vector<1x1x16xf32>
        tpu.vector_store %arg12[%swap3A_1685, %swap3A_1686, %swap3A_1687], %swap3A_1690 {strides = array<i32>} : memref<8x8x256xf32, #tpu.memory_space<vmem>>, vector<1x1x16xf32>,
        %get3A_1691 = arith.constant 2 : i32
        %get3A_1692 = arith.index_cast %scan3A_111 : i32 to index
        %get3A_1693 = arith.index_cast %get3A_1691 : i32 to index
        %get3A_1694 = arith.constant 192 : index
        %get3A_1695 = tpu.vector_load %arg10[%get3A_1692, %get3A_1693, %get3A_1694] {strides = array<i32>} : memref<8x8x256xf32, #tpu.memory_space<vmem>>, vector<1x1x16xf32>,
        %get3A_1696 = vector.shape_cast %get3A_1695 : vector<1x1x16xf32> to vector<16xf32>
        %mul3A_1697 = arith.mulf %get3A_1696, %get3A_1656 : vector<16xf32>
        %add3A_1698 = arith.addf %mul3A_1697, %get3A_1660 : vector<16xf32>
        %swap3A_1699 = arith.constant 2 : i32
        %swap3A_1700 = arith.index_cast %scan3A_111 : i32 to index
        %swap3A_1701 = arith.index_cast %swap3A_1699 : i32 to index
        %swap3A_1702 = arith.constant 192 : index
        %swap3A_1703 = tpu.vector_load %arg12[%swap3A_1700, %swap3A_1701, %swap3A_1702] {strides = array<i32>} : memref<8x8x256xf32, #tpu.memory_space<vmem>>, vector<1x1x16xf32>,
        %swap3A_1704 = vector.shape_cast %swap3A_1703 : vector<1x1x16xf32> to vector<16xf32>
        %swap3A_1705 = vector.shape_cast %add3A_1698 : vector<16xf32> to vector<1x1x16xf32>
        tpu.vector_store %arg12[%swap3A_1700, %swap3A_1701, %swap3A_1702], %swap3A_1705 {strides = array<i32>} : memref<8x8x256xf32, #tpu.memory_space<vmem>>, vector<1x1x16xf32>,
        %get3A_1706 = arith.constant 3 : i32
        %get3A_1707 = arith.index_cast %scan3A_111 : i32 to index
        %get3A_1708 = arith.index_cast %get3A_1706 : i32 to index
        %get3A_1709 = arith.constant 192 : index
        %get3A_1710 = tpu.vector_load %arg10[%get3A_1707, %get3A_1708, %get3A_1709] {strides = array<i32>} : memref<8x8x256xf32, #tpu.memory_space<vmem>>, vector<1x1x16xf32>,
        %get3A_1711 = vector.shape_cast %get3A_1710 : vector<1x1x16xf32> to vector<16xf32>
        %mul3A_1712 = arith.mulf %get3A_1711, %get3A_1656 : vector<16xf32>
        %add3A_1713 = arith.addf %mul3A_1712, %get3A_1660 : vector<16xf32>
        %swap3A_1714 = arith.constant 3 : i32
        %swap3A_1715 = arith.index_cast %scan3A_111 : i32 to index
        %swap3A_1716 = arith.index_cast %swap3A_1714 : i32 to index
        %swap3A_1717 = arith.constant 192 : index
        %swap3A_1718 = tpu.vector_load %arg12[%swap3A_1715, %swap3A_1716, %swap3A_1717] {strides = array<i32>} : memref<8x8x256xf32, #tpu.memory_space<vmem>>, vector<1x1x16xf32>,
        %swap3A_1719 = vector.shape_cast %swap3A_1718 : vector<1x1x16xf32> to vector<16xf32>
        %swap3A_1720 = vector.shape_cast %add3A_1713 : vector<16xf32> to vector<1x1x16xf32>
        tpu.vector_store %arg12[%swap3A_1715, %swap3A_1716, %swap3A_1717], %swap3A_1720 {strides = array<i32>} : memref<8x8x256xf32, #tpu.memory_space<vmem>>, vector<1x1x16xf32>,
        %get3A_1721 = arith.constant 4 : i32
        %get3A_1722 = arith.index_cast %scan3A_111 : i32 to index
        %get3A_1723 = arith.index_cast %get3A_1721 : i32 to index
        %get3A_1724 = arith.constant 192 : index
        %get3A_1725 = tpu.vector_load %arg10[%get3A_1722, %get3A_1723, %get3A_1724] {strides = array<i32>} : memref<8x8x256xf32, #tpu.memory_space<vmem>>, vector<1x1x16xf32>,
        %get3A_1726 = vector.shape_cast %get3A_1725 : vector<1x1x16xf32> to vector<16xf32>
        %mul3A_1727 = arith.mulf %get3A_1726, %get3A_1656 : vector<16xf32>
        %add3A_1728 = arith.addf %mul3A_1727, %get3A_1660 : vector<16xf32>
        %swap3A_1729 = arith.constant 4 : i32
        %swap3A_1730 = arith.index_cast %scan3A_111 : i32 to index
        %swap3A_1731 = arith.index_cast %swap3A_1729 : i32 to index
        %swap3A_1732 = arith.constant 192 : index
        %swap3A_1733 = tpu.vector_load %arg12[%swap3A_1730, %swap3A_1731, %swap3A_1732] {strides = array<i32>} : memref<8x8x256xf32, #tpu.memory_space<vmem>>, vector<1x1x16xf32>,
        %swap3A_1734 = vector.shape_cast %swap3A_1733 : vector<1x1x16xf32> to vector<16xf32>
        %swap3A_1735 = vector.shape_cast %add3A_1728 : vector<16xf32> to vector<1x1x16xf32>
        tpu.vector_store %arg12[%swap3A_1730, %swap3A_1731, %swap3A_1732], %swap3A_1735 {strides = array<i32>} : memref<8x8x256xf32, #tpu.memory_space<vmem>>, vector<1x1x16xf32>,
        %get3A_1736 = arith.constant 5 : i32
        %get3A_1737 = arith.index_cast %scan3A_111 : i32 to index
        %get3A_1738 = arith.index_cast %get3A_1736 : i32 to index
        %get3A_1739 = arith.constant 192 : index
        %get3A_1740 = tpu.vector_load %arg10[%get3A_1737, %get3A_1738, %get3A_1739] {strides = array<i32>} : memref<8x8x256xf32, #tpu.memory_space<vmem>>, vector<1x1x16xf32>,
        %get3A_1741 = vector.shape_cast %get3A_1740 : vector<1x1x16xf32> to vector<16xf32>
        %mul3A_1742 = arith.mulf %get3A_1741, %get3A_1656 : vector<16xf32>
        %add3A_1743 = arith.addf %mul3A_1742, %get3A_1660 : vector<16xf32>
        %swap3A_1744 = arith.constant 5 : i32
        %swap3A_1745 = arith.index_cast %scan3A_111 : i32 to index
        %swap3A_1746 = arith.index_cast %swap3A_1744 : i32 to index
        %swap3A_1747 = arith.constant 192 : index
        %swap3A_1748 = tpu.vector_load %arg12[%swap3A_1745, %swap3A_1746, %swap3A_1747] {strides = array<i32>} : memref<8x8x256xf32, #tpu.memory_space<vmem>>, vector<1x1x16xf32>,
        %swap3A_1749 = vector.shape_cast %swap3A_1748 : vector<1x1x16xf32> to vector<16xf32>
        %swap3A_1750 = vector.shape_cast %add3A_1743 : vector<16xf32> to vector<1x1x16xf32>
        tpu.vector_store %arg12[%swap3A_1745, %swap3A_1746, %swap3A_1747], %swap3A_1750 {strides = array<i32>} : memref<8x8x256xf32, #tpu.memory_space<vmem>>, vector<1x1x16xf32>,
        %get3A_1751 = arith.constant 6 : i32
        %get3A_1752 = arith.index_cast %scan3A_111 : i32 to index
        %get3A_1753 = arith.index_cast %get3A_1751 : i32 to index
        %get3A_1754 = arith.constant 192 : index
        %get3A_1755 = tpu.vector_load %arg10[%get3A_1752, %get3A_1753, %get3A_1754] {strides = array<i32>} : memref<8x8x256xf32, #tpu.memory_space<vmem>>, vector<1x1x16xf32>,
        %get3A_1756 = vector.shape_cast %get3A_1755 : vector<1x1x16xf32> to vector<16xf32>
        %mul3A_1757 = arith.mulf %get3A_1756, %get3A_1656 : vector<16xf32>
        %add3A_1758 = arith.addf %mul3A_1757, %get3A_1660 : vector<16xf32>
        %swap3A_1759 = arith.constant 6 : i32
        %swap3A_1760 = arith.index_cast %scan3A_111 : i32 to index
        %swap3A_1761 = arith.index_cast %swap3A_1759 : i32 to index
        %swap3A_1762 = arith.constant 192 : index
        %swap3A_1763 = tpu.vector_load %arg12[%swap3A_1760, %swap3A_1761, %swap3A_1762] {strides = array<i32>} : memref<8x8x256xf32, #tpu.memory_space<vmem>>, vector<1x1x16xf32>,
        %swap3A_1764 = vector.shape_cast %swap3A_1763 : vector<1x1x16xf32> to vector<16xf32>
        %swap3A_1765 = vector.shape_cast %add3A_1758 : vector<16xf32> to vector<1x1x16xf32>
        tpu.vector_store %arg12[%swap3A_1760, %swap3A_1761, %swap3A_1762], %swap3A_1765 {strides = array<i32>} : memref<8x8x256xf32, #tpu.memory_space<vmem>>, vector<1x1x16xf32>,
        %get3A_1766 = arith.constant 7 : i32
        %get3A_1767 = arith.index_cast %scan3A_111 : i32 to index
        %get3A_1768 = arith.index_cast %get3A_1766 : i32 to index
        %get3A_1769 = arith.constant 192 : index
        %get3A_1770 = tpu.vector_load %arg10[%get3A_1767, %get3A_1768, %get3A_1769] {strides = array<i32>} : memref<8x8x256xf32, #tpu.memory_space<vmem>>, vector<1x1x16xf32>,
        %get3A_1771 = vector.shape_cast %get3A_1770 : vector<1x1x16xf32> to vector<16xf32>
        %mul3A_1772 = arith.mulf %get3A_1771, %get3A_1656 : vector<16xf32>
        %add3A_1773 = arith.addf %mul3A_1772, %get3A_1660 : vector<16xf32>
        %swap3A_1774 = arith.constant 7 : i32
        %swap3A_1775 = arith.index_cast %scan3A_111 : i32 to index
        %swap3A_1776 = arith.index_cast %swap3A_1774 : i32 to index
        %swap3A_1777 = arith.constant 192 : index
        %swap3A_1778 = tpu.vector_load %arg12[%swap3A_1775, %swap3A_1776, %swap3A_1777] {strides = array<i32>} : memref<8x8x256xf32, #tpu.memory_space<vmem>>, vector<1x1x16xf32>,
        %swap3A_1779 = vector.shape_cast %swap3A_1778 : vector<1x1x16xf32> to vector<16xf32>
        %swap3A_1780 = vector.shape_cast %add3A_1773 : vector<16xf32> to vector<1x1x16xf32>
        tpu.vector_store %arg12[%swap3A_1775, %swap3A_1776, %swap3A_1777], %swap3A_1780 {strides = array<i32>} : memref<8x8x256xf32, #tpu.memory_space<vmem>>, vector<1x1x16xf32>,
        %get3A_1781 = arith.index_cast %squeeze3A : i32 to index
        %get3A_1782 = arith.constant 208 : index
        %get3A_1783 = tpu.vector_load %arg7[%get3A_1781, %get3A_1782] {strides = array<i32>} : memref<4x256xf32, #tpu.memory_space<vmem>>, vector<1x16xf32>,
        %get3A_1784 = vector.shape_cast %get3A_1783 : vector<1x16xf32> to vector<16xf32>
        %get3A_1785 = arith.index_cast %squeeze3A : i32 to index
        %get3A_1786 = arith.constant 208 : index
        %get3A_1787 = tpu.vector_load %arg8[%get3A_1785, %get3A_1786] {strides = array<i32>} : memref<4x256xf32, #tpu.memory_space<vmem>>, vector<1x16xf32>,
        %get3A_1788 = vector.shape_cast %get3A_1787 : vector<1x16xf32> to vector<16xf32>
        %get3A_1789 = arith.constant 0 : i32
        %get3A_1790 = arith.index_cast %scan3A_111 : i32 to index
        %get3A_1791 = arith.index_cast %get3A_1789 : i32 to index
        %get3A_1792 = arith.constant 208 : index
        %get3A_1793 = tpu.vector_load %arg10[%get3A_1790, %get3A_1791, %get3A_1792] {strides = array<i32>} : memref<8x8x256xf32, #tpu.memory_space<vmem>>, vector<1x1x16xf32>,
        %get3A_1794 = vector.shape_cast %get3A_1793 : vector<1x1x16xf32> to vector<16xf32>
        %mul3A_1795 = arith.mulf %get3A_1794, %get3A_1784 : vector<16xf32>
        %add3A_1796 = arith.addf %mul3A_1795, %get3A_1788 : vector<16xf32>
        %swap3A_1797 = arith.constant 0 : i32
        %swap3A_1798 = arith.index_cast %scan3A_111 : i32 to index
        %swap3A_1799 = arith.index_cast %swap3A_1797 : i32 to index
        %swap3A_1800 = arith.constant 208 : index
        %swap3A_1801 = tpu.vector_load %arg12[%swap3A_1798, %swap3A_1799, %swap3A_1800] {strides = array<i32>} : memref<8x8x256xf32, #tpu.memory_space<vmem>>, vector<1x1x16xf32>,
        %swap3A_1802 = vector.shape_cast %swap3A_1801 : vector<1x1x16xf32> to vector<16xf32>
        %swap3A_1803 = vector.shape_cast %add3A_1796 : vector<16xf32> to vector<1x1x16xf32>
        tpu.vector_store %arg12[%swap3A_1798, %swap3A_1799, %swap3A_1800], %swap3A_1803 {strides = array<i32>} : memref<8x8x256xf32, #tpu.memory_space<vmem>>, vector<1x1x16xf32>,
        %get3A_1804 = arith.constant 1 : i32
        %get3A_1805 = arith.index_cast %scan3A_111 : i32 to index
        %get3A_1806 = arith.index_cast %get3A_1804 : i32 to index
        %get3A_1807 = arith.constant 208 : index
        %get3A_1808 = tpu.vector_load %arg10[%get3A_1805, %get3A_1806, %get3A_1807] {strides = array<i32>} : memref<8x8x256xf32, #tpu.memory_space<vmem>>, vector<1x1x16xf32>,
        %get3A_1809 = vector.shape_cast %get3A_1808 : vector<1x1x16xf32> to vector<16xf32>
        %mul3A_1810 = arith.mulf %get3A_1809, %get3A_1784 : vector<16xf32>
        %add3A_1811 = arith.addf %mul3A_1810, %get3A_1788 : vector<16xf32>
        %swap3A_1812 = arith.constant 1 : i32
        %swap3A_1813 = arith.index_cast %scan3A_111 : i32 to index
        %swap3A_1814 = arith.index_cast %swap3A_1812 : i32 to index
        %swap3A_1815 = arith.constant 208 : index
        %swap3A_1816 = tpu.vector_load %arg12[%swap3A_1813, %swap3A_1814, %swap3A_1815] {strides = array<i32>} : memref<8x8x256xf32, #tpu.memory_space<vmem>>, vector<1x1x16xf32>,
        %swap3A_1817 = vector.shape_cast %swap3A_1816 : vector<1x1x16xf32> to vector<16xf32>
        %swap3A_1818 = vector.shape_cast %add3A_1811 : vector<16xf32> to vector<1x1x16xf32>
        tpu.vector_store %arg12[%swap3A_1813, %swap3A_1814, %swap3A_1815], %swap3A_1818 {strides = array<i32>} : memref<8x8x256xf32, #tpu.memory_space<vmem>>, vector<1x1x16xf32>,
        %get3A_1819 = arith.constant 2 : i32
        %get3A_1820 = arith.index_cast %scan3A_111 : i32 to index
        %get3A_1821 = arith.index_cast %get3A_1819 : i32 to index
        %get3A_1822 = arith.constant 208 : index
        %get3A_1823 = tpu.vector_load %arg10[%get3A_1820, %get3A_1821, %get3A_1822] {strides = array<i32>} : memref<8x8x256xf32, #tpu.memory_space<vmem>>, vector<1x1x16xf32>,
        %get3A_1824 = vector.shape_cast %get3A_1823 : vector<1x1x16xf32> to vector<16xf32>
        %mul3A_1825 = arith.mulf %get3A_1824, %get3A_1784 : vector<16xf32>
        %add3A_1826 = arith.addf %mul3A_1825, %get3A_1788 : vector<16xf32>
        %swap3A_1827 = arith.constant 2 : i32
        %swap3A_1828 = arith.index_cast %scan3A_111 : i32 to index
        %swap3A_1829 = arith.index_cast %swap3A_1827 : i32 to index
        %swap3A_1830 = arith.constant 208 : index
        %swap3A_1831 = tpu.vector_load %arg12[%swap3A_1828, %swap3A_1829, %swap3A_1830] {strides = array<i32>} : memref<8x8x256xf32, #tpu.memory_space<vmem>>, vector<1x1x16xf32>,
        %swap3A_1832 = vector.shape_cast %swap3A_1831 : vector<1x1x16xf32> to vector<16xf32>
        %swap3A_1833 = vector.shape_cast %add3A_1826 : vector<16xf32> to vector<1x1x16xf32>
        tpu.vector_store %arg12[%swap3A_1828, %swap3A_1829, %swap3A_1830], %swap3A_1833 {strides = array<i32>} : memref<8x8x256xf32, #tpu.memory_space<vmem>>, vector<1x1x16xf32>,
        %get3A_1834 = arith.constant 3 : i32
        %get3A_1835 = arith.index_cast %scan3A_111 : i32 to index
        %get3A_1836 = arith.index_cast %get3A_1834 : i32 to index
        %get3A_1837 = arith.constant 208 : index
        %get3A_1838 = tpu.vector_load %arg10[%get3A_1835, %get3A_1836, %get3A_1837] {strides = array<i32>} : memref<8x8x256xf32, #tpu.memory_space<vmem>>, vector<1x1x16xf32>,
        %get3A_1839 = vector.shape_cast %get3A_1838 : vector<1x1x16xf32> to vector<16xf32>
        %mul3A_1840 = arith.mulf %get3A_1839, %get3A_1784 : vector<16xf32>
        %add3A_1841 = arith.addf %mul3A_1840, %get3A_1788 : vector<16xf32>
        %swap3A_1842 = arith.constant 3 : i32
        %swap3A_1843 = arith.index_cast %scan3A_111 : i32 to index
        %swap3A_1844 = arith.index_cast %swap3A_1842 : i32 to index
        %swap3A_1845 = arith.constant 208 : index
        %swap3A_1846 = tpu.vector_load %arg12[%swap3A_1843, %swap3A_1844, %swap3A_1845] {strides = array<i32>} : memref<8x8x256xf32, #tpu.memory_space<vmem>>, vector<1x1x16xf32>,
        %swap3A_1847 = vector.shape_cast %swap3A_1846 : vector<1x1x16xf32> to vector<16xf32>
        %swap3A_1848 = vector.shape_cast %add3A_1841 : vector<16xf32> to vector<1x1x16xf32>
        tpu.vector_store %arg12[%swap3A_1843, %swap3A_1844, %swap3A_1845], %swap3A_1848 {strides = array<i32>} : memref<8x8x256xf32, #tpu.memory_space<vmem>>, vector<1x1x16xf32>,
        %get3A_1849 = arith.constant 4 : i32
        %get3A_1850 = arith.index_cast %scan3A_111 : i32 to index
        %get3A_1851 = arith.index_cast %get3A_1849 : i32 to index
        %get3A_1852 = arith.constant 208 : index
        %get3A_1853 = tpu.vector_load %arg10[%get3A_1850, %get3A_1851, %get3A_1852] {strides = array<i32>} : memref<8x8x256xf32, #tpu.memory_space<vmem>>, vector<1x1x16xf32>,
        %get3A_1854 = vector.shape_cast %get3A_1853 : vector<1x1x16xf32> to vector<16xf32>
        %mul3A_1855 = arith.mulf %get3A_1854, %get3A_1784 : vector<16xf32>
        %add3A_1856 = arith.addf %mul3A_1855, %get3A_1788 : vector<16xf32>
        %swap3A_1857 = arith.constant 4 : i32
        %swap3A_1858 = arith.index_cast %scan3A_111 : i32 to index
        %swap3A_1859 = arith.index_cast %swap3A_1857 : i32 to index
        %swap3A_1860 = arith.constant 208 : index
        %swap3A_1861 = tpu.vector_load %arg12[%swap3A_1858, %swap3A_1859, %swap3A_1860] {strides = array<i32>} : memref<8x8x256xf32, #tpu.memory_space<vmem>>, vector<1x1x16xf32>,
        %swap3A_1862 = vector.shape_cast %swap3A_1861 : vector<1x1x16xf32> to vector<16xf32>
        %swap3A_1863 = vector.shape_cast %add3A_1856 : vector<16xf32> to vector<1x1x16xf32>
        tpu.vector_store %arg12[%swap3A_1858, %swap3A_1859, %swap3A_1860], %swap3A_1863 {strides = array<i32>} : memref<8x8x256xf32, #tpu.memory_space<vmem>>, vector<1x1x16xf32>,
        %get3A_1864 = arith.constant 5 : i32
        %get3A_1865 = arith.index_cast %scan3A_111 : i32 to index
        %get3A_1866 = arith.index_cast %get3A_1864 : i32 to index
        %get3A_1867 = arith.constant 208 : index
        %get3A_1868 = tpu.vector_load %arg10[%get3A_1865, %get3A_1866, %get3A_1867] {strides = array<i32>} : memref<8x8x256xf32, #tpu.memory_space<vmem>>, vector<1x1x16xf32>,
        %get3A_1869 = vector.shape_cast %get3A_1868 : vector<1x1x16xf32> to vector<16xf32>
        %mul3A_1870 = arith.mulf %get3A_1869, %get3A_1784 : vector<16xf32>
        %add3A_1871 = arith.addf %mul3A_1870, %get3A_1788 : vector<16xf32>
        %swap3A_1872 = arith.constant 5 : i32
        %swap3A_1873 = arith.index_cast %scan3A_111 : i32 to index
        %swap3A_1874 = arith.index_cast %swap3A_1872 : i32 to index
        %swap3A_1875 = arith.constant 208 : index
        %swap3A_1876 = tpu.vector_load %arg12[%swap3A_1873, %swap3A_1874, %swap3A_1875] {strides = array<i32>} : memref<8x8x256xf32, #tpu.memory_space<vmem>>, vector<1x1x16xf32>,
        %swap3A_1877 = vector.shape_cast %swap3A_1876 : vector<1x1x16xf32> to vector<16xf32>
        %swap3A_1878 = vector.shape_cast %add3A_1871 : vector<16xf32> to vector<1x1x16xf32>
        tpu.vector_store %arg12[%swap3A_1873, %swap3A_1874, %swap3A_1875], %swap3A_1878 {strides = array<i32>} : memref<8x8x256xf32, #tpu.memory_space<vmem>>, vector<1x1x16xf32>,
        %get3A_1879 = arith.constant 6 : i32
        %get3A_1880 = arith.index_cast %scan3A_111 : i32 to index
        %get3A_1881 = arith.index_cast %get3A_1879 : i32 to index
        %get3A_1882 = arith.constant 208 : index
        %get3A_1883 = tpu.vector_load %arg10[%get3A_1880, %get3A_1881, %get3A_1882] {strides = array<i32>} : memref<8x8x256xf32, #tpu.memory_space<vmem>>, vector<1x1x16xf32>,
        %get3A_1884 = vector.shape_cast %get3A_1883 : vector<1x1x16xf32> to vector<16xf32>
        %mul3A_1885 = arith.mulf %get3A_1884, %get3A_1784 : vector<16xf32>
        %add3A_1886 = arith.addf %mul3A_1885, %get3A_1788 : vector<16xf32>
        %swap3A_1887 = arith.constant 6 : i32
        %swap3A_1888 = arith.index_cast %scan3A_111 : i32 to index
        %swap3A_1889 = arith.index_cast %swap3A_1887 : i32 to index
        %swap3A_1890 = arith.constant 208 : index
        %swap3A_1891 = tpu.vector_load %arg12[%swap3A_1888, %swap3A_1889, %swap3A_1890] {strides = array<i32>} : memref<8x8x256xf32, #tpu.memory_space<vmem>>, vector<1x1x16xf32>,
        %swap3A_1892 = vector.shape_cast %swap3A_1891 : vector<1x1x16xf32> to vector<16xf32>
        %swap3A_1893 = vector.shape_cast %add3A_1886 : vector<16xf32> to vector<1x1x16xf32>
        tpu.vector_store %arg12[%swap3A_1888, %swap3A_1889, %swap3A_1890], %swap3A_1893 {strides = array<i32>} : memref<8x8x256xf32, #tpu.memory_space<vmem>>, vector<1x1x16xf32>,
        %get3A_1894 = arith.constant 7 : i32
        %get3A_1895 = arith.index_cast %scan3A_111 : i32 to index
        %get3A_1896 = arith.index_cast %get3A_1894 : i32 to index
        %get3A_1897 = arith.constant 208 : index
        %get3A_1898 = tpu.vector_load %arg10[%get3A_1895, %get3A_1896, %get3A_1897] {strides = array<i32>} : memref<8x8x256xf32, #tpu.memory_space<vmem>>, vector<1x1x16xf32>,
        %get3A_1899 = vector.shape_cast %get3A_1898 : vector<1x1x16xf32> to vector<16xf32>
        %mul3A_1900 = arith.mulf %get3A_1899, %get3A_1784 : vector<16xf32>
        %add3A_1901 = arith.addf %mul3A_1900, %get3A_1788 : vector<16xf32>
        %swap3A_1902 = arith.constant 7 : i32
        %swap3A_1903 = arith.index_cast %scan3A_111 : i32 to index
        %swap3A_1904 = arith.index_cast %swap3A_1902 : i32 to index
        %swap3A_1905 = arith.constant 208 : index
        %swap3A_1906 = tpu.vector_load %arg12[%swap3A_1903, %swap3A_1904, %swap3A_1905] {strides = array<i32>} : memref<8x8x256xf32, #tpu.memory_space<vmem>>, vector<1x1x16xf32>,
        %swap3A_1907 = vector.shape_cast %swap3A_1906 : vector<1x1x16xf32> to vector<16xf32>
        %swap3A_1908 = vector.shape_cast %add3A_1901 : vector<16xf32> to vector<1x1x16xf32>
        tpu.vector_store %arg12[%swap3A_1903, %swap3A_1904, %swap3A_1905], %swap3A_1908 {strides = array<i32>} : memref<8x8x256xf32, #tpu.memory_space<vmem>>, vector<1x1x16xf32>,
        %get3A_1909 = arith.index_cast %squeeze3A : i32 to index
        %get3A_1910 = arith.constant 224 : index
        %get3A_1911 = tpu.vector_load %arg7[%get3A_1909, %get3A_1910] {strides = array<i32>} : memref<4x256xf32, #tpu.memory_space<vmem>>, vector<1x16xf32>,
        %get3A_1912 = vector.shape_cast %get3A_1911 : vector<1x16xf32> to vector<16xf32>
        %get3A_1913 = arith.index_cast %squeeze3A : i32 to index
        %get3A_1914 = arith.constant 224 : index
        %get3A_1915 = tpu.vector_load %arg8[%get3A_1913, %get3A_1914] {strides = array<i32>} : memref<4x256xf32, #tpu.memory_space<vmem>>, vector<1x16xf32>,
        %get3A_1916 = vector.shape_cast %get3A_1915 : vector<1x16xf32> to vector<16xf32>
        %get3A_1917 = arith.constant 0 : i32
        %get3A_1918 = arith.index_cast %scan3A_111 : i32 to index
        %get3A_1919 = arith.index_cast %get3A_1917 : i32 to index
        %get3A_1920 = arith.constant 224 : index
        %get3A_1921 = tpu.vector_load %arg10[%get3A_1918, %get3A_1919, %get3A_1920] {strides = array<i32>} : memref<8x8x256xf32, #tpu.memory_space<vmem>>, vector<1x1x16xf32>,
        %get3A_1922 = vector.shape_cast %get3A_1921 : vector<1x1x16xf32> to vector<16xf32>
        %mul3A_1923 = arith.mulf %get3A_1922, %get3A_1912 : vector<16xf32>
        %add3A_1924 = arith.addf %mul3A_1923, %get3A_1916 : vector<16xf32>
        %swap3A_1925 = arith.constant 0 : i32
        %swap3A_1926 = arith.index_cast %scan3A_111 : i32 to index
        %swap3A_1927 = arith.index_cast %swap3A_1925 : i32 to index
        %swap3A_1928 = arith.constant 224 : index
        %swap3A_1929 = tpu.vector_load %arg12[%swap3A_1926, %swap3A_1927, %swap3A_1928] {strides = array<i32>} : memref<8x8x256xf32, #tpu.memory_space<vmem>>, vector<1x1x16xf32>,
        %swap3A_1930 = vector.shape_cast %swap3A_1929 : vector<1x1x16xf32> to vector<16xf32>
        %swap3A_1931 = vector.shape_cast %add3A_1924 : vector<16xf32> to vector<1x1x16xf32>
        tpu.vector_store %arg12[%swap3A_1926, %swap3A_1927, %swap3A_1928], %swap3A_1931 {strides = array<i32>} : memref<8x8x256xf32, #tpu.memory_space<vmem>>, vector<1x1x16xf32>,
        %get3A_1932 = arith.constant 1 : i32
        %get3A_1933 = arith.index_cast %scan3A_111 : i32 to index
        %get3A_1934 = arith.index_cast %get3A_1932 : i32 to index
        %get3A_1935 = arith.constant 224 : index
        %get3A_1936 = tpu.vector_load %arg10[%get3A_1933, %get3A_1934, %get3A_1935] {strides = array<i32>} : memref<8x8x256xf32, #tpu.memory_space<vmem>>, vector<1x1x16xf32>,
        %get3A_1937 = vector.shape_cast %get3A_1936 : vector<1x1x16xf32> to vector<16xf32>
        %mul3A_1938 = arith.mulf %get3A_1937, %get3A_1912 : vector<16xf32>
        %add3A_1939 = arith.addf %mul3A_1938, %get3A_1916 : vector<16xf32>
        %swap3A_1940 = arith.constant 1 : i32
        %swap3A_1941 = arith.index_cast %scan3A_111 : i32 to index
        %swap3A_1942 = arith.index_cast %swap3A_1940 : i32 to index
        %swap3A_1943 = arith.constant 224 : index
        %swap3A_1944 = tpu.vector_load %arg12[%swap3A_1941, %swap3A_1942, %swap3A_1943] {strides = array<i32>} : memref<8x8x256xf32, #tpu.memory_space<vmem>>, vector<1x1x16xf32>,
        %swap3A_1945 = vector.shape_cast %swap3A_1944 : vector<1x1x16xf32> to vector<16xf32>
        %swap3A_1946 = vector.shape_cast %add3A_1939 : vector<16xf32> to vector<1x1x16xf32>
        tpu.vector_store %arg12[%swap3A_1941, %swap3A_1942, %swap3A_1943], %swap3A_1946 {strides = array<i32>} : memref<8x8x256xf32, #tpu.memory_space<vmem>>, vector<1x1x16xf32>,
        %get3A_1947 = arith.constant 2 : i32
        %get3A_1948 = arith.index_cast %scan3A_111 : i32 to index
        %get3A_1949 = arith.index_cast %get3A_1947 : i32 to index
        %get3A_1950 = arith.constant 224 : index
        %get3A_1951 = tpu.vector_load %arg10[%get3A_1948, %get3A_1949, %get3A_1950] {strides = array<i32>} : memref<8x8x256xf32, #tpu.memory_space<vmem>>, vector<1x1x16xf32>,
        %get3A_1952 = vector.shape_cast %get3A_1951 : vector<1x1x16xf32> to vector<16xf32>
        %mul3A_1953 = arith.mulf %get3A_1952, %get3A_1912 : vector<16xf32>
        %add3A_1954 = arith.addf %mul3A_1953, %get3A_1916 : vector<16xf32>
        %swap3A_1955 = arith.constant 2 : i32
        %swap3A_1956 = arith.index_cast %scan3A_111 : i32 to index
        %swap3A_1957 = arith.index_cast %swap3A_1955 : i32 to index
        %swap3A_1958 = arith.constant 224 : index
        %swap3A_1959 = tpu.vector_load %arg12[%swap3A_1956, %swap3A_1957, %swap3A_1958] {strides = array<i32>} : memref<8x8x256xf32, #tpu.memory_space<vmem>>, vector<1x1x16xf32>,
        %swap3A_1960 = vector.shape_cast %swap3A_1959 : vector<1x1x16xf32> to vector<16xf32>
        %swap3A_1961 = vector.shape_cast %add3A_1954 : vector<16xf32> to vector<1x1x16xf32>
        tpu.vector_store %arg12[%swap3A_1956, %swap3A_1957, %swap3A_1958], %swap3A_1961 {strides = array<i32>} : memref<8x8x256xf32, #tpu.memory_space<vmem>>, vector<1x1x16xf32>,
        %get3A_1962 = arith.constant 3 : i32
        %get3A_1963 = arith.index_cast %scan3A_111 : i32 to index
        %get3A_1964 = arith.index_cast %get3A_1962 : i32 to index
        %get3A_1965 = arith.constant 224 : index
        %get3A_1966 = tpu.vector_load %arg10[%get3A_1963, %get3A_1964, %get3A_1965] {strides = array<i32>} : memref<8x8x256xf32, #tpu.memory_space<vmem>>, vector<1x1x16xf32>,
        %get3A_1967 = vector.shape_cast %get3A_1966 : vector<1x1x16xf32> to vector<16xf32>
        %mul3A_1968 = arith.mulf %get3A_1967, %get3A_1912 : vector<16xf32>
        %add3A_1969 = arith.addf %mul3A_1968, %get3A_1916 : vector<16xf32>
        %swap3A_1970 = arith.constant 3 : i32
        %swap3A_1971 = arith.index_cast %scan3A_111 : i32 to index
        %swap3A_1972 = arith.index_cast %swap3A_1970 : i32 to index
        %swap3A_1973 = arith.constant 224 : index
        %swap3A_1974 = tpu.vector_load %arg12[%swap3A_1971, %swap3A_1972, %swap3A_1973] {strides = array<i32>} : memref<8x8x256xf32, #tpu.memory_space<vmem>>, vector<1x1x16xf32>,
        %swap3A_1975 = vector.shape_cast %swap3A_1974 : vector<1x1x16xf32> to vector<16xf32>
        %swap3A_1976 = vector.shape_cast %add3A_1969 : vector<16xf32> to vector<1x1x16xf32>
        tpu.vector_store %arg12[%swap3A_1971, %swap3A_1972, %swap3A_1973], %swap3A_1976 {strides = array<i32>} : memref<8x8x256xf32, #tpu.memory_space<vmem>>, vector<1x1x16xf32>,
        %get3A_1977 = arith.constant 4 : i32
        %get3A_1978 = arith.index_cast %scan3A_111 : i32 to index
        %get3A_1979 = arith.index_cast %get3A_1977 : i32 to index
        %get3A_1980 = arith.constant 224 : index
        %get3A_1981 = tpu.vector_load %arg10[%get3A_1978, %get3A_1979, %get3A_1980] {strides = array<i32>} : memref<8x8x256xf32, #tpu.memory_space<vmem>>, vector<1x1x16xf32>,
        %get3A_1982 = vector.shape_cast %get3A_1981 : vector<1x1x16xf32> to vector<16xf32>
        %mul3A_1983 = arith.mulf %get3A_1982, %get3A_1912 : vector<16xf32>
        %add3A_1984 = arith.addf %mul3A_1983, %get3A_1916 : vector<16xf32>
        %swap3A_1985 = arith.constant 4 : i32
        %swap3A_1986 = arith.index_cast %scan3A_111 : i32 to index
        %swap3A_1987 = arith.index_cast %swap3A_1985 : i32 to index
        %swap3A_1988 = arith.constant 224 : index
        %swap3A_1989 = tpu.vector_load %arg12[%swap3A_1986, %swap3A_1987, %swap3A_1988] {strides = array<i32>} : memref<8x8x256xf32, #tpu.memory_space<vmem>>, vector<1x1x16xf32>,
        %swap3A_1990 = vector.shape_cast %swap3A_1989 : vector<1x1x16xf32> to vector<16xf32>
        %swap3A_1991 = vector.shape_cast %add3A_1984 : vector<16xf32> to vector<1x1x16xf32>
        tpu.vector_store %arg12[%swap3A_1986, %swap3A_1987, %swap3A_1988], %swap3A_1991 {strides = array<i32>} : memref<8x8x256xf32, #tpu.memory_space<vmem>>, vector<1x1x16xf32>,
        %get3A_1992 = arith.constant 5 : i32
        %get3A_1993 = arith.index_cast %scan3A_111 : i32 to index
        %get3A_1994 = arith.index_cast %get3A_1992 : i32 to index
        %get3A_1995 = arith.constant 224 : index
        %get3A_1996 = tpu.vector_load %arg10[%get3A_1993, %get3A_1994, %get3A_1995] {strides = array<i32>} : memref<8x8x256xf32, #tpu.memory_space<vmem>>, vector<1x1x16xf32>,
        %get3A_1997 = vector.shape_cast %get3A_1996 : vector<1x1x16xf32> to vector<16xf32>
        %mul3A_1998 = arith.mulf %get3A_1997, %get3A_1912 : vector<16xf32>
        %add3A_1999 = arith.addf %mul3A_1998, %get3A_1916 : vector<16xf32>
        %swap3A_2000 = arith.constant 5 : i32
        %swap3A_2001 = arith.index_cast %scan3A_111 : i32 to index
        %swap3A_2002 = arith.index_cast %swap3A_2000 : i32 to index
        %swap3A_2003 = arith.constant 224 : index
        %swap3A_2004 = tpu.vector_load %arg12[%swap3A_2001, %swap3A_2002, %swap3A_2003] {strides = array<i32>} : memref<8x8x256xf32, #tpu.memory_space<vmem>>, vector<1x1x16xf32>,
        %swap3A_2005 = vector.shape_cast %swap3A_2004 : vector<1x1x16xf32> to vector<16xf32>
        %swap3A_2006 = vector.shape_cast %add3A_1999 : vector<16xf32> to vector<1x1x16xf32>
        tpu.vector_store %arg12[%swap3A_2001, %swap3A_2002, %swap3A_2003], %swap3A_2006 {strides = array<i32>} : memref<8x8x256xf32, #tpu.memory_space<vmem>>, vector<1x1x16xf32>,
        %get3A_2007 = arith.constant 6 : i32
        %get3A_2008 = arith.index_cast %scan3A_111 : i32 to index
        %get3A_2009 = arith.index_cast %get3A_2007 : i32 to index
        %get3A_2010 = arith.constant 224 : index
        %get3A_2011 = tpu.vector_load %arg10[%get3A_2008, %get3A_2009, %get3A_2010] {strides = array<i32>} : memref<8x8x256xf32, #tpu.memory_space<vmem>>, vector<1x1x16xf32>,
        %get3A_2012 = vector.shape_cast %get3A_2011 : vector<1x1x16xf32> to vector<16xf32>
        %mul3A_2013 = arith.mulf %get3A_2012, %get3A_1912 : vector<16xf32>
        %add3A_2014 = arith.addf %mul3A_2013, %get3A_1916 : vector<16xf32>
        %swap3A_2015 = arith.constant 6 : i32
        %swap3A_2016 = arith.index_cast %scan3A_111 : i32 to index
        %swap3A_2017 = arith.index_cast %swap3A_2015 : i32 to index
        %swap3A_2018 = arith.constant 224 : index
        %swap3A_2019 = tpu.vector_load %arg12[%swap3A_2016, %swap3A_2017, %swap3A_2018] {strides = array<i32>} : memref<8x8x256xf32, #tpu.memory_space<vmem>>, vector<1x1x16xf32>,
        %swap3A_2020 = vector.shape_cast %swap3A_2019 : vector<1x1x16xf32> to vector<16xf32>
        %swap3A_2021 = vector.shape_cast %add3A_2014 : vector<16xf32> to vector<1x1x16xf32>
        tpu.vector_store %arg12[%swap3A_2016, %swap3A_2017, %swap3A_2018], %swap3A_2021 {strides = array<i32>} : memref<8x8x256xf32, #tpu.memory_space<vmem>>, vector<1x1x16xf32>,
        %get3A_2022 = arith.constant 7 : i32
        %get3A_2023 = arith.index_cast %scan3A_111 : i32 to index
        %get3A_2024 = arith.index_cast %get3A_2022 : i32 to index
        %get3A_2025 = arith.constant 224 : index
        %get3A_2026 = tpu.vector_load %arg10[%get3A_2023, %get3A_2024, %get3A_2025] {strides = array<i32>} : memref<8x8x256xf32, #tpu.memory_space<vmem>>, vector<1x1x16xf32>,
        %get3A_2027 = vector.shape_cast %get3A_2026 : vector<1x1x16xf32> to vector<16xf32>
        %mul3A_2028 = arith.mulf %get3A_2027, %get3A_1912 : vector<16xf32>
        %add3A_2029 = arith.addf %mul3A_2028, %get3A_1916 : vector<16xf32>
        %swap3A_2030 = arith.constant 7 : i32
        %swap3A_2031 = arith.index_cast %scan3A_111 : i32 to index
        %swap3A_2032 = arith.index_cast %swap3A_2030 : i32 to index
        %swap3A_2033 = arith.constant 224 : index
        %swap3A_2034 = tpu.vector_load %arg12[%swap3A_2031, %swap3A_2032, %swap3A_2033] {strides = array<i32>} : memref<8x8x256xf32, #tpu.memory_space<vmem>>, vector<1x1x16xf32>,
        %swap3A_2035 = vector.shape_cast %swap3A_2034 : vector<1x1x16xf32> to vector<16xf32>
        %swap3A_2036 = vector.shape_cast %add3A_2029 : vector<16xf32> to vector<1x1x16xf32>
        tpu.vector_store %arg12[%swap3A_2031, %swap3A_2032, %swap3A_2033], %swap3A_2036 {strides = array<i32>} : memref<8x8x256xf32, #tpu.memory_space<vmem>>, vector<1x1x16xf32>,
        %get3A_2037 = arith.index_cast %squeeze3A : i32 to index
        %get3A_2038 = arith.constant 240 : index
        %get3A_2039 = tpu.vector_load %arg7[%get3A_2037, %get3A_2038] {strides = array<i32>} : memref<4x256xf32, #tpu.memory_space<vmem>>, vector<1x16xf32>,
        %get3A_2040 = vector.shape_cast %get3A_2039 : vector<1x16xf32> to vector<16xf32>
        %get3A_2041 = arith.index_cast %squeeze3A : i32 to index
        %get3A_2042 = arith.constant 240 : index
        %get3A_2043 = tpu.vector_load %arg8[%get3A_2041, %get3A_2042] {strides = array<i32>} : memref<4x256xf32, #tpu.memory_space<vmem>>, vector<1x16xf32>,
        %get3A_2044 = vector.shape_cast %get3A_2043 : vector<1x16xf32> to vector<16xf32>
        %get3A_2045 = arith.constant 0 : i32
        %get3A_2046 = arith.index_cast %scan3A_111 : i32 to index
        %get3A_2047 = arith.index_cast %get3A_2045 : i32 to index
        %get3A_2048 = arith.constant 240 : index
        %get3A_2049 = tpu.vector_load %arg10[%get3A_2046, %get3A_2047, %get3A_2048] {strides = array<i32>} : memref<8x8x256xf32, #tpu.memory_space<vmem>>, vector<1x1x16xf32>,
        %get3A_2050 = vector.shape_cast %get3A_2049 : vector<1x1x16xf32> to vector<16xf32>
        %mul3A_2051 = arith.mulf %get3A_2050, %get3A_2040 : vector<16xf32>
        %add3A_2052 = arith.addf %mul3A_2051, %get3A_2044 : vector<16xf32>
        %swap3A_2053 = arith.constant 0 : i32
        %swap3A_2054 = arith.index_cast %scan3A_111 : i32 to index
        %swap3A_2055 = arith.index_cast %swap3A_2053 : i32 to index
        %swap3A_2056 = arith.constant 240 : index
        %swap3A_2057 = tpu.vector_load %arg12[%swap3A_2054, %swap3A_2055, %swap3A_2056] {strides = array<i32>} : memref<8x8x256xf32, #tpu.memory_space<vmem>>, vector<1x1x16xf32>,
        %swap3A_2058 = vector.shape_cast %swap3A_2057 : vector<1x1x16xf32> to vector<16xf32>
        %swap3A_2059 = vector.shape_cast %add3A_2052 : vector<16xf32> to vector<1x1x16xf32>
        tpu.vector_store %arg12[%swap3A_2054, %swap3A_2055, %swap3A_2056], %swap3A_2059 {strides = array<i32>} : memref<8x8x256xf32, #tpu.memory_space<vmem>>, vector<1x1x16xf32>,
        %get3A_2060 = arith.constant 1 : i32
        %get3A_2061 = arith.index_cast %scan3A_111 : i32 to index
        %get3A_2062 = arith.index_cast %get3A_2060 : i32 to index
        %get3A_2063 = arith.constant 240 : index
        %get3A_2064 = tpu.vector_load %arg10[%get3A_2061, %get3A_2062, %get3A_2063] {strides = array<i32>} : memref<8x8x256xf32, #tpu.memory_space<vmem>>, vector<1x1x16xf32>,
        %get3A_2065 = vector.shape_cast %get3A_2064 : vector<1x1x16xf32> to vector<16xf32>
        %mul3A_2066 = arith.mulf %get3A_2065, %get3A_2040 : vector<16xf32>
        %add3A_2067 = arith.addf %mul3A_2066, %get3A_2044 : vector<16xf32>
        %swap3A_2068 = arith.constant 1 : i32
        %swap3A_2069 = arith.index_cast %scan3A_111 : i32 to index
        %swap3A_2070 = arith.index_cast %swap3A_2068 : i32 to index
        %swap3A_2071 = arith.constant 240 : index
        %swap3A_2072 = tpu.vector_load %arg12[%swap3A_2069, %swap3A_2070, %swap3A_2071] {strides = array<i32>} : memref<8x8x256xf32, #tpu.memory_space<vmem>>, vector<1x1x16xf32>,
        %swap3A_2073 = vector.shape_cast %swap3A_2072 : vector<1x1x16xf32> to vector<16xf32>
        %swap3A_2074 = vector.shape_cast %add3A_2067 : vector<16xf32> to vector<1x1x16xf32>
        tpu.vector_store %arg12[%swap3A_2069, %swap3A_2070, %swap3A_2071], %swap3A_2074 {strides = array<i32>} : memref<8x8x256xf32, #tpu.memory_space<vmem>>, vector<1x1x16xf32>,
        %get3A_2075 = arith.constant 2 : i32
        %get3A_2076 = arith.index_cast %scan3A_111 : i32 to index
        %get3A_2077 = arith.index_cast %get3A_2075 : i32 to index
        %get3A_2078 = arith.constant 240 : index
        %get3A_2079 = tpu.vector_load %arg10[%get3A_2076, %get3A_2077, %get3A_2078] {strides = array<i32>} : memref<8x8x256xf32, #tpu.memory_space<vmem>>, vector<1x1x16xf32>,
        %get3A_2080 = vector.shape_cast %get3A_2079 : vector<1x1x16xf32> to vector<16xf32>
        %mul3A_2081 = arith.mulf %get3A_2080, %get3A_2040 : vector<16xf32>
        %add3A_2082 = arith.addf %mul3A_2081, %get3A_2044 : vector<16xf32>
        %swap3A_2083 = arith.constant 2 : i32
        %swap3A_2084 = arith.index_cast %scan3A_111 : i32 to index
        %swap3A_2085 = arith.index_cast %swap3A_2083 : i32 to index
        %swap3A_2086 = arith.constant 240 : index
        %swap3A_2087 = tpu.vector_load %arg12[%swap3A_2084, %swap3A_2085, %swap3A_2086] {strides = array<i32>} : memref<8x8x256xf32, #tpu.memory_space<vmem>>, vector<1x1x16xf32>,
        %swap3A_2088 = vector.shape_cast %swap3A_2087 : vector<1x1x16xf32> to vector<16xf32>
        %swap3A_2089 = vector.shape_cast %add3A_2082 : vector<16xf32> to vector<1x1x16xf32>
        tpu.vector_store %arg12[%swap3A_2084, %swap3A_2085, %swap3A_2086], %swap3A_2089 {strides = array<i32>} : memref<8x8x256xf32, #tpu.memory_space<vmem>>, vector<1x1x16xf32>,
        %get3A_2090 = arith.constant 3 : i32
        %get3A_2091 = arith.index_cast %scan3A_111 : i32 to index
        %get3A_2092 = arith.index_cast %get3A_2090 : i32 to index
        %get3A_2093 = arith.constant 240 : index
        %get3A_2094 = tpu.vector_load %arg10[%get3A_2091, %get3A_2092, %get3A_2093] {strides = array<i32>} : memref<8x8x256xf32, #tpu.memory_space<vmem>>, vector<1x1x16xf32>,
        %get3A_2095 = vector.shape_cast %get3A_2094 : vector<1x1x16xf32> to vector<16xf32>
        %mul3A_2096 = arith.mulf %get3A_2095, %get3A_2040 : vector<16xf32>
        %add3A_2097 = arith.addf %mul3A_2096, %get3A_2044 : vector<16xf32>
        %swap3A_2098 = arith.constant 3 : i32
        %swap3A_2099 = arith.index_cast %scan3A_111 : i32 to index
        %swap3A_2100 = arith.index_cast %swap3A_2098 : i32 to index
        %swap3A_2101 = arith.constant 240 : index
        %swap3A_2102 = tpu.vector_load %arg12[%swap3A_2099, %swap3A_2100, %swap3A_2101] {strides = array<i32>} : memref<8x8x256xf32, #tpu.memory_space<vmem>>, vector<1x1x16xf32>,
        %swap3A_2103 = vector.shape_cast %swap3A_2102 : vector<1x1x16xf32> to vector<16xf32>
        %swap3A_2104 = vector.shape_cast %add3A_2097 : vector<16xf32> to vector<1x1x16xf32>
        tpu.vector_store %arg12[%swap3A_2099, %swap3A_2100, %swap3A_2101], %swap3A_2104 {strides = array<i32>} : memref<8x8x256xf32, #tpu.memory_space<vmem>>, vector<1x1x16xf32>,
        %get3A_2105 = arith.constant 4 : i32
        %get3A_2106 = arith.index_cast %scan3A_111 : i32 to index
        %get3A_2107 = arith.index_cast %get3A_2105 : i32 to index
        %get3A_2108 = arith.constant 240 : index
        %get3A_2109 = tpu.vector_load %arg10[%get3A_2106, %get3A_2107, %get3A_2108] {strides = array<i32>} : memref<8x8x256xf32, #tpu.memory_space<vmem>>, vector<1x1x16xf32>,
        %get3A_2110 = vector.shape_cast %get3A_2109 : vector<1x1x16xf32> to vector<16xf32>
        %mul3A_2111 = arith.mulf %get3A_2110, %get3A_2040 : vector<16xf32>
        %add3A_2112 = arith.addf %mul3A_2111, %get3A_2044 : vector<16xf32>
        %swap3A_2113 = arith.constant 4 : i32
        %swap3A_2114 = arith.index_cast %scan3A_111 : i32 to index
        %swap3A_2115 = arith.index_cast %swap3A_2113 : i32 to index
        %swap3A_2116 = arith.constant 240 : index
        %swap3A_2117 = tpu.vector_load %arg12[%swap3A_2114, %swap3A_2115, %swap3A_2116] {strides = array<i32>} : memref<8x8x256xf32, #tpu.memory_space<vmem>>, vector<1x1x16xf32>,
        %swap3A_2118 = vector.shape_cast %swap3A_2117 : vector<1x1x16xf32> to vector<16xf32>
        %swap3A_2119 = vector.shape_cast %add3A_2112 : vector<16xf32> to vector<1x1x16xf32>
        tpu.vector_store %arg12[%swap3A_2114, %swap3A_2115, %swap3A_2116], %swap3A_2119 {strides = array<i32>} : memref<8x8x256xf32, #tpu.memory_space<vmem>>, vector<1x1x16xf32>,
        %get3A_2120 = arith.constant 5 : i32
        %get3A_2121 = arith.index_cast %scan3A_111 : i32 to index
        %get3A_2122 = arith.index_cast %get3A_2120 : i32 to index
        %get3A_2123 = arith.constant 240 : index
        %get3A_2124 = tpu.vector_load %arg10[%get3A_2121, %get3A_2122, %get3A_2123] {strides = array<i32>} : memref<8x8x256xf32, #tpu.memory_space<vmem>>, vector<1x1x16xf32>,
        %get3A_2125 = vector.shape_cast %get3A_2124 : vector<1x1x16xf32> to vector<16xf32>
        %mul3A_2126 = arith.mulf %get3A_2125, %get3A_2040 : vector<16xf32>
        %add3A_2127 = arith.addf %mul3A_2126, %get3A_2044 : vector<16xf32>
        %swap3A_2128 = arith.constant 5 : i32
        %swap3A_2129 = arith.index_cast %scan3A_111 : i32 to index
        %swap3A_2130 = arith.index_cast %swap3A_2128 : i32 to index
        %swap3A_2131 = arith.constant 240 : index
        %swap3A_2132 = tpu.vector_load %arg12[%swap3A_2129, %swap3A_2130, %swap3A_2131] {strides = array<i32>} : memref<8x8x256xf32, #tpu.memory_space<vmem>>, vector<1x1x16xf32>,
        %swap3A_2133 = vector.shape_cast %swap3A_2132 : vector<1x1x16xf32> to vector<16xf32>
        %swap3A_2134 = vector.shape_cast %add3A_2127 : vector<16xf32> to vector<1x1x16xf32>
        tpu.vector_store %arg12[%swap3A_2129, %swap3A_2130, %swap3A_2131], %swap3A_2134 {strides = array<i32>} : memref<8x8x256xf32, #tpu.memory_space<vmem>>, vector<1x1x16xf32>,
        %get3A_2135 = arith.constant 6 : i32
        %get3A_2136 = arith.index_cast %scan3A_111 : i32 to index
        %get3A_2137 = arith.index_cast %get3A_2135 : i32 to index
        %get3A_2138 = arith.constant 240 : index
        %get3A_2139 = tpu.vector_load %arg10[%get3A_2136, %get3A_2137, %get3A_2138] {strides = array<i32>} : memref<8x8x256xf32, #tpu.memory_space<vmem>>, vector<1x1x16xf32>,
        %get3A_2140 = vector.shape_cast %get3A_2139 : vector<1x1x16xf32> to vector<16xf32>
        %mul3A_2141 = arith.mulf %get3A_2140, %get3A_2040 : vector<16xf32>
        %add3A_2142 = arith.addf %mul3A_2141, %get3A_2044 : vector<16xf32>
        %swap3A_2143 = arith.constant 6 : i32
        %swap3A_2144 = arith.index_cast %scan3A_111 : i32 to index
        %swap3A_2145 = arith.index_cast %swap3A_2143 : i32 to index
        %swap3A_2146 = arith.constant 240 : index
        %swap3A_2147 = tpu.vector_load %arg12[%swap3A_2144, %swap3A_2145, %swap3A_2146] {strides = array<i32>} : memref<8x8x256xf32, #tpu.memory_space<vmem>>, vector<1x1x16xf32>,
        %swap3A_2148 = vector.shape_cast %swap3A_2147 : vector<1x1x16xf32> to vector<16xf32>
        %swap3A_2149 = vector.shape_cast %add3A_2142 : vector<16xf32> to vector<1x1x16xf32>
        tpu.vector_store %arg12[%swap3A_2144, %swap3A_2145, %swap3A_2146], %swap3A_2149 {strides = array<i32>} : memref<8x8x256xf32, #tpu.memory_space<vmem>>, vector<1x1x16xf32>,
        %get3A_2150 = arith.constant 7 : i32
        %get3A_2151 = arith.index_cast %scan3A_111 : i32 to index
        %get3A_2152 = arith.index_cast %get3A_2150 : i32 to index
        %get3A_2153 = arith.constant 240 : index
        %get3A_2154 = tpu.vector_load %arg10[%get3A_2151, %get3A_2152, %get3A_2153] {strides = array<i32>} : memref<8x8x256xf32, #tpu.memory_space<vmem>>, vector<1x1x16xf32>,
        %get3A_2155 = vector.shape_cast %get3A_2154 : vector<1x1x16xf32> to vector<16xf32>
        %mul3A_2156 = arith.mulf %get3A_2155, %get3A_2040 : vector<16xf32>
        %add3A_2157 = arith.addf %mul3A_2156, %get3A_2044 : vector<16xf32>
        %swap3A_2158 = arith.constant 7 : i32
        %swap3A_2159 = arith.index_cast %scan3A_111 : i32 to index
        %swap3A_2160 = arith.index_cast %swap3A_2158 : i32 to index
        %swap3A_2161 = arith.constant 240 : index
        %swap3A_2162 = tpu.vector_load %arg12[%swap3A_2159, %swap3A_2160, %swap3A_2161] {strides = array<i32>} : memref<8x8x256xf32, #tpu.memory_space<vmem>>, vector<1x1x16xf32>,
        %swap3A_2163 = vector.shape_cast %swap3A_2162 : vector<1x1x16xf32> to vector<16xf32>
        %swap3A_2164 = vector.shape_cast %add3A_2157 : vector<16xf32> to vector<1x1x16xf32>
        tpu.vector_store %arg12[%swap3A_2159, %swap3A_2160, %swap3A_2161], %swap3A_2164 {strides = array<i32>} : memref<8x8x256xf32, #tpu.memory_space<vmem>>, vector<1x1x16xf32>,
        %scan3A_2165 = arith.constant 0 : i32
        scf.yield %scan3A_2165 : i32
      }
      %scan3A_60 = arith.constant 8 : i32
      %dma_start3A_61 = arith.constant 0 : i32
      %dma_start3A_62 = arith.constant 0 : i32
      %dma_start3A_63 = tpu.memref_slice %arg6[%add3A_45, %dma_start3A_61, %dma_start3A_62] : memref<16384x8x256xf32, #tpu.memory_space<hbm>> -> memref<8x8x256xf32, #tpu.memory_space<hbm>>
      %dma_start3A_64 = arith.constant 0 : i32
      %dma_start3A_65 = arith.constant 0 : i32
      %dma_start3A_66 = tpu.memref_slice %arg6[%add3A_45, %dma_start3A_64, %dma_start3A_65] : memref<16384x8x256xf32, #tpu.memory_space<hbm>> -> memref<8x8x256xf32, #tpu.memory_space<hbm>>
      tpu.enqueue_dma source(%arg12 : memref<8x8x256xf32, #tpu.memory_space<vmem>>) target(%dma_start3A_66 : memref<8x8x256xf32, #tpu.memory_space<hbm>>) target_semaphore(%arg16 : memref<!tpu.dma_semaphore, #tpu.memory_space<semaphore_mem>>)
      %add3A_67 = arith.constant 2 : i32
      %add3A_68 = arith.addi %add3A_42, %add3A_67 : i32
      %lt3A = arith.constant 64 : i32
      %lt3A_69 = arith.cmpi slt, %add3A_68, %lt3A : i32
      %convert_element_type3A_70 = arith.extui %lt3A_69 : i1 to i32
      %cond3A_71 = arith.constant 0 : i32
      %cond3A_72 = arith.cmpi ne, %convert_element_type3A_70, %cond3A_71 : i32
      scf.if %cond3A_72 {
        %add3A_111 = arith.constant 16 : i32
        %add3A_112 = arith.addi %add3A_45, %add3A_111 : i32
        %dma_start3A_113 = arith.constant 0 : i32
        %dma_start3A_114 = arith.constant 0 : i32
        %dma_start3A_115 = tpu.memref_slice %arg2[%add3A_112, %dma_start3A_113, %dma_start3A_114] : memref<16384x8x256xf32, #tpu.memory_space<hbm>> -> memref<8x8x256xf32, #tpu.memory_space<hbm>>
        %dma_start3A_116 = arith.constant 0 : i32
        %dma_start3A_117 = arith.constant 0 : i32
        %dma_start3A_118 = tpu.memref_slice %arg2[%add3A_112, %dma_start3A_116, %dma_start3A_117] : memref<16384x8x256xf32, #tpu.memory_space<hbm>> -> memref<8x8x256xf32, #tpu.memory_space<hbm>>
        tpu.enqueue_dma source(%dma_start3A_118 : memref<8x8x256xf32, #tpu.memory_space<hbm>>) target(%arg10 : memref<8x8x256xf32, #tpu.memory_space<vmem>>) target_semaphore(%arg14 : memref<!tpu.dma_semaphore, #tpu.memory_space<semaphore_mem>>)
      } else {
      }
      %mul3A_73 = arith.constant 2 : i32
      %mul3A_74 = arith.muli %scan3A_38, %mul3A_73 : i32
      %add3A_75 = arith.constant 1 : i32
      %add3A_76 = arith.addi %mul3A_74, %add3A_75 : i32
      %mul3A_77 = arith.constant 8 : i32
      %mul3A_78 = arith.muli %add3A_76, %mul3A_77 : i32
      %add3A_79 = arith.addi %mul3A_2, %mul3A_78 : i32
      %dma_wait3A_80 = arith.constant 0 : i32
      %dma_wait3A_81 = arith.constant 0 : i32
      %dma_wait3A_82 = tpu.memref_slice %arg2[%add3A_79, %dma_wait3A_80, %dma_wait3A_81] : memref<16384x8x256xf32, #tpu.memory_space<hbm>> -> memref<8x8x256xf32, #tpu.memory_space<hbm>>
      %dma_wait3A_83 = arith.constant 0 : i32
      %dma_wait3A_84 = arith.constant 0 : i32
      %dma_wait3A_85 = tpu.memref_slice %arg2[%add3A_79, %dma_wait3A_83, %dma_wait3A_84] : memref<16384x8x256xf32, #tpu.memory_space<hbm>> -> memref<8x8x256xf32, #tpu.memory_space<hbm>>
      tpu.wait_dma2 semaphore(%arg15 : memref<!tpu.dma_semaphore, #tpu.memory_space<semaphore_mem>>) src(%dma_wait3A_85 : memref<8x8x256xf32, #tpu.memory_space<hbm>>) dst(%arg11 : memref<8x8x256xf32, #tpu.memory_space<vmem>>)
      %ge3A_86 = arith.constant 2 : i32
      %ge3A_87 = arith.cmpi sge, %add3A_76, %ge3A_86 : i32
      %convert_element_type3A_88 = arith.extui %ge3A_87 : i1 to i32
      %cond3A_89 = arith.constant 0 : i32
      %cond3A_90 = arith.cmpi ne, %convert_element_type3A_88, %cond3A_89 : i32
      scf.if %cond3A_90 {
        %sub3A = arith.constant 16 : i32
        %sub3A_111 = arith.subi %add3A_79, %sub3A : i32
        %dma_wait3A_112 = arith.constant 0 : i32
        %dma_wait3A_113 = arith.constant 0 : i32
        %dma_wait3A_114 = tpu.memref_slice %arg6[%sub3A_111, %dma_wait3A_112, %dma_wait3A_113] : memref<16384x8x256xf32, #tpu.memory_space<hbm>> -> memref<8x8x256xf32, #tpu.memory_space<hbm>>
        %dma_wait3A_115 = arith.constant 0 : i32
        %dma_wait3A_116 = arith.constant 0 : i32
        %dma_wait3A_117 = tpu.memref_slice %arg6[%sub3A_111, %dma_wait3A_115, %dma_wait3A_116] : memref<16384x8x256xf32, #tpu.memory_space<hbm>> -> memref<8x8x256xf32, #tpu.memory_space<hbm>>
        tpu.wait_dma2 semaphore(%arg17 : memref<!tpu.dma_semaphore, #tpu.memory_space<semaphore_mem>>) src(%arg13 : memref<8x8x256xf32, #tpu.memory_space<vmem>>) dst(%dma_wait3A_117 : memref<8x8x256xf32, #tpu.memory_space<hbm>>)
      } else {
      }
      %scan3A_91 = arith.constant 0 : i32
      %scan3A_92 = arith.constant 0 : i32
      %scan3A_93 = arith.constant 8 : i32
      %scan3A_94 = arith.addi %scan3A_92, %scan3A_93 : i32
      %scan3A_95 = arith.constant 1 : i32
      %scan3A_96 = scf.for %scan3A_111 = %scan3A_92 to %scan3A_94 step %scan3A_95 iter_args(%scan3A_112 = %scan3A_91) -> (i32)  : i32 {
        %mul3A_113 = arith.constant 8 : i32
        %mul3A_114 = arith.muli %add3A_76, %mul3A_113 : i32
        %add3A_115 = arith.addi %mul3A_114, %scan3A_111 : i32
        %get3A = arith.index_cast %add3A_115 : i32 to index
        %get3A_116 = tpu.vector_load %arg9[%get3A] {strides = array<i32>} : memref<528xi32, #tpu.memory_space<vmem>>, vector<16xi32>,
        %get3A_117 = vector.shape_cast %get3A_116 : vector<16xi32> to vector<16xi32>
        %slice3A = vector.extract_strided_slice %get3A_117 {offsets = [0], sizes = [1], strides = [1]} : vector<16xi32> to vector<1xi32>
        %squeeze3A = vector.extract %slice3A[0] : i32 from vector<1xi32>
        %get3A_118 = arith.index_cast %squeeze3A : i32 to index
        %get3A_119 = arith.constant 0 : index
        %get3A_120 = tpu.vector_load %arg7[%get3A_118, %get3A_119] {strides = array<i32>} : memref<4x256xf32, #tpu.memory_space<vmem>>, vector<1x16xf32>,
        %get3A_121 = vector.shape_cast %get3A_120 : vector<1x16xf32> to vector<16xf32>
        %get3A_122 = arith.index_cast %squeeze3A : i32 to index
        %get3A_123 = arith.constant 0 : index
        %get3A_124 = tpu.vector_load %arg8[%get3A_122, %get3A_123] {strides = array<i32>} : memref<4x256xf32, #tpu.memory_space<vmem>>, vector<1x16xf32>,
        %get3A_125 = vector.shape_cast %get3A_124 : vector<1x16xf32> to vector<16xf32>
        %get3A_126 = arith.constant 0 : i32
        %get3A_127 = arith.index_cast %scan3A_111 : i32 to index
        %get3A_128 = arith.index_cast %get3A_126 : i32 to index
        %get3A_129 = arith.constant 0 : index
        %get3A_130 = tpu.vector_load %arg11[%get3A_127, %get3A_128, %get3A_129] {strides = array<i32>} : memref<8x8x256xf32, #tpu.memory_space<vmem>>, vector<1x1x16xf32>,
        %get3A_131 = vector.shape_cast %get3A_130 : vector<1x1x16xf32> to vector<16xf32>
        %mul3A_132 = arith.mulf %get3A_131, %get3A_121 : vector<16xf32>
        %add3A_133 = arith.addf %mul3A_132, %get3A_125 : vector<16xf32>
        %swap3A = arith.constant 0 : i32
        %swap3A_134 = arith.index_cast %scan3A_111 : i32 to index
        %swap3A_135 = arith.index_cast %swap3A : i32 to index
        %swap3A_136 = arith.constant 0 : index
        %swap3A_137 = tpu.vector_load %arg13[%swap3A_134, %swap3A_135, %swap3A_136] {strides = array<i32>} : memref<8x8x256xf32, #tpu.memory_space<vmem>>, vector<1x1x16xf32>,
        %swap3A_138 = vector.shape_cast %swap3A_137 : vector<1x1x16xf32> to vector<16xf32>
        %swap3A_139 = vector.shape_cast %add3A_133 : vector<16xf32> to vector<1x1x16xf32>
        tpu.vector_store %arg13[%swap3A_134, %swap3A_135, %swap3A_136], %swap3A_139 {strides = array<i32>} : memref<8x8x256xf32, #tpu.memory_space<vmem>>, vector<1x1x16xf32>,
        %get3A_140 = arith.constant 1 : i32
        %get3A_141 = arith.index_cast %scan3A_111 : i32 to index
        %get3A_142 = arith.index_cast %get3A_140 : i32 to index
        %get3A_143 = arith.constant 0 : index
        %get3A_144 = tpu.vector_load %arg11[%get3A_141, %get3A_142, %get3A_143] {strides = array<i32>} : memref<8x8x256xf32, #tpu.memory_space<vmem>>, vector<1x1x16xf32>,
        %get3A_145 = vector.shape_cast %get3A_144 : vector<1x1x16xf32> to vector<16xf32>
        %mul3A_146 = arith.mulf %get3A_145, %get3A_121 : vector<16xf32>
        %add3A_147 = arith.addf %mul3A_146, %get3A_125 : vector<16xf32>
        %swap3A_148 = arith.constant 1 : i32
        %swap3A_149 = arith.index_cast %scan3A_111 : i32 to index
        %swap3A_150 = arith.index_cast %swap3A_148 : i32 to index
        %swap3A_151 = arith.constant 0 : index
        %swap3A_152 = tpu.vector_load %arg13[%swap3A_149, %swap3A_150, %swap3A_151] {strides = array<i32>} : memref<8x8x256xf32, #tpu.memory_space<vmem>>, vector<1x1x16xf32>,
        %swap3A_153 = vector.shape_cast %swap3A_152 : vector<1x1x16xf32> to vector<16xf32>
        %swap3A_154 = vector.shape_cast %add3A_147 : vector<16xf32> to vector<1x1x16xf32>
        tpu.vector_store %arg13[%swap3A_149, %swap3A_150, %swap3A_151], %swap3A_154 {strides = array<i32>} : memref<8x8x256xf32, #tpu.memory_space<vmem>>, vector<1x1x16xf32>,
        %get3A_155 = arith.constant 2 : i32
        %get3A_156 = arith.index_cast %scan3A_111 : i32 to index
        %get3A_157 = arith.index_cast %get3A_155 : i32 to index
        %get3A_158 = arith.constant 0 : index
        %get3A_159 = tpu.vector_load %arg11[%get3A_156, %get3A_157, %get3A_158] {strides = array<i32>} : memref<8x8x256xf32, #tpu.memory_space<vmem>>, vector<1x1x16xf32>,
        %get3A_160 = vector.shape_cast %get3A_159 : vector<1x1x16xf32> to vector<16xf32>
        %mul3A_161 = arith.mulf %get3A_160, %get3A_121 : vector<16xf32>
        %add3A_162 = arith.addf %mul3A_161, %get3A_125 : vector<16xf32>
        %swap3A_163 = arith.constant 2 : i32
        %swap3A_164 = arith.index_cast %scan3A_111 : i32 to index
        %swap3A_165 = arith.index_cast %swap3A_163 : i32 to index
        %swap3A_166 = arith.constant 0 : index
        %swap3A_167 = tpu.vector_load %arg13[%swap3A_164, %swap3A_165, %swap3A_166] {strides = array<i32>} : memref<8x8x256xf32, #tpu.memory_space<vmem>>, vector<1x1x16xf32>,
        %swap3A_168 = vector.shape_cast %swap3A_167 : vector<1x1x16xf32> to vector<16xf32>
        %swap3A_169 = vector.shape_cast %add3A_162 : vector<16xf32> to vector<1x1x16xf32>
        tpu.vector_store %arg13[%swap3A_164, %swap3A_165, %swap3A_166], %swap3A_169 {strides = array<i32>} : memref<8x8x256xf32, #tpu.memory_space<vmem>>, vector<1x1x16xf32>,
        %get3A_170 = arith.constant 3 : i32
        %get3A_171 = arith.index_cast %scan3A_111 : i32 to index
        %get3A_172 = arith.index_cast %get3A_170 : i32 to index
        %get3A_173 = arith.constant 0 : index
        %get3A_174 = tpu.vector_load %arg11[%get3A_171, %get3A_172, %get3A_173] {strides = array<i32>} : memref<8x8x256xf32, #tpu.memory_space<vmem>>, vector<1x1x16xf32>,
        %get3A_175 = vector.shape_cast %get3A_174 : vector<1x1x16xf32> to vector<16xf32>
        %mul3A_176 = arith.mulf %get3A_175, %get3A_121 : vector<16xf32>
        %add3A_177 = arith.addf %mul3A_176, %get3A_125 : vector<16xf32>
        %swap3A_178 = arith.constant 3 : i32
        %swap3A_179 = arith.index_cast %scan3A_111 : i32 to index
        %swap3A_180 = arith.index_cast %swap3A_178 : i32 to index
        %swap3A_181 = arith.constant 0 : index
        %swap3A_182 = tpu.vector_load %arg13[%swap3A_179, %swap3A_180, %swap3A_181] {strides = array<i32>} : memref<8x8x256xf32, #tpu.memory_space<vmem>>, vector<1x1x16xf32>,
        %swap3A_183 = vector.shape_cast %swap3A_182 : vector<1x1x16xf32> to vector<16xf32>
        %swap3A_184 = vector.shape_cast %add3A_177 : vector<16xf32> to vector<1x1x16xf32>
        tpu.vector_store %arg13[%swap3A_179, %swap3A_180, %swap3A_181], %swap3A_184 {strides = array<i32>} : memref<8x8x256xf32, #tpu.memory_space<vmem>>, vector<1x1x16xf32>,
        %get3A_185 = arith.constant 4 : i32
        %get3A_186 = arith.index_cast %scan3A_111 : i32 to index
        %get3A_187 = arith.index_cast %get3A_185 : i32 to index
        %get3A_188 = arith.constant 0 : index
        %get3A_189 = tpu.vector_load %arg11[%get3A_186, %get3A_187, %get3A_188] {strides = array<i32>} : memref<8x8x256xf32, #tpu.memory_space<vmem>>, vector<1x1x16xf32>,
        %get3A_190 = vector.shape_cast %get3A_189 : vector<1x1x16xf32> to vector<16xf32>
        %mul3A_191 = arith.mulf %get3A_190, %get3A_121 : vector<16xf32>
        %add3A_192 = arith.addf %mul3A_191, %get3A_125 : vector<16xf32>
        %swap3A_193 = arith.constant 4 : i32
        %swap3A_194 = arith.index_cast %scan3A_111 : i32 to index
        %swap3A_195 = arith.index_cast %swap3A_193 : i32 to index
        %swap3A_196 = arith.constant 0 : index
        %swap3A_197 = tpu.vector_load %arg13[%swap3A_194, %swap3A_195, %swap3A_196] {strides = array<i32>} : memref<8x8x256xf32, #tpu.memory_space<vmem>>, vector<1x1x16xf32>,
        %swap3A_198 = vector.shape_cast %swap3A_197 : vector<1x1x16xf32> to vector<16xf32>
        %swap3A_199 = vector.shape_cast %add3A_192 : vector<16xf32> to vector<1x1x16xf32>
        tpu.vector_store %arg13[%swap3A_194, %swap3A_195, %swap3A_196], %swap3A_199 {strides = array<i32>} : memref<8x8x256xf32, #tpu.memory_space<vmem>>, vector<1x1x16xf32>,
        %get3A_200 = arith.constant 5 : i32
        %get3A_201 = arith.index_cast %scan3A_111 : i32 to index
        %get3A_202 = arith.index_cast %get3A_200 : i32 to index
        %get3A_203 = arith.constant 0 : index
        %get3A_204 = tpu.vector_load %arg11[%get3A_201, %get3A_202, %get3A_203] {strides = array<i32>} : memref<8x8x256xf32, #tpu.memory_space<vmem>>, vector<1x1x16xf32>,
        %get3A_205 = vector.shape_cast %get3A_204 : vector<1x1x16xf32> to vector<16xf32>
        %mul3A_206 = arith.mulf %get3A_205, %get3A_121 : vector<16xf32>
        %add3A_207 = arith.addf %mul3A_206, %get3A_125 : vector<16xf32>
        %swap3A_208 = arith.constant 5 : i32
        %swap3A_209 = arith.index_cast %scan3A_111 : i32 to index
        %swap3A_210 = arith.index_cast %swap3A_208 : i32 to index
        %swap3A_211 = arith.constant 0 : index
        %swap3A_212 = tpu.vector_load %arg13[%swap3A_209, %swap3A_210, %swap3A_211] {strides = array<i32>} : memref<8x8x256xf32, #tpu.memory_space<vmem>>, vector<1x1x16xf32>,
        %swap3A_213 = vector.shape_cast %swap3A_212 : vector<1x1x16xf32> to vector<16xf32>
        %swap3A_214 = vector.shape_cast %add3A_207 : vector<16xf32> to vector<1x1x16xf32>
        tpu.vector_store %arg13[%swap3A_209, %swap3A_210, %swap3A_211], %swap3A_214 {strides = array<i32>} : memref<8x8x256xf32, #tpu.memory_space<vmem>>, vector<1x1x16xf32>,
        %get3A_215 = arith.constant 6 : i32
        %get3A_216 = arith.index_cast %scan3A_111 : i32 to index
        %get3A_217 = arith.index_cast %get3A_215 : i32 to index
        %get3A_218 = arith.constant 0 : index
        %get3A_219 = tpu.vector_load %arg11[%get3A_216, %get3A_217, %get3A_218] {strides = array<i32>} : memref<8x8x256xf32, #tpu.memory_space<vmem>>, vector<1x1x16xf32>,
        %get3A_220 = vector.shape_cast %get3A_219 : vector<1x1x16xf32> to vector<16xf32>
        %mul3A_221 = arith.mulf %get3A_220, %get3A_121 : vector<16xf32>
        %add3A_222 = arith.addf %mul3A_221, %get3A_125 : vector<16xf32>
        %swap3A_223 = arith.constant 6 : i32
        %swap3A_224 = arith.index_cast %scan3A_111 : i32 to index
        %swap3A_225 = arith.index_cast %swap3A_223 : i32 to index
        %swap3A_226 = arith.constant 0 : index
        %swap3A_227 = tpu.vector_load %arg13[%swap3A_224, %swap3A_225, %swap3A_226] {strides = array<i32>} : memref<8x8x256xf32, #tpu.memory_space<vmem>>, vector<1x1x16xf32>,
        %swap3A_228 = vector.shape_cast %swap3A_227 : vector<1x1x16xf32> to vector<16xf32>
        %swap3A_229 = vector.shape_cast %add3A_222 : vector<16xf32> to vector<1x1x16xf32>
        tpu.vector_store %arg13[%swap3A_224, %swap3A_225, %swap3A_226], %swap3A_229 {strides = array<i32>} : memref<8x8x256xf32, #tpu.memory_space<vmem>>, vector<1x1x16xf32>,
        %get3A_230 = arith.constant 7 : i32
        %get3A_231 = arith.index_cast %scan3A_111 : i32 to index
        %get3A_232 = arith.index_cast %get3A_230 : i32 to index
        %get3A_233 = arith.constant 0 : index
        %get3A_234 = tpu.vector_load %arg11[%get3A_231, %get3A_232, %get3A_233] {strides = array<i32>} : memref<8x8x256xf32, #tpu.memory_space<vmem>>, vector<1x1x16xf32>,
        %get3A_235 = vector.shape_cast %get3A_234 : vector<1x1x16xf32> to vector<16xf32>
        %mul3A_236 = arith.mulf %get3A_235, %get3A_121 : vector<16xf32>
        %add3A_237 = arith.addf %mul3A_236, %get3A_125 : vector<16xf32>
        %swap3A_238 = arith.constant 7 : i32
        %swap3A_239 = arith.index_cast %scan3A_111 : i32 to index
        %swap3A_240 = arith.index_cast %swap3A_238 : i32 to index
        %swap3A_241 = arith.constant 0 : index
        %swap3A_242 = tpu.vector_load %arg13[%swap3A_239, %swap3A_240, %swap3A_241] {strides = array<i32>} : memref<8x8x256xf32, #tpu.memory_space<vmem>>, vector<1x1x16xf32>,
        %swap3A_243 = vector.shape_cast %swap3A_242 : vector<1x1x16xf32> to vector<16xf32>
        %swap3A_244 = vector.shape_cast %add3A_237 : vector<16xf32> to vector<1x1x16xf32>
        tpu.vector_store %arg13[%swap3A_239, %swap3A_240, %swap3A_241], %swap3A_244 {strides = array<i32>} : memref<8x8x256xf32, #tpu.memory_space<vmem>>, vector<1x1x16xf32>,
        %get3A_245 = arith.index_cast %squeeze3A : i32 to index
        %get3A_246 = arith.constant 16 : index
        %get3A_247 = tpu.vector_load %arg7[%get3A_245, %get3A_246] {strides = array<i32>} : memref<4x256xf32, #tpu.memory_space<vmem>>, vector<1x16xf32>,
        %get3A_248 = vector.shape_cast %get3A_247 : vector<1x16xf32> to vector<16xf32>
        %get3A_249 = arith.index_cast %squeeze3A : i32 to index
        %get3A_250 = arith.constant 16 : index
        %get3A_251 = tpu.vector_load %arg8[%get3A_249, %get3A_250] {strides = array<i32>} : memref<4x256xf32, #tpu.memory_space<vmem>>, vector<1x16xf32>,
        %get3A_252 = vector.shape_cast %get3A_251 : vector<1x16xf32> to vector<16xf32>
        %get3A_253 = arith.constant 0 : i32
        %get3A_254 = arith.index_cast %scan3A_111 : i32 to index
        %get3A_255 = arith.index_cast %get3A_253 : i32 to index
        %get3A_256 = arith.constant 16 : index
        %get3A_257 = tpu.vector_load %arg11[%get3A_254, %get3A_255, %get3A_256] {strides = array<i32>} : memref<8x8x256xf32, #tpu.memory_space<vmem>>, vector<1x1x16xf32>,
        %get3A_258 = vector.shape_cast %get3A_257 : vector<1x1x16xf32> to vector<16xf32>
        %mul3A_259 = arith.mulf %get3A_258, %get3A_248 : vector<16xf32>
        %add3A_260 = arith.addf %mul3A_259, %get3A_252 : vector<16xf32>
        %swap3A_261 = arith.constant 0 : i32
        %swap3A_262 = arith.index_cast %scan3A_111 : i32 to index
        %swap3A_263 = arith.index_cast %swap3A_261 : i32 to index
        %swap3A_264 = arith.constant 16 : index
        %swap3A_265 = tpu.vector_load %arg13[%swap3A_262, %swap3A_263, %swap3A_264] {strides = array<i32>} : memref<8x8x256xf32, #tpu.memory_space<vmem>>, vector<1x1x16xf32>,
        %swap3A_266 = vector.shape_cast %swap3A_265 : vector<1x1x16xf32> to vector<16xf32>
        %swap3A_267 = vector.shape_cast %add3A_260 : vector<16xf32> to vector<1x1x16xf32>
        tpu.vector_store %arg13[%swap3A_262, %swap3A_263, %swap3A_264], %swap3A_267 {strides = array<i32>} : memref<8x8x256xf32, #tpu.memory_space<vmem>>, vector<1x1x16xf32>,
        %get3A_268 = arith.constant 1 : i32
        %get3A_269 = arith.index_cast %scan3A_111 : i32 to index
        %get3A_270 = arith.index_cast %get3A_268 : i32 to index
        %get3A_271 = arith.constant 16 : index
        %get3A_272 = tpu.vector_load %arg11[%get3A_269, %get3A_270, %get3A_271] {strides = array<i32>} : memref<8x8x256xf32, #tpu.memory_space<vmem>>, vector<1x1x16xf32>,
        %get3A_273 = vector.shape_cast %get3A_272 : vector<1x1x16xf32> to vector<16xf32>
        %mul3A_274 = arith.mulf %get3A_273, %get3A_248 : vector<16xf32>
        %add3A_275 = arith.addf %mul3A_274, %get3A_252 : vector<16xf32>
        %swap3A_276 = arith.constant 1 : i32
        %swap3A_277 = arith.index_cast %scan3A_111 : i32 to index
        %swap3A_278 = arith.index_cast %swap3A_276 : i32 to index
        %swap3A_279 = arith.constant 16 : index
        %swap3A_280 = tpu.vector_load %arg13[%swap3A_277, %swap3A_278, %swap3A_279] {strides = array<i32>} : memref<8x8x256xf32, #tpu.memory_space<vmem>>, vector<1x1x16xf32>,
        %swap3A_281 = vector.shape_cast %swap3A_280 : vector<1x1x16xf32> to vector<16xf32>
        %swap3A_282 = vector.shape_cast %add3A_275 : vector<16xf32> to vector<1x1x16xf32>
        tpu.vector_store %arg13[%swap3A_277, %swap3A_278, %swap3A_279], %swap3A_282 {strides = array<i32>} : memref<8x8x256xf32, #tpu.memory_space<vmem>>, vector<1x1x16xf32>,
        %get3A_283 = arith.constant 2 : i32
        %get3A_284 = arith.index_cast %scan3A_111 : i32 to index
        %get3A_285 = arith.index_cast %get3A_283 : i32 to index
        %get3A_286 = arith.constant 16 : index
        %get3A_287 = tpu.vector_load %arg11[%get3A_284, %get3A_285, %get3A_286] {strides = array<i32>} : memref<8x8x256xf32, #tpu.memory_space<vmem>>, vector<1x1x16xf32>,
        %get3A_288 = vector.shape_cast %get3A_287 : vector<1x1x16xf32> to vector<16xf32>
        %mul3A_289 = arith.mulf %get3A_288, %get3A_248 : vector<16xf32>
        %add3A_290 = arith.addf %mul3A_289, %get3A_252 : vector<16xf32>
        %swap3A_291 = arith.constant 2 : i32
        %swap3A_292 = arith.index_cast %scan3A_111 : i32 to index
        %swap3A_293 = arith.index_cast %swap3A_291 : i32 to index
        %swap3A_294 = arith.constant 16 : index
        %swap3A_295 = tpu.vector_load %arg13[%swap3A_292, %swap3A_293, %swap3A_294] {strides = array<i32>} : memref<8x8x256xf32, #tpu.memory_space<vmem>>, vector<1x1x16xf32>,
        %swap3A_296 = vector.shape_cast %swap3A_295 : vector<1x1x16xf32> to vector<16xf32>
        %swap3A_297 = vector.shape_cast %add3A_290 : vector<16xf32> to vector<1x1x16xf32>
        tpu.vector_store %arg13[%swap3A_292, %swap3A_293, %swap3A_294], %swap3A_297 {strides = array<i32>} : memref<8x8x256xf32, #tpu.memory_space<vmem>>, vector<1x1x16xf32>,
        %get3A_298 = arith.constant 3 : i32
        %get3A_299 = arith.index_cast %scan3A_111 : i32 to index
        %get3A_300 = arith.index_cast %get3A_298 : i32 to index
        %get3A_301 = arith.constant 16 : index
        %get3A_302 = tpu.vector_load %arg11[%get3A_299, %get3A_300, %get3A_301] {strides = array<i32>} : memref<8x8x256xf32, #tpu.memory_space<vmem>>, vector<1x1x16xf32>,
        %get3A_303 = vector.shape_cast %get3A_302 : vector<1x1x16xf32> to vector<16xf32>
        %mul3A_304 = arith.mulf %get3A_303, %get3A_248 : vector<16xf32>
        %add3A_305 = arith.addf %mul3A_304, %get3A_252 : vector<16xf32>
        %swap3A_306 = arith.constant 3 : i32
        %swap3A_307 = arith.index_cast %scan3A_111 : i32 to index
        %swap3A_308 = arith.index_cast %swap3A_306 : i32 to index
        %swap3A_309 = arith.constant 16 : index
        %swap3A_310 = tpu.vector_load %arg13[%swap3A_307, %swap3A_308, %swap3A_309] {strides = array<i32>} : memref<8x8x256xf32, #tpu.memory_space<vmem>>, vector<1x1x16xf32>,
        %swap3A_311 = vector.shape_cast %swap3A_310 : vector<1x1x16xf32> to vector<16xf32>
        %swap3A_312 = vector.shape_cast %add3A_305 : vector<16xf32> to vector<1x1x16xf32>
        tpu.vector_store %arg13[%swap3A_307, %swap3A_308, %swap3A_309], %swap3A_312 {strides = array<i32>} : memref<8x8x256xf32, #tpu.memory_space<vmem>>, vector<1x1x16xf32>,
        %get3A_313 = arith.constant 4 : i32
        %get3A_314 = arith.index_cast %scan3A_111 : i32 to index
        %get3A_315 = arith.index_cast %get3A_313 : i32 to index
        %get3A_316 = arith.constant 16 : index
        %get3A_317 = tpu.vector_load %arg11[%get3A_314, %get3A_315, %get3A_316] {strides = array<i32>} : memref<8x8x256xf32, #tpu.memory_space<vmem>>, vector<1x1x16xf32>,
        %get3A_318 = vector.shape_cast %get3A_317 : vector<1x1x16xf32> to vector<16xf32>
        %mul3A_319 = arith.mulf %get3A_318, %get3A_248 : vector<16xf32>
        %add3A_320 = arith.addf %mul3A_319, %get3A_252 : vector<16xf32>
        %swap3A_321 = arith.constant 4 : i32
        %swap3A_322 = arith.index_cast %scan3A_111 : i32 to index
        %swap3A_323 = arith.index_cast %swap3A_321 : i32 to index
        %swap3A_324 = arith.constant 16 : index
        %swap3A_325 = tpu.vector_load %arg13[%swap3A_322, %swap3A_323, %swap3A_324] {strides = array<i32>} : memref<8x8x256xf32, #tpu.memory_space<vmem>>, vector<1x1x16xf32>,
        %swap3A_326 = vector.shape_cast %swap3A_325 : vector<1x1x16xf32> to vector<16xf32>
        %swap3A_327 = vector.shape_cast %add3A_320 : vector<16xf32> to vector<1x1x16xf32>
        tpu.vector_store %arg13[%swap3A_322, %swap3A_323, %swap3A_324], %swap3A_327 {strides = array<i32>} : memref<8x8x256xf32, #tpu.memory_space<vmem>>, vector<1x1x16xf32>,
        %get3A_328 = arith.constant 5 : i32
        %get3A_329 = arith.index_cast %scan3A_111 : i32 to index
        %get3A_330 = arith.index_cast %get3A_328 : i32 to index
        %get3A_331 = arith.constant 16 : index
        %get3A_332 = tpu.vector_load %arg11[%get3A_329, %get3A_330, %get3A_331] {strides = array<i32>} : memref<8x8x256xf32, #tpu.memory_space<vmem>>, vector<1x1x16xf32>,
        %get3A_333 = vector.shape_cast %get3A_332 : vector<1x1x16xf32> to vector<16xf32>
        %mul3A_334 = arith.mulf %get3A_333, %get3A_248 : vector<16xf32>
        %add3A_335 = arith.addf %mul3A_334, %get3A_252 : vector<16xf32>
        %swap3A_336 = arith.constant 5 : i32
        %swap3A_337 = arith.index_cast %scan3A_111 : i32 to index
        %swap3A_338 = arith.index_cast %swap3A_336 : i32 to index
        %swap3A_339 = arith.constant 16 : index
        %swap3A_340 = tpu.vector_load %arg13[%swap3A_337, %swap3A_338, %swap3A_339] {strides = array<i32>} : memref<8x8x256xf32, #tpu.memory_space<vmem>>, vector<1x1x16xf32>,
        %swap3A_341 = vector.shape_cast %swap3A_340 : vector<1x1x16xf32> to vector<16xf32>
        %swap3A_342 = vector.shape_cast %add3A_335 : vector<16xf32> to vector<1x1x16xf32>
        tpu.vector_store %arg13[%swap3A_337, %swap3A_338, %swap3A_339], %swap3A_342 {strides = array<i32>} : memref<8x8x256xf32, #tpu.memory_space<vmem>>, vector<1x1x16xf32>,
        %get3A_343 = arith.constant 6 : i32
        %get3A_344 = arith.index_cast %scan3A_111 : i32 to index
        %get3A_345 = arith.index_cast %get3A_343 : i32 to index
        %get3A_346 = arith.constant 16 : index
        %get3A_347 = tpu.vector_load %arg11[%get3A_344, %get3A_345, %get3A_346] {strides = array<i32>} : memref<8x8x256xf32, #tpu.memory_space<vmem>>, vector<1x1x16xf32>,
        %get3A_348 = vector.shape_cast %get3A_347 : vector<1x1x16xf32> to vector<16xf32>
        %mul3A_349 = arith.mulf %get3A_348, %get3A_248 : vector<16xf32>
        %add3A_350 = arith.addf %mul3A_349, %get3A_252 : vector<16xf32>
        %swap3A_351 = arith.constant 6 : i32
        %swap3A_352 = arith.index_cast %scan3A_111 : i32 to index
        %swap3A_353 = arith.index_cast %swap3A_351 : i32 to index
        %swap3A_354 = arith.constant 16 : index
        %swap3A_355 = tpu.vector_load %arg13[%swap3A_352, %swap3A_353, %swap3A_354] {strides = array<i32>} : memref<8x8x256xf32, #tpu.memory_space<vmem>>, vector<1x1x16xf32>,
        %swap3A_356 = vector.shape_cast %swap3A_355 : vector<1x1x16xf32> to vector<16xf32>
        %swap3A_357 = vector.shape_cast %add3A_350 : vector<16xf32> to vector<1x1x16xf32>
        tpu.vector_store %arg13[%swap3A_352, %swap3A_353, %swap3A_354], %swap3A_357 {strides = array<i32>} : memref<8x8x256xf32, #tpu.memory_space<vmem>>, vector<1x1x16xf32>,
        %get3A_358 = arith.constant 7 : i32
        %get3A_359 = arith.index_cast %scan3A_111 : i32 to index
        %get3A_360 = arith.index_cast %get3A_358 : i32 to index
        %get3A_361 = arith.constant 16 : index
        %get3A_362 = tpu.vector_load %arg11[%get3A_359, %get3A_360, %get3A_361] {strides = array<i32>} : memref<8x8x256xf32, #tpu.memory_space<vmem>>, vector<1x1x16xf32>,
        %get3A_363 = vector.shape_cast %get3A_362 : vector<1x1x16xf32> to vector<16xf32>
        %mul3A_364 = arith.mulf %get3A_363, %get3A_248 : vector<16xf32>
        %add3A_365 = arith.addf %mul3A_364, %get3A_252 : vector<16xf32>
        %swap3A_366 = arith.constant 7 : i32
        %swap3A_367 = arith.index_cast %scan3A_111 : i32 to index
        %swap3A_368 = arith.index_cast %swap3A_366 : i32 to index
        %swap3A_369 = arith.constant 16 : index
        %swap3A_370 = tpu.vector_load %arg13[%swap3A_367, %swap3A_368, %swap3A_369] {strides = array<i32>} : memref<8x8x256xf32, #tpu.memory_space<vmem>>, vector<1x1x16xf32>,
        %swap3A_371 = vector.shape_cast %swap3A_370 : vector<1x1x16xf32> to vector<16xf32>
        %swap3A_372 = vector.shape_cast %add3A_365 : vector<16xf32> to vector<1x1x16xf32>
        tpu.vector_store %arg13[%swap3A_367, %swap3A_368, %swap3A_369], %swap3A_372 {strides = array<i32>} : memref<8x8x256xf32, #tpu.memory_space<vmem>>, vector<1x1x16xf32>,
        %get3A_373 = arith.index_cast %squeeze3A : i32 to index
        %get3A_374 = arith.constant 32 : index
        %get3A_375 = tpu.vector_load %arg7[%get3A_373, %get3A_374] {strides = array<i32>} : memref<4x256xf32, #tpu.memory_space<vmem>>, vector<1x16xf32>,
        %get3A_376 = vector.shape_cast %get3A_375 : vector<1x16xf32> to vector<16xf32>
        %get3A_377 = arith.index_cast %squeeze3A : i32 to index
        %get3A_378 = arith.constant 32 : index
        %get3A_379 = tpu.vector_load %arg8[%get3A_377, %get3A_378] {strides = array<i32>} : memref<4x256xf32, #tpu.memory_space<vmem>>, vector<1x16xf32>,
        %get3A_380 = vector.shape_cast %get3A_379 : vector<1x16xf32> to vector<16xf32>
        %get3A_381 = arith.constant 0 : i32
        %get3A_382 = arith.index_cast %scan3A_111 : i32 to index
        %get3A_383 = arith.index_cast %get3A_381 : i32 to index
        %get3A_384 = arith.constant 32 : index
        %get3A_385 = tpu.vector_load %arg11[%get3A_382, %get3A_383, %get3A_384] {strides = array<i32>} : memref<8x8x256xf32, #tpu.memory_space<vmem>>, vector<1x1x16xf32>,
        %get3A_386 = vector.shape_cast %get3A_385 : vector<1x1x16xf32> to vector<16xf32>
        %mul3A_387 = arith.mulf %get3A_386, %get3A_376 : vector<16xf32>
        %add3A_388 = arith.addf %mul3A_387, %get3A_380 : vector<16xf32>
        %swap3A_389 = arith.constant 0 : i32
        %swap3A_390 = arith.index_cast %scan3A_111 : i32 to index
        %swap3A_391 = arith.index_cast %swap3A_389 : i32 to index
        %swap3A_392 = arith.constant 32 : index
        %swap3A_393 = tpu.vector_load %arg13[%swap3A_390, %swap3A_391, %swap3A_392] {strides = array<i32>} : memref<8x8x256xf32, #tpu.memory_space<vmem>>, vector<1x1x16xf32>,
        %swap3A_394 = vector.shape_cast %swap3A_393 : vector<1x1x16xf32> to vector<16xf32>
        %swap3A_395 = vector.shape_cast %add3A_388 : vector<16xf32> to vector<1x1x16xf32>
        tpu.vector_store %arg13[%swap3A_390, %swap3A_391, %swap3A_392], %swap3A_395 {strides = array<i32>} : memref<8x8x256xf32, #tpu.memory_space<vmem>>, vector<1x1x16xf32>,
        %get3A_396 = arith.constant 1 : i32
        %get3A_397 = arith.index_cast %scan3A_111 : i32 to index
        %get3A_398 = arith.index_cast %get3A_396 : i32 to index
        %get3A_399 = arith.constant 32 : index
        %get3A_400 = tpu.vector_load %arg11[%get3A_397, %get3A_398, %get3A_399] {strides = array<i32>} : memref<8x8x256xf32, #tpu.memory_space<vmem>>, vector<1x1x16xf32>,
        %get3A_401 = vector.shape_cast %get3A_400 : vector<1x1x16xf32> to vector<16xf32>
        %mul3A_402 = arith.mulf %get3A_401, %get3A_376 : vector<16xf32>
        %add3A_403 = arith.addf %mul3A_402, %get3A_380 : vector<16xf32>
        %swap3A_404 = arith.constant 1 : i32
        %swap3A_405 = arith.index_cast %scan3A_111 : i32 to index
        %swap3A_406 = arith.index_cast %swap3A_404 : i32 to index
        %swap3A_407 = arith.constant 32 : index
        %swap3A_408 = tpu.vector_load %arg13[%swap3A_405, %swap3A_406, %swap3A_407] {strides = array<i32>} : memref<8x8x256xf32, #tpu.memory_space<vmem>>, vector<1x1x16xf32>,
        %swap3A_409 = vector.shape_cast %swap3A_408 : vector<1x1x16xf32> to vector<16xf32>
        %swap3A_410 = vector.shape_cast %add3A_403 : vector<16xf32> to vector<1x1x16xf32>
        tpu.vector_store %arg13[%swap3A_405, %swap3A_406, %swap3A_407], %swap3A_410 {strides = array<i32>} : memref<8x8x256xf32, #tpu.memory_space<vmem>>, vector<1x1x16xf32>,
        %get3A_411 = arith.constant 2 : i32
        %get3A_412 = arith.index_cast %scan3A_111 : i32 to index
        %get3A_413 = arith.index_cast %get3A_411 : i32 to index
        %get3A_414 = arith.constant 32 : index
        %get3A_415 = tpu.vector_load %arg11[%get3A_412, %get3A_413, %get3A_414] {strides = array<i32>} : memref<8x8x256xf32, #tpu.memory_space<vmem>>, vector<1x1x16xf32>,
        %get3A_416 = vector.shape_cast %get3A_415 : vector<1x1x16xf32> to vector<16xf32>
        %mul3A_417 = arith.mulf %get3A_416, %get3A_376 : vector<16xf32>
        %add3A_418 = arith.addf %mul3A_417, %get3A_380 : vector<16xf32>
        %swap3A_419 = arith.constant 2 : i32
        %swap3A_420 = arith.index_cast %scan3A_111 : i32 to index
        %swap3A_421 = arith.index_cast %swap3A_419 : i32 to index
        %swap3A_422 = arith.constant 32 : index
        %swap3A_423 = tpu.vector_load %arg13[%swap3A_420, %swap3A_421, %swap3A_422] {strides = array<i32>} : memref<8x8x256xf32, #tpu.memory_space<vmem>>, vector<1x1x16xf32>,
        %swap3A_424 = vector.shape_cast %swap3A_423 : vector<1x1x16xf32> to vector<16xf32>
        %swap3A_425 = vector.shape_cast %add3A_418 : vector<16xf32> to vector<1x1x16xf32>
        tpu.vector_store %arg13[%swap3A_420, %swap3A_421, %swap3A_422], %swap3A_425 {strides = array<i32>} : memref<8x8x256xf32, #tpu.memory_space<vmem>>, vector<1x1x16xf32>,
        %get3A_426 = arith.constant 3 : i32
        %get3A_427 = arith.index_cast %scan3A_111 : i32 to index
        %get3A_428 = arith.index_cast %get3A_426 : i32 to index
        %get3A_429 = arith.constant 32 : index
        %get3A_430 = tpu.vector_load %arg11[%get3A_427, %get3A_428, %get3A_429] {strides = array<i32>} : memref<8x8x256xf32, #tpu.memory_space<vmem>>, vector<1x1x16xf32>,
        %get3A_431 = vector.shape_cast %get3A_430 : vector<1x1x16xf32> to vector<16xf32>
        %mul3A_432 = arith.mulf %get3A_431, %get3A_376 : vector<16xf32>
        %add3A_433 = arith.addf %mul3A_432, %get3A_380 : vector<16xf32>
        %swap3A_434 = arith.constant 3 : i32
        %swap3A_435 = arith.index_cast %scan3A_111 : i32 to index
        %swap3A_436 = arith.index_cast %swap3A_434 : i32 to index
        %swap3A_437 = arith.constant 32 : index
        %swap3A_438 = tpu.vector_load %arg13[%swap3A_435, %swap3A_436, %swap3A_437] {strides = array<i32>} : memref<8x8x256xf32, #tpu.memory_space<vmem>>, vector<1x1x16xf32>,
        %swap3A_439 = vector.shape_cast %swap3A_438 : vector<1x1x16xf32> to vector<16xf32>
        %swap3A_440 = vector.shape_cast %add3A_433 : vector<16xf32> to vector<1x1x16xf32>
        tpu.vector_store %arg13[%swap3A_435, %swap3A_436, %swap3A_437], %swap3A_440 {strides = array<i32>} : memref<8x8x256xf32, #tpu.memory_space<vmem>>, vector<1x1x16xf32>,
        %get3A_441 = arith.constant 4 : i32
        %get3A_442 = arith.index_cast %scan3A_111 : i32 to index
        %get3A_443 = arith.index_cast %get3A_441 : i32 to index
        %get3A_444 = arith.constant 32 : index
        %get3A_445 = tpu.vector_load %arg11[%get3A_442, %get3A_443, %get3A_444] {strides = array<i32>} : memref<8x8x256xf32, #tpu.memory_space<vmem>>, vector<1x1x16xf32>,
        %get3A_446 = vector.shape_cast %get3A_445 : vector<1x1x16xf32> to vector<16xf32>
        %mul3A_447 = arith.mulf %get3A_446, %get3A_376 : vector<16xf32>
        %add3A_448 = arith.addf %mul3A_447, %get3A_380 : vector<16xf32>
        %swap3A_449 = arith.constant 4 : i32
        %swap3A_450 = arith.index_cast %scan3A_111 : i32 to index
        %swap3A_451 = arith.index_cast %swap3A_449 : i32 to index
        %swap3A_452 = arith.constant 32 : index
        %swap3A_453 = tpu.vector_load %arg13[%swap3A_450, %swap3A_451, %swap3A_452] {strides = array<i32>} : memref<8x8x256xf32, #tpu.memory_space<vmem>>, vector<1x1x16xf32>,
        %swap3A_454 = vector.shape_cast %swap3A_453 : vector<1x1x16xf32> to vector<16xf32>
        %swap3A_455 = vector.shape_cast %add3A_448 : vector<16xf32> to vector<1x1x16xf32>
        tpu.vector_store %arg13[%swap3A_450, %swap3A_451, %swap3A_452], %swap3A_455 {strides = array<i32>} : memref<8x8x256xf32, #tpu.memory_space<vmem>>, vector<1x1x16xf32>,
        %get3A_456 = arith.constant 5 : i32
        %get3A_457 = arith.index_cast %scan3A_111 : i32 to index
        %get3A_458 = arith.index_cast %get3A_456 : i32 to index
        %get3A_459 = arith.constant 32 : index
        %get3A_460 = tpu.vector_load %arg11[%get3A_457, %get3A_458, %get3A_459] {strides = array<i32>} : memref<8x8x256xf32, #tpu.memory_space<vmem>>, vector<1x1x16xf32>,
        %get3A_461 = vector.shape_cast %get3A_460 : vector<1x1x16xf32> to vector<16xf32>
        %mul3A_462 = arith.mulf %get3A_461, %get3A_376 : vector<16xf32>
        %add3A_463 = arith.addf %mul3A_462, %get3A_380 : vector<16xf32>
        %swap3A_464 = arith.constant 5 : i32
        %swap3A_465 = arith.index_cast %scan3A_111 : i32 to index
        %swap3A_466 = arith.index_cast %swap3A_464 : i32 to index
        %swap3A_467 = arith.constant 32 : index
        %swap3A_468 = tpu.vector_load %arg13[%swap3A_465, %swap3A_466, %swap3A_467] {strides = array<i32>} : memref<8x8x256xf32, #tpu.memory_space<vmem>>, vector<1x1x16xf32>,
        %swap3A_469 = vector.shape_cast %swap3A_468 : vector<1x1x16xf32> to vector<16xf32>
        %swap3A_470 = vector.shape_cast %add3A_463 : vector<16xf32> to vector<1x1x16xf32>
        tpu.vector_store %arg13[%swap3A_465, %swap3A_466, %swap3A_467], %swap3A_470 {strides = array<i32>} : memref<8x8x256xf32, #tpu.memory_space<vmem>>, vector<1x1x16xf32>,
        %get3A_471 = arith.constant 6 : i32
        %get3A_472 = arith.index_cast %scan3A_111 : i32 to index
        %get3A_473 = arith.index_cast %get3A_471 : i32 to index
        %get3A_474 = arith.constant 32 : index
        %get3A_475 = tpu.vector_load %arg11[%get3A_472, %get3A_473, %get3A_474] {strides = array<i32>} : memref<8x8x256xf32, #tpu.memory_space<vmem>>, vector<1x1x16xf32>,
        %get3A_476 = vector.shape_cast %get3A_475 : vector<1x1x16xf32> to vector<16xf32>
        %mul3A_477 = arith.mulf %get3A_476, %get3A_376 : vector<16xf32>
        %add3A_478 = arith.addf %mul3A_477, %get3A_380 : vector<16xf32>
        %swap3A_479 = arith.constant 6 : i32
        %swap3A_480 = arith.index_cast %scan3A_111 : i32 to index
        %swap3A_481 = arith.index_cast %swap3A_479 : i32 to index
        %swap3A_482 = arith.constant 32 : index
        %swap3A_483 = tpu.vector_load %arg13[%swap3A_480, %swap3A_481, %swap3A_482] {strides = array<i32>} : memref<8x8x256xf32, #tpu.memory_space<vmem>>, vector<1x1x16xf32>,
        %swap3A_484 = vector.shape_cast %swap3A_483 : vector<1x1x16xf32> to vector<16xf32>
        %swap3A_485 = vector.shape_cast %add3A_478 : vector<16xf32> to vector<1x1x16xf32>
        tpu.vector_store %arg13[%swap3A_480, %swap3A_481, %swap3A_482], %swap3A_485 {strides = array<i32>} : memref<8x8x256xf32, #tpu.memory_space<vmem>>, vector<1x1x16xf32>,
        %get3A_486 = arith.constant 7 : i32
        %get3A_487 = arith.index_cast %scan3A_111 : i32 to index
        %get3A_488 = arith.index_cast %get3A_486 : i32 to index
        %get3A_489 = arith.constant 32 : index
        %get3A_490 = tpu.vector_load %arg11[%get3A_487, %get3A_488, %get3A_489] {strides = array<i32>} : memref<8x8x256xf32, #tpu.memory_space<vmem>>, vector<1x1x16xf32>,
        %get3A_491 = vector.shape_cast %get3A_490 : vector<1x1x16xf32> to vector<16xf32>
        %mul3A_492 = arith.mulf %get3A_491, %get3A_376 : vector<16xf32>
        %add3A_493 = arith.addf %mul3A_492, %get3A_380 : vector<16xf32>
        %swap3A_494 = arith.constant 7 : i32
        %swap3A_495 = arith.index_cast %scan3A_111 : i32 to index
        %swap3A_496 = arith.index_cast %swap3A_494 : i32 to index
        %swap3A_497 = arith.constant 32 : index
        %swap3A_498 = tpu.vector_load %arg13[%swap3A_495, %swap3A_496, %swap3A_497] {strides = array<i32>} : memref<8x8x256xf32, #tpu.memory_space<vmem>>, vector<1x1x16xf32>,
        %swap3A_499 = vector.shape_cast %swap3A_498 : vector<1x1x16xf32> to vector<16xf32>
        %swap3A_500 = vector.shape_cast %add3A_493 : vector<16xf32> to vector<1x1x16xf32>
        tpu.vector_store %arg13[%swap3A_495, %swap3A_496, %swap3A_497], %swap3A_500 {strides = array<i32>} : memref<8x8x256xf32, #tpu.memory_space<vmem>>, vector<1x1x16xf32>,
        %get3A_501 = arith.index_cast %squeeze3A : i32 to index
        %get3A_502 = arith.constant 48 : index
        %get3A_503 = tpu.vector_load %arg7[%get3A_501, %get3A_502] {strides = array<i32>} : memref<4x256xf32, #tpu.memory_space<vmem>>, vector<1x16xf32>,
        %get3A_504 = vector.shape_cast %get3A_503 : vector<1x16xf32> to vector<16xf32>
        %get3A_505 = arith.index_cast %squeeze3A : i32 to index
        %get3A_506 = arith.constant 48 : index
        %get3A_507 = tpu.vector_load %arg8[%get3A_505, %get3A_506] {strides = array<i32>} : memref<4x256xf32, #tpu.memory_space<vmem>>, vector<1x16xf32>,
        %get3A_508 = vector.shape_cast %get3A_507 : vector<1x16xf32> to vector<16xf32>
        %get3A_509 = arith.constant 0 : i32
        %get3A_510 = arith.index_cast %scan3A_111 : i32 to index
        %get3A_511 = arith.index_cast %get3A_509 : i32 to index
        %get3A_512 = arith.constant 48 : index
        %get3A_513 = tpu.vector_load %arg11[%get3A_510, %get3A_511, %get3A_512] {strides = array<i32>} : memref<8x8x256xf32, #tpu.memory_space<vmem>>, vector<1x1x16xf32>,
        %get3A_514 = vector.shape_cast %get3A_513 : vector<1x1x16xf32> to vector<16xf32>
        %mul3A_515 = arith.mulf %get3A_514, %get3A_504 : vector<16xf32>
        %add3A_516 = arith.addf %mul3A_515, %get3A_508 : vector<16xf32>
        %swap3A_517 = arith.constant 0 : i32
        %swap3A_518 = arith.index_cast %scan3A_111 : i32 to index
        %swap3A_519 = arith.index_cast %swap3A_517 : i32 to index
        %swap3A_520 = arith.constant 48 : index
        %swap3A_521 = tpu.vector_load %arg13[%swap3A_518, %swap3A_519, %swap3A_520] {strides = array<i32>} : memref<8x8x256xf32, #tpu.memory_space<vmem>>, vector<1x1x16xf32>,
        %swap3A_522 = vector.shape_cast %swap3A_521 : vector<1x1x16xf32> to vector<16xf32>
        %swap3A_523 = vector.shape_cast %add3A_516 : vector<16xf32> to vector<1x1x16xf32>
        tpu.vector_store %arg13[%swap3A_518, %swap3A_519, %swap3A_520], %swap3A_523 {strides = array<i32>} : memref<8x8x256xf32, #tpu.memory_space<vmem>>, vector<1x1x16xf32>,
        %get3A_524 = arith.constant 1 : i32
        %get3A_525 = arith.index_cast %scan3A_111 : i32 to index
        %get3A_526 = arith.index_cast %get3A_524 : i32 to index
        %get3A_527 = arith.constant 48 : index
        %get3A_528 = tpu.vector_load %arg11[%get3A_525, %get3A_526, %get3A_527] {strides = array<i32>} : memref<8x8x256xf32, #tpu.memory_space<vmem>>, vector<1x1x16xf32>,
        %get3A_529 = vector.shape_cast %get3A_528 : vector<1x1x16xf32> to vector<16xf32>
        %mul3A_530 = arith.mulf %get3A_529, %get3A_504 : vector<16xf32>
        %add3A_531 = arith.addf %mul3A_530, %get3A_508 : vector<16xf32>
        %swap3A_532 = arith.constant 1 : i32
        %swap3A_533 = arith.index_cast %scan3A_111 : i32 to index
        %swap3A_534 = arith.index_cast %swap3A_532 : i32 to index
        %swap3A_535 = arith.constant 48 : index
        %swap3A_536 = tpu.vector_load %arg13[%swap3A_533, %swap3A_534, %swap3A_535] {strides = array<i32>} : memref<8x8x256xf32, #tpu.memory_space<vmem>>, vector<1x1x16xf32>,
        %swap3A_537 = vector.shape_cast %swap3A_536 : vector<1x1x16xf32> to vector<16xf32>
        %swap3A_538 = vector.shape_cast %add3A_531 : vector<16xf32> to vector<1x1x16xf32>
        tpu.vector_store %arg13[%swap3A_533, %swap3A_534, %swap3A_535], %swap3A_538 {strides = array<i32>} : memref<8x8x256xf32, #tpu.memory_space<vmem>>, vector<1x1x16xf32>,
        %get3A_539 = arith.constant 2 : i32
        %get3A_540 = arith.index_cast %scan3A_111 : i32 to index
        %get3A_541 = arith.index_cast %get3A_539 : i32 to index
        %get3A_542 = arith.constant 48 : index
        %get3A_543 = tpu.vector_load %arg11[%get3A_540, %get3A_541, %get3A_542] {strides = array<i32>} : memref<8x8x256xf32, #tpu.memory_space<vmem>>, vector<1x1x16xf32>,
        %get3A_544 = vector.shape_cast %get3A_543 : vector<1x1x16xf32> to vector<16xf32>
        %mul3A_545 = arith.mulf %get3A_544, %get3A_504 : vector<16xf32>
        %add3A_546 = arith.addf %mul3A_545, %get3A_508 : vector<16xf32>
        %swap3A_547 = arith.constant 2 : i32
        %swap3A_548 = arith.index_cast %scan3A_111 : i32 to index
        %swap3A_549 = arith.index_cast %swap3A_547 : i32 to index
        %swap3A_550 = arith.constant 48 : index
        %swap3A_551 = tpu.vector_load %arg13[%swap3A_548, %swap3A_549, %swap3A_550] {strides = array<i32>} : memref<8x8x256xf32, #tpu.memory_space<vmem>>, vector<1x1x16xf32>,
        %swap3A_552 = vector.shape_cast %swap3A_551 : vector<1x1x16xf32> to vector<16xf32>
        %swap3A_553 = vector.shape_cast %add3A_546 : vector<16xf32> to vector<1x1x16xf32>
        tpu.vector_store %arg13[%swap3A_548, %swap3A_549, %swap3A_550], %swap3A_553 {strides = array<i32>} : memref<8x8x256xf32, #tpu.memory_space<vmem>>, vector<1x1x16xf32>,
        %get3A_554 = arith.constant 3 : i32
        %get3A_555 = arith.index_cast %scan3A_111 : i32 to index
        %get3A_556 = arith.index_cast %get3A_554 : i32 to index
        %get3A_557 = arith.constant 48 : index
        %get3A_558 = tpu.vector_load %arg11[%get3A_555, %get3A_556, %get3A_557] {strides = array<i32>} : memref<8x8x256xf32, #tpu.memory_space<vmem>>, vector<1x1x16xf32>,
        %get3A_559 = vector.shape_cast %get3A_558 : vector<1x1x16xf32> to vector<16xf32>
        %mul3A_560 = arith.mulf %get3A_559, %get3A_504 : vector<16xf32>
        %add3A_561 = arith.addf %mul3A_560, %get3A_508 : vector<16xf32>
        %swap3A_562 = arith.constant 3 : i32
        %swap3A_563 = arith.index_cast %scan3A_111 : i32 to index
        %swap3A_564 = arith.index_cast %swap3A_562 : i32 to index
        %swap3A_565 = arith.constant 48 : index
        %swap3A_566 = tpu.vector_load %arg13[%swap3A_563, %swap3A_564, %swap3A_565] {strides = array<i32>} : memref<8x8x256xf32, #tpu.memory_space<vmem>>, vector<1x1x16xf32>,
        %swap3A_567 = vector.shape_cast %swap3A_566 : vector<1x1x16xf32> to vector<16xf32>
        %swap3A_568 = vector.shape_cast %add3A_561 : vector<16xf32> to vector<1x1x16xf32>
        tpu.vector_store %arg13[%swap3A_563, %swap3A_564, %swap3A_565], %swap3A_568 {strides = array<i32>} : memref<8x8x256xf32, #tpu.memory_space<vmem>>, vector<1x1x16xf32>,
        %get3A_569 = arith.constant 4 : i32
        %get3A_570 = arith.index_cast %scan3A_111 : i32 to index
        %get3A_571 = arith.index_cast %get3A_569 : i32 to index
        %get3A_572 = arith.constant 48 : index
        %get3A_573 = tpu.vector_load %arg11[%get3A_570, %get3A_571, %get3A_572] {strides = array<i32>} : memref<8x8x256xf32, #tpu.memory_space<vmem>>, vector<1x1x16xf32>,
        %get3A_574 = vector.shape_cast %get3A_573 : vector<1x1x16xf32> to vector<16xf32>
        %mul3A_575 = arith.mulf %get3A_574, %get3A_504 : vector<16xf32>
        %add3A_576 = arith.addf %mul3A_575, %get3A_508 : vector<16xf32>
        %swap3A_577 = arith.constant 4 : i32
        %swap3A_578 = arith.index_cast %scan3A_111 : i32 to index
        %swap3A_579 = arith.index_cast %swap3A_577 : i32 to index
        %swap3A_580 = arith.constant 48 : index
        %swap3A_581 = tpu.vector_load %arg13[%swap3A_578, %swap3A_579, %swap3A_580] {strides = array<i32>} : memref<8x8x256xf32, #tpu.memory_space<vmem>>, vector<1x1x16xf32>,
        %swap3A_582 = vector.shape_cast %swap3A_581 : vector<1x1x16xf32> to vector<16xf32>
        %swap3A_583 = vector.shape_cast %add3A_576 : vector<16xf32> to vector<1x1x16xf32>
        tpu.vector_store %arg13[%swap3A_578, %swap3A_579, %swap3A_580], %swap3A_583 {strides = array<i32>} : memref<8x8x256xf32, #tpu.memory_space<vmem>>, vector<1x1x16xf32>,
        %get3A_584 = arith.constant 5 : i32
        %get3A_585 = arith.index_cast %scan3A_111 : i32 to index
        %get3A_586 = arith.index_cast %get3A_584 : i32 to index
        %get3A_587 = arith.constant 48 : index
        %get3A_588 = tpu.vector_load %arg11[%get3A_585, %get3A_586, %get3A_587] {strides = array<i32>} : memref<8x8x256xf32, #tpu.memory_space<vmem>>, vector<1x1x16xf32>,
        %get3A_589 = vector.shape_cast %get3A_588 : vector<1x1x16xf32> to vector<16xf32>
        %mul3A_590 = arith.mulf %get3A_589, %get3A_504 : vector<16xf32>
        %add3A_591 = arith.addf %mul3A_590, %get3A_508 : vector<16xf32>
        %swap3A_592 = arith.constant 5 : i32
        %swap3A_593 = arith.index_cast %scan3A_111 : i32 to index
        %swap3A_594 = arith.index_cast %swap3A_592 : i32 to index
        %swap3A_595 = arith.constant 48 : index
        %swap3A_596 = tpu.vector_load %arg13[%swap3A_593, %swap3A_594, %swap3A_595] {strides = array<i32>} : memref<8x8x256xf32, #tpu.memory_space<vmem>>, vector<1x1x16xf32>,
        %swap3A_597 = vector.shape_cast %swap3A_596 : vector<1x1x16xf32> to vector<16xf32>
        %swap3A_598 = vector.shape_cast %add3A_591 : vector<16xf32> to vector<1x1x16xf32>
        tpu.vector_store %arg13[%swap3A_593, %swap3A_594, %swap3A_595], %swap3A_598 {strides = array<i32>} : memref<8x8x256xf32, #tpu.memory_space<vmem>>, vector<1x1x16xf32>,
        %get3A_599 = arith.constant 6 : i32
        %get3A_600 = arith.index_cast %scan3A_111 : i32 to index
        %get3A_601 = arith.index_cast %get3A_599 : i32 to index
        %get3A_602 = arith.constant 48 : index
        %get3A_603 = tpu.vector_load %arg11[%get3A_600, %get3A_601, %get3A_602] {strides = array<i32>} : memref<8x8x256xf32, #tpu.memory_space<vmem>>, vector<1x1x16xf32>,
        %get3A_604 = vector.shape_cast %get3A_603 : vector<1x1x16xf32> to vector<16xf32>
        %mul3A_605 = arith.mulf %get3A_604, %get3A_504 : vector<16xf32>
        %add3A_606 = arith.addf %mul3A_605, %get3A_508 : vector<16xf32>
        %swap3A_607 = arith.constant 6 : i32
        %swap3A_608 = arith.index_cast %scan3A_111 : i32 to index
        %swap3A_609 = arith.index_cast %swap3A_607 : i32 to index
        %swap3A_610 = arith.constant 48 : index
        %swap3A_611 = tpu.vector_load %arg13[%swap3A_608, %swap3A_609, %swap3A_610] {strides = array<i32>} : memref<8x8x256xf32, #tpu.memory_space<vmem>>, vector<1x1x16xf32>,
        %swap3A_612 = vector.shape_cast %swap3A_611 : vector<1x1x16xf32> to vector<16xf32>
        %swap3A_613 = vector.shape_cast %add3A_606 : vector<16xf32> to vector<1x1x16xf32>
        tpu.vector_store %arg13[%swap3A_608, %swap3A_609, %swap3A_610], %swap3A_613 {strides = array<i32>} : memref<8x8x256xf32, #tpu.memory_space<vmem>>, vector<1x1x16xf32>,
        %get3A_614 = arith.constant 7 : i32
        %get3A_615 = arith.index_cast %scan3A_111 : i32 to index
        %get3A_616 = arith.index_cast %get3A_614 : i32 to index
        %get3A_617 = arith.constant 48 : index
        %get3A_618 = tpu.vector_load %arg11[%get3A_615, %get3A_616, %get3A_617] {strides = array<i32>} : memref<8x8x256xf32, #tpu.memory_space<vmem>>, vector<1x1x16xf32>,
        %get3A_619 = vector.shape_cast %get3A_618 : vector<1x1x16xf32> to vector<16xf32>
        %mul3A_620 = arith.mulf %get3A_619, %get3A_504 : vector<16xf32>
        %add3A_621 = arith.addf %mul3A_620, %get3A_508 : vector<16xf32>
        %swap3A_622 = arith.constant 7 : i32
        %swap3A_623 = arith.index_cast %scan3A_111 : i32 to index
        %swap3A_624 = arith.index_cast %swap3A_622 : i32 to index
        %swap3A_625 = arith.constant 48 : index
        %swap3A_626 = tpu.vector_load %arg13[%swap3A_623, %swap3A_624, %swap3A_625] {strides = array<i32>} : memref<8x8x256xf32, #tpu.memory_space<vmem>>, vector<1x1x16xf32>,
        %swap3A_627 = vector.shape_cast %swap3A_626 : vector<1x1x16xf32> to vector<16xf32>
        %swap3A_628 = vector.shape_cast %add3A_621 : vector<16xf32> to vector<1x1x16xf32>
        tpu.vector_store %arg13[%swap3A_623, %swap3A_624, %swap3A_625], %swap3A_628 {strides = array<i32>} : memref<8x8x256xf32, #tpu.memory_space<vmem>>, vector<1x1x16xf32>,
        %get3A_629 = arith.index_cast %squeeze3A : i32 to index
        %get3A_630 = arith.constant 64 : index
        %get3A_631 = tpu.vector_load %arg7[%get3A_629, %get3A_630] {strides = array<i32>} : memref<4x256xf32, #tpu.memory_space<vmem>>, vector<1x16xf32>,
        %get3A_632 = vector.shape_cast %get3A_631 : vector<1x16xf32> to vector<16xf32>
        %get3A_633 = arith.index_cast %squeeze3A : i32 to index
        %get3A_634 = arith.constant 64 : index
        %get3A_635 = tpu.vector_load %arg8[%get3A_633, %get3A_634] {strides = array<i32>} : memref<4x256xf32, #tpu.memory_space<vmem>>, vector<1x16xf32>,
        %get3A_636 = vector.shape_cast %get3A_635 : vector<1x16xf32> to vector<16xf32>
        %get3A_637 = arith.constant 0 : i32
        %get3A_638 = arith.index_cast %scan3A_111 : i32 to index
        %get3A_639 = arith.index_cast %get3A_637 : i32 to index
        %get3A_640 = arith.constant 64 : index
        %get3A_641 = tpu.vector_load %arg11[%get3A_638, %get3A_639, %get3A_640] {strides = array<i32>} : memref<8x8x256xf32, #tpu.memory_space<vmem>>, vector<1x1x16xf32>,
        %get3A_642 = vector.shape_cast %get3A_641 : vector<1x1x16xf32> to vector<16xf32>
        %mul3A_643 = arith.mulf %get3A_642, %get3A_632 : vector<16xf32>
        %add3A_644 = arith.addf %mul3A_643, %get3A_636 : vector<16xf32>
        %swap3A_645 = arith.constant 0 : i32
        %swap3A_646 = arith.index_cast %scan3A_111 : i32 to index
        %swap3A_647 = arith.index_cast %swap3A_645 : i32 to index
        %swap3A_648 = arith.constant 64 : index
        %swap3A_649 = tpu.vector_load %arg13[%swap3A_646, %swap3A_647, %swap3A_648] {strides = array<i32>} : memref<8x8x256xf32, #tpu.memory_space<vmem>>, vector<1x1x16xf32>,
        %swap3A_650 = vector.shape_cast %swap3A_649 : vector<1x1x16xf32> to vector<16xf32>
        %swap3A_651 = vector.shape_cast %add3A_644 : vector<16xf32> to vector<1x1x16xf32>
        tpu.vector_store %arg13[%swap3A_646, %swap3A_647, %swap3A_648], %swap3A_651 {strides = array<i32>} : memref<8x8x256xf32, #tpu.memory_space<vmem>>, vector<1x1x16xf32>,
        %get3A_652 = arith.constant 1 : i32
        %get3A_653 = arith.index_cast %scan3A_111 : i32 to index
        %get3A_654 = arith.index_cast %get3A_652 : i32 to index
        %get3A_655 = arith.constant 64 : index
        %get3A_656 = tpu.vector_load %arg11[%get3A_653, %get3A_654, %get3A_655] {strides = array<i32>} : memref<8x8x256xf32, #tpu.memory_space<vmem>>, vector<1x1x16xf32>,
        %get3A_657 = vector.shape_cast %get3A_656 : vector<1x1x16xf32> to vector<16xf32>
        %mul3A_658 = arith.mulf %get3A_657, %get3A_632 : vector<16xf32>
        %add3A_659 = arith.addf %mul3A_658, %get3A_636 : vector<16xf32>
        %swap3A_660 = arith.constant 1 : i32
        %swap3A_661 = arith.index_cast %scan3A_111 : i32 to index
        %swap3A_662 = arith.index_cast %swap3A_660 : i32 to index
        %swap3A_663 = arith.constant 64 : index
        %swap3A_664 = tpu.vector_load %arg13[%swap3A_661, %swap3A_662, %swap3A_663] {strides = array<i32>} : memref<8x8x256xf32, #tpu.memory_space<vmem>>, vector<1x1x16xf32>,
        %swap3A_665 = vector.shape_cast %swap3A_664 : vector<1x1x16xf32> to vector<16xf32>
        %swap3A_666 = vector.shape_cast %add3A_659 : vector<16xf32> to vector<1x1x16xf32>
        tpu.vector_store %arg13[%swap3A_661, %swap3A_662, %swap3A_663], %swap3A_666 {strides = array<i32>} : memref<8x8x256xf32, #tpu.memory_space<vmem>>, vector<1x1x16xf32>,
        %get3A_667 = arith.constant 2 : i32
        %get3A_668 = arith.index_cast %scan3A_111 : i32 to index
        %get3A_669 = arith.index_cast %get3A_667 : i32 to index
        %get3A_670 = arith.constant 64 : index
        %get3A_671 = tpu.vector_load %arg11[%get3A_668, %get3A_669, %get3A_670] {strides = array<i32>} : memref<8x8x256xf32, #tpu.memory_space<vmem>>, vector<1x1x16xf32>,
        %get3A_672 = vector.shape_cast %get3A_671 : vector<1x1x16xf32> to vector<16xf32>
        %mul3A_673 = arith.mulf %get3A_672, %get3A_632 : vector<16xf32>
        %add3A_674 = arith.addf %mul3A_673, %get3A_636 : vector<16xf32>
        %swap3A_675 = arith.constant 2 : i32
        %swap3A_676 = arith.index_cast %scan3A_111 : i32 to index
        %swap3A_677 = arith.index_cast %swap3A_675 : i32 to index
        %swap3A_678 = arith.constant 64 : index
        %swap3A_679 = tpu.vector_load %arg13[%swap3A_676, %swap3A_677, %swap3A_678] {strides = array<i32>} : memref<8x8x256xf32, #tpu.memory_space<vmem>>, vector<1x1x16xf32>,
        %swap3A_680 = vector.shape_cast %swap3A_679 : vector<1x1x16xf32> to vector<16xf32>
        %swap3A_681 = vector.shape_cast %add3A_674 : vector<16xf32> to vector<1x1x16xf32>
        tpu.vector_store %arg13[%swap3A_676, %swap3A_677, %swap3A_678], %swap3A_681 {strides = array<i32>} : memref<8x8x256xf32, #tpu.memory_space<vmem>>, vector<1x1x16xf32>,
        %get3A_682 = arith.constant 3 : i32
        %get3A_683 = arith.index_cast %scan3A_111 : i32 to index
        %get3A_684 = arith.index_cast %get3A_682 : i32 to index
        %get3A_685 = arith.constant 64 : index
        %get3A_686 = tpu.vector_load %arg11[%get3A_683, %get3A_684, %get3A_685] {strides = array<i32>} : memref<8x8x256xf32, #tpu.memory_space<vmem>>, vector<1x1x16xf32>,
        %get3A_687 = vector.shape_cast %get3A_686 : vector<1x1x16xf32> to vector<16xf32>
        %mul3A_688 = arith.mulf %get3A_687, %get3A_632 : vector<16xf32>
        %add3A_689 = arith.addf %mul3A_688, %get3A_636 : vector<16xf32>
        %swap3A_690 = arith.constant 3 : i32
        %swap3A_691 = arith.index_cast %scan3A_111 : i32 to index
        %swap3A_692 = arith.index_cast %swap3A_690 : i32 to index
        %swap3A_693 = arith.constant 64 : index
        %swap3A_694 = tpu.vector_load %arg13[%swap3A_691, %swap3A_692, %swap3A_693] {strides = array<i32>} : memref<8x8x256xf32, #tpu.memory_space<vmem>>, vector<1x1x16xf32>,
        %swap3A_695 = vector.shape_cast %swap3A_694 : vector<1x1x16xf32> to vector<16xf32>
        %swap3A_696 = vector.shape_cast %add3A_689 : vector<16xf32> to vector<1x1x16xf32>
        tpu.vector_store %arg13[%swap3A_691, %swap3A_692, %swap3A_693], %swap3A_696 {strides = array<i32>} : memref<8x8x256xf32, #tpu.memory_space<vmem>>, vector<1x1x16xf32>,
        %get3A_697 = arith.constant 4 : i32
        %get3A_698 = arith.index_cast %scan3A_111 : i32 to index
        %get3A_699 = arith.index_cast %get3A_697 : i32 to index
        %get3A_700 = arith.constant 64 : index
        %get3A_701 = tpu.vector_load %arg11[%get3A_698, %get3A_699, %get3A_700] {strides = array<i32>} : memref<8x8x256xf32, #tpu.memory_space<vmem>>, vector<1x1x16xf32>,
        %get3A_702 = vector.shape_cast %get3A_701 : vector<1x1x16xf32> to vector<16xf32>
        %mul3A_703 = arith.mulf %get3A_702, %get3A_632 : vector<16xf32>
        %add3A_704 = arith.addf %mul3A_703, %get3A_636 : vector<16xf32>
        %swap3A_705 = arith.constant 4 : i32
        %swap3A_706 = arith.index_cast %scan3A_111 : i32 to index
        %swap3A_707 = arith.index_cast %swap3A_705 : i32 to index
        %swap3A_708 = arith.constant 64 : index
        %swap3A_709 = tpu.vector_load %arg13[%swap3A_706, %swap3A_707, %swap3A_708] {strides = array<i32>} : memref<8x8x256xf32, #tpu.memory_space<vmem>>, vector<1x1x16xf32>,
        %swap3A_710 = vector.shape_cast %swap3A_709 : vector<1x1x16xf32> to vector<16xf32>
        %swap3A_711 = vector.shape_cast %add3A_704 : vector<16xf32> to vector<1x1x16xf32>
        tpu.vector_store %arg13[%swap3A_706, %swap3A_707, %swap3A_708], %swap3A_711 {strides = array<i32>} : memref<8x8x256xf32, #tpu.memory_space<vmem>>, vector<1x1x16xf32>,
        %get3A_712 = arith.constant 5 : i32
        %get3A_713 = arith.index_cast %scan3A_111 : i32 to index
        %get3A_714 = arith.index_cast %get3A_712 : i32 to index
        %get3A_715 = arith.constant 64 : index
        %get3A_716 = tpu.vector_load %arg11[%get3A_713, %get3A_714, %get3A_715] {strides = array<i32>} : memref<8x8x256xf32, #tpu.memory_space<vmem>>, vector<1x1x16xf32>,
        %get3A_717 = vector.shape_cast %get3A_716 : vector<1x1x16xf32> to vector<16xf32>
        %mul3A_718 = arith.mulf %get3A_717, %get3A_632 : vector<16xf32>
        %add3A_719 = arith.addf %mul3A_718, %get3A_636 : vector<16xf32>
        %swap3A_720 = arith.constant 5 : i32
        %swap3A_721 = arith.index_cast %scan3A_111 : i32 to index
        %swap3A_722 = arith.index_cast %swap3A_720 : i32 to index
        %swap3A_723 = arith.constant 64 : index
        %swap3A_724 = tpu.vector_load %arg13[%swap3A_721, %swap3A_722, %swap3A_723] {strides = array<i32>} : memref<8x8x256xf32, #tpu.memory_space<vmem>>, vector<1x1x16xf32>,
        %swap3A_725 = vector.shape_cast %swap3A_724 : vector<1x1x16xf32> to vector<16xf32>
        %swap3A_726 = vector.shape_cast %add3A_719 : vector<16xf32> to vector<1x1x16xf32>
        tpu.vector_store %arg13[%swap3A_721, %swap3A_722, %swap3A_723], %swap3A_726 {strides = array<i32>} : memref<8x8x256xf32, #tpu.memory_space<vmem>>, vector<1x1x16xf32>,
        %get3A_727 = arith.constant 6 : i32
        %get3A_728 = arith.index_cast %scan3A_111 : i32 to index
        %get3A_729 = arith.index_cast %get3A_727 : i32 to index
        %get3A_730 = arith.constant 64 : index
        %get3A_731 = tpu.vector_load %arg11[%get3A_728, %get3A_729, %get3A_730] {strides = array<i32>} : memref<8x8x256xf32, #tpu.memory_space<vmem>>, vector<1x1x16xf32>,
        %get3A_732 = vector.shape_cast %get3A_731 : vector<1x1x16xf32> to vector<16xf32>
        %mul3A_733 = arith.mulf %get3A_732, %get3A_632 : vector<16xf32>
        %add3A_734 = arith.addf %mul3A_733, %get3A_636 : vector<16xf32>
        %swap3A_735 = arith.constant 6 : i32
        %swap3A_736 = arith.index_cast %scan3A_111 : i32 to index
        %swap3A_737 = arith.index_cast %swap3A_735 : i32 to index
        %swap3A_738 = arith.constant 64 : index
        %swap3A_739 = tpu.vector_load %arg13[%swap3A_736, %swap3A_737, %swap3A_738] {strides = array<i32>} : memref<8x8x256xf32, #tpu.memory_space<vmem>>, vector<1x1x16xf32>,
        %swap3A_740 = vector.shape_cast %swap3A_739 : vector<1x1x16xf32> to vector<16xf32>
        %swap3A_741 = vector.shape_cast %add3A_734 : vector<16xf32> to vector<1x1x16xf32>
        tpu.vector_store %arg13[%swap3A_736, %swap3A_737, %swap3A_738], %swap3A_741 {strides = array<i32>} : memref<8x8x256xf32, #tpu.memory_space<vmem>>, vector<1x1x16xf32>,
        %get3A_742 = arith.constant 7 : i32
        %get3A_743 = arith.index_cast %scan3A_111 : i32 to index
        %get3A_744 = arith.index_cast %get3A_742 : i32 to index
        %get3A_745 = arith.constant 64 : index
        %get3A_746 = tpu.vector_load %arg11[%get3A_743, %get3A_744, %get3A_745] {strides = array<i32>} : memref<8x8x256xf32, #tpu.memory_space<vmem>>, vector<1x1x16xf32>,
        %get3A_747 = vector.shape_cast %get3A_746 : vector<1x1x16xf32> to vector<16xf32>
        %mul3A_748 = arith.mulf %get3A_747, %get3A_632 : vector<16xf32>
        %add3A_749 = arith.addf %mul3A_748, %get3A_636 : vector<16xf32>
        %swap3A_750 = arith.constant 7 : i32
        %swap3A_751 = arith.index_cast %scan3A_111 : i32 to index
        %swap3A_752 = arith.index_cast %swap3A_750 : i32 to index
        %swap3A_753 = arith.constant 64 : index
        %swap3A_754 = tpu.vector_load %arg13[%swap3A_751, %swap3A_752, %swap3A_753] {strides = array<i32>} : memref<8x8x256xf32, #tpu.memory_space<vmem>>, vector<1x1x16xf32>,
        %swap3A_755 = vector.shape_cast %swap3A_754 : vector<1x1x16xf32> to vector<16xf32>
        %swap3A_756 = vector.shape_cast %add3A_749 : vector<16xf32> to vector<1x1x16xf32>
        tpu.vector_store %arg13[%swap3A_751, %swap3A_752, %swap3A_753], %swap3A_756 {strides = array<i32>} : memref<8x8x256xf32, #tpu.memory_space<vmem>>, vector<1x1x16xf32>,
        %get3A_757 = arith.index_cast %squeeze3A : i32 to index
        %get3A_758 = arith.constant 80 : index
        %get3A_759 = tpu.vector_load %arg7[%get3A_757, %get3A_758] {strides = array<i32>} : memref<4x256xf32, #tpu.memory_space<vmem>>, vector<1x16xf32>,
        %get3A_760 = vector.shape_cast %get3A_759 : vector<1x16xf32> to vector<16xf32>
        %get3A_761 = arith.index_cast %squeeze3A : i32 to index
        %get3A_762 = arith.constant 80 : index
        %get3A_763 = tpu.vector_load %arg8[%get3A_761, %get3A_762] {strides = array<i32>} : memref<4x256xf32, #tpu.memory_space<vmem>>, vector<1x16xf32>,
        %get3A_764 = vector.shape_cast %get3A_763 : vector<1x16xf32> to vector<16xf32>
        %get3A_765 = arith.constant 0 : i32
        %get3A_766 = arith.index_cast %scan3A_111 : i32 to index
        %get3A_767 = arith.index_cast %get3A_765 : i32 to index
        %get3A_768 = arith.constant 80 : index
        %get3A_769 = tpu.vector_load %arg11[%get3A_766, %get3A_767, %get3A_768] {strides = array<i32>} : memref<8x8x256xf32, #tpu.memory_space<vmem>>, vector<1x1x16xf32>,
        %get3A_770 = vector.shape_cast %get3A_769 : vector<1x1x16xf32> to vector<16xf32>
        %mul3A_771 = arith.mulf %get3A_770, %get3A_760 : vector<16xf32>
        %add3A_772 = arith.addf %mul3A_771, %get3A_764 : vector<16xf32>
        %swap3A_773 = arith.constant 0 : i32
        %swap3A_774 = arith.index_cast %scan3A_111 : i32 to index
        %swap3A_775 = arith.index_cast %swap3A_773 : i32 to index
        %swap3A_776 = arith.constant 80 : index
        %swap3A_777 = tpu.vector_load %arg13[%swap3A_774, %swap3A_775, %swap3A_776] {strides = array<i32>} : memref<8x8x256xf32, #tpu.memory_space<vmem>>, vector<1x1x16xf32>,
        %swap3A_778 = vector.shape_cast %swap3A_777 : vector<1x1x16xf32> to vector<16xf32>
        %swap3A_779 = vector.shape_cast %add3A_772 : vector<16xf32> to vector<1x1x16xf32>
        tpu.vector_store %arg13[%swap3A_774, %swap3A_775, %swap3A_776], %swap3A_779 {strides = array<i32>} : memref<8x8x256xf32, #tpu.memory_space<vmem>>, vector<1x1x16xf32>,
        %get3A_780 = arith.constant 1 : i32
        %get3A_781 = arith.index_cast %scan3A_111 : i32 to index
        %get3A_782 = arith.index_cast %get3A_780 : i32 to index
        %get3A_783 = arith.constant 80 : index
        %get3A_784 = tpu.vector_load %arg11[%get3A_781, %get3A_782, %get3A_783] {strides = array<i32>} : memref<8x8x256xf32, #tpu.memory_space<vmem>>, vector<1x1x16xf32>,
        %get3A_785 = vector.shape_cast %get3A_784 : vector<1x1x16xf32> to vector<16xf32>
        %mul3A_786 = arith.mulf %get3A_785, %get3A_760 : vector<16xf32>
        %add3A_787 = arith.addf %mul3A_786, %get3A_764 : vector<16xf32>
        %swap3A_788 = arith.constant 1 : i32
        %swap3A_789 = arith.index_cast %scan3A_111 : i32 to index
        %swap3A_790 = arith.index_cast %swap3A_788 : i32 to index
        %swap3A_791 = arith.constant 80 : index
        %swap3A_792 = tpu.vector_load %arg13[%swap3A_789, %swap3A_790, %swap3A_791] {strides = array<i32>} : memref<8x8x256xf32, #tpu.memory_space<vmem>>, vector<1x1x16xf32>,
        %swap3A_793 = vector.shape_cast %swap3A_792 : vector<1x1x16xf32> to vector<16xf32>
        %swap3A_794 = vector.shape_cast %add3A_787 : vector<16xf32> to vector<1x1x16xf32>
        tpu.vector_store %arg13[%swap3A_789, %swap3A_790, %swap3A_791], %swap3A_794 {strides = array<i32>} : memref<8x8x256xf32, #tpu.memory_space<vmem>>, vector<1x1x16xf32>,
        %get3A_795 = arith.constant 2 : i32
        %get3A_796 = arith.index_cast %scan3A_111 : i32 to index
        %get3A_797 = arith.index_cast %get3A_795 : i32 to index
        %get3A_798 = arith.constant 80 : index
        %get3A_799 = tpu.vector_load %arg11[%get3A_796, %get3A_797, %get3A_798] {strides = array<i32>} : memref<8x8x256xf32, #tpu.memory_space<vmem>>, vector<1x1x16xf32>,
        %get3A_800 = vector.shape_cast %get3A_799 : vector<1x1x16xf32> to vector<16xf32>
        %mul3A_801 = arith.mulf %get3A_800, %get3A_760 : vector<16xf32>
        %add3A_802 = arith.addf %mul3A_801, %get3A_764 : vector<16xf32>
        %swap3A_803 = arith.constant 2 : i32
        %swap3A_804 = arith.index_cast %scan3A_111 : i32 to index
        %swap3A_805 = arith.index_cast %swap3A_803 : i32 to index
        %swap3A_806 = arith.constant 80 : index
        %swap3A_807 = tpu.vector_load %arg13[%swap3A_804, %swap3A_805, %swap3A_806] {strides = array<i32>} : memref<8x8x256xf32, #tpu.memory_space<vmem>>, vector<1x1x16xf32>,
        %swap3A_808 = vector.shape_cast %swap3A_807 : vector<1x1x16xf32> to vector<16xf32>
        %swap3A_809 = vector.shape_cast %add3A_802 : vector<16xf32> to vector<1x1x16xf32>
        tpu.vector_store %arg13[%swap3A_804, %swap3A_805, %swap3A_806], %swap3A_809 {strides = array<i32>} : memref<8x8x256xf32, #tpu.memory_space<vmem>>, vector<1x1x16xf32>,
        %get3A_810 = arith.constant 3 : i32
        %get3A_811 = arith.index_cast %scan3A_111 : i32 to index
        %get3A_812 = arith.index_cast %get3A_810 : i32 to index
        %get3A_813 = arith.constant 80 : index
        %get3A_814 = tpu.vector_load %arg11[%get3A_811, %get3A_812, %get3A_813] {strides = array<i32>} : memref<8x8x256xf32, #tpu.memory_space<vmem>>, vector<1x1x16xf32>,
        %get3A_815 = vector.shape_cast %get3A_814 : vector<1x1x16xf32> to vector<16xf32>
        %mul3A_816 = arith.mulf %get3A_815, %get3A_760 : vector<16xf32>
        %add3A_817 = arith.addf %mul3A_816, %get3A_764 : vector<16xf32>
        %swap3A_818 = arith.constant 3 : i32
        %swap3A_819 = arith.index_cast %scan3A_111 : i32 to index
        %swap3A_820 = arith.index_cast %swap3A_818 : i32 to index
        %swap3A_821 = arith.constant 80 : index
        %swap3A_822 = tpu.vector_load %arg13[%swap3A_819, %swap3A_820, %swap3A_821] {strides = array<i32>} : memref<8x8x256xf32, #tpu.memory_space<vmem>>, vector<1x1x16xf32>,
        %swap3A_823 = vector.shape_cast %swap3A_822 : vector<1x1x16xf32> to vector<16xf32>
        %swap3A_824 = vector.shape_cast %add3A_817 : vector<16xf32> to vector<1x1x16xf32>
        tpu.vector_store %arg13[%swap3A_819, %swap3A_820, %swap3A_821], %swap3A_824 {strides = array<i32>} : memref<8x8x256xf32, #tpu.memory_space<vmem>>, vector<1x1x16xf32>,
        %get3A_825 = arith.constant 4 : i32
        %get3A_826 = arith.index_cast %scan3A_111 : i32 to index
        %get3A_827 = arith.index_cast %get3A_825 : i32 to index
        %get3A_828 = arith.constant 80 : index
        %get3A_829 = tpu.vector_load %arg11[%get3A_826, %get3A_827, %get3A_828] {strides = array<i32>} : memref<8x8x256xf32, #tpu.memory_space<vmem>>, vector<1x1x16xf32>,
        %get3A_830 = vector.shape_cast %get3A_829 : vector<1x1x16xf32> to vector<16xf32>
        %mul3A_831 = arith.mulf %get3A_830, %get3A_760 : vector<16xf32>
        %add3A_832 = arith.addf %mul3A_831, %get3A_764 : vector<16xf32>
        %swap3A_833 = arith.constant 4 : i32
        %swap3A_834 = arith.index_cast %scan3A_111 : i32 to index
        %swap3A_835 = arith.index_cast %swap3A_833 : i32 to index
        %swap3A_836 = arith.constant 80 : index
        %swap3A_837 = tpu.vector_load %arg13[%swap3A_834, %swap3A_835, %swap3A_836] {strides = array<i32>} : memref<8x8x256xf32, #tpu.memory_space<vmem>>, vector<1x1x16xf32>,
        %swap3A_838 = vector.shape_cast %swap3A_837 : vector<1x1x16xf32> to vector<16xf32>
        %swap3A_839 = vector.shape_cast %add3A_832 : vector<16xf32> to vector<1x1x16xf32>
        tpu.vector_store %arg13[%swap3A_834, %swap3A_835, %swap3A_836], %swap3A_839 {strides = array<i32>} : memref<8x8x256xf32, #tpu.memory_space<vmem>>, vector<1x1x16xf32>,
        %get3A_840 = arith.constant 5 : i32
        %get3A_841 = arith.index_cast %scan3A_111 : i32 to index
        %get3A_842 = arith.index_cast %get3A_840 : i32 to index
        %get3A_843 = arith.constant 80 : index
        %get3A_844 = tpu.vector_load %arg11[%get3A_841, %get3A_842, %get3A_843] {strides = array<i32>} : memref<8x8x256xf32, #tpu.memory_space<vmem>>, vector<1x1x16xf32>,
        %get3A_845 = vector.shape_cast %get3A_844 : vector<1x1x16xf32> to vector<16xf32>
        %mul3A_846 = arith.mulf %get3A_845, %get3A_760 : vector<16xf32>
        %add3A_847 = arith.addf %mul3A_846, %get3A_764 : vector<16xf32>
        %swap3A_848 = arith.constant 5 : i32
        %swap3A_849 = arith.index_cast %scan3A_111 : i32 to index
        %swap3A_850 = arith.index_cast %swap3A_848 : i32 to index
        %swap3A_851 = arith.constant 80 : index
        %swap3A_852 = tpu.vector_load %arg13[%swap3A_849, %swap3A_850, %swap3A_851] {strides = array<i32>} : memref<8x8x256xf32, #tpu.memory_space<vmem>>, vector<1x1x16xf32>,
        %swap3A_853 = vector.shape_cast %swap3A_852 : vector<1x1x16xf32> to vector<16xf32>
        %swap3A_854 = vector.shape_cast %add3A_847 : vector<16xf32> to vector<1x1x16xf32>
        tpu.vector_store %arg13[%swap3A_849, %swap3A_850, %swap3A_851], %swap3A_854 {strides = array<i32>} : memref<8x8x256xf32, #tpu.memory_space<vmem>>, vector<1x1x16xf32>,
        %get3A_855 = arith.constant 6 : i32
        %get3A_856 = arith.index_cast %scan3A_111 : i32 to index
        %get3A_857 = arith.index_cast %get3A_855 : i32 to index
        %get3A_858 = arith.constant 80 : index
        %get3A_859 = tpu.vector_load %arg11[%get3A_856, %get3A_857, %get3A_858] {strides = array<i32>} : memref<8x8x256xf32, #tpu.memory_space<vmem>>, vector<1x1x16xf32>,
        %get3A_860 = vector.shape_cast %get3A_859 : vector<1x1x16xf32> to vector<16xf32>
        %mul3A_861 = arith.mulf %get3A_860, %get3A_760 : vector<16xf32>
        %add3A_862 = arith.addf %mul3A_861, %get3A_764 : vector<16xf32>
        %swap3A_863 = arith.constant 6 : i32
        %swap3A_864 = arith.index_cast %scan3A_111 : i32 to index
        %swap3A_865 = arith.index_cast %swap3A_863 : i32 to index
        %swap3A_866 = arith.constant 80 : index
        %swap3A_867 = tpu.vector_load %arg13[%swap3A_864, %swap3A_865, %swap3A_866] {strides = array<i32>} : memref<8x8x256xf32, #tpu.memory_space<vmem>>, vector<1x1x16xf32>,
        %swap3A_868 = vector.shape_cast %swap3A_867 : vector<1x1x16xf32> to vector<16xf32>
        %swap3A_869 = vector.shape_cast %add3A_862 : vector<16xf32> to vector<1x1x16xf32>
        tpu.vector_store %arg13[%swap3A_864, %swap3A_865, %swap3A_866], %swap3A_869 {strides = array<i32>} : memref<8x8x256xf32, #tpu.memory_space<vmem>>, vector<1x1x16xf32>,
        %get3A_870 = arith.constant 7 : i32
        %get3A_871 = arith.index_cast %scan3A_111 : i32 to index
        %get3A_872 = arith.index_cast %get3A_870 : i32 to index
        %get3A_873 = arith.constant 80 : index
        %get3A_874 = tpu.vector_load %arg11[%get3A_871, %get3A_872, %get3A_873] {strides = array<i32>} : memref<8x8x256xf32, #tpu.memory_space<vmem>>, vector<1x1x16xf32>,
        %get3A_875 = vector.shape_cast %get3A_874 : vector<1x1x16xf32> to vector<16xf32>
        %mul3A_876 = arith.mulf %get3A_875, %get3A_760 : vector<16xf32>
        %add3A_877 = arith.addf %mul3A_876, %get3A_764 : vector<16xf32>
        %swap3A_878 = arith.constant 7 : i32
        %swap3A_879 = arith.index_cast %scan3A_111 : i32 to index
        %swap3A_880 = arith.index_cast %swap3A_878 : i32 to index
        %swap3A_881 = arith.constant 80 : index
        %swap3A_882 = tpu.vector_load %arg13[%swap3A_879, %swap3A_880, %swap3A_881] {strides = array<i32>} : memref<8x8x256xf32, #tpu.memory_space<vmem>>, vector<1x1x16xf32>,
        %swap3A_883 = vector.shape_cast %swap3A_882 : vector<1x1x16xf32> to vector<16xf32>
        %swap3A_884 = vector.shape_cast %add3A_877 : vector<16xf32> to vector<1x1x16xf32>
        tpu.vector_store %arg13[%swap3A_879, %swap3A_880, %swap3A_881], %swap3A_884 {strides = array<i32>} : memref<8x8x256xf32, #tpu.memory_space<vmem>>, vector<1x1x16xf32>,
        %get3A_885 = arith.index_cast %squeeze3A : i32 to index
        %get3A_886 = arith.constant 96 : index
        %get3A_887 = tpu.vector_load %arg7[%get3A_885, %get3A_886] {strides = array<i32>} : memref<4x256xf32, #tpu.memory_space<vmem>>, vector<1x16xf32>,
        %get3A_888 = vector.shape_cast %get3A_887 : vector<1x16xf32> to vector<16xf32>
        %get3A_889 = arith.index_cast %squeeze3A : i32 to index
        %get3A_890 = arith.constant 96 : index
        %get3A_891 = tpu.vector_load %arg8[%get3A_889, %get3A_890] {strides = array<i32>} : memref<4x256xf32, #tpu.memory_space<vmem>>, vector<1x16xf32>,
        %get3A_892 = vector.shape_cast %get3A_891 : vector<1x16xf32> to vector<16xf32>
        %get3A_893 = arith.constant 0 : i32
        %get3A_894 = arith.index_cast %scan3A_111 : i32 to index
        %get3A_895 = arith.index_cast %get3A_893 : i32 to index
        %get3A_896 = arith.constant 96 : index
        %get3A_897 = tpu.vector_load %arg11[%get3A_894, %get3A_895, %get3A_896] {strides = array<i32>} : memref<8x8x256xf32, #tpu.memory_space<vmem>>, vector<1x1x16xf32>,
        %get3A_898 = vector.shape_cast %get3A_897 : vector<1x1x16xf32> to vector<16xf32>
        %mul3A_899 = arith.mulf %get3A_898, %get3A_888 : vector<16xf32>
        %add3A_900 = arith.addf %mul3A_899, %get3A_892 : vector<16xf32>
        %swap3A_901 = arith.constant 0 : i32
        %swap3A_902 = arith.index_cast %scan3A_111 : i32 to index
        %swap3A_903 = arith.index_cast %swap3A_901 : i32 to index
        %swap3A_904 = arith.constant 96 : index
        %swap3A_905 = tpu.vector_load %arg13[%swap3A_902, %swap3A_903, %swap3A_904] {strides = array<i32>} : memref<8x8x256xf32, #tpu.memory_space<vmem>>, vector<1x1x16xf32>,
        %swap3A_906 = vector.shape_cast %swap3A_905 : vector<1x1x16xf32> to vector<16xf32>
        %swap3A_907 = vector.shape_cast %add3A_900 : vector<16xf32> to vector<1x1x16xf32>
        tpu.vector_store %arg13[%swap3A_902, %swap3A_903, %swap3A_904], %swap3A_907 {strides = array<i32>} : memref<8x8x256xf32, #tpu.memory_space<vmem>>, vector<1x1x16xf32>,
        %get3A_908 = arith.constant 1 : i32
        %get3A_909 = arith.index_cast %scan3A_111 : i32 to index
        %get3A_910 = arith.index_cast %get3A_908 : i32 to index
        %get3A_911 = arith.constant 96 : index
        %get3A_912 = tpu.vector_load %arg11[%get3A_909, %get3A_910, %get3A_911] {strides = array<i32>} : memref<8x8x256xf32, #tpu.memory_space<vmem>>, vector<1x1x16xf32>,
        %get3A_913 = vector.shape_cast %get3A_912 : vector<1x1x16xf32> to vector<16xf32>
        %mul3A_914 = arith.mulf %get3A_913, %get3A_888 : vector<16xf32>
        %add3A_915 = arith.addf %mul3A_914, %get3A_892 : vector<16xf32>
        %swap3A_916 = arith.constant 1 : i32
        %swap3A_917 = arith.index_cast %scan3A_111 : i32 to index
        %swap3A_918 = arith.index_cast %swap3A_916 : i32 to index
        %swap3A_919 = arith.constant 96 : index
        %swap3A_920 = tpu.vector_load %arg13[%swap3A_917, %swap3A_918, %swap3A_919] {strides = array<i32>} : memref<8x8x256xf32, #tpu.memory_space<vmem>>, vector<1x1x16xf32>,
        %swap3A_921 = vector.shape_cast %swap3A_920 : vector<1x1x16xf32> to vector<16xf32>
        %swap3A_922 = vector.shape_cast %add3A_915 : vector<16xf32> to vector<1x1x16xf32>
        tpu.vector_store %arg13[%swap3A_917, %swap3A_918, %swap3A_919], %swap3A_922 {strides = array<i32>} : memref<8x8x256xf32, #tpu.memory_space<vmem>>, vector<1x1x16xf32>,
        %get3A_923 = arith.constant 2 : i32
        %get3A_924 = arith.index_cast %scan3A_111 : i32 to index
        %get3A_925 = arith.index_cast %get3A_923 : i32 to index
        %get3A_926 = arith.constant 96 : index
        %get3A_927 = tpu.vector_load %arg11[%get3A_924, %get3A_925, %get3A_926] {strides = array<i32>} : memref<8x8x256xf32, #tpu.memory_space<vmem>>, vector<1x1x16xf32>,
        %get3A_928 = vector.shape_cast %get3A_927 : vector<1x1x16xf32> to vector<16xf32>
        %mul3A_929 = arith.mulf %get3A_928, %get3A_888 : vector<16xf32>
        %add3A_930 = arith.addf %mul3A_929, %get3A_892 : vector<16xf32>
        %swap3A_931 = arith.constant 2 : i32
        %swap3A_932 = arith.index_cast %scan3A_111 : i32 to index
        %swap3A_933 = arith.index_cast %swap3A_931 : i32 to index
        %swap3A_934 = arith.constant 96 : index
        %swap3A_935 = tpu.vector_load %arg13[%swap3A_932, %swap3A_933, %swap3A_934] {strides = array<i32>} : memref<8x8x256xf32, #tpu.memory_space<vmem>>, vector<1x1x16xf32>,
        %swap3A_936 = vector.shape_cast %swap3A_935 : vector<1x1x16xf32> to vector<16xf32>
        %swap3A_937 = vector.shape_cast %add3A_930 : vector<16xf32> to vector<1x1x16xf32>
        tpu.vector_store %arg13[%swap3A_932, %swap3A_933, %swap3A_934], %swap3A_937 {strides = array<i32>} : memref<8x8x256xf32, #tpu.memory_space<vmem>>, vector<1x1x16xf32>,
        %get3A_938 = arith.constant 3 : i32
        %get3A_939 = arith.index_cast %scan3A_111 : i32 to index
        %get3A_940 = arith.index_cast %get3A_938 : i32 to index
        %get3A_941 = arith.constant 96 : index
        %get3A_942 = tpu.vector_load %arg11[%get3A_939, %get3A_940, %get3A_941] {strides = array<i32>} : memref<8x8x256xf32, #tpu.memory_space<vmem>>, vector<1x1x16xf32>,
        %get3A_943 = vector.shape_cast %get3A_942 : vector<1x1x16xf32> to vector<16xf32>
        %mul3A_944 = arith.mulf %get3A_943, %get3A_888 : vector<16xf32>
        %add3A_945 = arith.addf %mul3A_944, %get3A_892 : vector<16xf32>
        %swap3A_946 = arith.constant 3 : i32
        %swap3A_947 = arith.index_cast %scan3A_111 : i32 to index
        %swap3A_948 = arith.index_cast %swap3A_946 : i32 to index
        %swap3A_949 = arith.constant 96 : index
        %swap3A_950 = tpu.vector_load %arg13[%swap3A_947, %swap3A_948, %swap3A_949] {strides = array<i32>} : memref<8x8x256xf32, #tpu.memory_space<vmem>>, vector<1x1x16xf32>,
        %swap3A_951 = vector.shape_cast %swap3A_950 : vector<1x1x16xf32> to vector<16xf32>
        %swap3A_952 = vector.shape_cast %add3A_945 : vector<16xf32> to vector<1x1x16xf32>
        tpu.vector_store %arg13[%swap3A_947, %swap3A_948, %swap3A_949], %swap3A_952 {strides = array<i32>} : memref<8x8x256xf32, #tpu.memory_space<vmem>>, vector<1x1x16xf32>,
        %get3A_953 = arith.constant 4 : i32
        %get3A_954 = arith.index_cast %scan3A_111 : i32 to index
        %get3A_955 = arith.index_cast %get3A_953 : i32 to index
        %get3A_956 = arith.constant 96 : index
        %get3A_957 = tpu.vector_load %arg11[%get3A_954, %get3A_955, %get3A_956] {strides = array<i32>} : memref<8x8x256xf32, #tpu.memory_space<vmem>>, vector<1x1x16xf32>,
        %get3A_958 = vector.shape_cast %get3A_957 : vector<1x1x16xf32> to vector<16xf32>
        %mul3A_959 = arith.mulf %get3A_958, %get3A_888 : vector<16xf32>
        %add3A_960 = arith.addf %mul3A_959, %get3A_892 : vector<16xf32>
        %swap3A_961 = arith.constant 4 : i32
        %swap3A_962 = arith.index_cast %scan3A_111 : i32 to index
        %swap3A_963 = arith.index_cast %swap3A_961 : i32 to index
        %swap3A_964 = arith.constant 96 : index
        %swap3A_965 = tpu.vector_load %arg13[%swap3A_962, %swap3A_963, %swap3A_964] {strides = array<i32>} : memref<8x8x256xf32, #tpu.memory_space<vmem>>, vector<1x1x16xf32>,
        %swap3A_966 = vector.shape_cast %swap3A_965 : vector<1x1x16xf32> to vector<16xf32>
        %swap3A_967 = vector.shape_cast %add3A_960 : vector<16xf32> to vector<1x1x16xf32>
        tpu.vector_store %arg13[%swap3A_962, %swap3A_963, %swap3A_964], %swap3A_967 {strides = array<i32>} : memref<8x8x256xf32, #tpu.memory_space<vmem>>, vector<1x1x16xf32>,
        %get3A_968 = arith.constant 5 : i32
        %get3A_969 = arith.index_cast %scan3A_111 : i32 to index
        %get3A_970 = arith.index_cast %get3A_968 : i32 to index
        %get3A_971 = arith.constant 96 : index
        %get3A_972 = tpu.vector_load %arg11[%get3A_969, %get3A_970, %get3A_971] {strides = array<i32>} : memref<8x8x256xf32, #tpu.memory_space<vmem>>, vector<1x1x16xf32>,
        %get3A_973 = vector.shape_cast %get3A_972 : vector<1x1x16xf32> to vector<16xf32>
        %mul3A_974 = arith.mulf %get3A_973, %get3A_888 : vector<16xf32>
        %add3A_975 = arith.addf %mul3A_974, %get3A_892 : vector<16xf32>
        %swap3A_976 = arith.constant 5 : i32
        %swap3A_977 = arith.index_cast %scan3A_111 : i32 to index
        %swap3A_978 = arith.index_cast %swap3A_976 : i32 to index
        %swap3A_979 = arith.constant 96 : index
        %swap3A_980 = tpu.vector_load %arg13[%swap3A_977, %swap3A_978, %swap3A_979] {strides = array<i32>} : memref<8x8x256xf32, #tpu.memory_space<vmem>>, vector<1x1x16xf32>,
        %swap3A_981 = vector.shape_cast %swap3A_980 : vector<1x1x16xf32> to vector<16xf32>
        %swap3A_982 = vector.shape_cast %add3A_975 : vector<16xf32> to vector<1x1x16xf32>
        tpu.vector_store %arg13[%swap3A_977, %swap3A_978, %swap3A_979], %swap3A_982 {strides = array<i32>} : memref<8x8x256xf32, #tpu.memory_space<vmem>>, vector<1x1x16xf32>,
        %get3A_983 = arith.constant 6 : i32
        %get3A_984 = arith.index_cast %scan3A_111 : i32 to index
        %get3A_985 = arith.index_cast %get3A_983 : i32 to index
        %get3A_986 = arith.constant 96 : index
        %get3A_987 = tpu.vector_load %arg11[%get3A_984, %get3A_985, %get3A_986] {strides = array<i32>} : memref<8x8x256xf32, #tpu.memory_space<vmem>>, vector<1x1x16xf32>,
        %get3A_988 = vector.shape_cast %get3A_987 : vector<1x1x16xf32> to vector<16xf32>
        %mul3A_989 = arith.mulf %get3A_988, %get3A_888 : vector<16xf32>
        %add3A_990 = arith.addf %mul3A_989, %get3A_892 : vector<16xf32>
        %swap3A_991 = arith.constant 6 : i32
        %swap3A_992 = arith.index_cast %scan3A_111 : i32 to index
        %swap3A_993 = arith.index_cast %swap3A_991 : i32 to index
        %swap3A_994 = arith.constant 96 : index
        %swap3A_995 = tpu.vector_load %arg13[%swap3A_992, %swap3A_993, %swap3A_994] {strides = array<i32>} : memref<8x8x256xf32, #tpu.memory_space<vmem>>, vector<1x1x16xf32>,
        %swap3A_996 = vector.shape_cast %swap3A_995 : vector<1x1x16xf32> to vector<16xf32>
        %swap3A_997 = vector.shape_cast %add3A_990 : vector<16xf32> to vector<1x1x16xf32>
        tpu.vector_store %arg13[%swap3A_992, %swap3A_993, %swap3A_994], %swap3A_997 {strides = array<i32>} : memref<8x8x256xf32, #tpu.memory_space<vmem>>, vector<1x1x16xf32>,
        %get3A_998 = arith.constant 7 : i32
        %get3A_999 = arith.index_cast %scan3A_111 : i32 to index
        %get3A_1000 = arith.index_cast %get3A_998 : i32 to index
        %get3A_1001 = arith.constant 96 : index
        %get3A_1002 = tpu.vector_load %arg11[%get3A_999, %get3A_1000, %get3A_1001] {strides = array<i32>} : memref<8x8x256xf32, #tpu.memory_space<vmem>>, vector<1x1x16xf32>,
        %get3A_1003 = vector.shape_cast %get3A_1002 : vector<1x1x16xf32> to vector<16xf32>
        %mul3A_1004 = arith.mulf %get3A_1003, %get3A_888 : vector<16xf32>
        %add3A_1005 = arith.addf %mul3A_1004, %get3A_892 : vector<16xf32>
        %swap3A_1006 = arith.constant 7 : i32
        %swap3A_1007 = arith.index_cast %scan3A_111 : i32 to index
        %swap3A_1008 = arith.index_cast %swap3A_1006 : i32 to index
        %swap3A_1009 = arith.constant 96 : index
        %swap3A_1010 = tpu.vector_load %arg13[%swap3A_1007, %swap3A_1008, %swap3A_1009] {strides = array<i32>} : memref<8x8x256xf32, #tpu.memory_space<vmem>>, vector<1x1x16xf32>,
        %swap3A_1011 = vector.shape_cast %swap3A_1010 : vector<1x1x16xf32> to vector<16xf32>
        %swap3A_1012 = vector.shape_cast %add3A_1005 : vector<16xf32> to vector<1x1x16xf32>
        tpu.vector_store %arg13[%swap3A_1007, %swap3A_1008, %swap3A_1009], %swap3A_1012 {strides = array<i32>} : memref<8x8x256xf32, #tpu.memory_space<vmem>>, vector<1x1x16xf32>,
        %get3A_1013 = arith.index_cast %squeeze3A : i32 to index
        %get3A_1014 = arith.constant 112 : index
        %get3A_1015 = tpu.vector_load %arg7[%get3A_1013, %get3A_1014] {strides = array<i32>} : memref<4x256xf32, #tpu.memory_space<vmem>>, vector<1x16xf32>,
        %get3A_1016 = vector.shape_cast %get3A_1015 : vector<1x16xf32> to vector<16xf32>
        %get3A_1017 = arith.index_cast %squeeze3A : i32 to index
        %get3A_1018 = arith.constant 112 : index
        %get3A_1019 = tpu.vector_load %arg8[%get3A_1017, %get3A_1018] {strides = array<i32>} : memref<4x256xf32, #tpu.memory_space<vmem>>, vector<1x16xf32>,
        %get3A_1020 = vector.shape_cast %get3A_1019 : vector<1x16xf32> to vector<16xf32>
        %get3A_1021 = arith.constant 0 : i32
        %get3A_1022 = arith.index_cast %scan3A_111 : i32 to index
        %get3A_1023 = arith.index_cast %get3A_1021 : i32 to index
        %get3A_1024 = arith.constant 112 : index
        %get3A_1025 = tpu.vector_load %arg11[%get3A_1022, %get3A_1023, %get3A_1024] {strides = array<i32>} : memref<8x8x256xf32, #tpu.memory_space<vmem>>, vector<1x1x16xf32>,
        %get3A_1026 = vector.shape_cast %get3A_1025 : vector<1x1x16xf32> to vector<16xf32>
        %mul3A_1027 = arith.mulf %get3A_1026, %get3A_1016 : vector<16xf32>
        %add3A_1028 = arith.addf %mul3A_1027, %get3A_1020 : vector<16xf32>
        %swap3A_1029 = arith.constant 0 : i32
        %swap3A_1030 = arith.index_cast %scan3A_111 : i32 to index
        %swap3A_1031 = arith.index_cast %swap3A_1029 : i32 to index
        %swap3A_1032 = arith.constant 112 : index
        %swap3A_1033 = tpu.vector_load %arg13[%swap3A_1030, %swap3A_1031, %swap3A_1032] {strides = array<i32>} : memref<8x8x256xf32, #tpu.memory_space<vmem>>, vector<1x1x16xf32>,
        %swap3A_1034 = vector.shape_cast %swap3A_1033 : vector<1x1x16xf32> to vector<16xf32>
        %swap3A_1035 = vector.shape_cast %add3A_1028 : vector<16xf32> to vector<1x1x16xf32>
        tpu.vector_store %arg13[%swap3A_1030, %swap3A_1031, %swap3A_1032], %swap3A_1035 {strides = array<i32>} : memref<8x8x256xf32, #tpu.memory_space<vmem>>, vector<1x1x16xf32>,
        %get3A_1036 = arith.constant 1 : i32
        %get3A_1037 = arith.index_cast %scan3A_111 : i32 to index
        %get3A_1038 = arith.index_cast %get3A_1036 : i32 to index
        %get3A_1039 = arith.constant 112 : index
        %get3A_1040 = tpu.vector_load %arg11[%get3A_1037, %get3A_1038, %get3A_1039] {strides = array<i32>} : memref<8x8x256xf32, #tpu.memory_space<vmem>>, vector<1x1x16xf32>,
        %get3A_1041 = vector.shape_cast %get3A_1040 : vector<1x1x16xf32> to vector<16xf32>
        %mul3A_1042 = arith.mulf %get3A_1041, %get3A_1016 : vector<16xf32>
        %add3A_1043 = arith.addf %mul3A_1042, %get3A_1020 : vector<16xf32>
        %swap3A_1044 = arith.constant 1 : i32
        %swap3A_1045 = arith.index_cast %scan3A_111 : i32 to index
        %swap3A_1046 = arith.index_cast %swap3A_1044 : i32 to index
        %swap3A_1047 = arith.constant 112 : index
        %swap3A_1048 = tpu.vector_load %arg13[%swap3A_1045, %swap3A_1046, %swap3A_1047] {strides = array<i32>} : memref<8x8x256xf32, #tpu.memory_space<vmem>>, vector<1x1x16xf32>,
        %swap3A_1049 = vector.shape_cast %swap3A_1048 : vector<1x1x16xf32> to vector<16xf32>
        %swap3A_1050 = vector.shape_cast %add3A_1043 : vector<16xf32> to vector<1x1x16xf32>
        tpu.vector_store %arg13[%swap3A_1045, %swap3A_1046, %swap3A_1047], %swap3A_1050 {strides = array<i32>} : memref<8x8x256xf32, #tpu.memory_space<vmem>>, vector<1x1x16xf32>,
        %get3A_1051 = arith.constant 2 : i32
        %get3A_1052 = arith.index_cast %scan3A_111 : i32 to index
        %get3A_1053 = arith.index_cast %get3A_1051 : i32 to index
        %get3A_1054 = arith.constant 112 : index
        %get3A_1055 = tpu.vector_load %arg11[%get3A_1052, %get3A_1053, %get3A_1054] {strides = array<i32>} : memref<8x8x256xf32, #tpu.memory_space<vmem>>, vector<1x1x16xf32>,
        %get3A_1056 = vector.shape_cast %get3A_1055 : vector<1x1x16xf32> to vector<16xf32>
        %mul3A_1057 = arith.mulf %get3A_1056, %get3A_1016 : vector<16xf32>
        %add3A_1058 = arith.addf %mul3A_1057, %get3A_1020 : vector<16xf32>
        %swap3A_1059 = arith.constant 2 : i32
        %swap3A_1060 = arith.index_cast %scan3A_111 : i32 to index
        %swap3A_1061 = arith.index_cast %swap3A_1059 : i32 to index
        %swap3A_1062 = arith.constant 112 : index
        %swap3A_1063 = tpu.vector_load %arg13[%swap3A_1060, %swap3A_1061, %swap3A_1062] {strides = array<i32>} : memref<8x8x256xf32, #tpu.memory_space<vmem>>, vector<1x1x16xf32>,
        %swap3A_1064 = vector.shape_cast %swap3A_1063 : vector<1x1x16xf32> to vector<16xf32>
        %swap3A_1065 = vector.shape_cast %add3A_1058 : vector<16xf32> to vector<1x1x16xf32>
        tpu.vector_store %arg13[%swap3A_1060, %swap3A_1061, %swap3A_1062], %swap3A_1065 {strides = array<i32>} : memref<8x8x256xf32, #tpu.memory_space<vmem>>, vector<1x1x16xf32>,
        %get3A_1066 = arith.constant 3 : i32
        %get3A_1067 = arith.index_cast %scan3A_111 : i32 to index
        %get3A_1068 = arith.index_cast %get3A_1066 : i32 to index
        %get3A_1069 = arith.constant 112 : index
        %get3A_1070 = tpu.vector_load %arg11[%get3A_1067, %get3A_1068, %get3A_1069] {strides = array<i32>} : memref<8x8x256xf32, #tpu.memory_space<vmem>>, vector<1x1x16xf32>,
        %get3A_1071 = vector.shape_cast %get3A_1070 : vector<1x1x16xf32> to vector<16xf32>
        %mul3A_1072 = arith.mulf %get3A_1071, %get3A_1016 : vector<16xf32>
        %add3A_1073 = arith.addf %mul3A_1072, %get3A_1020 : vector<16xf32>
        %swap3A_1074 = arith.constant 3 : i32
        %swap3A_1075 = arith.index_cast %scan3A_111 : i32 to index
        %swap3A_1076 = arith.index_cast %swap3A_1074 : i32 to index
        %swap3A_1077 = arith.constant 112 : index
        %swap3A_1078 = tpu.vector_load %arg13[%swap3A_1075, %swap3A_1076, %swap3A_1077] {strides = array<i32>} : memref<8x8x256xf32, #tpu.memory_space<vmem>>, vector<1x1x16xf32>,
        %swap3A_1079 = vector.shape_cast %swap3A_1078 : vector<1x1x16xf32> to vector<16xf32>
        %swap3A_1080 = vector.shape_cast %add3A_1073 : vector<16xf32> to vector<1x1x16xf32>
        tpu.vector_store %arg13[%swap3A_1075, %swap3A_1076, %swap3A_1077], %swap3A_1080 {strides = array<i32>} : memref<8x8x256xf32, #tpu.memory_space<vmem>>, vector<1x1x16xf32>,
        %get3A_1081 = arith.constant 4 : i32
        %get3A_1082 = arith.index_cast %scan3A_111 : i32 to index
        %get3A_1083 = arith.index_cast %get3A_1081 : i32 to index
        %get3A_1084 = arith.constant 112 : index
        %get3A_1085 = tpu.vector_load %arg11[%get3A_1082, %get3A_1083, %get3A_1084] {strides = array<i32>} : memref<8x8x256xf32, #tpu.memory_space<vmem>>, vector<1x1x16xf32>,
        %get3A_1086 = vector.shape_cast %get3A_1085 : vector<1x1x16xf32> to vector<16xf32>
        %mul3A_1087 = arith.mulf %get3A_1086, %get3A_1016 : vector<16xf32>
        %add3A_1088 = arith.addf %mul3A_1087, %get3A_1020 : vector<16xf32>
        %swap3A_1089 = arith.constant 4 : i32
        %swap3A_1090 = arith.index_cast %scan3A_111 : i32 to index
        %swap3A_1091 = arith.index_cast %swap3A_1089 : i32 to index
        %swap3A_1092 = arith.constant 112 : index
        %swap3A_1093 = tpu.vector_load %arg13[%swap3A_1090, %swap3A_1091, %swap3A_1092] {strides = array<i32>} : memref<8x8x256xf32, #tpu.memory_space<vmem>>, vector<1x1x16xf32>,
        %swap3A_1094 = vector.shape_cast %swap3A_1093 : vector<1x1x16xf32> to vector<16xf32>
        %swap3A_1095 = vector.shape_cast %add3A_1088 : vector<16xf32> to vector<1x1x16xf32>
        tpu.vector_store %arg13[%swap3A_1090, %swap3A_1091, %swap3A_1092], %swap3A_1095 {strides = array<i32>} : memref<8x8x256xf32, #tpu.memory_space<vmem>>, vector<1x1x16xf32>,
        %get3A_1096 = arith.constant 5 : i32
        %get3A_1097 = arith.index_cast %scan3A_111 : i32 to index
        %get3A_1098 = arith.index_cast %get3A_1096 : i32 to index
        %get3A_1099 = arith.constant 112 : index
        %get3A_1100 = tpu.vector_load %arg11[%get3A_1097, %get3A_1098, %get3A_1099] {strides = array<i32>} : memref<8x8x256xf32, #tpu.memory_space<vmem>>, vector<1x1x16xf32>,
        %get3A_1101 = vector.shape_cast %get3A_1100 : vector<1x1x16xf32> to vector<16xf32>
        %mul3A_1102 = arith.mulf %get3A_1101, %get3A_1016 : vector<16xf32>
        %add3A_1103 = arith.addf %mul3A_1102, %get3A_1020 : vector<16xf32>
        %swap3A_1104 = arith.constant 5 : i32
        %swap3A_1105 = arith.index_cast %scan3A_111 : i32 to index
        %swap3A_1106 = arith.index_cast %swap3A_1104 : i32 to index
        %swap3A_1107 = arith.constant 112 : index
        %swap3A_1108 = tpu.vector_load %arg13[%swap3A_1105, %swap3A_1106, %swap3A_1107] {strides = array<i32>} : memref<8x8x256xf32, #tpu.memory_space<vmem>>, vector<1x1x16xf32>,
        %swap3A_1109 = vector.shape_cast %swap3A_1108 : vector<1x1x16xf32> to vector<16xf32>
        %swap3A_1110 = vector.shape_cast %add3A_1103 : vector<16xf32> to vector<1x1x16xf32>
        tpu.vector_store %arg13[%swap3A_1105, %swap3A_1106, %swap3A_1107], %swap3A_1110 {strides = array<i32>} : memref<8x8x256xf32, #tpu.memory_space<vmem>>, vector<1x1x16xf32>,
        %get3A_1111 = arith.constant 6 : i32
        %get3A_1112 = arith.index_cast %scan3A_111 : i32 to index
        %get3A_1113 = arith.index_cast %get3A_1111 : i32 to index
        %get3A_1114 = arith.constant 112 : index
        %get3A_1115 = tpu.vector_load %arg11[%get3A_1112, %get3A_1113, %get3A_1114] {strides = array<i32>} : memref<8x8x256xf32, #tpu.memory_space<vmem>>, vector<1x1x16xf32>,
        %get3A_1116 = vector.shape_cast %get3A_1115 : vector<1x1x16xf32> to vector<16xf32>
        %mul3A_1117 = arith.mulf %get3A_1116, %get3A_1016 : vector<16xf32>
        %add3A_1118 = arith.addf %mul3A_1117, %get3A_1020 : vector<16xf32>
        %swap3A_1119 = arith.constant 6 : i32
        %swap3A_1120 = arith.index_cast %scan3A_111 : i32 to index
        %swap3A_1121 = arith.index_cast %swap3A_1119 : i32 to index
        %swap3A_1122 = arith.constant 112 : index
        %swap3A_1123 = tpu.vector_load %arg13[%swap3A_1120, %swap3A_1121, %swap3A_1122] {strides = array<i32>} : memref<8x8x256xf32, #tpu.memory_space<vmem>>, vector<1x1x16xf32>,
        %swap3A_1124 = vector.shape_cast %swap3A_1123 : vector<1x1x16xf32> to vector<16xf32>
        %swap3A_1125 = vector.shape_cast %add3A_1118 : vector<16xf32> to vector<1x1x16xf32>
        tpu.vector_store %arg13[%swap3A_1120, %swap3A_1121, %swap3A_1122], %swap3A_1125 {strides = array<i32>} : memref<8x8x256xf32, #tpu.memory_space<vmem>>, vector<1x1x16xf32>,
        %get3A_1126 = arith.constant 7 : i32
        %get3A_1127 = arith.index_cast %scan3A_111 : i32 to index
        %get3A_1128 = arith.index_cast %get3A_1126 : i32 to index
        %get3A_1129 = arith.constant 112 : index
        %get3A_1130 = tpu.vector_load %arg11[%get3A_1127, %get3A_1128, %get3A_1129] {strides = array<i32>} : memref<8x8x256xf32, #tpu.memory_space<vmem>>, vector<1x1x16xf32>,
        %get3A_1131 = vector.shape_cast %get3A_1130 : vector<1x1x16xf32> to vector<16xf32>
        %mul3A_1132 = arith.mulf %get3A_1131, %get3A_1016 : vector<16xf32>
        %add3A_1133 = arith.addf %mul3A_1132, %get3A_1020 : vector<16xf32>
        %swap3A_1134 = arith.constant 7 : i32
        %swap3A_1135 = arith.index_cast %scan3A_111 : i32 to index
        %swap3A_1136 = arith.index_cast %swap3A_1134 : i32 to index
        %swap3A_1137 = arith.constant 112 : index
        %swap3A_1138 = tpu.vector_load %arg13[%swap3A_1135, %swap3A_1136, %swap3A_1137] {strides = array<i32>} : memref<8x8x256xf32, #tpu.memory_space<vmem>>, vector<1x1x16xf32>,
        %swap3A_1139 = vector.shape_cast %swap3A_1138 : vector<1x1x16xf32> to vector<16xf32>
        %swap3A_1140 = vector.shape_cast %add3A_1133 : vector<16xf32> to vector<1x1x16xf32>
        tpu.vector_store %arg13[%swap3A_1135, %swap3A_1136, %swap3A_1137], %swap3A_1140 {strides = array<i32>} : memref<8x8x256xf32, #tpu.memory_space<vmem>>, vector<1x1x16xf32>,
        %get3A_1141 = arith.index_cast %squeeze3A : i32 to index
        %get3A_1142 = arith.constant 128 : index
        %get3A_1143 = tpu.vector_load %arg7[%get3A_1141, %get3A_1142] {strides = array<i32>} : memref<4x256xf32, #tpu.memory_space<vmem>>, vector<1x16xf32>,
        %get3A_1144 = vector.shape_cast %get3A_1143 : vector<1x16xf32> to vector<16xf32>
        %get3A_1145 = arith.index_cast %squeeze3A : i32 to index
        %get3A_1146 = arith.constant 128 : index
        %get3A_1147 = tpu.vector_load %arg8[%get3A_1145, %get3A_1146] {strides = array<i32>} : memref<4x256xf32, #tpu.memory_space<vmem>>, vector<1x16xf32>,
        %get3A_1148 = vector.shape_cast %get3A_1147 : vector<1x16xf32> to vector<16xf32>
        %get3A_1149 = arith.constant 0 : i32
        %get3A_1150 = arith.index_cast %scan3A_111 : i32 to index
        %get3A_1151 = arith.index_cast %get3A_1149 : i32 to index
        %get3A_1152 = arith.constant 128 : index
        %get3A_1153 = tpu.vector_load %arg11[%get3A_1150, %get3A_1151, %get3A_1152] {strides = array<i32>} : memref<8x8x256xf32, #tpu.memory_space<vmem>>, vector<1x1x16xf32>,
        %get3A_1154 = vector.shape_cast %get3A_1153 : vector<1x1x16xf32> to vector<16xf32>
        %mul3A_1155 = arith.mulf %get3A_1154, %get3A_1144 : vector<16xf32>
        %add3A_1156 = arith.addf %mul3A_1155, %get3A_1148 : vector<16xf32>
        %swap3A_1157 = arith.constant 0 : i32
        %swap3A_1158 = arith.index_cast %scan3A_111 : i32 to index
        %swap3A_1159 = arith.index_cast %swap3A_1157 : i32 to index
        %swap3A_1160 = arith.constant 128 : index
        %swap3A_1161 = tpu.vector_load %arg13[%swap3A_1158, %swap3A_1159, %swap3A_1160] {strides = array<i32>} : memref<8x8x256xf32, #tpu.memory_space<vmem>>, vector<1x1x16xf32>,
        %swap3A_1162 = vector.shape_cast %swap3A_1161 : vector<1x1x16xf32> to vector<16xf32>
        %swap3A_1163 = vector.shape_cast %add3A_1156 : vector<16xf32> to vector<1x1x16xf32>
        tpu.vector_store %arg13[%swap3A_1158, %swap3A_1159, %swap3A_1160], %swap3A_1163 {strides = array<i32>} : memref<8x8x256xf32, #tpu.memory_space<vmem>>, vector<1x1x16xf32>,
        %get3A_1164 = arith.constant 1 : i32
        %get3A_1165 = arith.index_cast %scan3A_111 : i32 to index
        %get3A_1166 = arith.index_cast %get3A_1164 : i32 to index
        %get3A_1167 = arith.constant 128 : index
        %get3A_1168 = tpu.vector_load %arg11[%get3A_1165, %get3A_1166, %get3A_1167] {strides = array<i32>} : memref<8x8x256xf32, #tpu.memory_space<vmem>>, vector<1x1x16xf32>,
        %get3A_1169 = vector.shape_cast %get3A_1168 : vector<1x1x16xf32> to vector<16xf32>
        %mul3A_1170 = arith.mulf %get3A_1169, %get3A_1144 : vector<16xf32>
        %add3A_1171 = arith.addf %mul3A_1170, %get3A_1148 : vector<16xf32>
        %swap3A_1172 = arith.constant 1 : i32
        %swap3A_1173 = arith.index_cast %scan3A_111 : i32 to index
        %swap3A_1174 = arith.index_cast %swap3A_1172 : i32 to index
        %swap3A_1175 = arith.constant 128 : index
        %swap3A_1176 = tpu.vector_load %arg13[%swap3A_1173, %swap3A_1174, %swap3A_1175] {strides = array<i32>} : memref<8x8x256xf32, #tpu.memory_space<vmem>>, vector<1x1x16xf32>,
        %swap3A_1177 = vector.shape_cast %swap3A_1176 : vector<1x1x16xf32> to vector<16xf32>
        %swap3A_1178 = vector.shape_cast %add3A_1171 : vector<16xf32> to vector<1x1x16xf32>
        tpu.vector_store %arg13[%swap3A_1173, %swap3A_1174, %swap3A_1175], %swap3A_1178 {strides = array<i32>} : memref<8x8x256xf32, #tpu.memory_space<vmem>>, vector<1x1x16xf32>,
        %get3A_1179 = arith.constant 2 : i32
        %get3A_1180 = arith.index_cast %scan3A_111 : i32 to index
        %get3A_1181 = arith.index_cast %get3A_1179 : i32 to index
        %get3A_1182 = arith.constant 128 : index
        %get3A_1183 = tpu.vector_load %arg11[%get3A_1180, %get3A_1181, %get3A_1182] {strides = array<i32>} : memref<8x8x256xf32, #tpu.memory_space<vmem>>, vector<1x1x16xf32>,
        %get3A_1184 = vector.shape_cast %get3A_1183 : vector<1x1x16xf32> to vector<16xf32>
        %mul3A_1185 = arith.mulf %get3A_1184, %get3A_1144 : vector<16xf32>
        %add3A_1186 = arith.addf %mul3A_1185, %get3A_1148 : vector<16xf32>
        %swap3A_1187 = arith.constant 2 : i32
        %swap3A_1188 = arith.index_cast %scan3A_111 : i32 to index
        %swap3A_1189 = arith.index_cast %swap3A_1187 : i32 to index
        %swap3A_1190 = arith.constant 128 : index
        %swap3A_1191 = tpu.vector_load %arg13[%swap3A_1188, %swap3A_1189, %swap3A_1190] {strides = array<i32>} : memref<8x8x256xf32, #tpu.memory_space<vmem>>, vector<1x1x16xf32>,
        %swap3A_1192 = vector.shape_cast %swap3A_1191 : vector<1x1x16xf32> to vector<16xf32>
        %swap3A_1193 = vector.shape_cast %add3A_1186 : vector<16xf32> to vector<1x1x16xf32>
        tpu.vector_store %arg13[%swap3A_1188, %swap3A_1189, %swap3A_1190], %swap3A_1193 {strides = array<i32>} : memref<8x8x256xf32, #tpu.memory_space<vmem>>, vector<1x1x16xf32>,
        %get3A_1194 = arith.constant 3 : i32
        %get3A_1195 = arith.index_cast %scan3A_111 : i32 to index
        %get3A_1196 = arith.index_cast %get3A_1194 : i32 to index
        %get3A_1197 = arith.constant 128 : index
        %get3A_1198 = tpu.vector_load %arg11[%get3A_1195, %get3A_1196, %get3A_1197] {strides = array<i32>} : memref<8x8x256xf32, #tpu.memory_space<vmem>>, vector<1x1x16xf32>,
        %get3A_1199 = vector.shape_cast %get3A_1198 : vector<1x1x16xf32> to vector<16xf32>
        %mul3A_1200 = arith.mulf %get3A_1199, %get3A_1144 : vector<16xf32>
        %add3A_1201 = arith.addf %mul3A_1200, %get3A_1148 : vector<16xf32>
        %swap3A_1202 = arith.constant 3 : i32
        %swap3A_1203 = arith.index_cast %scan3A_111 : i32 to index
        %swap3A_1204 = arith.index_cast %swap3A_1202 : i32 to index
        %swap3A_1205 = arith.constant 128 : index
        %swap3A_1206 = tpu.vector_load %arg13[%swap3A_1203, %swap3A_1204, %swap3A_1205] {strides = array<i32>} : memref<8x8x256xf32, #tpu.memory_space<vmem>>, vector<1x1x16xf32>,
        %swap3A_1207 = vector.shape_cast %swap3A_1206 : vector<1x1x16xf32> to vector<16xf32>
        %swap3A_1208 = vector.shape_cast %add3A_1201 : vector<16xf32> to vector<1x1x16xf32>
        tpu.vector_store %arg13[%swap3A_1203, %swap3A_1204, %swap3A_1205], %swap3A_1208 {strides = array<i32>} : memref<8x8x256xf32, #tpu.memory_space<vmem>>, vector<1x1x16xf32>,
        %get3A_1209 = arith.constant 4 : i32
        %get3A_1210 = arith.index_cast %scan3A_111 : i32 to index
        %get3A_1211 = arith.index_cast %get3A_1209 : i32 to index
        %get3A_1212 = arith.constant 128 : index
        %get3A_1213 = tpu.vector_load %arg11[%get3A_1210, %get3A_1211, %get3A_1212] {strides = array<i32>} : memref<8x8x256xf32, #tpu.memory_space<vmem>>, vector<1x1x16xf32>,
        %get3A_1214 = vector.shape_cast %get3A_1213 : vector<1x1x16xf32> to vector<16xf32>
        %mul3A_1215 = arith.mulf %get3A_1214, %get3A_1144 : vector<16xf32>
        %add3A_1216 = arith.addf %mul3A_1215, %get3A_1148 : vector<16xf32>
        %swap3A_1217 = arith.constant 4 : i32
        %swap3A_1218 = arith.index_cast %scan3A_111 : i32 to index
        %swap3A_1219 = arith.index_cast %swap3A_1217 : i32 to index
        %swap3A_1220 = arith.constant 128 : index
        %swap3A_1221 = tpu.vector_load %arg13[%swap3A_1218, %swap3A_1219, %swap3A_1220] {strides = array<i32>} : memref<8x8x256xf32, #tpu.memory_space<vmem>>, vector<1x1x16xf32>,
        %swap3A_1222 = vector.shape_cast %swap3A_1221 : vector<1x1x16xf32> to vector<16xf32>
        %swap3A_1223 = vector.shape_cast %add3A_1216 : vector<16xf32> to vector<1x1x16xf32>
        tpu.vector_store %arg13[%swap3A_1218, %swap3A_1219, %swap3A_1220], %swap3A_1223 {strides = array<i32>} : memref<8x8x256xf32, #tpu.memory_space<vmem>>, vector<1x1x16xf32>,
        %get3A_1224 = arith.constant 5 : i32
        %get3A_1225 = arith.index_cast %scan3A_111 : i32 to index
        %get3A_1226 = arith.index_cast %get3A_1224 : i32 to index
        %get3A_1227 = arith.constant 128 : index
        %get3A_1228 = tpu.vector_load %arg11[%get3A_1225, %get3A_1226, %get3A_1227] {strides = array<i32>} : memref<8x8x256xf32, #tpu.memory_space<vmem>>, vector<1x1x16xf32>,
        %get3A_1229 = vector.shape_cast %get3A_1228 : vector<1x1x16xf32> to vector<16xf32>
        %mul3A_1230 = arith.mulf %get3A_1229, %get3A_1144 : vector<16xf32>
        %add3A_1231 = arith.addf %mul3A_1230, %get3A_1148 : vector<16xf32>
        %swap3A_1232 = arith.constant 5 : i32
        %swap3A_1233 = arith.index_cast %scan3A_111 : i32 to index
        %swap3A_1234 = arith.index_cast %swap3A_1232 : i32 to index
        %swap3A_1235 = arith.constant 128 : index
        %swap3A_1236 = tpu.vector_load %arg13[%swap3A_1233, %swap3A_1234, %swap3A_1235] {strides = array<i32>} : memref<8x8x256xf32, #tpu.memory_space<vmem>>, vector<1x1x16xf32>,
        %swap3A_1237 = vector.shape_cast %swap3A_1236 : vector<1x1x16xf32> to vector<16xf32>
        %swap3A_1238 = vector.shape_cast %add3A_1231 : vector<16xf32> to vector<1x1x16xf32>
        tpu.vector_store %arg13[%swap3A_1233, %swap3A_1234, %swap3A_1235], %swap3A_1238 {strides = array<i32>} : memref<8x8x256xf32, #tpu.memory_space<vmem>>, vector<1x1x16xf32>,
        %get3A_1239 = arith.constant 6 : i32
        %get3A_1240 = arith.index_cast %scan3A_111 : i32 to index
        %get3A_1241 = arith.index_cast %get3A_1239 : i32 to index
        %get3A_1242 = arith.constant 128 : index
        %get3A_1243 = tpu.vector_load %arg11[%get3A_1240, %get3A_1241, %get3A_1242] {strides = array<i32>} : memref<8x8x256xf32, #tpu.memory_space<vmem>>, vector<1x1x16xf32>,
        %get3A_1244 = vector.shape_cast %get3A_1243 : vector<1x1x16xf32> to vector<16xf32>
        %mul3A_1245 = arith.mulf %get3A_1244, %get3A_1144 : vector<16xf32>
        %add3A_1246 = arith.addf %mul3A_1245, %get3A_1148 : vector<16xf32>
        %swap3A_1247 = arith.constant 6 : i32
        %swap3A_1248 = arith.index_cast %scan3A_111 : i32 to index
        %swap3A_1249 = arith.index_cast %swap3A_1247 : i32 to index
        %swap3A_1250 = arith.constant 128 : index
        %swap3A_1251 = tpu.vector_load %arg13[%swap3A_1248, %swap3A_1249, %swap3A_1250] {strides = array<i32>} : memref<8x8x256xf32, #tpu.memory_space<vmem>>, vector<1x1x16xf32>,
        %swap3A_1252 = vector.shape_cast %swap3A_1251 : vector<1x1x16xf32> to vector<16xf32>
        %swap3A_1253 = vector.shape_cast %add3A_1246 : vector<16xf32> to vector<1x1x16xf32>
        tpu.vector_store %arg13[%swap3A_1248, %swap3A_1249, %swap3A_1250], %swap3A_1253 {strides = array<i32>} : memref<8x8x256xf32, #tpu.memory_space<vmem>>, vector<1x1x16xf32>,
        %get3A_1254 = arith.constant 7 : i32
        %get3A_1255 = arith.index_cast %scan3A_111 : i32 to index
        %get3A_1256 = arith.index_cast %get3A_1254 : i32 to index
        %get3A_1257 = arith.constant 128 : index
        %get3A_1258 = tpu.vector_load %arg11[%get3A_1255, %get3A_1256, %get3A_1257] {strides = array<i32>} : memref<8x8x256xf32, #tpu.memory_space<vmem>>, vector<1x1x16xf32>,
        %get3A_1259 = vector.shape_cast %get3A_1258 : vector<1x1x16xf32> to vector<16xf32>
        %mul3A_1260 = arith.mulf %get3A_1259, %get3A_1144 : vector<16xf32>
        %add3A_1261 = arith.addf %mul3A_1260, %get3A_1148 : vector<16xf32>
        %swap3A_1262 = arith.constant 7 : i32
        %swap3A_1263 = arith.index_cast %scan3A_111 : i32 to index
        %swap3A_1264 = arith.index_cast %swap3A_1262 : i32 to index
        %swap3A_1265 = arith.constant 128 : index
        %swap3A_1266 = tpu.vector_load %arg13[%swap3A_1263, %swap3A_1264, %swap3A_1265] {strides = array<i32>} : memref<8x8x256xf32, #tpu.memory_space<vmem>>, vector<1x1x16xf32>,
        %swap3A_1267 = vector.shape_cast %swap3A_1266 : vector<1x1x16xf32> to vector<16xf32>
        %swap3A_1268 = vector.shape_cast %add3A_1261 : vector<16xf32> to vector<1x1x16xf32>
        tpu.vector_store %arg13[%swap3A_1263, %swap3A_1264, %swap3A_1265], %swap3A_1268 {strides = array<i32>} : memref<8x8x256xf32, #tpu.memory_space<vmem>>, vector<1x1x16xf32>,
        %get3A_1269 = arith.index_cast %squeeze3A : i32 to index
        %get3A_1270 = arith.constant 144 : index
        %get3A_1271 = tpu.vector_load %arg7[%get3A_1269, %get3A_1270] {strides = array<i32>} : memref<4x256xf32, #tpu.memory_space<vmem>>, vector<1x16xf32>,
        %get3A_1272 = vector.shape_cast %get3A_1271 : vector<1x16xf32> to vector<16xf32>
        %get3A_1273 = arith.index_cast %squeeze3A : i32 to index
        %get3A_1274 = arith.constant 144 : index
        %get3A_1275 = tpu.vector_load %arg8[%get3A_1273, %get3A_1274] {strides = array<i32>} : memref<4x256xf32, #tpu.memory_space<vmem>>, vector<1x16xf32>,
        %get3A_1276 = vector.shape_cast %get3A_1275 : vector<1x16xf32> to vector<16xf32>
        %get3A_1277 = arith.constant 0 : i32
        %get3A_1278 = arith.index_cast %scan3A_111 : i32 to index
        %get3A_1279 = arith.index_cast %get3A_1277 : i32 to index
        %get3A_1280 = arith.constant 144 : index
        %get3A_1281 = tpu.vector_load %arg11[%get3A_1278, %get3A_1279, %get3A_1280] {strides = array<i32>} : memref<8x8x256xf32, #tpu.memory_space<vmem>>, vector<1x1x16xf32>,
        %get3A_1282 = vector.shape_cast %get3A_1281 : vector<1x1x16xf32> to vector<16xf32>
        %mul3A_1283 = arith.mulf %get3A_1282, %get3A_1272 : vector<16xf32>
        %add3A_1284 = arith.addf %mul3A_1283, %get3A_1276 : vector<16xf32>
        %swap3A_1285 = arith.constant 0 : i32
        %swap3A_1286 = arith.index_cast %scan3A_111 : i32 to index
        %swap3A_1287 = arith.index_cast %swap3A_1285 : i32 to index
        %swap3A_1288 = arith.constant 144 : index
        %swap3A_1289 = tpu.vector_load %arg13[%swap3A_1286, %swap3A_1287, %swap3A_1288] {strides = array<i32>} : memref<8x8x256xf32, #tpu.memory_space<vmem>>, vector<1x1x16xf32>,
        %swap3A_1290 = vector.shape_cast %swap3A_1289 : vector<1x1x16xf32> to vector<16xf32>
        %swap3A_1291 = vector.shape_cast %add3A_1284 : vector<16xf32> to vector<1x1x16xf32>
        tpu.vector_store %arg13[%swap3A_1286, %swap3A_1287, %swap3A_1288], %swap3A_1291 {strides = array<i32>} : memref<8x8x256xf32, #tpu.memory_space<vmem>>, vector<1x1x16xf32>,
        %get3A_1292 = arith.constant 1 : i32
        %get3A_1293 = arith.index_cast %scan3A_111 : i32 to index
        %get3A_1294 = arith.index_cast %get3A_1292 : i32 to index
        %get3A_1295 = arith.constant 144 : index
        %get3A_1296 = tpu.vector_load %arg11[%get3A_1293, %get3A_1294, %get3A_1295] {strides = array<i32>} : memref<8x8x256xf32, #tpu.memory_space<vmem>>, vector<1x1x16xf32>,
        %get3A_1297 = vector.shape_cast %get3A_1296 : vector<1x1x16xf32> to vector<16xf32>
        %mul3A_1298 = arith.mulf %get3A_1297, %get3A_1272 : vector<16xf32>
        %add3A_1299 = arith.addf %mul3A_1298, %get3A_1276 : vector<16xf32>
        %swap3A_1300 = arith.constant 1 : i32
        %swap3A_1301 = arith.index_cast %scan3A_111 : i32 to index
        %swap3A_1302 = arith.index_cast %swap3A_1300 : i32 to index
        %swap3A_1303 = arith.constant 144 : index
        %swap3A_1304 = tpu.vector_load %arg13[%swap3A_1301, %swap3A_1302, %swap3A_1303] {strides = array<i32>} : memref<8x8x256xf32, #tpu.memory_space<vmem>>, vector<1x1x16xf32>,
        %swap3A_1305 = vector.shape_cast %swap3A_1304 : vector<1x1x16xf32> to vector<16xf32>
        %swap3A_1306 = vector.shape_cast %add3A_1299 : vector<16xf32> to vector<1x1x16xf32>
        tpu.vector_store %arg13[%swap3A_1301, %swap3A_1302, %swap3A_1303], %swap3A_1306 {strides = array<i32>} : memref<8x8x256xf32, #tpu.memory_space<vmem>>, vector<1x1x16xf32>,
        %get3A_1307 = arith.constant 2 : i32
        %get3A_1308 = arith.index_cast %scan3A_111 : i32 to index
        %get3A_1309 = arith.index_cast %get3A_1307 : i32 to index
        %get3A_1310 = arith.constant 144 : index
        %get3A_1311 = tpu.vector_load %arg11[%get3A_1308, %get3A_1309, %get3A_1310] {strides = array<i32>} : memref<8x8x256xf32, #tpu.memory_space<vmem>>, vector<1x1x16xf32>,
        %get3A_1312 = vector.shape_cast %get3A_1311 : vector<1x1x16xf32> to vector<16xf32>
        %mul3A_1313 = arith.mulf %get3A_1312, %get3A_1272 : vector<16xf32>
        %add3A_1314 = arith.addf %mul3A_1313, %get3A_1276 : vector<16xf32>
        %swap3A_1315 = arith.constant 2 : i32
        %swap3A_1316 = arith.index_cast %scan3A_111 : i32 to index
        %swap3A_1317 = arith.index_cast %swap3A_1315 : i32 to index
        %swap3A_1318 = arith.constant 144 : index
        %swap3A_1319 = tpu.vector_load %arg13[%swap3A_1316, %swap3A_1317, %swap3A_1318] {strides = array<i32>} : memref<8x8x256xf32, #tpu.memory_space<vmem>>, vector<1x1x16xf32>,
        %swap3A_1320 = vector.shape_cast %swap3A_1319 : vector<1x1x16xf32> to vector<16xf32>
        %swap3A_1321 = vector.shape_cast %add3A_1314 : vector<16xf32> to vector<1x1x16xf32>
        tpu.vector_store %arg13[%swap3A_1316, %swap3A_1317, %swap3A_1318], %swap3A_1321 {strides = array<i32>} : memref<8x8x256xf32, #tpu.memory_space<vmem>>, vector<1x1x16xf32>,
        %get3A_1322 = arith.constant 3 : i32
        %get3A_1323 = arith.index_cast %scan3A_111 : i32 to index
        %get3A_1324 = arith.index_cast %get3A_1322 : i32 to index
        %get3A_1325 = arith.constant 144 : index
        %get3A_1326 = tpu.vector_load %arg11[%get3A_1323, %get3A_1324, %get3A_1325] {strides = array<i32>} : memref<8x8x256xf32, #tpu.memory_space<vmem>>, vector<1x1x16xf32>,
        %get3A_1327 = vector.shape_cast %get3A_1326 : vector<1x1x16xf32> to vector<16xf32>
        %mul3A_1328 = arith.mulf %get3A_1327, %get3A_1272 : vector<16xf32>
        %add3A_1329 = arith.addf %mul3A_1328, %get3A_1276 : vector<16xf32>
        %swap3A_1330 = arith.constant 3 : i32
        %swap3A_1331 = arith.index_cast %scan3A_111 : i32 to index
        %swap3A_1332 = arith.index_cast %swap3A_1330 : i32 to index
        %swap3A_1333 = arith.constant 144 : index
        %swap3A_1334 = tpu.vector_load %arg13[%swap3A_1331, %swap3A_1332, %swap3A_1333] {strides = array<i32>} : memref<8x8x256xf32, #tpu.memory_space<vmem>>, vector<1x1x16xf32>,
        %swap3A_1335 = vector.shape_cast %swap3A_1334 : vector<1x1x16xf32> to vector<16xf32>
        %swap3A_1336 = vector.shape_cast %add3A_1329 : vector<16xf32> to vector<1x1x16xf32>
        tpu.vector_store %arg13[%swap3A_1331, %swap3A_1332, %swap3A_1333], %swap3A_1336 {strides = array<i32>} : memref<8x8x256xf32, #tpu.memory_space<vmem>>, vector<1x1x16xf32>,
        %get3A_1337 = arith.constant 4 : i32
        %get3A_1338 = arith.index_cast %scan3A_111 : i32 to index
        %get3A_1339 = arith.index_cast %get3A_1337 : i32 to index
        %get3A_1340 = arith.constant 144 : index
        %get3A_1341 = tpu.vector_load %arg11[%get3A_1338, %get3A_1339, %get3A_1340] {strides = array<i32>} : memref<8x8x256xf32, #tpu.memory_space<vmem>>, vector<1x1x16xf32>,
        %get3A_1342 = vector.shape_cast %get3A_1341 : vector<1x1x16xf32> to vector<16xf32>
        %mul3A_1343 = arith.mulf %get3A_1342, %get3A_1272 : vector<16xf32>
        %add3A_1344 = arith.addf %mul3A_1343, %get3A_1276 : vector<16xf32>
        %swap3A_1345 = arith.constant 4 : i32
        %swap3A_1346 = arith.index_cast %scan3A_111 : i32 to index
        %swap3A_1347 = arith.index_cast %swap3A_1345 : i32 to index
        %swap3A_1348 = arith.constant 144 : index
        %swap3A_1349 = tpu.vector_load %arg13[%swap3A_1346, %swap3A_1347, %swap3A_1348] {strides = array<i32>} : memref<8x8x256xf32, #tpu.memory_space<vmem>>, vector<1x1x16xf32>,
        %swap3A_1350 = vector.shape_cast %swap3A_1349 : vector<1x1x16xf32> to vector<16xf32>
        %swap3A_1351 = vector.shape_cast %add3A_1344 : vector<16xf32> to vector<1x1x16xf32>
        tpu.vector_store %arg13[%swap3A_1346, %swap3A_1347, %swap3A_1348], %swap3A_1351 {strides = array<i32>} : memref<8x8x256xf32, #tpu.memory_space<vmem>>, vector<1x1x16xf32>,
        %get3A_1352 = arith.constant 5 : i32
        %get3A_1353 = arith.index_cast %scan3A_111 : i32 to index
        %get3A_1354 = arith.index_cast %get3A_1352 : i32 to index
        %get3A_1355 = arith.constant 144 : index
        %get3A_1356 = tpu.vector_load %arg11[%get3A_1353, %get3A_1354, %get3A_1355] {strides = array<i32>} : memref<8x8x256xf32, #tpu.memory_space<vmem>>, vector<1x1x16xf32>,
        %get3A_1357 = vector.shape_cast %get3A_1356 : vector<1x1x16xf32> to vector<16xf32>
        %mul3A_1358 = arith.mulf %get3A_1357, %get3A_1272 : vector<16xf32>
        %add3A_1359 = arith.addf %mul3A_1358, %get3A_1276 : vector<16xf32>
        %swap3A_1360 = arith.constant 5 : i32
        %swap3A_1361 = arith.index_cast %scan3A_111 : i32 to index
        %swap3A_1362 = arith.index_cast %swap3A_1360 : i32 to index
        %swap3A_1363 = arith.constant 144 : index
        %swap3A_1364 = tpu.vector_load %arg13[%swap3A_1361, %swap3A_1362, %swap3A_1363] {strides = array<i32>} : memref<8x8x256xf32, #tpu.memory_space<vmem>>, vector<1x1x16xf32>,
        %swap3A_1365 = vector.shape_cast %swap3A_1364 : vector<1x1x16xf32> to vector<16xf32>
        %swap3A_1366 = vector.shape_cast %add3A_1359 : vector<16xf32> to vector<1x1x16xf32>
        tpu.vector_store %arg13[%swap3A_1361, %swap3A_1362, %swap3A_1363], %swap3A_1366 {strides = array<i32>} : memref<8x8x256xf32, #tpu.memory_space<vmem>>, vector<1x1x16xf32>,
        %get3A_1367 = arith.constant 6 : i32
        %get3A_1368 = arith.index_cast %scan3A_111 : i32 to index
        %get3A_1369 = arith.index_cast %get3A_1367 : i32 to index
        %get3A_1370 = arith.constant 144 : index
        %get3A_1371 = tpu.vector_load %arg11[%get3A_1368, %get3A_1369, %get3A_1370] {strides = array<i32>} : memref<8x8x256xf32, #tpu.memory_space<vmem>>, vector<1x1x16xf32>,
        %get3A_1372 = vector.shape_cast %get3A_1371 : vector<1x1x16xf32> to vector<16xf32>
        %mul3A_1373 = arith.mulf %get3A_1372, %get3A_1272 : vector<16xf32>
        %add3A_1374 = arith.addf %mul3A_1373, %get3A_1276 : vector<16xf32>
        %swap3A_1375 = arith.constant 6 : i32
        %swap3A_1376 = arith.index_cast %scan3A_111 : i32 to index
        %swap3A_1377 = arith.index_cast %swap3A_1375 : i32 to index
        %swap3A_1378 = arith.constant 144 : index
        %swap3A_1379 = tpu.vector_load %arg13[%swap3A_1376, %swap3A_1377, %swap3A_1378] {strides = array<i32>} : memref<8x8x256xf32, #tpu.memory_space<vmem>>, vector<1x1x16xf32>,
        %swap3A_1380 = vector.shape_cast %swap3A_1379 : vector<1x1x16xf32> to vector<16xf32>
        %swap3A_1381 = vector.shape_cast %add3A_1374 : vector<16xf32> to vector<1x1x16xf32>
        tpu.vector_store %arg13[%swap3A_1376, %swap3A_1377, %swap3A_1378], %swap3A_1381 {strides = array<i32>} : memref<8x8x256xf32, #tpu.memory_space<vmem>>, vector<1x1x16xf32>,
        %get3A_1382 = arith.constant 7 : i32
        %get3A_1383 = arith.index_cast %scan3A_111 : i32 to index
        %get3A_1384 = arith.index_cast %get3A_1382 : i32 to index
        %get3A_1385 = arith.constant 144 : index
        %get3A_1386 = tpu.vector_load %arg11[%get3A_1383, %get3A_1384, %get3A_1385] {strides = array<i32>} : memref<8x8x256xf32, #tpu.memory_space<vmem>>, vector<1x1x16xf32>,
        %get3A_1387 = vector.shape_cast %get3A_1386 : vector<1x1x16xf32> to vector<16xf32>
        %mul3A_1388 = arith.mulf %get3A_1387, %get3A_1272 : vector<16xf32>
        %add3A_1389 = arith.addf %mul3A_1388, %get3A_1276 : vector<16xf32>
        %swap3A_1390 = arith.constant 7 : i32
        %swap3A_1391 = arith.index_cast %scan3A_111 : i32 to index
        %swap3A_1392 = arith.index_cast %swap3A_1390 : i32 to index
        %swap3A_1393 = arith.constant 144 : index
        %swap3A_1394 = tpu.vector_load %arg13[%swap3A_1391, %swap3A_1392, %swap3A_1393] {strides = array<i32>} : memref<8x8x256xf32, #tpu.memory_space<vmem>>, vector<1x1x16xf32>,
        %swap3A_1395 = vector.shape_cast %swap3A_1394 : vector<1x1x16xf32> to vector<16xf32>
        %swap3A_1396 = vector.shape_cast %add3A_1389 : vector<16xf32> to vector<1x1x16xf32>
        tpu.vector_store %arg13[%swap3A_1391, %swap3A_1392, %swap3A_1393], %swap3A_1396 {strides = array<i32>} : memref<8x8x256xf32, #tpu.memory_space<vmem>>, vector<1x1x16xf32>,
        %get3A_1397 = arith.index_cast %squeeze3A : i32 to index
        %get3A_1398 = arith.constant 160 : index
        %get3A_1399 = tpu.vector_load %arg7[%get3A_1397, %get3A_1398] {strides = array<i32>} : memref<4x256xf32, #tpu.memory_space<vmem>>, vector<1x16xf32>,
        %get3A_1400 = vector.shape_cast %get3A_1399 : vector<1x16xf32> to vector<16xf32>
        %get3A_1401 = arith.index_cast %squeeze3A : i32 to index
        %get3A_1402 = arith.constant 160 : index
        %get3A_1403 = tpu.vector_load %arg8[%get3A_1401, %get3A_1402] {strides = array<i32>} : memref<4x256xf32, #tpu.memory_space<vmem>>, vector<1x16xf32>,
        %get3A_1404 = vector.shape_cast %get3A_1403 : vector<1x16xf32> to vector<16xf32>
        %get3A_1405 = arith.constant 0 : i32
        %get3A_1406 = arith.index_cast %scan3A_111 : i32 to index
        %get3A_1407 = arith.index_cast %get3A_1405 : i32 to index
        %get3A_1408 = arith.constant 160 : index
        %get3A_1409 = tpu.vector_load %arg11[%get3A_1406, %get3A_1407, %get3A_1408] {strides = array<i32>} : memref<8x8x256xf32, #tpu.memory_space<vmem>>, vector<1x1x16xf32>,
        %get3A_1410 = vector.shape_cast %get3A_1409 : vector<1x1x16xf32> to vector<16xf32>
        %mul3A_1411 = arith.mulf %get3A_1410, %get3A_1400 : vector<16xf32>
        %add3A_1412 = arith.addf %mul3A_1411, %get3A_1404 : vector<16xf32>
        %swap3A_1413 = arith.constant 0 : i32
        %swap3A_1414 = arith.index_cast %scan3A_111 : i32 to index
        %swap3A_1415 = arith.index_cast %swap3A_1413 : i32 to index
        %swap3A_1416 = arith.constant 160 : index
        %swap3A_1417 = tpu.vector_load %arg13[%swap3A_1414, %swap3A_1415, %swap3A_1416] {strides = array<i32>} : memref<8x8x256xf32, #tpu.memory_space<vmem>>, vector<1x1x16xf32>,
        %swap3A_1418 = vector.shape_cast %swap3A_1417 : vector<1x1x16xf32> to vector<16xf32>
        %swap3A_1419 = vector.shape_cast %add3A_1412 : vector<16xf32> to vector<1x1x16xf32>
        tpu.vector_store %arg13[%swap3A_1414, %swap3A_1415, %swap3A_1416], %swap3A_1419 {strides = array<i32>} : memref<8x8x256xf32, #tpu.memory_space<vmem>>, vector<1x1x16xf32>,
        %get3A_1420 = arith.constant 1 : i32
        %get3A_1421 = arith.index_cast %scan3A_111 : i32 to index
        %get3A_1422 = arith.index_cast %get3A_1420 : i32 to index
        %get3A_1423 = arith.constant 160 : index
        %get3A_1424 = tpu.vector_load %arg11[%get3A_1421, %get3A_1422, %get3A_1423] {strides = array<i32>} : memref<8x8x256xf32, #tpu.memory_space<vmem>>, vector<1x1x16xf32>,
        %get3A_1425 = vector.shape_cast %get3A_1424 : vector<1x1x16xf32> to vector<16xf32>
        %mul3A_1426 = arith.mulf %get3A_1425, %get3A_1400 : vector<16xf32>
        %add3A_1427 = arith.addf %mul3A_1426, %get3A_1404 : vector<16xf32>
        %swap3A_1428 = arith.constant 1 : i32
        %swap3A_1429 = arith.index_cast %scan3A_111 : i32 to index
        %swap3A_1430 = arith.index_cast %swap3A_1428 : i32 to index
        %swap3A_1431 = arith.constant 160 : index
        %swap3A_1432 = tpu.vector_load %arg13[%swap3A_1429, %swap3A_1430, %swap3A_1431] {strides = array<i32>} : memref<8x8x256xf32, #tpu.memory_space<vmem>>, vector<1x1x16xf32>,
        %swap3A_1433 = vector.shape_cast %swap3A_1432 : vector<1x1x16xf32> to vector<16xf32>
        %swap3A_1434 = vector.shape_cast %add3A_1427 : vector<16xf32> to vector<1x1x16xf32>
        tpu.vector_store %arg13[%swap3A_1429, %swap3A_1430, %swap3A_1431], %swap3A_1434 {strides = array<i32>} : memref<8x8x256xf32, #tpu.memory_space<vmem>>, vector<1x1x16xf32>,
        %get3A_1435 = arith.constant 2 : i32
        %get3A_1436 = arith.index_cast %scan3A_111 : i32 to index
        %get3A_1437 = arith.index_cast %get3A_1435 : i32 to index
        %get3A_1438 = arith.constant 160 : index
        %get3A_1439 = tpu.vector_load %arg11[%get3A_1436, %get3A_1437, %get3A_1438] {strides = array<i32>} : memref<8x8x256xf32, #tpu.memory_space<vmem>>, vector<1x1x16xf32>,
        %get3A_1440 = vector.shape_cast %get3A_1439 : vector<1x1x16xf32> to vector<16xf32>
        %mul3A_1441 = arith.mulf %get3A_1440, %get3A_1400 : vector<16xf32>
        %add3A_1442 = arith.addf %mul3A_1441, %get3A_1404 : vector<16xf32>
        %swap3A_1443 = arith.constant 2 : i32
        %swap3A_1444 = arith.index_cast %scan3A_111 : i32 to index
        %swap3A_1445 = arith.index_cast %swap3A_1443 : i32 to index
        %swap3A_1446 = arith.constant 160 : index
        %swap3A_1447 = tpu.vector_load %arg13[%swap3A_1444, %swap3A_1445, %swap3A_1446] {strides = array<i32>} : memref<8x8x256xf32, #tpu.memory_space<vmem>>, vector<1x1x16xf32>,
        %swap3A_1448 = vector.shape_cast %swap3A_1447 : vector<1x1x16xf32> to vector<16xf32>
        %swap3A_1449 = vector.shape_cast %add3A_1442 : vector<16xf32> to vector<1x1x16xf32>
        tpu.vector_store %arg13[%swap3A_1444, %swap3A_1445, %swap3A_1446], %swap3A_1449 {strides = array<i32>} : memref<8x8x256xf32, #tpu.memory_space<vmem>>, vector<1x1x16xf32>,
        %get3A_1450 = arith.constant 3 : i32
        %get3A_1451 = arith.index_cast %scan3A_111 : i32 to index
        %get3A_1452 = arith.index_cast %get3A_1450 : i32 to index
        %get3A_1453 = arith.constant 160 : index
        %get3A_1454 = tpu.vector_load %arg11[%get3A_1451, %get3A_1452, %get3A_1453] {strides = array<i32>} : memref<8x8x256xf32, #tpu.memory_space<vmem>>, vector<1x1x16xf32>,
        %get3A_1455 = vector.shape_cast %get3A_1454 : vector<1x1x16xf32> to vector<16xf32>
        %mul3A_1456 = arith.mulf %get3A_1455, %get3A_1400 : vector<16xf32>
        %add3A_1457 = arith.addf %mul3A_1456, %get3A_1404 : vector<16xf32>
        %swap3A_1458 = arith.constant 3 : i32
        %swap3A_1459 = arith.index_cast %scan3A_111 : i32 to index
        %swap3A_1460 = arith.index_cast %swap3A_1458 : i32 to index
        %swap3A_1461 = arith.constant 160 : index
        %swap3A_1462 = tpu.vector_load %arg13[%swap3A_1459, %swap3A_1460, %swap3A_1461] {strides = array<i32>} : memref<8x8x256xf32, #tpu.memory_space<vmem>>, vector<1x1x16xf32>,
        %swap3A_1463 = vector.shape_cast %swap3A_1462 : vector<1x1x16xf32> to vector<16xf32>
        %swap3A_1464 = vector.shape_cast %add3A_1457 : vector<16xf32> to vector<1x1x16xf32>
        tpu.vector_store %arg13[%swap3A_1459, %swap3A_1460, %swap3A_1461], %swap3A_1464 {strides = array<i32>} : memref<8x8x256xf32, #tpu.memory_space<vmem>>, vector<1x1x16xf32>,
        %get3A_1465 = arith.constant 4 : i32
        %get3A_1466 = arith.index_cast %scan3A_111 : i32 to index
        %get3A_1467 = arith.index_cast %get3A_1465 : i32 to index
        %get3A_1468 = arith.constant 160 : index
        %get3A_1469 = tpu.vector_load %arg11[%get3A_1466, %get3A_1467, %get3A_1468] {strides = array<i32>} : memref<8x8x256xf32, #tpu.memory_space<vmem>>, vector<1x1x16xf32>,
        %get3A_1470 = vector.shape_cast %get3A_1469 : vector<1x1x16xf32> to vector<16xf32>
        %mul3A_1471 = arith.mulf %get3A_1470, %get3A_1400 : vector<16xf32>
        %add3A_1472 = arith.addf %mul3A_1471, %get3A_1404 : vector<16xf32>
        %swap3A_1473 = arith.constant 4 : i32
        %swap3A_1474 = arith.index_cast %scan3A_111 : i32 to index
        %swap3A_1475 = arith.index_cast %swap3A_1473 : i32 to index
        %swap3A_1476 = arith.constant 160 : index
        %swap3A_1477 = tpu.vector_load %arg13[%swap3A_1474, %swap3A_1475, %swap3A_1476] {strides = array<i32>} : memref<8x8x256xf32, #tpu.memory_space<vmem>>, vector<1x1x16xf32>,
        %swap3A_1478 = vector.shape_cast %swap3A_1477 : vector<1x1x16xf32> to vector<16xf32>
        %swap3A_1479 = vector.shape_cast %add3A_1472 : vector<16xf32> to vector<1x1x16xf32>
        tpu.vector_store %arg13[%swap3A_1474, %swap3A_1475, %swap3A_1476], %swap3A_1479 {strides = array<i32>} : memref<8x8x256xf32, #tpu.memory_space<vmem>>, vector<1x1x16xf32>,
        %get3A_1480 = arith.constant 5 : i32
        %get3A_1481 = arith.index_cast %scan3A_111 : i32 to index
        %get3A_1482 = arith.index_cast %get3A_1480 : i32 to index
        %get3A_1483 = arith.constant 160 : index
        %get3A_1484 = tpu.vector_load %arg11[%get3A_1481, %get3A_1482, %get3A_1483] {strides = array<i32>} : memref<8x8x256xf32, #tpu.memory_space<vmem>>, vector<1x1x16xf32>,
        %get3A_1485 = vector.shape_cast %get3A_1484 : vector<1x1x16xf32> to vector<16xf32>
        %mul3A_1486 = arith.mulf %get3A_1485, %get3A_1400 : vector<16xf32>
        %add3A_1487 = arith.addf %mul3A_1486, %get3A_1404 : vector<16xf32>
        %swap3A_1488 = arith.constant 5 : i32
        %swap3A_1489 = arith.index_cast %scan3A_111 : i32 to index
        %swap3A_1490 = arith.index_cast %swap3A_1488 : i32 to index
        %swap3A_1491 = arith.constant 160 : index
        %swap3A_1492 = tpu.vector_load %arg13[%swap3A_1489, %swap3A_1490, %swap3A_1491] {strides = array<i32>} : memref<8x8x256xf32, #tpu.memory_space<vmem>>, vector<1x1x16xf32>,
        %swap3A_1493 = vector.shape_cast %swap3A_1492 : vector<1x1x16xf32> to vector<16xf32>
        %swap3A_1494 = vector.shape_cast %add3A_1487 : vector<16xf32> to vector<1x1x16xf32>
        tpu.vector_store %arg13[%swap3A_1489, %swap3A_1490, %swap3A_1491], %swap3A_1494 {strides = array<i32>} : memref<8x8x256xf32, #tpu.memory_space<vmem>>, vector<1x1x16xf32>,
        %get3A_1495 = arith.constant 6 : i32
        %get3A_1496 = arith.index_cast %scan3A_111 : i32 to index
        %get3A_1497 = arith.index_cast %get3A_1495 : i32 to index
        %get3A_1498 = arith.constant 160 : index
        %get3A_1499 = tpu.vector_load %arg11[%get3A_1496, %get3A_1497, %get3A_1498] {strides = array<i32>} : memref<8x8x256xf32, #tpu.memory_space<vmem>>, vector<1x1x16xf32>,
        %get3A_1500 = vector.shape_cast %get3A_1499 : vector<1x1x16xf32> to vector<16xf32>
        %mul3A_1501 = arith.mulf %get3A_1500, %get3A_1400 : vector<16xf32>
        %add3A_1502 = arith.addf %mul3A_1501, %get3A_1404 : vector<16xf32>
        %swap3A_1503 = arith.constant 6 : i32
        %swap3A_1504 = arith.index_cast %scan3A_111 : i32 to index
        %swap3A_1505 = arith.index_cast %swap3A_1503 : i32 to index
        %swap3A_1506 = arith.constant 160 : index
        %swap3A_1507 = tpu.vector_load %arg13[%swap3A_1504, %swap3A_1505, %swap3A_1506] {strides = array<i32>} : memref<8x8x256xf32, #tpu.memory_space<vmem>>, vector<1x1x16xf32>,
        %swap3A_1508 = vector.shape_cast %swap3A_1507 : vector<1x1x16xf32> to vector<16xf32>
        %swap3A_1509 = vector.shape_cast %add3A_1502 : vector<16xf32> to vector<1x1x16xf32>
        tpu.vector_store %arg13[%swap3A_1504, %swap3A_1505, %swap3A_1506], %swap3A_1509 {strides = array<i32>} : memref<8x8x256xf32, #tpu.memory_space<vmem>>, vector<1x1x16xf32>,
        %get3A_1510 = arith.constant 7 : i32
        %get3A_1511 = arith.index_cast %scan3A_111 : i32 to index
        %get3A_1512 = arith.index_cast %get3A_1510 : i32 to index
        %get3A_1513 = arith.constant 160 : index
        %get3A_1514 = tpu.vector_load %arg11[%get3A_1511, %get3A_1512, %get3A_1513] {strides = array<i32>} : memref<8x8x256xf32, #tpu.memory_space<vmem>>, vector<1x1x16xf32>,
        %get3A_1515 = vector.shape_cast %get3A_1514 : vector<1x1x16xf32> to vector<16xf32>
        %mul3A_1516 = arith.mulf %get3A_1515, %get3A_1400 : vector<16xf32>
        %add3A_1517 = arith.addf %mul3A_1516, %get3A_1404 : vector<16xf32>
        %swap3A_1518 = arith.constant 7 : i32
        %swap3A_1519 = arith.index_cast %scan3A_111 : i32 to index
        %swap3A_1520 = arith.index_cast %swap3A_1518 : i32 to index
        %swap3A_1521 = arith.constant 160 : index
        %swap3A_1522 = tpu.vector_load %arg13[%swap3A_1519, %swap3A_1520, %swap3A_1521] {strides = array<i32>} : memref<8x8x256xf32, #tpu.memory_space<vmem>>, vector<1x1x16xf32>,
        %swap3A_1523 = vector.shape_cast %swap3A_1522 : vector<1x1x16xf32> to vector<16xf32>
        %swap3A_1524 = vector.shape_cast %add3A_1517 : vector<16xf32> to vector<1x1x16xf32>
        tpu.vector_store %arg13[%swap3A_1519, %swap3A_1520, %swap3A_1521], %swap3A_1524 {strides = array<i32>} : memref<8x8x256xf32, #tpu.memory_space<vmem>>, vector<1x1x16xf32>,
        %get3A_1525 = arith.index_cast %squeeze3A : i32 to index
        %get3A_1526 = arith.constant 176 : index
        %get3A_1527 = tpu.vector_load %arg7[%get3A_1525, %get3A_1526] {strides = array<i32>} : memref<4x256xf32, #tpu.memory_space<vmem>>, vector<1x16xf32>,
        %get3A_1528 = vector.shape_cast %get3A_1527 : vector<1x16xf32> to vector<16xf32>
        %get3A_1529 = arith.index_cast %squeeze3A : i32 to index
        %get3A_1530 = arith.constant 176 : index
        %get3A_1531 = tpu.vector_load %arg8[%get3A_1529, %get3A_1530] {strides = array<i32>} : memref<4x256xf32, #tpu.memory_space<vmem>>, vector<1x16xf32>,
        %get3A_1532 = vector.shape_cast %get3A_1531 : vector<1x16xf32> to vector<16xf32>
        %get3A_1533 = arith.constant 0 : i32
        %get3A_1534 = arith.index_cast %scan3A_111 : i32 to index
        %get3A_1535 = arith.index_cast %get3A_1533 : i32 to index
        %get3A_1536 = arith.constant 176 : index
        %get3A_1537 = tpu.vector_load %arg11[%get3A_1534, %get3A_1535, %get3A_1536] {strides = array<i32>} : memref<8x8x256xf32, #tpu.memory_space<vmem>>, vector<1x1x16xf32>,
        %get3A_1538 = vector.shape_cast %get3A_1537 : vector<1x1x16xf32> to vector<16xf32>
        %mul3A_1539 = arith.mulf %get3A_1538, %get3A_1528 : vector<16xf32>
        %add3A_1540 = arith.addf %mul3A_1539, %get3A_1532 : vector<16xf32>
        %swap3A_1541 = arith.constant 0 : i32
        %swap3A_1542 = arith.index_cast %scan3A_111 : i32 to index
        %swap3A_1543 = arith.index_cast %swap3A_1541 : i32 to index
        %swap3A_1544 = arith.constant 176 : index
        %swap3A_1545 = tpu.vector_load %arg13[%swap3A_1542, %swap3A_1543, %swap3A_1544] {strides = array<i32>} : memref<8x8x256xf32, #tpu.memory_space<vmem>>, vector<1x1x16xf32>,
        %swap3A_1546 = vector.shape_cast %swap3A_1545 : vector<1x1x16xf32> to vector<16xf32>
        %swap3A_1547 = vector.shape_cast %add3A_1540 : vector<16xf32> to vector<1x1x16xf32>
        tpu.vector_store %arg13[%swap3A_1542, %swap3A_1543, %swap3A_1544], %swap3A_1547 {strides = array<i32>} : memref<8x8x256xf32, #tpu.memory_space<vmem>>, vector<1x1x16xf32>,
        %get3A_1548 = arith.constant 1 : i32
        %get3A_1549 = arith.index_cast %scan3A_111 : i32 to index
        %get3A_1550 = arith.index_cast %get3A_1548 : i32 to index
        %get3A_1551 = arith.constant 176 : index
        %get3A_1552 = tpu.vector_load %arg11[%get3A_1549, %get3A_1550, %get3A_1551] {strides = array<i32>} : memref<8x8x256xf32, #tpu.memory_space<vmem>>, vector<1x1x16xf32>,
        %get3A_1553 = vector.shape_cast %get3A_1552 : vector<1x1x16xf32> to vector<16xf32>
        %mul3A_1554 = arith.mulf %get3A_1553, %get3A_1528 : vector<16xf32>
        %add3A_1555 = arith.addf %mul3A_1554, %get3A_1532 : vector<16xf32>
        %swap3A_1556 = arith.constant 1 : i32
        %swap3A_1557 = arith.index_cast %scan3A_111 : i32 to index
        %swap3A_1558 = arith.index_cast %swap3A_1556 : i32 to index
        %swap3A_1559 = arith.constant 176 : index
        %swap3A_1560 = tpu.vector_load %arg13[%swap3A_1557, %swap3A_1558, %swap3A_1559] {strides = array<i32>} : memref<8x8x256xf32, #tpu.memory_space<vmem>>, vector<1x1x16xf32>,
        %swap3A_1561 = vector.shape_cast %swap3A_1560 : vector<1x1x16xf32> to vector<16xf32>
        %swap3A_1562 = vector.shape_cast %add3A_1555 : vector<16xf32> to vector<1x1x16xf32>
        tpu.vector_store %arg13[%swap3A_1557, %swap3A_1558, %swap3A_1559], %swap3A_1562 {strides = array<i32>} : memref<8x8x256xf32, #tpu.memory_space<vmem>>, vector<1x1x16xf32>,
        %get3A_1563 = arith.constant 2 : i32
        %get3A_1564 = arith.index_cast %scan3A_111 : i32 to index
        %get3A_1565 = arith.index_cast %get3A_1563 : i32 to index
        %get3A_1566 = arith.constant 176 : index
        %get3A_1567 = tpu.vector_load %arg11[%get3A_1564, %get3A_1565, %get3A_1566] {strides = array<i32>} : memref<8x8x256xf32, #tpu.memory_space<vmem>>, vector<1x1x16xf32>,
        %get3A_1568 = vector.shape_cast %get3A_1567 : vector<1x1x16xf32> to vector<16xf32>
        %mul3A_1569 = arith.mulf %get3A_1568, %get3A_1528 : vector<16xf32>
        %add3A_1570 = arith.addf %mul3A_1569, %get3A_1532 : vector<16xf32>
        %swap3A_1571 = arith.constant 2 : i32
        %swap3A_1572 = arith.index_cast %scan3A_111 : i32 to index
        %swap3A_1573 = arith.index_cast %swap3A_1571 : i32 to index
        %swap3A_1574 = arith.constant 176 : index
        %swap3A_1575 = tpu.vector_load %arg13[%swap3A_1572, %swap3A_1573, %swap3A_1574] {strides = array<i32>} : memref<8x8x256xf32, #tpu.memory_space<vmem>>, vector<1x1x16xf32>,
        %swap3A_1576 = vector.shape_cast %swap3A_1575 : vector<1x1x16xf32> to vector<16xf32>
        %swap3A_1577 = vector.shape_cast %add3A_1570 : vector<16xf32> to vector<1x1x16xf32>
        tpu.vector_store %arg13[%swap3A_1572, %swap3A_1573, %swap3A_1574], %swap3A_1577 {strides = array<i32>} : memref<8x8x256xf32, #tpu.memory_space<vmem>>, vector<1x1x16xf32>,
        %get3A_1578 = arith.constant 3 : i32
        %get3A_1579 = arith.index_cast %scan3A_111 : i32 to index
        %get3A_1580 = arith.index_cast %get3A_1578 : i32 to index
        %get3A_1581 = arith.constant 176 : index
        %get3A_1582 = tpu.vector_load %arg11[%get3A_1579, %get3A_1580, %get3A_1581] {strides = array<i32>} : memref<8x8x256xf32, #tpu.memory_space<vmem>>, vector<1x1x16xf32>,
        %get3A_1583 = vector.shape_cast %get3A_1582 : vector<1x1x16xf32> to vector<16xf32>
        %mul3A_1584 = arith.mulf %get3A_1583, %get3A_1528 : vector<16xf32>
        %add3A_1585 = arith.addf %mul3A_1584, %get3A_1532 : vector<16xf32>
        %swap3A_1586 = arith.constant 3 : i32
        %swap3A_1587 = arith.index_cast %scan3A_111 : i32 to index
        %swap3A_1588 = arith.index_cast %swap3A_1586 : i32 to index
        %swap3A_1589 = arith.constant 176 : index
        %swap3A_1590 = tpu.vector_load %arg13[%swap3A_1587, %swap3A_1588, %swap3A_1589] {strides = array<i32>} : memref<8x8x256xf32, #tpu.memory_space<vmem>>, vector<1x1x16xf32>,
        %swap3A_1591 = vector.shape_cast %swap3A_1590 : vector<1x1x16xf32> to vector<16xf32>
        %swap3A_1592 = vector.shape_cast %add3A_1585 : vector<16xf32> to vector<1x1x16xf32>
        tpu.vector_store %arg13[%swap3A_1587, %swap3A_1588, %swap3A_1589], %swap3A_1592 {strides = array<i32>} : memref<8x8x256xf32, #tpu.memory_space<vmem>>, vector<1x1x16xf32>,
        %get3A_1593 = arith.constant 4 : i32
        %get3A_1594 = arith.index_cast %scan3A_111 : i32 to index
        %get3A_1595 = arith.index_cast %get3A_1593 : i32 to index
        %get3A_1596 = arith.constant 176 : index
        %get3A_1597 = tpu.vector_load %arg11[%get3A_1594, %get3A_1595, %get3A_1596] {strides = array<i32>} : memref<8x8x256xf32, #tpu.memory_space<vmem>>, vector<1x1x16xf32>,
        %get3A_1598 = vector.shape_cast %get3A_1597 : vector<1x1x16xf32> to vector<16xf32>
        %mul3A_1599 = arith.mulf %get3A_1598, %get3A_1528 : vector<16xf32>
        %add3A_1600 = arith.addf %mul3A_1599, %get3A_1532 : vector<16xf32>
        %swap3A_1601 = arith.constant 4 : i32
        %swap3A_1602 = arith.index_cast %scan3A_111 : i32 to index
        %swap3A_1603 = arith.index_cast %swap3A_1601 : i32 to index
        %swap3A_1604 = arith.constant 176 : index
        %swap3A_1605 = tpu.vector_load %arg13[%swap3A_1602, %swap3A_1603, %swap3A_1604] {strides = array<i32>} : memref<8x8x256xf32, #tpu.memory_space<vmem>>, vector<1x1x16xf32>,
        %swap3A_1606 = vector.shape_cast %swap3A_1605 : vector<1x1x16xf32> to vector<16xf32>
        %swap3A_1607 = vector.shape_cast %add3A_1600 : vector<16xf32> to vector<1x1x16xf32>
        tpu.vector_store %arg13[%swap3A_1602, %swap3A_1603, %swap3A_1604], %swap3A_1607 {strides = array<i32>} : memref<8x8x256xf32, #tpu.memory_space<vmem>>, vector<1x1x16xf32>,
        %get3A_1608 = arith.constant 5 : i32
        %get3A_1609 = arith.index_cast %scan3A_111 : i32 to index
        %get3A_1610 = arith.index_cast %get3A_1608 : i32 to index
        %get3A_1611 = arith.constant 176 : index
        %get3A_1612 = tpu.vector_load %arg11[%get3A_1609, %get3A_1610, %get3A_1611] {strides = array<i32>} : memref<8x8x256xf32, #tpu.memory_space<vmem>>, vector<1x1x16xf32>,
        %get3A_1613 = vector.shape_cast %get3A_1612 : vector<1x1x16xf32> to vector<16xf32>
        %mul3A_1614 = arith.mulf %get3A_1613, %get3A_1528 : vector<16xf32>
        %add3A_1615 = arith.addf %mul3A_1614, %get3A_1532 : vector<16xf32>
        %swap3A_1616 = arith.constant 5 : i32
        %swap3A_1617 = arith.index_cast %scan3A_111 : i32 to index
        %swap3A_1618 = arith.index_cast %swap3A_1616 : i32 to index
        %swap3A_1619 = arith.constant 176 : index
        %swap3A_1620 = tpu.vector_load %arg13[%swap3A_1617, %swap3A_1618, %swap3A_1619] {strides = array<i32>} : memref<8x8x256xf32, #tpu.memory_space<vmem>>, vector<1x1x16xf32>,
        %swap3A_1621 = vector.shape_cast %swap3A_1620 : vector<1x1x16xf32> to vector<16xf32>
        %swap3A_1622 = vector.shape_cast %add3A_1615 : vector<16xf32> to vector<1x1x16xf32>
        tpu.vector_store %arg13[%swap3A_1617, %swap3A_1618, %swap3A_1619], %swap3A_1622 {strides = array<i32>} : memref<8x8x256xf32, #tpu.memory_space<vmem>>, vector<1x1x16xf32>,
        %get3A_1623 = arith.constant 6 : i32
        %get3A_1624 = arith.index_cast %scan3A_111 : i32 to index
        %get3A_1625 = arith.index_cast %get3A_1623 : i32 to index
        %get3A_1626 = arith.constant 176 : index
        %get3A_1627 = tpu.vector_load %arg11[%get3A_1624, %get3A_1625, %get3A_1626] {strides = array<i32>} : memref<8x8x256xf32, #tpu.memory_space<vmem>>, vector<1x1x16xf32>,
        %get3A_1628 = vector.shape_cast %get3A_1627 : vector<1x1x16xf32> to vector<16xf32>
        %mul3A_1629 = arith.mulf %get3A_1628, %get3A_1528 : vector<16xf32>
        %add3A_1630 = arith.addf %mul3A_1629, %get3A_1532 : vector<16xf32>
        %swap3A_1631 = arith.constant 6 : i32
        %swap3A_1632 = arith.index_cast %scan3A_111 : i32 to index
        %swap3A_1633 = arith.index_cast %swap3A_1631 : i32 to index
        %swap3A_1634 = arith.constant 176 : index
        %swap3A_1635 = tpu.vector_load %arg13[%swap3A_1632, %swap3A_1633, %swap3A_1634] {strides = array<i32>} : memref<8x8x256xf32, #tpu.memory_space<vmem>>, vector<1x1x16xf32>,
        %swap3A_1636 = vector.shape_cast %swap3A_1635 : vector<1x1x16xf32> to vector<16xf32>
        %swap3A_1637 = vector.shape_cast %add3A_1630 : vector<16xf32> to vector<1x1x16xf32>
        tpu.vector_store %arg13[%swap3A_1632, %swap3A_1633, %swap3A_1634], %swap3A_1637 {strides = array<i32>} : memref<8x8x256xf32, #tpu.memory_space<vmem>>, vector<1x1x16xf32>,
        %get3A_1638 = arith.constant 7 : i32
        %get3A_1639 = arith.index_cast %scan3A_111 : i32 to index
        %get3A_1640 = arith.index_cast %get3A_1638 : i32 to index
        %get3A_1641 = arith.constant 176 : index
        %get3A_1642 = tpu.vector_load %arg11[%get3A_1639, %get3A_1640, %get3A_1641] {strides = array<i32>} : memref<8x8x256xf32, #tpu.memory_space<vmem>>, vector<1x1x16xf32>,
        %get3A_1643 = vector.shape_cast %get3A_1642 : vector<1x1x16xf32> to vector<16xf32>
        %mul3A_1644 = arith.mulf %get3A_1643, %get3A_1528 : vector<16xf32>
        %add3A_1645 = arith.addf %mul3A_1644, %get3A_1532 : vector<16xf32>
        %swap3A_1646 = arith.constant 7 : i32
        %swap3A_1647 = arith.index_cast %scan3A_111 : i32 to index
        %swap3A_1648 = arith.index_cast %swap3A_1646 : i32 to index
        %swap3A_1649 = arith.constant 176 : index
        %swap3A_1650 = tpu.vector_load %arg13[%swap3A_1647, %swap3A_1648, %swap3A_1649] {strides = array<i32>} : memref<8x8x256xf32, #tpu.memory_space<vmem>>, vector<1x1x16xf32>,
        %swap3A_1651 = vector.shape_cast %swap3A_1650 : vector<1x1x16xf32> to vector<16xf32>
        %swap3A_1652 = vector.shape_cast %add3A_1645 : vector<16xf32> to vector<1x1x16xf32>
        tpu.vector_store %arg13[%swap3A_1647, %swap3A_1648, %swap3A_1649], %swap3A_1652 {strides = array<i32>} : memref<8x8x256xf32, #tpu.memory_space<vmem>>, vector<1x1x16xf32>,
        %get3A_1653 = arith.index_cast %squeeze3A : i32 to index
        %get3A_1654 = arith.constant 192 : index
        %get3A_1655 = tpu.vector_load %arg7[%get3A_1653, %get3A_1654] {strides = array<i32>} : memref<4x256xf32, #tpu.memory_space<vmem>>, vector<1x16xf32>,
        %get3A_1656 = vector.shape_cast %get3A_1655 : vector<1x16xf32> to vector<16xf32>
        %get3A_1657 = arith.index_cast %squeeze3A : i32 to index
        %get3A_1658 = arith.constant 192 : index
        %get3A_1659 = tpu.vector_load %arg8[%get3A_1657, %get3A_1658] {strides = array<i32>} : memref<4x256xf32, #tpu.memory_space<vmem>>, vector<1x16xf32>,
        %get3A_1660 = vector.shape_cast %get3A_1659 : vector<1x16xf32> to vector<16xf32>
        %get3A_1661 = arith.constant 0 : i32
        %get3A_1662 = arith.index_cast %scan3A_111 : i32 to index
        %get3A_1663 = arith.index_cast %get3A_1661 : i32 to index
        %get3A_1664 = arith.constant 192 : index
        %get3A_1665 = tpu.vector_load %arg11[%get3A_1662, %get3A_1663, %get3A_1664] {strides = array<i32>} : memref<8x8x256xf32, #tpu.memory_space<vmem>>, vector<1x1x16xf32>,
        %get3A_1666 = vector.shape_cast %get3A_1665 : vector<1x1x16xf32> to vector<16xf32>
        %mul3A_1667 = arith.mulf %get3A_1666, %get3A_1656 : vector<16xf32>
        %add3A_1668 = arith.addf %mul3A_1667, %get3A_1660 : vector<16xf32>
        %swap3A_1669 = arith.constant 0 : i32
        %swap3A_1670 = arith.index_cast %scan3A_111 : i32 to index
        %swap3A_1671 = arith.index_cast %swap3A_1669 : i32 to index
        %swap3A_1672 = arith.constant 192 : index
        %swap3A_1673 = tpu.vector_load %arg13[%swap3A_1670, %swap3A_1671, %swap3A_1672] {strides = array<i32>} : memref<8x8x256xf32, #tpu.memory_space<vmem>>, vector<1x1x16xf32>,
        %swap3A_1674 = vector.shape_cast %swap3A_1673 : vector<1x1x16xf32> to vector<16xf32>
        %swap3A_1675 = vector.shape_cast %add3A_1668 : vector<16xf32> to vector<1x1x16xf32>
        tpu.vector_store %arg13[%swap3A_1670, %swap3A_1671, %swap3A_1672], %swap3A_1675 {strides = array<i32>} : memref<8x8x256xf32, #tpu.memory_space<vmem>>, vector<1x1x16xf32>,
        %get3A_1676 = arith.constant 1 : i32
        %get3A_1677 = arith.index_cast %scan3A_111 : i32 to index
        %get3A_1678 = arith.index_cast %get3A_1676 : i32 to index
        %get3A_1679 = arith.constant 192 : index
        %get3A_1680 = tpu.vector_load %arg11[%get3A_1677, %get3A_1678, %get3A_1679] {strides = array<i32>} : memref<8x8x256xf32, #tpu.memory_space<vmem>>, vector<1x1x16xf32>,
        %get3A_1681 = vector.shape_cast %get3A_1680 : vector<1x1x16xf32> to vector<16xf32>
        %mul3A_1682 = arith.mulf %get3A_1681, %get3A_1656 : vector<16xf32>
        %add3A_1683 = arith.addf %mul3A_1682, %get3A_1660 : vector<16xf32>
        %swap3A_1684 = arith.constant 1 : i32
        %swap3A_1685 = arith.index_cast %scan3A_111 : i32 to index
        %swap3A_1686 = arith.index_cast %swap3A_1684 : i32 to index
        %swap3A_1687 = arith.constant 192 : index
        %swap3A_1688 = tpu.vector_load %arg13[%swap3A_1685, %swap3A_1686, %swap3A_1687] {strides = array<i32>} : memref<8x8x256xf32, #tpu.memory_space<vmem>>, vector<1x1x16xf32>,
        %swap3A_1689 = vector.shape_cast %swap3A_1688 : vector<1x1x16xf32> to vector<16xf32>
        %swap3A_1690 = vector.shape_cast %add3A_1683 : vector<16xf32> to vector<1x1x16xf32>
        tpu.vector_store %arg13[%swap3A_1685, %swap3A_1686, %swap3A_1687], %swap3A_1690 {strides = array<i32>} : memref<8x8x256xf32, #tpu.memory_space<vmem>>, vector<1x1x16xf32>,
        %get3A_1691 = arith.constant 2 : i32
        %get3A_1692 = arith.index_cast %scan3A_111 : i32 to index
        %get3A_1693 = arith.index_cast %get3A_1691 : i32 to index
        %get3A_1694 = arith.constant 192 : index
        %get3A_1695 = tpu.vector_load %arg11[%get3A_1692, %get3A_1693, %get3A_1694] {strides = array<i32>} : memref<8x8x256xf32, #tpu.memory_space<vmem>>, vector<1x1x16xf32>,
        %get3A_1696 = vector.shape_cast %get3A_1695 : vector<1x1x16xf32> to vector<16xf32>
        %mul3A_1697 = arith.mulf %get3A_1696, %get3A_1656 : vector<16xf32>
        %add3A_1698 = arith.addf %mul3A_1697, %get3A_1660 : vector<16xf32>
        %swap3A_1699 = arith.constant 2 : i32
        %swap3A_1700 = arith.index_cast %scan3A_111 : i32 to index
        %swap3A_1701 = arith.index_cast %swap3A_1699 : i32 to index
        %swap3A_1702 = arith.constant 192 : index
        %swap3A_1703 = tpu.vector_load %arg13[%swap3A_1700, %swap3A_1701, %swap3A_1702] {strides = array<i32>} : memref<8x8x256xf32, #tpu.memory_space<vmem>>, vector<1x1x16xf32>,
        %swap3A_1704 = vector.shape_cast %swap3A_1703 : vector<1x1x16xf32> to vector<16xf32>
        %swap3A_1705 = vector.shape_cast %add3A_1698 : vector<16xf32> to vector<1x1x16xf32>
        tpu.vector_store %arg13[%swap3A_1700, %swap3A_1701, %swap3A_1702], %swap3A_1705 {strides = array<i32>} : memref<8x8x256xf32, #tpu.memory_space<vmem>>, vector<1x1x16xf32>,
        %get3A_1706 = arith.constant 3 : i32
        %get3A_1707 = arith.index_cast %scan3A_111 : i32 to index
        %get3A_1708 = arith.index_cast %get3A_1706 : i32 to index
        %get3A_1709 = arith.constant 192 : index
        %get3A_1710 = tpu.vector_load %arg11[%get3A_1707, %get3A_1708, %get3A_1709] {strides = array<i32>} : memref<8x8x256xf32, #tpu.memory_space<vmem>>, vector<1x1x16xf32>,
        %get3A_1711 = vector.shape_cast %get3A_1710 : vector<1x1x16xf32> to vector<16xf32>
        %mul3A_1712 = arith.mulf %get3A_1711, %get3A_1656 : vector<16xf32>
        %add3A_1713 = arith.addf %mul3A_1712, %get3A_1660 : vector<16xf32>
        %swap3A_1714 = arith.constant 3 : i32
        %swap3A_1715 = arith.index_cast %scan3A_111 : i32 to index
        %swap3A_1716 = arith.index_cast %swap3A_1714 : i32 to index
        %swap3A_1717 = arith.constant 192 : index
        %swap3A_1718 = tpu.vector_load %arg13[%swap3A_1715, %swap3A_1716, %swap3A_1717] {strides = array<i32>} : memref<8x8x256xf32, #tpu.memory_space<vmem>>, vector<1x1x16xf32>,
        %swap3A_1719 = vector.shape_cast %swap3A_1718 : vector<1x1x16xf32> to vector<16xf32>
        %swap3A_1720 = vector.shape_cast %add3A_1713 : vector<16xf32> to vector<1x1x16xf32>
        tpu.vector_store %arg13[%swap3A_1715, %swap3A_1716, %swap3A_1717], %swap3A_1720 {strides = array<i32>} : memref<8x8x256xf32, #tpu.memory_space<vmem>>, vector<1x1x16xf32>,
        %get3A_1721 = arith.constant 4 : i32
        %get3A_1722 = arith.index_cast %scan3A_111 : i32 to index
        %get3A_1723 = arith.index_cast %get3A_1721 : i32 to index
        %get3A_1724 = arith.constant 192 : index
        %get3A_1725 = tpu.vector_load %arg11[%get3A_1722, %get3A_1723, %get3A_1724] {strides = array<i32>} : memref<8x8x256xf32, #tpu.memory_space<vmem>>, vector<1x1x16xf32>,
        %get3A_1726 = vector.shape_cast %get3A_1725 : vector<1x1x16xf32> to vector<16xf32>
        %mul3A_1727 = arith.mulf %get3A_1726, %get3A_1656 : vector<16xf32>
        %add3A_1728 = arith.addf %mul3A_1727, %get3A_1660 : vector<16xf32>
        %swap3A_1729 = arith.constant 4 : i32
        %swap3A_1730 = arith.index_cast %scan3A_111 : i32 to index
        %swap3A_1731 = arith.index_cast %swap3A_1729 : i32 to index
        %swap3A_1732 = arith.constant 192 : index
        %swap3A_1733 = tpu.vector_load %arg13[%swap3A_1730, %swap3A_1731, %swap3A_1732] {strides = array<i32>} : memref<8x8x256xf32, #tpu.memory_space<vmem>>, vector<1x1x16xf32>,
        %swap3A_1734 = vector.shape_cast %swap3A_1733 : vector<1x1x16xf32> to vector<16xf32>
        %swap3A_1735 = vector.shape_cast %add3A_1728 : vector<16xf32> to vector<1x1x16xf32>
        tpu.vector_store %arg13[%swap3A_1730, %swap3A_1731, %swap3A_1732], %swap3A_1735 {strides = array<i32>} : memref<8x8x256xf32, #tpu.memory_space<vmem>>, vector<1x1x16xf32>,
        %get3A_1736 = arith.constant 5 : i32
        %get3A_1737 = arith.index_cast %scan3A_111 : i32 to index
        %get3A_1738 = arith.index_cast %get3A_1736 : i32 to index
        %get3A_1739 = arith.constant 192 : index
        %get3A_1740 = tpu.vector_load %arg11[%get3A_1737, %get3A_1738, %get3A_1739] {strides = array<i32>} : memref<8x8x256xf32, #tpu.memory_space<vmem>>, vector<1x1x16xf32>,
        %get3A_1741 = vector.shape_cast %get3A_1740 : vector<1x1x16xf32> to vector<16xf32>
        %mul3A_1742 = arith.mulf %get3A_1741, %get3A_1656 : vector<16xf32>
        %add3A_1743 = arith.addf %mul3A_1742, %get3A_1660 : vector<16xf32>
        %swap3A_1744 = arith.constant 5 : i32
        %swap3A_1745 = arith.index_cast %scan3A_111 : i32 to index
        %swap3A_1746 = arith.index_cast %swap3A_1744 : i32 to index
        %swap3A_1747 = arith.constant 192 : index
        %swap3A_1748 = tpu.vector_load %arg13[%swap3A_1745, %swap3A_1746, %swap3A_1747] {strides = array<i32>} : memref<8x8x256xf32, #tpu.memory_space<vmem>>, vector<1x1x16xf32>,
        %swap3A_1749 = vector.shape_cast %swap3A_1748 : vector<1x1x16xf32> to vector<16xf32>
        %swap3A_1750 = vector.shape_cast %add3A_1743 : vector<16xf32> to vector<1x1x16xf32>
        tpu.vector_store %arg13[%swap3A_1745, %swap3A_1746, %swap3A_1747], %swap3A_1750 {strides = array<i32>} : memref<8x8x256xf32, #tpu.memory_space<vmem>>, vector<1x1x16xf32>,
        %get3A_1751 = arith.constant 6 : i32
        %get3A_1752 = arith.index_cast %scan3A_111 : i32 to index
        %get3A_1753 = arith.index_cast %get3A_1751 : i32 to index
        %get3A_1754 = arith.constant 192 : index
        %get3A_1755 = tpu.vector_load %arg11[%get3A_1752, %get3A_1753, %get3A_1754] {strides = array<i32>} : memref<8x8x256xf32, #tpu.memory_space<vmem>>, vector<1x1x16xf32>,
        %get3A_1756 = vector.shape_cast %get3A_1755 : vector<1x1x16xf32> to vector<16xf32>
        %mul3A_1757 = arith.mulf %get3A_1756, %get3A_1656 : vector<16xf32>
        %add3A_1758 = arith.addf %mul3A_1757, %get3A_1660 : vector<16xf32>
        %swap3A_1759 = arith.constant 6 : i32
        %swap3A_1760 = arith.index_cast %scan3A_111 : i32 to index
        %swap3A_1761 = arith.index_cast %swap3A_1759 : i32 to index
        %swap3A_1762 = arith.constant 192 : index
        %swap3A_1763 = tpu.vector_load %arg13[%swap3A_1760, %swap3A_1761, %swap3A_1762] {strides = array<i32>} : memref<8x8x256xf32, #tpu.memory_space<vmem>>, vector<1x1x16xf32>,
        %swap3A_1764 = vector.shape_cast %swap3A_1763 : vector<1x1x16xf32> to vector<16xf32>
        %swap3A_1765 = vector.shape_cast %add3A_1758 : vector<16xf32> to vector<1x1x16xf32>
        tpu.vector_store %arg13[%swap3A_1760, %swap3A_1761, %swap3A_1762], %swap3A_1765 {strides = array<i32>} : memref<8x8x256xf32, #tpu.memory_space<vmem>>, vector<1x1x16xf32>,
        %get3A_1766 = arith.constant 7 : i32
        %get3A_1767 = arith.index_cast %scan3A_111 : i32 to index
        %get3A_1768 = arith.index_cast %get3A_1766 : i32 to index
        %get3A_1769 = arith.constant 192 : index
        %get3A_1770 = tpu.vector_load %arg11[%get3A_1767, %get3A_1768, %get3A_1769] {strides = array<i32>} : memref<8x8x256xf32, #tpu.memory_space<vmem>>, vector<1x1x16xf32>,
        %get3A_1771 = vector.shape_cast %get3A_1770 : vector<1x1x16xf32> to vector<16xf32>
        %mul3A_1772 = arith.mulf %get3A_1771, %get3A_1656 : vector<16xf32>
        %add3A_1773 = arith.addf %mul3A_1772, %get3A_1660 : vector<16xf32>
        %swap3A_1774 = arith.constant 7 : i32
        %swap3A_1775 = arith.index_cast %scan3A_111 : i32 to index
        %swap3A_1776 = arith.index_cast %swap3A_1774 : i32 to index
        %swap3A_1777 = arith.constant 192 : index
        %swap3A_1778 = tpu.vector_load %arg13[%swap3A_1775, %swap3A_1776, %swap3A_1777] {strides = array<i32>} : memref<8x8x256xf32, #tpu.memory_space<vmem>>, vector<1x1x16xf32>,
        %swap3A_1779 = vector.shape_cast %swap3A_1778 : vector<1x1x16xf32> to vector<16xf32>
        %swap3A_1780 = vector.shape_cast %add3A_1773 : vector<16xf32> to vector<1x1x16xf32>
        tpu.vector_store %arg13[%swap3A_1775, %swap3A_1776, %swap3A_1777], %swap3A_1780 {strides = array<i32>} : memref<8x8x256xf32, #tpu.memory_space<vmem>>, vector<1x1x16xf32>,
        %get3A_1781 = arith.index_cast %squeeze3A : i32 to index
        %get3A_1782 = arith.constant 208 : index
        %get3A_1783 = tpu.vector_load %arg7[%get3A_1781, %get3A_1782] {strides = array<i32>} : memref<4x256xf32, #tpu.memory_space<vmem>>, vector<1x16xf32>,
        %get3A_1784 = vector.shape_cast %get3A_1783 : vector<1x16xf32> to vector<16xf32>
        %get3A_1785 = arith.index_cast %squeeze3A : i32 to index
        %get3A_1786 = arith.constant 208 : index
        %get3A_1787 = tpu.vector_load %arg8[%get3A_1785, %get3A_1786] {strides = array<i32>} : memref<4x256xf32, #tpu.memory_space<vmem>>, vector<1x16xf32>,
        %get3A_1788 = vector.shape_cast %get3A_1787 : vector<1x16xf32> to vector<16xf32>
        %get3A_1789 = arith.constant 0 : i32
        %get3A_1790 = arith.index_cast %scan3A_111 : i32 to index
        %get3A_1791 = arith.index_cast %get3A_1789 : i32 to index
        %get3A_1792 = arith.constant 208 : index
        %get3A_1793 = tpu.vector_load %arg11[%get3A_1790, %get3A_1791, %get3A_1792] {strides = array<i32>} : memref<8x8x256xf32, #tpu.memory_space<vmem>>, vector<1x1x16xf32>,
        %get3A_1794 = vector.shape_cast %get3A_1793 : vector<1x1x16xf32> to vector<16xf32>
        %mul3A_1795 = arith.mulf %get3A_1794, %get3A_1784 : vector<16xf32>
        %add3A_1796 = arith.addf %mul3A_1795, %get3A_1788 : vector<16xf32>
        %swap3A_1797 = arith.constant 0 : i32
        %swap3A_1798 = arith.index_cast %scan3A_111 : i32 to index
        %swap3A_1799 = arith.index_cast %swap3A_1797 : i32 to index
        %swap3A_1800 = arith.constant 208 : index
        %swap3A_1801 = tpu.vector_load %arg13[%swap3A_1798, %swap3A_1799, %swap3A_1800] {strides = array<i32>} : memref<8x8x256xf32, #tpu.memory_space<vmem>>, vector<1x1x16xf32>,
        %swap3A_1802 = vector.shape_cast %swap3A_1801 : vector<1x1x16xf32> to vector<16xf32>
        %swap3A_1803 = vector.shape_cast %add3A_1796 : vector<16xf32> to vector<1x1x16xf32>
        tpu.vector_store %arg13[%swap3A_1798, %swap3A_1799, %swap3A_1800], %swap3A_1803 {strides = array<i32>} : memref<8x8x256xf32, #tpu.memory_space<vmem>>, vector<1x1x16xf32>,
        %get3A_1804 = arith.constant 1 : i32
        %get3A_1805 = arith.index_cast %scan3A_111 : i32 to index
        %get3A_1806 = arith.index_cast %get3A_1804 : i32 to index
        %get3A_1807 = arith.constant 208 : index
        %get3A_1808 = tpu.vector_load %arg11[%get3A_1805, %get3A_1806, %get3A_1807] {strides = array<i32>} : memref<8x8x256xf32, #tpu.memory_space<vmem>>, vector<1x1x16xf32>,
        %get3A_1809 = vector.shape_cast %get3A_1808 : vector<1x1x16xf32> to vector<16xf32>
        %mul3A_1810 = arith.mulf %get3A_1809, %get3A_1784 : vector<16xf32>
        %add3A_1811 = arith.addf %mul3A_1810, %get3A_1788 : vector<16xf32>
        %swap3A_1812 = arith.constant 1 : i32
        %swap3A_1813 = arith.index_cast %scan3A_111 : i32 to index
        %swap3A_1814 = arith.index_cast %swap3A_1812 : i32 to index
        %swap3A_1815 = arith.constant 208 : index
        %swap3A_1816 = tpu.vector_load %arg13[%swap3A_1813, %swap3A_1814, %swap3A_1815] {strides = array<i32>} : memref<8x8x256xf32, #tpu.memory_space<vmem>>, vector<1x1x16xf32>,
        %swap3A_1817 = vector.shape_cast %swap3A_1816 : vector<1x1x16xf32> to vector<16xf32>
        %swap3A_1818 = vector.shape_cast %add3A_1811 : vector<16xf32> to vector<1x1x16xf32>
        tpu.vector_store %arg13[%swap3A_1813, %swap3A_1814, %swap3A_1815], %swap3A_1818 {strides = array<i32>} : memref<8x8x256xf32, #tpu.memory_space<vmem>>, vector<1x1x16xf32>,
        %get3A_1819 = arith.constant 2 : i32
        %get3A_1820 = arith.index_cast %scan3A_111 : i32 to index
        %get3A_1821 = arith.index_cast %get3A_1819 : i32 to index
        %get3A_1822 = arith.constant 208 : index
        %get3A_1823 = tpu.vector_load %arg11[%get3A_1820, %get3A_1821, %get3A_1822] {strides = array<i32>} : memref<8x8x256xf32, #tpu.memory_space<vmem>>, vector<1x1x16xf32>,
        %get3A_1824 = vector.shape_cast %get3A_1823 : vector<1x1x16xf32> to vector<16xf32>
        %mul3A_1825 = arith.mulf %get3A_1824, %get3A_1784 : vector<16xf32>
        %add3A_1826 = arith.addf %mul3A_1825, %get3A_1788 : vector<16xf32>
        %swap3A_1827 = arith.constant 2 : i32
        %swap3A_1828 = arith.index_cast %scan3A_111 : i32 to index
        %swap3A_1829 = arith.index_cast %swap3A_1827 : i32 to index
        %swap3A_1830 = arith.constant 208 : index
        %swap3A_1831 = tpu.vector_load %arg13[%swap3A_1828, %swap3A_1829, %swap3A_1830] {strides = array<i32>} : memref<8x8x256xf32, #tpu.memory_space<vmem>>, vector<1x1x16xf32>,
        %swap3A_1832 = vector.shape_cast %swap3A_1831 : vector<1x1x16xf32> to vector<16xf32>
        %swap3A_1833 = vector.shape_cast %add3A_1826 : vector<16xf32> to vector<1x1x16xf32>
        tpu.vector_store %arg13[%swap3A_1828, %swap3A_1829, %swap3A_1830], %swap3A_1833 {strides = array<i32>} : memref<8x8x256xf32, #tpu.memory_space<vmem>>, vector<1x1x16xf32>,
        %get3A_1834 = arith.constant 3 : i32
        %get3A_1835 = arith.index_cast %scan3A_111 : i32 to index
        %get3A_1836 = arith.index_cast %get3A_1834 : i32 to index
        %get3A_1837 = arith.constant 208 : index
        %get3A_1838 = tpu.vector_load %arg11[%get3A_1835, %get3A_1836, %get3A_1837] {strides = array<i32>} : memref<8x8x256xf32, #tpu.memory_space<vmem>>, vector<1x1x16xf32>,
        %get3A_1839 = vector.shape_cast %get3A_1838 : vector<1x1x16xf32> to vector<16xf32>
        %mul3A_1840 = arith.mulf %get3A_1839, %get3A_1784 : vector<16xf32>
        %add3A_1841 = arith.addf %mul3A_1840, %get3A_1788 : vector<16xf32>
        %swap3A_1842 = arith.constant 3 : i32
        %swap3A_1843 = arith.index_cast %scan3A_111 : i32 to index
        %swap3A_1844 = arith.index_cast %swap3A_1842 : i32 to index
        %swap3A_1845 = arith.constant 208 : index
        %swap3A_1846 = tpu.vector_load %arg13[%swap3A_1843, %swap3A_1844, %swap3A_1845] {strides = array<i32>} : memref<8x8x256xf32, #tpu.memory_space<vmem>>, vector<1x1x16xf32>,
        %swap3A_1847 = vector.shape_cast %swap3A_1846 : vector<1x1x16xf32> to vector<16xf32>
        %swap3A_1848 = vector.shape_cast %add3A_1841 : vector<16xf32> to vector<1x1x16xf32>
        tpu.vector_store %arg13[%swap3A_1843, %swap3A_1844, %swap3A_1845], %swap3A_1848 {strides = array<i32>} : memref<8x8x256xf32, #tpu.memory_space<vmem>>, vector<1x1x16xf32>,
        %get3A_1849 = arith.constant 4 : i32
        %get3A_1850 = arith.index_cast %scan3A_111 : i32 to index
        %get3A_1851 = arith.index_cast %get3A_1849 : i32 to index
        %get3A_1852 = arith.constant 208 : index
        %get3A_1853 = tpu.vector_load %arg11[%get3A_1850, %get3A_1851, %get3A_1852] {strides = array<i32>} : memref<8x8x256xf32, #tpu.memory_space<vmem>>, vector<1x1x16xf32>,
        %get3A_1854 = vector.shape_cast %get3A_1853 : vector<1x1x16xf32> to vector<16xf32>
        %mul3A_1855 = arith.mulf %get3A_1854, %get3A_1784 : vector<16xf32>
        %add3A_1856 = arith.addf %mul3A_1855, %get3A_1788 : vector<16xf32>
        %swap3A_1857 = arith.constant 4 : i32
        %swap3A_1858 = arith.index_cast %scan3A_111 : i32 to index
        %swap3A_1859 = arith.index_cast %swap3A_1857 : i32 to index
        %swap3A_1860 = arith.constant 208 : index
        %swap3A_1861 = tpu.vector_load %arg13[%swap3A_1858, %swap3A_1859, %swap3A_1860] {strides = array<i32>} : memref<8x8x256xf32, #tpu.memory_space<vmem>>, vector<1x1x16xf32>,
        %swap3A_1862 = vector.shape_cast %swap3A_1861 : vector<1x1x16xf32> to vector<16xf32>
        %swap3A_1863 = vector.shape_cast %add3A_1856 : vector<16xf32> to vector<1x1x16xf32>
        tpu.vector_store %arg13[%swap3A_1858, %swap3A_1859, %swap3A_1860], %swap3A_1863 {strides = array<i32>} : memref<8x8x256xf32, #tpu.memory_space<vmem>>, vector<1x1x16xf32>,
        %get3A_1864 = arith.constant 5 : i32
        %get3A_1865 = arith.index_cast %scan3A_111 : i32 to index
        %get3A_1866 = arith.index_cast %get3A_1864 : i32 to index
        %get3A_1867 = arith.constant 208 : index
        %get3A_1868 = tpu.vector_load %arg11[%get3A_1865, %get3A_1866, %get3A_1867] {strides = array<i32>} : memref<8x8x256xf32, #tpu.memory_space<vmem>>, vector<1x1x16xf32>,
        %get3A_1869 = vector.shape_cast %get3A_1868 : vector<1x1x16xf32> to vector<16xf32>
        %mul3A_1870 = arith.mulf %get3A_1869, %get3A_1784 : vector<16xf32>
        %add3A_1871 = arith.addf %mul3A_1870, %get3A_1788 : vector<16xf32>
        %swap3A_1872 = arith.constant 5 : i32
        %swap3A_1873 = arith.index_cast %scan3A_111 : i32 to index
        %swap3A_1874 = arith.index_cast %swap3A_1872 : i32 to index
        %swap3A_1875 = arith.constant 208 : index
        %swap3A_1876 = tpu.vector_load %arg13[%swap3A_1873, %swap3A_1874, %swap3A_1875] {strides = array<i32>} : memref<8x8x256xf32, #tpu.memory_space<vmem>>, vector<1x1x16xf32>,
        %swap3A_1877 = vector.shape_cast %swap3A_1876 : vector<1x1x16xf32> to vector<16xf32>
        %swap3A_1878 = vector.shape_cast %add3A_1871 : vector<16xf32> to vector<1x1x16xf32>
        tpu.vector_store %arg13[%swap3A_1873, %swap3A_1874, %swap3A_1875], %swap3A_1878 {strides = array<i32>} : memref<8x8x256xf32, #tpu.memory_space<vmem>>, vector<1x1x16xf32>,
        %get3A_1879 = arith.constant 6 : i32
        %get3A_1880 = arith.index_cast %scan3A_111 : i32 to index
        %get3A_1881 = arith.index_cast %get3A_1879 : i32 to index
        %get3A_1882 = arith.constant 208 : index
        %get3A_1883 = tpu.vector_load %arg11[%get3A_1880, %get3A_1881, %get3A_1882] {strides = array<i32>} : memref<8x8x256xf32, #tpu.memory_space<vmem>>, vector<1x1x16xf32>,
        %get3A_1884 = vector.shape_cast %get3A_1883 : vector<1x1x16xf32> to vector<16xf32>
        %mul3A_1885 = arith.mulf %get3A_1884, %get3A_1784 : vector<16xf32>
        %add3A_1886 = arith.addf %mul3A_1885, %get3A_1788 : vector<16xf32>
        %swap3A_1887 = arith.constant 6 : i32
        %swap3A_1888 = arith.index_cast %scan3A_111 : i32 to index
        %swap3A_1889 = arith.index_cast %swap3A_1887 : i32 to index
        %swap3A_1890 = arith.constant 208 : index
        %swap3A_1891 = tpu.vector_load %arg13[%swap3A_1888, %swap3A_1889, %swap3A_1890] {strides = array<i32>} : memref<8x8x256xf32, #tpu.memory_space<vmem>>, vector<1x1x16xf32>,
        %swap3A_1892 = vector.shape_cast %swap3A_1891 : vector<1x1x16xf32> to vector<16xf32>
        %swap3A_1893 = vector.shape_cast %add3A_1886 : vector<16xf32> to vector<1x1x16xf32>
        tpu.vector_store %arg13[%swap3A_1888, %swap3A_1889, %swap3A_1890], %swap3A_1893 {strides = array<i32>} : memref<8x8x256xf32, #tpu.memory_space<vmem>>, vector<1x1x16xf32>,
        %get3A_1894 = arith.constant 7 : i32
        %get3A_1895 = arith.index_cast %scan3A_111 : i32 to index
        %get3A_1896 = arith.index_cast %get3A_1894 : i32 to index
        %get3A_1897 = arith.constant 208 : index
        %get3A_1898 = tpu.vector_load %arg11[%get3A_1895, %get3A_1896, %get3A_1897] {strides = array<i32>} : memref<8x8x256xf32, #tpu.memory_space<vmem>>, vector<1x1x16xf32>,
        %get3A_1899 = vector.shape_cast %get3A_1898 : vector<1x1x16xf32> to vector<16xf32>
        %mul3A_1900 = arith.mulf %get3A_1899, %get3A_1784 : vector<16xf32>
        %add3A_1901 = arith.addf %mul3A_1900, %get3A_1788 : vector<16xf32>
        %swap3A_1902 = arith.constant 7 : i32
        %swap3A_1903 = arith.index_cast %scan3A_111 : i32 to index
        %swap3A_1904 = arith.index_cast %swap3A_1902 : i32 to index
        %swap3A_1905 = arith.constant 208 : index
        %swap3A_1906 = tpu.vector_load %arg13[%swap3A_1903, %swap3A_1904, %swap3A_1905] {strides = array<i32>} : memref<8x8x256xf32, #tpu.memory_space<vmem>>, vector<1x1x16xf32>,
        %swap3A_1907 = vector.shape_cast %swap3A_1906 : vector<1x1x16xf32> to vector<16xf32>
        %swap3A_1908 = vector.shape_cast %add3A_1901 : vector<16xf32> to vector<1x1x16xf32>
        tpu.vector_store %arg13[%swap3A_1903, %swap3A_1904, %swap3A_1905], %swap3A_1908 {strides = array<i32>} : memref<8x8x256xf32, #tpu.memory_space<vmem>>, vector<1x1x16xf32>,
        %get3A_1909 = arith.index_cast %squeeze3A : i32 to index
        %get3A_1910 = arith.constant 224 : index
        %get3A_1911 = tpu.vector_load %arg7[%get3A_1909, %get3A_1910] {strides = array<i32>} : memref<4x256xf32, #tpu.memory_space<vmem>>, vector<1x16xf32>,
        %get3A_1912 = vector.shape_cast %get3A_1911 : vector<1x16xf32> to vector<16xf32>
        %get3A_1913 = arith.index_cast %squeeze3A : i32 to index
        %get3A_1914 = arith.constant 224 : index
        %get3A_1915 = tpu.vector_load %arg8[%get3A_1913, %get3A_1914] {strides = array<i32>} : memref<4x256xf32, #tpu.memory_space<vmem>>, vector<1x16xf32>,
        %get3A_1916 = vector.shape_cast %get3A_1915 : vector<1x16xf32> to vector<16xf32>
        %get3A_1917 = arith.constant 0 : i32
        %get3A_1918 = arith.index_cast %scan3A_111 : i32 to index
        %get3A_1919 = arith.index_cast %get3A_1917 : i32 to index
        %get3A_1920 = arith.constant 224 : index
        %get3A_1921 = tpu.vector_load %arg11[%get3A_1918, %get3A_1919, %get3A_1920] {strides = array<i32>} : memref<8x8x256xf32, #tpu.memory_space<vmem>>, vector<1x1x16xf32>,
        %get3A_1922 = vector.shape_cast %get3A_1921 : vector<1x1x16xf32> to vector<16xf32>
        %mul3A_1923 = arith.mulf %get3A_1922, %get3A_1912 : vector<16xf32>
        %add3A_1924 = arith.addf %mul3A_1923, %get3A_1916 : vector<16xf32>
        %swap3A_1925 = arith.constant 0 : i32
        %swap3A_1926 = arith.index_cast %scan3A_111 : i32 to index
        %swap3A_1927 = arith.index_cast %swap3A_1925 : i32 to index
        %swap3A_1928 = arith.constant 224 : index
        %swap3A_1929 = tpu.vector_load %arg13[%swap3A_1926, %swap3A_1927, %swap3A_1928] {strides = array<i32>} : memref<8x8x256xf32, #tpu.memory_space<vmem>>, vector<1x1x16xf32>,
        %swap3A_1930 = vector.shape_cast %swap3A_1929 : vector<1x1x16xf32> to vector<16xf32>
        %swap3A_1931 = vector.shape_cast %add3A_1924 : vector<16xf32> to vector<1x1x16xf32>
        tpu.vector_store %arg13[%swap3A_1926, %swap3A_1927, %swap3A_1928], %swap3A_1931 {strides = array<i32>} : memref<8x8x256xf32, #tpu.memory_space<vmem>>, vector<1x1x16xf32>,
        %get3A_1932 = arith.constant 1 : i32
        %get3A_1933 = arith.index_cast %scan3A_111 : i32 to index
        %get3A_1934 = arith.index_cast %get3A_1932 : i32 to index
        %get3A_1935 = arith.constant 224 : index
        %get3A_1936 = tpu.vector_load %arg11[%get3A_1933, %get3A_1934, %get3A_1935] {strides = array<i32>} : memref<8x8x256xf32, #tpu.memory_space<vmem>>, vector<1x1x16xf32>,
        %get3A_1937 = vector.shape_cast %get3A_1936 : vector<1x1x16xf32> to vector<16xf32>
        %mul3A_1938 = arith.mulf %get3A_1937, %get3A_1912 : vector<16xf32>
        %add3A_1939 = arith.addf %mul3A_1938, %get3A_1916 : vector<16xf32>
        %swap3A_1940 = arith.constant 1 : i32
        %swap3A_1941 = arith.index_cast %scan3A_111 : i32 to index
        %swap3A_1942 = arith.index_cast %swap3A_1940 : i32 to index
        %swap3A_1943 = arith.constant 224 : index
        %swap3A_1944 = tpu.vector_load %arg13[%swap3A_1941, %swap3A_1942, %swap3A_1943] {strides = array<i32>} : memref<8x8x256xf32, #tpu.memory_space<vmem>>, vector<1x1x16xf32>,
        %swap3A_1945 = vector.shape_cast %swap3A_1944 : vector<1x1x16xf32> to vector<16xf32>
        %swap3A_1946 = vector.shape_cast %add3A_1939 : vector<16xf32> to vector<1x1x16xf32>
        tpu.vector_store %arg13[%swap3A_1941, %swap3A_1942, %swap3A_1943], %swap3A_1946 {strides = array<i32>} : memref<8x8x256xf32, #tpu.memory_space<vmem>>, vector<1x1x16xf32>,
        %get3A_1947 = arith.constant 2 : i32
        %get3A_1948 = arith.index_cast %scan3A_111 : i32 to index
        %get3A_1949 = arith.index_cast %get3A_1947 : i32 to index
        %get3A_1950 = arith.constant 224 : index
        %get3A_1951 = tpu.vector_load %arg11[%get3A_1948, %get3A_1949, %get3A_1950] {strides = array<i32>} : memref<8x8x256xf32, #tpu.memory_space<vmem>>, vector<1x1x16xf32>,
        %get3A_1952 = vector.shape_cast %get3A_1951 : vector<1x1x16xf32> to vector<16xf32>
        %mul3A_1953 = arith.mulf %get3A_1952, %get3A_1912 : vector<16xf32>
        %add3A_1954 = arith.addf %mul3A_1953, %get3A_1916 : vector<16xf32>
        %swap3A_1955 = arith.constant 2 : i32
        %swap3A_1956 = arith.index_cast %scan3A_111 : i32 to index
        %swap3A_1957 = arith.index_cast %swap3A_1955 : i32 to index
        %swap3A_1958 = arith.constant 224 : index
        %swap3A_1959 = tpu.vector_load %arg13[%swap3A_1956, %swap3A_1957, %swap3A_1958] {strides = array<i32>} : memref<8x8x256xf32, #tpu.memory_space<vmem>>, vector<1x1x16xf32>,
        %swap3A_1960 = vector.shape_cast %swap3A_1959 : vector<1x1x16xf32> to vector<16xf32>
        %swap3A_1961 = vector.shape_cast %add3A_1954 : vector<16xf32> to vector<1x1x16xf32>
        tpu.vector_store %arg13[%swap3A_1956, %swap3A_1957, %swap3A_1958], %swap3A_1961 {strides = array<i32>} : memref<8x8x256xf32, #tpu.memory_space<vmem>>, vector<1x1x16xf32>,
        %get3A_1962 = arith.constant 3 : i32
        %get3A_1963 = arith.index_cast %scan3A_111 : i32 to index
        %get3A_1964 = arith.index_cast %get3A_1962 : i32 to index
        %get3A_1965 = arith.constant 224 : index
        %get3A_1966 = tpu.vector_load %arg11[%get3A_1963, %get3A_1964, %get3A_1965] {strides = array<i32>} : memref<8x8x256xf32, #tpu.memory_space<vmem>>, vector<1x1x16xf32>,
        %get3A_1967 = vector.shape_cast %get3A_1966 : vector<1x1x16xf32> to vector<16xf32>
        %mul3A_1968 = arith.mulf %get3A_1967, %get3A_1912 : vector<16xf32>
        %add3A_1969 = arith.addf %mul3A_1968, %get3A_1916 : vector<16xf32>
        %swap3A_1970 = arith.constant 3 : i32
        %swap3A_1971 = arith.index_cast %scan3A_111 : i32 to index
        %swap3A_1972 = arith.index_cast %swap3A_1970 : i32 to index
        %swap3A_1973 = arith.constant 224 : index
        %swap3A_1974 = tpu.vector_load %arg13[%swap3A_1971, %swap3A_1972, %swap3A_1973] {strides = array<i32>} : memref<8x8x256xf32, #tpu.memory_space<vmem>>, vector<1x1x16xf32>,
        %swap3A_1975 = vector.shape_cast %swap3A_1974 : vector<1x1x16xf32> to vector<16xf32>
        %swap3A_1976 = vector.shape_cast %add3A_1969 : vector<16xf32> to vector<1x1x16xf32>
        tpu.vector_store %arg13[%swap3A_1971, %swap3A_1972, %swap3A_1973], %swap3A_1976 {strides = array<i32>} : memref<8x8x256xf32, #tpu.memory_space<vmem>>, vector<1x1x16xf32>,
        %get3A_1977 = arith.constant 4 : i32
        %get3A_1978 = arith.index_cast %scan3A_111 : i32 to index
        %get3A_1979 = arith.index_cast %get3A_1977 : i32 to index
        %get3A_1980 = arith.constant 224 : index
        %get3A_1981 = tpu.vector_load %arg11[%get3A_1978, %get3A_1979, %get3A_1980] {strides = array<i32>} : memref<8x8x256xf32, #tpu.memory_space<vmem>>, vector<1x1x16xf32>,
        %get3A_1982 = vector.shape_cast %get3A_1981 : vector<1x1x16xf32> to vector<16xf32>
        %mul3A_1983 = arith.mulf %get3A_1982, %get3A_1912 : vector<16xf32>
        %add3A_1984 = arith.addf %mul3A_1983, %get3A_1916 : vector<16xf32>
        %swap3A_1985 = arith.constant 4 : i32
        %swap3A_1986 = arith.index_cast %scan3A_111 : i32 to index
        %swap3A_1987 = arith.index_cast %swap3A_1985 : i32 to index
        %swap3A_1988 = arith.constant 224 : index
        %swap3A_1989 = tpu.vector_load %arg13[%swap3A_1986, %swap3A_1987, %swap3A_1988] {strides = array<i32>} : memref<8x8x256xf32, #tpu.memory_space<vmem>>, vector<1x1x16xf32>,
        %swap3A_1990 = vector.shape_cast %swap3A_1989 : vector<1x1x16xf32> to vector<16xf32>
        %swap3A_1991 = vector.shape_cast %add3A_1984 : vector<16xf32> to vector<1x1x16xf32>
        tpu.vector_store %arg13[%swap3A_1986, %swap3A_1987, %swap3A_1988], %swap3A_1991 {strides = array<i32>} : memref<8x8x256xf32, #tpu.memory_space<vmem>>, vector<1x1x16xf32>,
        %get3A_1992 = arith.constant 5 : i32
        %get3A_1993 = arith.index_cast %scan3A_111 : i32 to index
        %get3A_1994 = arith.index_cast %get3A_1992 : i32 to index
        %get3A_1995 = arith.constant 224 : index
        %get3A_1996 = tpu.vector_load %arg11[%get3A_1993, %get3A_1994, %get3A_1995] {strides = array<i32>} : memref<8x8x256xf32, #tpu.memory_space<vmem>>, vector<1x1x16xf32>,
        %get3A_1997 = vector.shape_cast %get3A_1996 : vector<1x1x16xf32> to vector<16xf32>
        %mul3A_1998 = arith.mulf %get3A_1997, %get3A_1912 : vector<16xf32>
        %add3A_1999 = arith.addf %mul3A_1998, %get3A_1916 : vector<16xf32>
        %swap3A_2000 = arith.constant 5 : i32
        %swap3A_2001 = arith.index_cast %scan3A_111 : i32 to index
        %swap3A_2002 = arith.index_cast %swap3A_2000 : i32 to index
        %swap3A_2003 = arith.constant 224 : index
        %swap3A_2004 = tpu.vector_load %arg13[%swap3A_2001, %swap3A_2002, %swap3A_2003] {strides = array<i32>} : memref<8x8x256xf32, #tpu.memory_space<vmem>>, vector<1x1x16xf32>,
        %swap3A_2005 = vector.shape_cast %swap3A_2004 : vector<1x1x16xf32> to vector<16xf32>
        %swap3A_2006 = vector.shape_cast %add3A_1999 : vector<16xf32> to vector<1x1x16xf32>
        tpu.vector_store %arg13[%swap3A_2001, %swap3A_2002, %swap3A_2003], %swap3A_2006 {strides = array<i32>} : memref<8x8x256xf32, #tpu.memory_space<vmem>>, vector<1x1x16xf32>,
        %get3A_2007 = arith.constant 6 : i32
        %get3A_2008 = arith.index_cast %scan3A_111 : i32 to index
        %get3A_2009 = arith.index_cast %get3A_2007 : i32 to index
        %get3A_2010 = arith.constant 224 : index
        %get3A_2011 = tpu.vector_load %arg11[%get3A_2008, %get3A_2009, %get3A_2010] {strides = array<i32>} : memref<8x8x256xf32, #tpu.memory_space<vmem>>, vector<1x1x16xf32>,
        %get3A_2012 = vector.shape_cast %get3A_2011 : vector<1x1x16xf32> to vector<16xf32>
        %mul3A_2013 = arith.mulf %get3A_2012, %get3A_1912 : vector<16xf32>
        %add3A_2014 = arith.addf %mul3A_2013, %get3A_1916 : vector<16xf32>
        %swap3A_2015 = arith.constant 6 : i32
        %swap3A_2016 = arith.index_cast %scan3A_111 : i32 to index
        %swap3A_2017 = arith.index_cast %swap3A_2015 : i32 to index
        %swap3A_2018 = arith.constant 224 : index
        %swap3A_2019 = tpu.vector_load %arg13[%swap3A_2016, %swap3A_2017, %swap3A_2018] {strides = array<i32>} : memref<8x8x256xf32, #tpu.memory_space<vmem>>, vector<1x1x16xf32>,
        %swap3A_2020 = vector.shape_cast %swap3A_2019 : vector<1x1x16xf32> to vector<16xf32>
        %swap3A_2021 = vector.shape_cast %add3A_2014 : vector<16xf32> to vector<1x1x16xf32>
        tpu.vector_store %arg13[%swap3A_2016, %swap3A_2017, %swap3A_2018], %swap3A_2021 {strides = array<i32>} : memref<8x8x256xf32, #tpu.memory_space<vmem>>, vector<1x1x16xf32>,
        %get3A_2022 = arith.constant 7 : i32
        %get3A_2023 = arith.index_cast %scan3A_111 : i32 to index
        %get3A_2024 = arith.index_cast %get3A_2022 : i32 to index
        %get3A_2025 = arith.constant 224 : index
        %get3A_2026 = tpu.vector_load %arg11[%get3A_2023, %get3A_2024, %get3A_2025] {strides = array<i32>} : memref<8x8x256xf32, #tpu.memory_space<vmem>>, vector<1x1x16xf32>,
        %get3A_2027 = vector.shape_cast %get3A_2026 : vector<1x1x16xf32> to vector<16xf32>
        %mul3A_2028 = arith.mulf %get3A_2027, %get3A_1912 : vector<16xf32>
        %add3A_2029 = arith.addf %mul3A_2028, %get3A_1916 : vector<16xf32>
        %swap3A_2030 = arith.constant 7 : i32
        %swap3A_2031 = arith.index_cast %scan3A_111 : i32 to index
        %swap3A_2032 = arith.index_cast %swap3A_2030 : i32 to index
        %swap3A_2033 = arith.constant 224 : index
        %swap3A_2034 = tpu.vector_load %arg13[%swap3A_2031, %swap3A_2032, %swap3A_2033] {strides = array<i32>} : memref<8x8x256xf32, #tpu.memory_space<vmem>>, vector<1x1x16xf32>,
        %swap3A_2035 = vector.shape_cast %swap3A_2034 : vector<1x1x16xf32> to vector<16xf32>
        %swap3A_2036 = vector.shape_cast %add3A_2029 : vector<16xf32> to vector<1x1x16xf32>
        tpu.vector_store %arg13[%swap3A_2031, %swap3A_2032, %swap3A_2033], %swap3A_2036 {strides = array<i32>} : memref<8x8x256xf32, #tpu.memory_space<vmem>>, vector<1x1x16xf32>,
        %get3A_2037 = arith.index_cast %squeeze3A : i32 to index
        %get3A_2038 = arith.constant 240 : index
        %get3A_2039 = tpu.vector_load %arg7[%get3A_2037, %get3A_2038] {strides = array<i32>} : memref<4x256xf32, #tpu.memory_space<vmem>>, vector<1x16xf32>,
        %get3A_2040 = vector.shape_cast %get3A_2039 : vector<1x16xf32> to vector<16xf32>
        %get3A_2041 = arith.index_cast %squeeze3A : i32 to index
        %get3A_2042 = arith.constant 240 : index
        %get3A_2043 = tpu.vector_load %arg8[%get3A_2041, %get3A_2042] {strides = array<i32>} : memref<4x256xf32, #tpu.memory_space<vmem>>, vector<1x16xf32>,
        %get3A_2044 = vector.shape_cast %get3A_2043 : vector<1x16xf32> to vector<16xf32>
        %get3A_2045 = arith.constant 0 : i32
        %get3A_2046 = arith.index_cast %scan3A_111 : i32 to index
        %get3A_2047 = arith.index_cast %get3A_2045 : i32 to index
        %get3A_2048 = arith.constant 240 : index
        %get3A_2049 = tpu.vector_load %arg11[%get3A_2046, %get3A_2047, %get3A_2048] {strides = array<i32>} : memref<8x8x256xf32, #tpu.memory_space<vmem>>, vector<1x1x16xf32>,
        %get3A_2050 = vector.shape_cast %get3A_2049 : vector<1x1x16xf32> to vector<16xf32>
        %mul3A_2051 = arith.mulf %get3A_2050, %get3A_2040 : vector<16xf32>
        %add3A_2052 = arith.addf %mul3A_2051, %get3A_2044 : vector<16xf32>
        %swap3A_2053 = arith.constant 0 : i32
        %swap3A_2054 = arith.index_cast %scan3A_111 : i32 to index
        %swap3A_2055 = arith.index_cast %swap3A_2053 : i32 to index
        %swap3A_2056 = arith.constant 240 : index
        %swap3A_2057 = tpu.vector_load %arg13[%swap3A_2054, %swap3A_2055, %swap3A_2056] {strides = array<i32>} : memref<8x8x256xf32, #tpu.memory_space<vmem>>, vector<1x1x16xf32>,
        %swap3A_2058 = vector.shape_cast %swap3A_2057 : vector<1x1x16xf32> to vector<16xf32>
        %swap3A_2059 = vector.shape_cast %add3A_2052 : vector<16xf32> to vector<1x1x16xf32>
        tpu.vector_store %arg13[%swap3A_2054, %swap3A_2055, %swap3A_2056], %swap3A_2059 {strides = array<i32>} : memref<8x8x256xf32, #tpu.memory_space<vmem>>, vector<1x1x16xf32>,
        %get3A_2060 = arith.constant 1 : i32
        %get3A_2061 = arith.index_cast %scan3A_111 : i32 to index
        %get3A_2062 = arith.index_cast %get3A_2060 : i32 to index
        %get3A_2063 = arith.constant 240 : index
        %get3A_2064 = tpu.vector_load %arg11[%get3A_2061, %get3A_2062, %get3A_2063] {strides = array<i32>} : memref<8x8x256xf32, #tpu.memory_space<vmem>>, vector<1x1x16xf32>,
        %get3A_2065 = vector.shape_cast %get3A_2064 : vector<1x1x16xf32> to vector<16xf32>
        %mul3A_2066 = arith.mulf %get3A_2065, %get3A_2040 : vector<16xf32>
        %add3A_2067 = arith.addf %mul3A_2066, %get3A_2044 : vector<16xf32>
        %swap3A_2068 = arith.constant 1 : i32
        %swap3A_2069 = arith.index_cast %scan3A_111 : i32 to index
        %swap3A_2070 = arith.index_cast %swap3A_2068 : i32 to index
        %swap3A_2071 = arith.constant 240 : index
        %swap3A_2072 = tpu.vector_load %arg13[%swap3A_2069, %swap3A_2070, %swap3A_2071] {strides = array<i32>} : memref<8x8x256xf32, #tpu.memory_space<vmem>>, vector<1x1x16xf32>,
        %swap3A_2073 = vector.shape_cast %swap3A_2072 : vector<1x1x16xf32> to vector<16xf32>
        %swap3A_2074 = vector.shape_cast %add3A_2067 : vector<16xf32> to vector<1x1x16xf32>
        tpu.vector_store %arg13[%swap3A_2069, %swap3A_2070, %swap3A_2071], %swap3A_2074 {strides = array<i32>} : memref<8x8x256xf32, #tpu.memory_space<vmem>>, vector<1x1x16xf32>,
        %get3A_2075 = arith.constant 2 : i32
        %get3A_2076 = arith.index_cast %scan3A_111 : i32 to index
        %get3A_2077 = arith.index_cast %get3A_2075 : i32 to index
        %get3A_2078 = arith.constant 240 : index
        %get3A_2079 = tpu.vector_load %arg11[%get3A_2076, %get3A_2077, %get3A_2078] {strides = array<i32>} : memref<8x8x256xf32, #tpu.memory_space<vmem>>, vector<1x1x16xf32>,
        %get3A_2080 = vector.shape_cast %get3A_2079 : vector<1x1x16xf32> to vector<16xf32>
        %mul3A_2081 = arith.mulf %get3A_2080, %get3A_2040 : vector<16xf32>
        %add3A_2082 = arith.addf %mul3A_2081, %get3A_2044 : vector<16xf32>
        %swap3A_2083 = arith.constant 2 : i32
        %swap3A_2084 = arith.index_cast %scan3A_111 : i32 to index
        %swap3A_2085 = arith.index_cast %swap3A_2083 : i32 to index
        %swap3A_2086 = arith.constant 240 : index
        %swap3A_2087 = tpu.vector_load %arg13[%swap3A_2084, %swap3A_2085, %swap3A_2086] {strides = array<i32>} : memref<8x8x256xf32, #tpu.memory_space<vmem>>, vector<1x1x16xf32>,
        %swap3A_2088 = vector.shape_cast %swap3A_2087 : vector<1x1x16xf32> to vector<16xf32>
        %swap3A_2089 = vector.shape_cast %add3A_2082 : vector<16xf32> to vector<1x1x16xf32>
        tpu.vector_store %arg13[%swap3A_2084, %swap3A_2085, %swap3A_2086], %swap3A_2089 {strides = array<i32>} : memref<8x8x256xf32, #tpu.memory_space<vmem>>, vector<1x1x16xf32>,
        %get3A_2090 = arith.constant 3 : i32
        %get3A_2091 = arith.index_cast %scan3A_111 : i32 to index
        %get3A_2092 = arith.index_cast %get3A_2090 : i32 to index
        %get3A_2093 = arith.constant 240 : index
        %get3A_2094 = tpu.vector_load %arg11[%get3A_2091, %get3A_2092, %get3A_2093] {strides = array<i32>} : memref<8x8x256xf32, #tpu.memory_space<vmem>>, vector<1x1x16xf32>,
        %get3A_2095 = vector.shape_cast %get3A_2094 : vector<1x1x16xf32> to vector<16xf32>
        %mul3A_2096 = arith.mulf %get3A_2095, %get3A_2040 : vector<16xf32>
        %add3A_2097 = arith.addf %mul3A_2096, %get3A_2044 : vector<16xf32>
        %swap3A_2098 = arith.constant 3 : i32
        %swap3A_2099 = arith.index_cast %scan3A_111 : i32 to index
        %swap3A_2100 = arith.index_cast %swap3A_2098 : i32 to index
        %swap3A_2101 = arith.constant 240 : index
        %swap3A_2102 = tpu.vector_load %arg13[%swap3A_2099, %swap3A_2100, %swap3A_2101] {strides = array<i32>} : memref<8x8x256xf32, #tpu.memory_space<vmem>>, vector<1x1x16xf32>,
        %swap3A_2103 = vector.shape_cast %swap3A_2102 : vector<1x1x16xf32> to vector<16xf32>
        %swap3A_2104 = vector.shape_cast %add3A_2097 : vector<16xf32> to vector<1x1x16xf32>
        tpu.vector_store %arg13[%swap3A_2099, %swap3A_2100, %swap3A_2101], %swap3A_2104 {strides = array<i32>} : memref<8x8x256xf32, #tpu.memory_space<vmem>>, vector<1x1x16xf32>,
        %get3A_2105 = arith.constant 4 : i32
        %get3A_2106 = arith.index_cast %scan3A_111 : i32 to index
        %get3A_2107 = arith.index_cast %get3A_2105 : i32 to index
        %get3A_2108 = arith.constant 240 : index
        %get3A_2109 = tpu.vector_load %arg11[%get3A_2106, %get3A_2107, %get3A_2108] {strides = array<i32>} : memref<8x8x256xf32, #tpu.memory_space<vmem>>, vector<1x1x16xf32>,
        %get3A_2110 = vector.shape_cast %get3A_2109 : vector<1x1x16xf32> to vector<16xf32>
        %mul3A_2111 = arith.mulf %get3A_2110, %get3A_2040 : vector<16xf32>
        %add3A_2112 = arith.addf %mul3A_2111, %get3A_2044 : vector<16xf32>
        %swap3A_2113 = arith.constant 4 : i32
        %swap3A_2114 = arith.index_cast %scan3A_111 : i32 to index
        %swap3A_2115 = arith.index_cast %swap3A_2113 : i32 to index
        %swap3A_2116 = arith.constant 240 : index
        %swap3A_2117 = tpu.vector_load %arg13[%swap3A_2114, %swap3A_2115, %swap3A_2116] {strides = array<i32>} : memref<8x8x256xf32, #tpu.memory_space<vmem>>, vector<1x1x16xf32>,
        %swap3A_2118 = vector.shape_cast %swap3A_2117 : vector<1x1x16xf32> to vector<16xf32>
        %swap3A_2119 = vector.shape_cast %add3A_2112 : vector<16xf32> to vector<1x1x16xf32>
        tpu.vector_store %arg13[%swap3A_2114, %swap3A_2115, %swap3A_2116], %swap3A_2119 {strides = array<i32>} : memref<8x8x256xf32, #tpu.memory_space<vmem>>, vector<1x1x16xf32>,
        %get3A_2120 = arith.constant 5 : i32
        %get3A_2121 = arith.index_cast %scan3A_111 : i32 to index
        %get3A_2122 = arith.index_cast %get3A_2120 : i32 to index
        %get3A_2123 = arith.constant 240 : index
        %get3A_2124 = tpu.vector_load %arg11[%get3A_2121, %get3A_2122, %get3A_2123] {strides = array<i32>} : memref<8x8x256xf32, #tpu.memory_space<vmem>>, vector<1x1x16xf32>,
        %get3A_2125 = vector.shape_cast %get3A_2124 : vector<1x1x16xf32> to vector<16xf32>
        %mul3A_2126 = arith.mulf %get3A_2125, %get3A_2040 : vector<16xf32>
        %add3A_2127 = arith.addf %mul3A_2126, %get3A_2044 : vector<16xf32>
        %swap3A_2128 = arith.constant 5 : i32
        %swap3A_2129 = arith.index_cast %scan3A_111 : i32 to index
        %swap3A_2130 = arith.index_cast %swap3A_2128 : i32 to index
        %swap3A_2131 = arith.constant 240 : index
        %swap3A_2132 = tpu.vector_load %arg13[%swap3A_2129, %swap3A_2130, %swap3A_2131] {strides = array<i32>} : memref<8x8x256xf32, #tpu.memory_space<vmem>>, vector<1x1x16xf32>,
        %swap3A_2133 = vector.shape_cast %swap3A_2132 : vector<1x1x16xf32> to vector<16xf32>
        %swap3A_2134 = vector.shape_cast %add3A_2127 : vector<16xf32> to vector<1x1x16xf32>
        tpu.vector_store %arg13[%swap3A_2129, %swap3A_2130, %swap3A_2131], %swap3A_2134 {strides = array<i32>} : memref<8x8x256xf32, #tpu.memory_space<vmem>>, vector<1x1x16xf32>,
        %get3A_2135 = arith.constant 6 : i32
        %get3A_2136 = arith.index_cast %scan3A_111 : i32 to index
        %get3A_2137 = arith.index_cast %get3A_2135 : i32 to index
        %get3A_2138 = arith.constant 240 : index
        %get3A_2139 = tpu.vector_load %arg11[%get3A_2136, %get3A_2137, %get3A_2138] {strides = array<i32>} : memref<8x8x256xf32, #tpu.memory_space<vmem>>, vector<1x1x16xf32>,
        %get3A_2140 = vector.shape_cast %get3A_2139 : vector<1x1x16xf32> to vector<16xf32>
        %mul3A_2141 = arith.mulf %get3A_2140, %get3A_2040 : vector<16xf32>
        %add3A_2142 = arith.addf %mul3A_2141, %get3A_2044 : vector<16xf32>
        %swap3A_2143 = arith.constant 6 : i32
        %swap3A_2144 = arith.index_cast %scan3A_111 : i32 to index
        %swap3A_2145 = arith.index_cast %swap3A_2143 : i32 to index
        %swap3A_2146 = arith.constant 240 : index
        %swap3A_2147 = tpu.vector_load %arg13[%swap3A_2144, %swap3A_2145, %swap3A_2146] {strides = array<i32>} : memref<8x8x256xf32, #tpu.memory_space<vmem>>, vector<1x1x16xf32>,
        %swap3A_2148 = vector.shape_cast %swap3A_2147 : vector<1x1x16xf32> to vector<16xf32>
        %swap3A_2149 = vector.shape_cast %add3A_2142 : vector<16xf32> to vector<1x1x16xf32>
        tpu.vector_store %arg13[%swap3A_2144, %swap3A_2145, %swap3A_2146], %swap3A_2149 {strides = array<i32>} : memref<8x8x256xf32, #tpu.memory_space<vmem>>, vector<1x1x16xf32>,
        %get3A_2150 = arith.constant 7 : i32
        %get3A_2151 = arith.index_cast %scan3A_111 : i32 to index
        %get3A_2152 = arith.index_cast %get3A_2150 : i32 to index
        %get3A_2153 = arith.constant 240 : index
        %get3A_2154 = tpu.vector_load %arg11[%get3A_2151, %get3A_2152, %get3A_2153] {strides = array<i32>} : memref<8x8x256xf32, #tpu.memory_space<vmem>>, vector<1x1x16xf32>,
        %get3A_2155 = vector.shape_cast %get3A_2154 : vector<1x1x16xf32> to vector<16xf32>
        %mul3A_2156 = arith.mulf %get3A_2155, %get3A_2040 : vector<16xf32>
        %add3A_2157 = arith.addf %mul3A_2156, %get3A_2044 : vector<16xf32>
        %swap3A_2158 = arith.constant 7 : i32
        %swap3A_2159 = arith.index_cast %scan3A_111 : i32 to index
        %swap3A_2160 = arith.index_cast %swap3A_2158 : i32 to index
        %swap3A_2161 = arith.constant 240 : index
        %swap3A_2162 = tpu.vector_load %arg13[%swap3A_2159, %swap3A_2160, %swap3A_2161] {strides = array<i32>} : memref<8x8x256xf32, #tpu.memory_space<vmem>>, vector<1x1x16xf32>,
        %swap3A_2163 = vector.shape_cast %swap3A_2162 : vector<1x1x16xf32> to vector<16xf32>
        %swap3A_2164 = vector.shape_cast %add3A_2157 : vector<16xf32> to vector<1x1x16xf32>
        tpu.vector_store %arg13[%swap3A_2159, %swap3A_2160, %swap3A_2161], %swap3A_2164 {strides = array<i32>} : memref<8x8x256xf32, #tpu.memory_space<vmem>>, vector<1x1x16xf32>,
        %scan3A_2165 = arith.constant 0 : i32
        scf.yield %scan3A_2165 : i32
      }
      %scan3A_97 = arith.constant 8 : i32
      %dma_start3A_98 = arith.constant 0 : i32
      %dma_start3A_99 = arith.constant 0 : i32
      %dma_start3A_100 = tpu.memref_slice %arg6[%add3A_79, %dma_start3A_98, %dma_start3A_99] : memref<16384x8x256xf32, #tpu.memory_space<hbm>> -> memref<8x8x256xf32, #tpu.memory_space<hbm>>
      %dma_start3A_101 = arith.constant 0 : i32
      %dma_start3A_102 = arith.constant 0 : i32
      %dma_start3A_103 = tpu.memref_slice %arg6[%add3A_79, %dma_start3A_101, %dma_start3A_102] : memref<16384x8x256xf32, #tpu.memory_space<hbm>> -> memref<8x8x256xf32, #tpu.memory_space<hbm>>
      tpu.enqueue_dma source(%arg13 : memref<8x8x256xf32, #tpu.memory_space<vmem>>) target(%dma_start3A_103 : memref<8x8x256xf32, #tpu.memory_space<hbm>>) target_semaphore(%arg17 : memref<!tpu.dma_semaphore, #tpu.memory_space<semaphore_mem>>)
      %add3A_104 = arith.constant 2 : i32
      %add3A_105 = arith.addi %add3A_76, %add3A_104 : i32
      %lt3A_106 = arith.constant 64 : i32
      %lt3A_107 = arith.cmpi slt, %add3A_105, %lt3A_106 : i32
      %convert_element_type3A_108 = arith.extui %lt3A_107 : i1 to i32
      %cond3A_109 = arith.constant 0 : i32
      %cond3A_110 = arith.cmpi ne, %convert_element_type3A_108, %cond3A_109 : i32
      scf.if %cond3A_110 {
        %add3A_111 = arith.constant 16 : i32
        %add3A_112 = arith.addi %add3A_79, %add3A_111 : i32
        %dma_start3A_113 = arith.constant 0 : i32
        %dma_start3A_114 = arith.constant 0 : i32
        %dma_start3A_115 = tpu.memref_slice %arg2[%add3A_112, %dma_start3A_113, %dma_start3A_114] : memref<16384x8x256xf32, #tpu.memory_space<hbm>> -> memref<8x8x256xf32, #tpu.memory_space<hbm>>
        %dma_start3A_116 = arith.constant 0 : i32
        %dma_start3A_117 = arith.constant 0 : i32
        %dma_start3A_118 = tpu.memref_slice %arg2[%add3A_112, %dma_start3A_116, %dma_start3A_117] : memref<16384x8x256xf32, #tpu.memory_space<hbm>> -> memref<8x8x256xf32, #tpu.memory_space<hbm>>
        tpu.enqueue_dma source(%dma_start3A_118 : memref<8x8x256xf32, #tpu.memory_space<hbm>>) target(%arg11 : memref<8x8x256xf32, #tpu.memory_space<vmem>>) target_semaphore(%arg15 : memref<!tpu.dma_semaphore, #tpu.memory_space<semaphore_mem>>)
      } else {
      }
    }
    %scan3A_22 = arith.constant 32 : i32
    %add3A_23 = arith.constant 496 : i32
    %add3A_24 = arith.addi %mul3A_2, %add3A_23 : i32
    %dma_wait3A = arith.constant 0 : i32
    %dma_wait3A_25 = arith.constant 0 : i32
    %dma_wait3A_26 = tpu.memref_slice %arg6[%add3A_24, %dma_wait3A, %dma_wait3A_25] : memref<16384x8x256xf32, #tpu.memory_space<hbm>> -> memref<8x8x256xf32, #tpu.memory_space<hbm>>
    %dma_wait3A_27 = arith.constant 0 : i32
    %dma_wait3A_28 = arith.constant 0 : i32
    %dma_wait3A_29 = tpu.memref_slice %arg6[%add3A_24, %dma_wait3A_27, %dma_wait3A_28] : memref<16384x8x256xf32, #tpu.memory_space<hbm>> -> memref<8x8x256xf32, #tpu.memory_space<hbm>>
    tpu.wait_dma2 semaphore(%arg16 : memref<!tpu.dma_semaphore, #tpu.memory_space<semaphore_mem>>) src(%arg12 : memref<8x8x256xf32, #tpu.memory_space<vmem>>) dst(%dma_wait3A_29 : memref<8x8x256xf32, #tpu.memory_space<hbm>>)
    %add3A_30 = arith.constant 504 : i32
    %add3A_31 = arith.addi %mul3A_2, %add3A_30 : i32
    %dma_wait3A_32 = arith.constant 0 : i32
    %dma_wait3A_33 = arith.constant 0 : i32
    %dma_wait3A_34 = tpu.memref_slice %arg6[%add3A_31, %dma_wait3A_32, %dma_wait3A_33] : memref<16384x8x256xf32, #tpu.memory_space<hbm>> -> memref<8x8x256xf32, #tpu.memory_space<hbm>>
    %dma_wait3A_35 = arith.constant 0 : i32
    %dma_wait3A_36 = arith.constant 0 : i32
    %dma_wait3A_37 = tpu.memref_slice %arg6[%add3A_31, %dma_wait3A_35, %dma_wait3A_36] : memref<16384x8x256xf32, #tpu.memory_space<hbm>> -> memref<8x8x256xf32, #tpu.memory_space<hbm>>
    tpu.wait_dma2 semaphore(%arg17 : memref<!tpu.dma_semaphore, #tpu.memory_space<semaphore_mem>>) src(%arg13 : memref<8x8x256xf32, #tpu.memory_space<vmem>>) dst(%dma_wait3A_37 : memref<8x8x256xf32, #tpu.memory_space<hbm>>)
    return
  }
}

</mosaic_0001>

<sc_bundles>
// kernel: kernel.3.cloned.1.call-start
scs
__scs_entry_jumppad:
0x0: {  	(pc) =	sbr.rel $0x88, $3  }
0x1: {  	(tag) =	ssettag $0x0;
	lr =	simm.s32 $0x1  }
0x2: {  	[smem:$0x3F9D] =	sst lr;
	_ =	strace $0xD0000000  }
0x3: {  	_ = 	snop  }
0x4: {  	_ = 	snop  }
0x5: {  	_ = 	snop  }
0x6: {  	_ = 	snop  }
0x7: {  	_ = 	snop  }
__scs_overlays_trampoline_lowered:
0x8: {  	[smem:$0x3FAC] =	sst s0  }
0x9: {  	[smem:$0x3FAD] =	sst s1  }
0xa: {  	[smem:$0x3FAE] =	sst s2  }
0xb: {  	[smem:$0x3FAF] =	sst s3  }
0xc: {  	[smem:$0x3FB0] =	sst s4  }
0xd: {  	[smem:$0x3FB1] =	sst s5  }
0xe: {  	[smem:$0x3FB2] =	sst s6  }
0xf: {  	[smem:$0x3FB3] =	sst s7  }
0x10: {  	[smem:$0x3FB4] =	sst s8  }
0x11: {  	[smem:$0x3FB5] =	sst s9;
	s0 =	simm.s32 @!p0 $0x0  }
0x12: {  	s1 =	sld [smem:$0x3F9B];
	s0 =	simm.s32 @p0 $0x1  }
0x13: {  	[smem:$0x3FB6] =	sst s0;
	s0 =	simm.s32 @!p1 $0x0  }
0x14: {  	s2 =	sld [smem:$0x3F9A];
	s0 =	simm.s32 @p1 $0x1  }
0x15: {  	[smem:$0x3FB7] =	sst s0;
	s0 =	simm.s32 @!p2 $0x0  }
0x16: {  	s3 =	sld [smem:$0x3FDB];
	s0 =	simm.s32 @p2 $0x1  }
0x17: {  	s4 =	simm.s32 $0x1BF5;
	[smem:$0x3FB9] =	sst s0  }
0x18: {  	s0 =	sld [smem:$0x3F9C];
	_ =	swait.ge [sflag:s4], $0x0  }
0x19: {  	s7 =	sld [smem:$0x3F9D]  }
0x1a: {  	s8 =	sadd.s32 $0xFFFFE003, lr  }
0x1b: {  	s9 =	sadd.s32 $0xFFFFFEF7, lr;
	s5 =	simm.s32 $0xFFFFFFFF;
	p2 =	slt.u32 s8, $0xFFFFF086  }
0x1c: {  	p1 =	slt.u32 s9, $0xF7A;
	s5 =	simm.s32 @!p2 $0x0  }
0x1d: {  	s5 =	simm.s32 @p1 $0x1;
	p0 =	seq.s32 s7, s2  }
0x1e: {  	s7 =	smul.u32 @!p0 $0xF7A, s2;
	p2 =	seq.s32 @!p0 s5, $0x0  }
0x1f: {  	s9 =	smul.u32 $0xF7A, s1;
	s8 =	simm.s32 @!p0 $0x1BF5;
	p2 =	por !p2, p0  }
0x20: {  	[sflag:s8] =	ssyncset.s32 @!p0 $0xFFFFF086;
	s6 =	sadd.s32 @!p0 s3, s7;
	s7 =	simm.s32 @!p0 $0x108  }
0x21: {  	s3 =	sadd.s32 s3, s9;
	s6 =	sadd.s32 @!p0 $0x88, s6;
	s7 =	simm.s32 @p2 $0x1082  }
0x22: {  	[simem:s7], [sflag:s8] =	dma.local @!p0 [hbm:s6], $0xF7A  }
0x23: {  	s9 =	sor.u32 $0xD0000000, s2;
	s6 =	simm.s32 $0x108;
	_ =	swait.ge @!p0 [sflag:s8], $0x0  }
0x24: {  	s3 =	sadd.s32 $0x88, s3;
	s6 =	simm.s32 @!p1 $0x1082;
	[sflag:s4] =	ssyncset.s32 $0xFFFFF086  }
0x25: {  	[simem:s6], [sflag:s4] =	dma.local [hbm:s3], $0xF7A  }
0x26: {  	[smem:$0x3F9D] =	sst s1;
	(tag) =	ssettag s2;
	_ =	strace s9  }
0x27: {  	s1 =	sld [smem:$0x3FAD]  }
0x28: {  	s2 =	sld [smem:$0x3FAE]  }
0x29: {  	s4 =	sld [smem:$0x3FB0]  }
0x2a: {  	p0 =	seq.s32 s5, $0x0;
	s5 =	sld [smem:$0x3FB1]  }
0x2b: {  	s6 =	sld [smem:$0x3FB2]  }
0x2c: {  	s7 =	sld [smem:$0x3FB3]  }
0x2d: {  	s3 =	simm.s32 $0x108;
	s8 =	sld [smem:$0x3FB4]  }
0x2e: {  	s3 =	simm.s32 @!p0 $0x1082;
	s9 =	sld [smem:$0x3FB5]  }
0x2f: {  	lr =	sadd.s32 s0, s3;
	s0 =	sld [smem:$0x3FAC]  }
0x30: {  	s3 =	sld [smem:$0x3FAF]  }
0x31: {  	[smem:$0x3FB8] =	sst s10  }
0x32: {  	s10 =	sld [smem:$0x3FB6];
	_ =	sdelay $0x3  }
0x33: {  	p0 =	seq.s32 s10, $0x1;
	s10 =	sld [smem:$0x3FB8];
	_ =	sdelay $0x3  }
0x34: {  	[smem:$0x3FB8] =	sst s10  }
0x35: {  	s10 =	sld [smem:$0x3FB7];
	_ =	sdelay $0x3  }
0x36: {  	p1 =	seq.s32 s10, $0x1;
	s10 =	sld [smem:$0x3FB8];
	_ =	sdelay $0x3  }
0x37: {  	[smem:$0x3FB8] =	sst s10  }
0x38: {  	s10 =	sld [smem:$0x3FB9]  }
0x39: {  	_ = 	snop;
	(pc) =	sbr.ind lr, $3  }
0x3a: {  	_ = 	snop  }
0x3b: {  	_ = 	snop  }
0x3c: {  	p2 =	seq.s32 s10, $0x1;
	s10 =	sld [smem:$0x3FB8]  }
0x3d: {  	_ =	shalt  }
0x3e: {  	_ =	shalt  }
0x3f: {  	_ =	shalt  }
0x40: {  	_ =	shalt  }
0x41: {  	_ =	shalt  }
0x42: {  	_ =	shalt  }
0x43: {  	_ =	shalt  }
0x44: {  	_ =	shalt  }
0x45: {  	_ =	shalt  }
0x46: {  	_ =	shalt  }
0x47: {  	_ =	shalt  }
0x48: {  	_ =	shalt  }
0x49: {  	_ =	shalt  }
0x4a: {  	_ =	shalt  }
0x4b: {  	_ =	shalt  }
0x4c: {  	_ =	shalt  }
0x4d: {  	_ =	shalt  }
0x4e: {  	_ =	shalt  }
0x4f: {  	_ =	shalt  }
0x50: {  	_ =	shalt  }
0x51: {  	_ =	shalt  }
0x52: {  	_ =	shalt  }
0x53: {  	_ =	shalt  }
0x54: {  	_ =	shalt  }
0x55: {  	_ =	shalt  }
0x56: {  	_ =	shalt  }
0x57: {  	_ =	shalt  }
0x58: {  	_ =	shalt  }
0x59: {  	_ =	shalt  }
0x5a: {  	_ =	shalt  }
0x5b: {  	_ =	shalt  }
0x5c: {  	_ =	shalt  }
0x5d: {  	_ =	shalt  }
0x5e: {  	_ =	shalt  }
0x5f: {  	_ =	shalt  }
0x60: {  	_ =	shalt  }
0x61: {  	_ =	shalt  }
0x62: {  	_ =	shalt  }
0x63: {  	_ =	shalt  }
0x64: {  	_ =	shalt  }
0x65: {  	_ =	shalt  }
0x66: {  	_ =	shalt  }
0x67: {  	_ =	shalt  }
0x68: {  	_ =	shalt  }
0x69: {  	_ =	shalt  }
0x6a: {  	_ =	shalt  }
0x6b: {  	_ =	shalt  }
0x6c: {  	_ =	shalt  }
0x6d: {  	_ =	shalt  }
0x6e: {  	_ =	shalt  }
0x6f: {  	_ =	shalt  }
0x70: {  	_ =	shalt  }
0x71: {  	_ =	shalt  }
0x72: {  	_ =	shalt  }
0x73: {  	_ =	shalt  }
0x74: {  	_ =	shalt  }
0x75: {  	_ =	shalt  }
0x76: {  	_ =	shalt  }
0x77: {  	_ =	shalt  }
0x78: {  	_ =	shalt  }
0x79: {  	_ =	shalt  }
0x7a: {  	_ =	shalt  }
0x7b: {  	_ =	shalt  }
0x7c: {  	_ =	shalt  }
0x7d: {  	_ =	shalt  }
0x7e: {  	_ =	shalt  }
0x7f: {  	_ =	shalt  }
0x80: {  	_ =	shalt  }
0x81: {  	_ =	shalt  }
0x82: {  	_ =	shalt  }
0x83: {  	_ =	shalt  }
0x84: {  	_ =	shalt  }
0x85: {  	_ =	shalt  }
0x86: {  	_ =	shalt  }
0x87: {  	_ =	shalt  }
.Lfunc_end0:
.L_simem_size_0:
called_computation_lowered:
.L_overlay_start_0:
0x88: {  	s2 =	sld [smem:$0x3FD9]  }
0x89: {  	s3 =	sld [smem:$0x3FFE];
	_ =	sdelay $0x1  }
0x8a: {  	s1 =	srdreg.scid  }
0x8b: {  	s0 =	sand.u32 $0x1, s1  }
0x8c: {  	s18 =	sshll.u32 s0, $0xA;
	s2 =	sadd.s32 s3, s2  }
0x8d: {  	s2 =	sadd.s32 s2, s18  }
0x8e: {  	[smem:$0x3FC4] =	sst s2  }
0x8f: {  	_ = 	snop  }
0x90: {  	s2 =	sld [smem:$0x3FC9]  }
0x91: {  	s19 =	sld [smem:$0x3FC8]  }
0x92: {  	s4 =	sld [smem:$0x3FC7]  }
0x93: {  	s5 =	sld [smem:$0x3FC6]  }
0x94: {  	s6 =	sld [smem:$0x3FD0];
	(tm) =	ssettm $0x1  }
0x95: {  	s7 =	sld [smem:$0x3FFB];
	_ =	sdelay $0x3  }
0x96: {  	_ =	strace s7  }
0x97: {  	s7 =	sld [smem:$0x3FFC];
	_ =	sdelay $0x3  }
0x98: {  	_ =	strace s7  }
0x99: {  	s7 =	sld [smem:$0x3FFD];
	_ =	sdelay $0x3  }
0x9a: {  	_ =	strace s7  }
0x9b: {  	_ =	strace $0x8FFFFFFF  }
0x9c: {  	s20 =	sld [smem:$0x3FDB];
	_ =	sdelay $0x1  }
0x9d: {  	s8 =	simm.s32 $_scs_section_size  }
0x9e: {  	s9 =	simm.s32 $_size__tile_overlayer_lowered;
	s10 =	simm.s32 $_tile_overlayer_lowered  }
0x9f: {  	s23 =	simm.s32 $0x1BFF;
	s22 =	sshll.u32 s10, $0x1;
	s7 =	sadd.s32 s8, s20  }
0xa0: {  	s11 =	simm.s32 $0x0;
	s21 =	sshll.u32 s9, $0x1;
	s9 =	sadd.s32 s22, s7  }
0xa1: {  	[timem:s11], [sflag:s23] =	dma.local [hbm:s9], s21  }
0xa2: {  	_ =	swait.ge [sflag:s23], s21  }
0xa3: {  	s8 =	ssub.s32 $0x0, s21;
	[sflag:s23] =	ssyncset.done $0x0  }
0xa4: {  	[sflag:s23] =	ssyncadd.s32 s8;
	_ =	sdelay $0x1  }
0xa5: {  	s24 =	simm.s32 $0x1B8B  }
0xa6: {  	_ =	swait.ge [sflag:s24], $0x1  }
0xa7: {  	[sflag:s24] =	ssyncset.done $0x0  }
0xa8: {  	s25 =	simm.s32 $0x1B8E;
	[sflag:s24] =	ssyncadd.s32 $0xFFFFFFFF  }
0xa9: {  	s26 =	simm.s32 $execute0_lowered;
	[smem:$0x3FD2] =	sst s25  }
0xaa: {  	s8 =	sshll.u32 s26, $0x1;
	_ =	strace $0x80000046;
	[dreg:$0x1] =	wrdreg $0xFFFFFFFF  }
0xab: {  	s28 =	simm.s32 $_size_execute0_lowered;
	s7 =	sadd.s32 s7, s8;
	[dreg:$0x0] =	wrdreg $0x0  }
0xac: {  	s8 =	sshll.u32 s28, $0x1;
	[dreg:$0x2] =	wrdreg s7  }
0xad: {  	[dreg:$0x3] =	wrdreg s8  }
0xae: {  	[dreg:$0x4] =	wrdreg $0xC0  }
0xaf: {  	_ =	task [dreg:s11], $0x5FFFF  }
0xb0: {  	[dreg:$0x1] =	wrdreg $0xFFFFFFFF  }
0xb1: {  	[dreg:$0x0] =	wrdreg $0x60  }
0xb2: {  	[dreg:$0x2] =	wrdreg s2  }
0xb3: {  	[dreg:$0x3] =	wrdreg s19  }
0xb4: {  	[dreg:$0x4] =	wrdreg s4  }
0xb5: {  	[dreg:$0x5] =	wrdreg s5  }
0xb6: {  	[dreg:$0x6] =	wrdreg s6  }
0xb7: {  	[dreg:$0x7] =	wrdreg $0x9  }
0xb8: {  	_ =	task.clear_ibuf [dreg:s11], $0x8FFFF;
	_ =	strace $0x90000046  }
0xb9: {  	s29 =	simm.s32 $0x9;
	_ =	strace $0x80000048  }
0xba: {  	_ =	swait.ge [sflag:s29], $0x1  }
0xbb: {  	[sflag:s29] =	ssyncadd.s32 $0xFFFFFFFF  }
0xbc: {  	_ =	strace $0x90000048  }
0xbd: {  	_ =	sfence  }
0xbe: {  	s30 =	sld [smem:$0x0];
	_ =	sdelay $0x2  }
0xbf: {  	s31 =	sshll.u32 s1, $0xD;
	s1 =	sshrl.u32 s1, $0x2  }
0xc0: {  	s3 =	sand.u32 $0x4000, s31;
	s1 =	sadd.s32 s1, s30  }
0xc1: {  	s0 =	sor.u32 s3, s0;
	s1 =	sshll.u32 s1, $0x11  }
0xc2: {  	s0 =	sor.u32 s1, s0  }
0xc3: {  	s0 =	sadd.s32 $0x8F2B, s0  }
0xc4: {  	[sflag:s0] =	ssyncadd.remote.s32 $0x1  }
0xc5: {  	_ =	sfence.sel $0xFFFF  }
0xc6: {  	[dreg:$0x0] =	wrdreg $0xFFFFFFFF;
	(pc) =	sbr.abs _section_cstart, $3  }
0xc7: {  	[dreg:$0x1] =	wrdreg $0xFFFFFFFF  }
0xc8: {  	_ =	task.clear_ibuf [dreg:s11], $0x2FFFF;
	_ =	strace $0x9FFFFFFF  }
0xc9: {  	(tm) =	ssettm $0x7FFFFFFF  }
tec
execute0_lowered:
.L_overlay_start_1:
0x0: {  	(tag) =	ssettag $0x1  }
0x1: {  	s10 =	rddreg [dreg:$0x0]  }
0x2: {  	s7 =	rddreg [dreg:$0x1]  }
0x3: {  	s1 =	rddreg [dreg:$0x2]  }
0x4: {  	s2 =	rddreg [dreg:$0x3]  }
0x5: {  	s4 =	rddreg [dreg:$0x4]  }
0x6: {  	s0 =	rddreg [dreg:$0x5];
	s6 =	srdreg.scid;
	s5 =	simm.s32 $0x0  }
0x7: {  	s3 =	stileid.u32;
	s13 =	simm.s32 $0x400;
	s14 =	simm.s32 $0x800  }
0x8: {  	s15 =	simm.s32 $0xA80;
	s16 =	simm.s32 $0x4A80;
	s17 =	simm.s32 $0x1  }
0x9: {  	s18 =	simm.s32 $0x8A80;
	s19 =	simm.s32 $0x2;
	s20 =	simm.s32 $0xCA80  }
0xa: {  	s21 =	simm.s32 $0x3;
	s22 =	simm.s32 $0x4;
	s23 =	simm.s32 $0x0  }
0xb: {  	s6 =	sand.u32 $0x1, s6;
	[smem:$0x7FF] =	sst s5;
	s8 =	sshll.u32 s3, $0xA  }
.Ltmp0:
0xc: {  	s9 =	sshll.u32 s6, $0x9;
	s11 =	ssub.s32 $0x2, s6;
	(pc) =	sbr.rel .LBB2_1-.Ltmp0, $4  }
0xd: {  	_ =	strace $0x80000047;
	s6 =	sor.u32 s9, s8;
	s31 =	sshrl.u32 s11, $0x1  }
0xe: {  	s9 =	sshrl.u32 s6, $0x3;
	s12 =	sshll.u32 s6, $0x8;
	s11 =	ssub.s32 s11, s31  }
0xf: {  	s7 =	sadd.s32 s7, s9;
	s8 =	sadd.s32 s10, s12;
	s10 =	sadd.s32 $0x1000, s10  }
0x10: {  	s11 =	smax.u32 s11, $0x1;
	s12 =	simm.s32 $0x5;
	s9 =	sadd.s32 $0x800, s8  }
.LBB2_8:
0x11: {  	s23 =	sadd.s32 $0x1, s23  }
0x12: {  	_ =	swait.ge [sflag:s21], $0x4000;
	p0 =	sne.s32 s23, s11  }
.Ltmp1:
0x13: {  	[sflag:s21] =	ssyncset.done $0x0;
	(pc) =	sbr.rel @!p0 .LBB2_9-.Ltmp1, $4  }
0x14: {  	[sflag:s21] =	ssyncadd.s32 $0xFFFFC000  }
0x15: {  	_ =	swait.ge [sflag:s22], $0x4000  }
0x16: {  	[sflag:s22] =	ssyncset.done $0x0  }
0x17: {  	[sflag:s22] =	ssyncadd.s32 $0xFFFFC000  }
.LBB2_1:
0x18: {  	[tilespmem:s5], [sflag:$0x5] =	stream.linear.gather [hbm4b:s1+s5], $0x400, $0x38;
	[tilespmem:$0x10A80] =	vst v63  }
0x19: {  	_ =	swait.ge [sflag:s12], $0x400  }
0x1a: {  	[sflag:s12] =	ssyncset.done $0x0  }
0x1b: {  	[sflag:s12] =	ssyncadd.s32 $0xFFFFFC00  }
0x1c: {  	[tilespmem:s13], [sflag:$0x5] =	stream.linear.gather [hbm4b:s2+s5], $0x400, $0x38;
	[tilespmem:$0x10A80] =	vst v63  }
0x1d: {  	_ =	swait.ge [sflag:s12], $0x400  }
0x1e: {  	[sflag:s12] =	ssyncset.done $0x0  }
0x1f: {  	[sflag:s12] =	ssyncadd.s32 $0xFFFFFC00  }
0x20: {  	[tilespmem:s14], [sflag:$0x5] =	stream.linear.gather [hbm4b:s7+s5], $0x200, $0x38;
	[tilespmem:$0x10A80] =	vst v63  }
0x21: {  	_ =	swait.ge [sflag:s12], $0x200  }
0x22: {  	[sflag:s12] =	ssyncset.done $0x0  }
0x23: {  	[sflag:s12] =	ssyncadd.s32 $0xFFFFFE00  }
0x24: {  	[tilespmem:s15], [sflag:$0x1] =	stream.linear.gather [hbm4b:s8+s5], $0x4000, $0x38;
	[tilespmem:$0x10A80] =	vst v63  }
0x25: {  	s24 =	simm.s32 $0x0  }
0x26: {  	[tilespmem:s16], [sflag:$0x2] =	stream.linear.gather [hbm4b:s9+s5], $0x4000, $0x38;
	[tilespmem:$0x10A80] =	vst v63  }
.LBB2_2:
0x27: {  	s25 =	sshll.u32 s24, $0x4  }
0x28: {  	_ =	swait.ge [sflag:s17], $0x4000;
	s29 =	sadd.s32 $0x800, s25  }
0x29: {  	p0 =	seq.s32 s24, $0x0;
	[sflag:s17] =	ssyncset.done $0x0;
	v0 =	vmov s29  }
0x2a: {  	s28 =	simm.s32 @!p0 $0x3;
	[sflag:s17] =	ssyncadd.s32 $0xFFFFC000  }
0x2b: {  	_ =	swait.ge @!p0 [sflag:s28], $0x4000  }
0x2c: {  	[sflag:s28] =	ssyncset.done @!p0 $0x0  }
0x2d: {  	s26 =	sor.u32 s6, s25;
	[sflag:s28] =	ssyncadd.s32 @!p0 $0xFFFFC000;
	s28 =	simm.s32 $0x0  }
.LBB2_3:
0x2e: {  	v1 =	vld.idx.msk [tilespmem:v0+s28+$0x0 ss:$0x1], $0xffff;
	_ =	sdelay $0x4  }
0x2f: {  	(v2sf) =	vpush v1, $0x0;
	_ =	sdelay $0xe  }
0x30: {  	s31 =	sshll.u32 s28, $0xB;
	s29 =	spop (v2sf)  }
0x31: {  	v3 =	vld [tilespmem:s31+$0xA80];
	s30 =	sshll.u32 s29, $0x8;
	s29 =	sshll.u32 s29, $0x7  }
0x32: {  	v4 =	vld [tilespmem:s31+$0xB00];
	s30 =	sand.u32 $0xFFFFFC00, s30;
	s29 =	sand.u32 $0x180, s29  }
0x33: {  	v5 =	vld [tilespmem:s31+$0xB80];
	s30 =	sor.u32 s29, s30  }
0x34: {  	v1 =	vld [tilespmem:s30+$0x0]  }
0x35: {  	v6 =	vld [tilespmem:s31+$0xC00]  }
0x36: {  	v2 =	vld [tilespmem:s30+$0x400]  }
0x37: {  	v7 =	vld [tilespmem:s31+$0xC80]  }
0x38: {  	v8 =	vld [tilespmem:s31+$0xD00]  }
0x39: {  	v9 =	vld [tilespmem:s31+$0xD80];
	v3 =	vmul.f32 v3, v1  }
0x3a: {  	v10 =	vld [tilespmem:s31+$0xE00];
	v4 =	vmul.f32 v4, v1  }
0x3b: {  	v6 =	vmul.f32 v6, v1;
	v3 =	vadd.f32 v3, v2  }
0x3c: {  	v5 =	vmul.f32 v5, v1;
	v4 =	vadd.f32 v4, v2  }
0x3d: {  	v39 =	vmul.f32 v8, v1;
	v38 =	vadd.f32 v6, v2;
	[tilespmem:s31+$0x8A80] =	vst v3  }
0x3e: {  	v37 =	vmul.f32 v7, v1;
	v3 =	vadd.f32 v5, v2;
	[tilespmem:s31+$0x8B00] =	vst v4  }
0x3f: {  	v40 =	vmul.f32 v9, v1;
	v1 =	vmul.f32 v10, v1;
	v41 =	vadd.f32 v39, v2;
	[tilespmem:s31+$0x8C00] =	vst v38  }
0x40: {  	[tilespmem:s31+$0x8B80] =	vst v3;
	v3 =	vadd.f32 v37, v2  }
0x41: {  	v1 =	vadd.f32 v1, v2;
	[tilespmem:s31+$0x8D00] =	vst v41  }
0x42: {  	v42 =	vld [tilespmem:s31+$0xB10];
	[tilespmem:s31+$0x8C80] =	vst v3;
	v3 =	vadd.f32 v40, v2  }
0x43: {  	v43 =	vld [tilespmem:s31+$0xB90];
	[tilespmem:s31+$0x8E00] =	vst v1  }
0x44: {  	[tilespmem:s31+$0x8D80] =	vst v3;
	v3 =	vld [tilespmem:s31+$0xA90]  }
0x45: {  	v1 =	vld [tilespmem:s30+$0x10]  }
0x46: {  	v44 =	vld [tilespmem:s31+$0xC10]  }
0x47: {  	v2 =	vld [tilespmem:s30+$0x410]  }
0x48: {  	v45 =	vld [tilespmem:s31+$0xC90]  }
0x49: {  	v46 =	vld [tilespmem:s31+$0xD10]  }
0x4a: {  	v47 =	vld [tilespmem:s31+$0xD90];
	v3 =	vmul.f32 v3, v1  }
0x4b: {  	v48 =	vld [tilespmem:s31+$0xE10];
	v4 =	vmul.f32 v42, v1  }
0x4c: {  	v6 =	vmul.f32 v44, v1;
	v3 =	vadd.f32 v3, v2  }
0x4d: {  	v5 =	vmul.f32 v43, v1;
	v4 =	vadd.f32 v4, v2  }
0x4e: {  	v51 =	vmul.f32 v46, v1;
	v50 =	vadd.f32 v6, v2;
	[tilespmem:s31+$0x8A90] =	vst v3  }
0x4f: {  	v49 =	vmul.f32 v45, v1;
	v3 =	vadd.f32 v5, v2;
	[tilespmem:s31+$0x8B10] =	vst v4  }
0x50: {  	v52 =	vmul.f32 v47, v1;
	v1 =	vmul.f32 v48, v1;
	v53 =	vadd.f32 v51, v2;
	[tilespmem:s31+$0x8C10] =	vst v50  }
0x51: {  	[tilespmem:s31+$0x8B90] =	vst v3;
	v3 =	vadd.f32 v49, v2  }
0x52: {  	v1 =	vadd.f32 v1, v2;
	[tilespmem:s31+$0x8D10] =	vst v53  }
0x53: {  	v54 =	vld [tilespmem:s31+$0xB20];
	[tilespmem:s31+$0x8C90] =	vst v3;
	v3 =	vadd.f32 v52, v2  }
0x54: {  	v55 =	vld [tilespmem:s31+$0xBA0];
	[tilespmem:s31+$0x8E10] =	vst v1  }
0x55: {  	[tilespmem:s31+$0x8D90] =	vst v3;
	v3 =	vld [tilespmem:s31+$0xAA0]  }
0x56: {  	v1 =	vld [tilespmem:s30+$0x20]  }
0x57: {  	v56 =	vld [tilespmem:s31+$0xC20]  }
0x58: {  	v2 =	vld [tilespmem:s30+$0x420]  }
0x59: {  	v57 =	vld [tilespmem:s31+$0xCA0]  }
0x5a: {  	v58 =	vld [tilespmem:s31+$0xD20]  }
0x5b: {  	v59 =	vld [tilespmem:s31+$0xDA0];
	v3 =	vmul.f32 v3, v1  }
0x5c: {  	v60 =	vld [tilespmem:s31+$0xE20];
	v4 =	vmul.f32 v54, v1  }
0x5d: {  	v6 =	vmul.f32 v56, v1;
	v3 =	vadd.f32 v3, v2  }
0x5e: {  	v5 =	vmul.f32 v55, v1;
	v4 =	vadd.f32 v4, v2  }
0x5f: {  	v63 =	vmul.f32 v58, v1;
	v62 =	vadd.f32 v6, v2;
	[tilespmem:s31+$0x8AA0] =	vst v3  }
0x60: {  	v61 =	vmul.f32 v57, v1;
	v3 =	vadd.f32 v5, v2;
	[tilespmem:s31+$0x8B20] =	vst v4  }
0x61: {  	v11 =	vmul.f32 v59, v1;
	v1 =	vmul.f32 v60, v1;
	v12 =	vadd.f32 v63, v2;
	[tilespmem:s31+$0x8C20] =	vst v62  }
0x62: {  	[tilespmem:s31+$0x8BA0] =	vst v3;
	v3 =	vadd.f32 v61, v2  }
0x63: {  	v1 =	vadd.f32 v1, v2;
	[tilespmem:s31+$0x8D20] =	vst v12  }
0x64: {  	v13 =	vld [tilespmem:s31+$0xB30];
	[tilespmem:s31+$0x8CA0] =	vst v3;
	v3 =	vadd.f32 v11, v2  }
0x65: {  	v14 =	vld [tilespmem:s31+$0xBB0];
	[tilespmem:s31+$0x8E20] =	vst v1  }
0x66: {  	[tilespmem:s31+$0x8DA0] =	vst v3;
	v3 =	vld [tilespmem:s31+$0xAB0]  }
0x67: {  	v1 =	vld [tilespmem:s30+$0x30]  }
0x68: {  	v15 =	vld [tilespmem:s31+$0xC30]  }
0x69: {  	v2 =	vld [tilespmem:s30+$0x430]  }
0x6a: {  	v16 =	vld [tilespmem:s31+$0xCB0]  }
0x6b: {  	v17 =	vld [tilespmem:s31+$0xD30]  }
0x6c: {  	v18 =	vld [tilespmem:s31+$0xDB0];
	v3 =	vmul.f32 v3, v1  }
0x6d: {  	v19 =	vld [tilespmem:s31+$0xE30];
	v4 =	vmul.f32 v13, v1  }
0x6e: {  	v6 =	vmul.f32 v15, v1;
	v3 =	vadd.f32 v3, v2  }
0x6f: {  	v5 =	vmul.f32 v14, v1;
	v4 =	vadd.f32 v4, v2  }
0x70: {  	v22 =	vmul.f32 v17, v1;
	v21 =	vadd.f32 v6, v2;
	[tilespmem:s31+$0x8AB0] =	vst v3  }
0x71: {  	v20 =	vmul.f32 v16, v1;
	v3 =	vadd.f32 v5, v2;
	[tilespmem:s31+$0x8B30] =	vst v4  }
0x72: {  	v23 =	vmul.f32 v18, v1;
	v1 =	vmul.f32 v19, v1;
	v24 =	vadd.f32 v22, v2;
	[tilespmem:s31+$0x8C30] =	vst v21  }
0x73: {  	[tilespmem:s31+$0x8BB0] =	vst v3;
	v3 =	vadd.f32 v20, v2  }
0x74: {  	v1 =	vadd.f32 v1, v2;
	[tilespmem:s31+$0x8D30] =	vst v24  }
0x75: {  	v25 =	vld [tilespmem:s31+$0xB40];
	[tilespmem:s31+$0x8CB0] =	vst v3;
	v3 =	vadd.f32 v23, v2  }
0x76: {  	v26 =	vld [tilespmem:s31+$0xBC0];
	[tilespmem:s31+$0x8E30] =	vst v1  }
0x77: {  	[tilespmem:s31+$0x8DB0] =	vst v3;
	v3 =	vld [tilespmem:s31+$0xAC0]  }
0x78: {  	v1 =	vld [tilespmem:s30+$0x40]  }
0x79: {  	v27 =	vld [tilespmem:s31+$0xC40]  }
0x7a: {  	v2 =	vld [tilespmem:s30+$0x440]  }
0x7b: {  	v28 =	vld [tilespmem:s31+$0xCC0]  }
0x7c: {  	v29 =	vld [tilespmem:s31+$0xD40]  }
0x7d: {  	v30 =	vld [tilespmem:s31+$0xDC0];
	v3 =	vmul.f32 v3, v1  }
0x7e: {  	v31 =	vld [tilespmem:s31+$0xE40];
	v4 =	vmul.f32 v25, v1  }
0x7f: {  	v6 =	vmul.f32 v27, v1;
	v3 =	vadd.f32 v3, v2  }
0x80: {  	v5 =	vmul.f32 v26, v1;
	v4 =	vadd.f32 v4, v2  }
0x81: {  	v34 =	vmul.f32 v29, v1;
	v33 =	vadd.f32 v6, v2;
	[tilespmem:s31+$0x8AC0] =	vst v3  }
0x82: {  	v32 =	vmul.f32 v28, v1;
	v3 =	vadd.f32 v5, v2;
	[tilespmem:s31+$0x8B40] =	vst v4  }
0x83: {  	v35 =	vmul.f32 v30, v1;
	v1 =	vmul.f32 v31, v1;
	v36 =	vadd.f32 v34, v2;
	[tilespmem:s31+$0x8C40] =	vst v33  }
0x84: {  	[tilespmem:s31+$0x8BC0] =	vst v3;
	v3 =	vadd.f32 v32, v2  }
0x85: {  	v1 =	vadd.f32 v1, v2;
	[tilespmem:s31+$0x8D40] =	vst v36  }
0x86: {  	v39 =	vld [tilespmem:s31+$0xC50];
	[tilespmem:s31+$0x8CC0] =	vst v3;
	v3 =	vadd.f32 v35, v2  }
0x87: {  	v38 =	vld [tilespmem:s31+$0xBD0];
	[tilespmem:s31+$0x8E40] =	vst v1  }
0x88: {  	[tilespmem:s31+$0x8DC0] =	vst v3;
	v3 =	vld [tilespmem:s31+$0xAD0]  }
0x89: {  	v1 =	vld [tilespmem:s30+$0x50]  }
0x8a: {  	v37 =	vld [tilespmem:s31+$0xB50]  }
0x8b: {  	v2 =	vld [tilespmem:s30+$0x450]  }
0x8c: {  	v41 =	vld [tilespmem:s31+$0xD50]  }
0x8d: {  	v40 =	vld [tilespmem:s31+$0xCD0]  }
0x8e: {  	v42 =	vld [tilespmem:s31+$0xDD0];
	v3 =	vmul.f32 v3, v1  }
0x8f: {  	v43 =	vld [tilespmem:s31+$0xE50];
	v4 =	vmul.f32 v37, v1  }
0x90: {  	v6 =	vmul.f32 v39, v1;
	v3 =	vadd.f32 v3, v2  }
0x91: {  	v5 =	vmul.f32 v38, v1;
	v4 =	vadd.f32 v4, v2  }
0x92: {  	v46 =	vmul.f32 v41, v1;
	v45 =	vadd.f32 v6, v2;
	[tilespmem:s31+$0x8AD0] =	vst v3  }
0x93: {  	v44 =	vmul.f32 v40, v1;
	v3 =	vadd.f32 v5, v2;
	[tilespmem:s31+$0x8B50] =	vst v4  }
0x94: {  	v47 =	vmul.f32 v42, v1;
	v1 =	vmul.f32 v43, v1;
	v48 =	vadd.f32 v46, v2;
	[tilespmem:s31+$0x8C50] =	vst v45  }
0x95: {  	[tilespmem:s31+$0x8BD0] =	vst v3;
	v3 =	vadd.f32 v44, v2  }
0x96: {  	v1 =	vadd.f32 v1, v2;
	[tilespmem:s31+$0x8D50] =	vst v48  }
0x97: {  	v51 =	vld [tilespmem:s31+$0xC60];
	[tilespmem:s31+$0x8CD0] =	vst v3;
	v3 =	vadd.f32 v47, v2  }
0x98: {  	v50 =	vld [tilespmem:s31+$0xBE0];
	[tilespmem:s31+$0x8E50] =	vst v1  }
0x99: {  	[tilespmem:s31+$0x8DD0] =	vst v3;
	v3 =	vld [tilespmem:s31+$0xAE0]  }
0x9a: {  	v1 =	vld [tilespmem:s30+$0x60]  }
0x9b: {  	v49 =	vld [tilespmem:s31+$0xB60]  }
0x9c: {  	v2 =	vld [tilespmem:s30+$0x460]  }
0x9d: {  	v53 =	vld [tilespmem:s31+$0xD60]  }
0x9e: {  	v52 =	vld [tilespmem:s31+$0xCE0]  }
0x9f: {  	v54 =	vld [tilespmem:s31+$0xDE0];
	v3 =	vmul.f32 v3, v1  }
0xa0: {  	v55 =	vld [tilespmem:s31+$0xE60];
	v4 =	vmul.f32 v49, v1  }
0xa1: {  	v6 =	vmul.f32 v51, v1;
	v3 =	vadd.f32 v3, v2  }
0xa2: {  	v5 =	vmul.f32 v50, v1;
	v4 =	vadd.f32 v4, v2  }
0xa3: {  	v58 =	vmul.f32 v53, v1;
	v57 =	vadd.f32 v6, v2;
	[tilespmem:s31+$0x8AE0] =	vst v3  }
0xa4: {  	v56 =	vmul.f32 v52, v1;
	v3 =	vadd.f32 v5, v2;
	[tilespmem:s31+$0x8B60] =	vst v4  }
0xa5: {  	v59 =	vmul.f32 v54, v1;
	v1 =	vmul.f32 v55, v1;
	v60 =	vadd.f32 v58, v2;
	[tilespmem:s31+$0x8C60] =	vst v57  }
0xa6: {  	[tilespmem:s31+$0x8BE0] =	vst v3;
	v3 =	vadd.f32 v56, v2  }
0xa7: {  	v1 =	vadd.f32 v1, v2;
	[tilespmem:s31+$0x8D60] =	vst v60  }
0xa8: {  	v63 =	vld [tilespmem:s31+$0xC70];
	[tilespmem:s31+$0x8CE0] =	vst v3;
	v3 =	vadd.f32 v59, v2  }
0xa9: {  	v62 =	vld [tilespmem:s31+$0xBF0];
	[tilespmem:s31+$0x8E60] =	vst v1  }
0xaa: {  	[tilespmem:s31+$0x8DE0] =	vst v3;
	v3 =	vld [tilespmem:s31+$0xAF0]  }
0xab: {  	v1 =	vld [tilespmem:s30+$0x70]  }
0xac: {  	v61 =	vld [tilespmem:s31+$0xB70]  }
0xad: {  	v2 =	vld [tilespmem:s30+$0x470]  }
0xae: {  	v12 =	vld [tilespmem:s31+$0xCF0]  }
0xaf: {  	v13 =	vld [tilespmem:s31+$0xD70]  }
0xb0: {  	v14 =	vld [tilespmem:s31+$0xDF0];
	v3 =	vmul.f32 v3, v1  }
0xb1: {  	v15 =	vld [tilespmem:s31+$0xE70];
	v4 =	vmul.f32 v61, v1  }
0xb2: {  	v6 =	vmul.f32 v63, v1;
	v3 =	vadd.f32 v3, v2  }
0xb3: {  	v5 =	vmul.f32 v62, v1;
	v4 =	vadd.f32 v4, v2  }
0xb4: {  	v18 =	vmul.f32 v13, v1;
	v17 =	vadd.f32 v6, v2;
	[tilespmem:s31+$0x8AF0] =	vst v3  }
0xb5: {  	v16 =	vmul.f32 v12, v1;
	v3 =	vadd.f32 v5, v2;
	[tilespmem:s31+$0x8B70] =	vst v4  }
0xb6: {  	v19 =	vmul.f32 v14, v1;
	v1 =	vmul.f32 v15, v1;
	v20 =	vadd.f32 v18, v2;
	[tilespmem:s31+$0x8C70] =	vst v17  }
0xb7: {  	[tilespmem:s31+$0x8BF0] =	vst v3;
	v3 =	vadd.f32 v16, v2  }
0xb8: {  	v1 =	vadd.f32 v1, v2;
	[tilespmem:s31+$0x8D70] =	vst v20  }
0xb9: {  	v22 =	vld [tilespmem:s31+$0xF80];
	[tilespmem:s31+$0x8CF0] =	vst v3;
	v3 =	vadd.f32 v19, v2  }
0xba: {  	v21 =	vld [tilespmem:s31+$0xF00];
	[tilespmem:s31+$0x8E70] =	vst v1  }
0xbb: {  	[tilespmem:s31+$0x8DF0] =	vst v3;
	v3 =	vld [tilespmem:s31+$0xE80]  }
0xbc: {  	v1 =	vld [tilespmem:s30+$0x200]  }
0xbd: {  	v23 =	vld [tilespmem:s31+$0x1000]  }
0xbe: {  	v2 =	vld [tilespmem:s30+$0x600]  }
0xbf: {  	v24 =	vld [tilespmem:s31+$0x1080]  }
0xc0: {  	v25 =	vld [tilespmem:s31+$0x1100]  }
0xc1: {  	v26 =	vld [tilespmem:s31+$0x1180];
	v3 =	vmul.f32 v3, v1  }
0xc2: {  	v27 =	vld [tilespmem:s31+$0x1200];
	v4 =	vmul.f32 v21, v1  }
0xc3: {  	v6 =	vmul.f32 v23, v1;
	v3 =	vadd.f32 v3, v2  }
0xc4: {  	v5 =	vmul.f32 v22, v1;
	v4 =	vadd.f32 v4, v2  }
0xc5: {  	v30 =	vmul.f32 v25, v1;
	v29 =	vadd.f32 v6, v2;
	[tilespmem:s31+$0x8E80] =	vst v3  }
0xc6: {  	v28 =	vmul.f32 v24, v1;
	v3 =	vadd.f32 v5, v2;
	[tilespmem:s31+$0x8F00] =	vst v4  }
0xc7: {  	v31 =	vmul.f32 v26, v1;
	v1 =	vmul.f32 v27, v1;
	v32 =	vadd.f32 v30, v2;
	[tilespmem:s31+$0x9000] =	vst v29  }
0xc8: {  	[tilespmem:s31+$0x8F80] =	vst v3;
	v3 =	vadd.f32 v28, v2  }
0xc9: {  	v1 =	vadd.f32 v1, v2;
	[tilespmem:s31+$0x9100] =	vst v32  }
0xca: {  	v34 =	vld [tilespmem:s31+$0xF90];
	[tilespmem:s31+$0x9080] =	vst v3;
	v3 =	vadd.f32 v31, v2  }
0xcb: {  	v33 =	vld [tilespmem:s31+$0xF10];
	[tilespmem:s31+$0x9200] =	vst v1  }
0xcc: {  	[tilespmem:s31+$0x9180] =	vst v3;
	v3 =	vld [tilespmem:s31+$0xE90]  }
0xcd: {  	v1 =	vld [tilespmem:s30+$0x210]  }
0xce: {  	v35 =	vld [tilespmem:s31+$0x1010]  }
0xcf: {  	v2 =	vld [tilespmem:s30+$0x610]  }
0xd0: {  	v36 =	vld [tilespmem:s31+$0x1090]  }
0xd1: {  	v37 =	vld [tilespmem:s31+$0x1110]  }
0xd2: {  	v38 =	vld [tilespmem:s31+$0x1190];
	v3 =	vmul.f32 v3, v1  }
0xd3: {  	v39 =	vld [tilespmem:s31+$0x1210];
	v4 =	vmul.f32 v33, v1  }
0xd4: {  	v6 =	vmul.f32 v35, v1;
	v3 =	vadd.f32 v3, v2  }
0xd5: {  	v5 =	vmul.f32 v34, v1;
	v4 =	vadd.f32 v4, v2  }
0xd6: {  	v42 =	vmul.f32 v37, v1;
	v41 =	vadd.f32 v6, v2;
	[tilespmem:s31+$0x8E90] =	vst v3  }
0xd7: {  	v40 =	vmul.f32 v36, v1;
	v3 =	vadd.f32 v5, v2;
	[tilespmem:s31+$0x8F10] =	vst v4  }
0xd8: {  	v43 =	vmul.f32 v38, v1;
	v1 =	vmul.f32 v39, v1;
	v44 =	vadd.f32 v42, v2;
	[tilespmem:s31+$0x9010] =	vst v41  }
0xd9: {  	[tilespmem:s31+$0x8F90] =	vst v3;
	v3 =	vadd.f32 v40, v2  }
0xda: {  	v1 =	vadd.f32 v1, v2;
	[tilespmem:s31+$0x9110] =	vst v44  }
0xdb: {  	v46 =	vld [tilespmem:s31+$0xFA0];
	[tilespmem:s31+$0x9090] =	vst v3;
	v3 =	vadd.f32 v43, v2  }
0xdc: {  	v45 =	vld [tilespmem:s31+$0xF20];
	[tilespmem:s31+$0x9210] =	vst v1  }
0xdd: {  	[tilespmem:s31+$0x9190] =	vst v3;
	v3 =	vld [tilespmem:s31+$0xEA0]  }
0xde: {  	v1 =	vld [tilespmem:s30+$0x220]  }
0xdf: {  	v47 =	vld [tilespmem:s31+$0x1020]  }
0xe0: {  	v2 =	vld [tilespmem:s30+$0x620]  }
0xe1: {  	v48 =	vld [tilespmem:s31+$0x10A0]  }
0xe2: {  	v49 =	vld [tilespmem:s31+$0x1120]  }
0xe3: {  	v50 =	vld [tilespmem:s31+$0x11A0];
	v3 =	vmul.f32 v3, v1  }
0xe4: {  	v51 =	vld [tilespmem:s31+$0x1220];
	v4 =	vmul.f32 v45, v1  }
0xe5: {  	v6 =	vmul.f32 v47, v1;
	v3 =	vadd.f32 v3, v2  }
0xe6: {  	v5 =	vmul.f32 v46, v1;
	v4 =	vadd.f32 v4, v2  }
0xe7: {  	v54 =	vmul.f32 v49, v1;
	v53 =	vadd.f32 v6, v2;
	[tilespmem:s31+$0x8EA0] =	vst v3  }
0xe8: {  	v52 =	vmul.f32 v48, v1;
	v3 =	vadd.f32 v5, v2;
	[tilespmem:s31+$0x8F20] =	vst v4  }
0xe9: {  	v55 =	vmul.f32 v50, v1;
	v1 =	vmul.f32 v51, v1;
	v56 =	vadd.f32 v54, v2;
	[tilespmem:s31+$0x9020] =	vst v53  }
0xea: {  	[tilespmem:s31+$0x8FA0] =	vst v3;
	v3 =	vadd.f32 v52, v2  }
0xeb: {  	v1 =	vadd.f32 v1, v2;
	[tilespmem:s31+$0x9120] =	vst v56  }
0xec: {  	v58 =	vld [tilespmem:s31+$0xFB0];
	[tilespmem:s31+$0x90A0] =	vst v3;
	v3 =	vadd.f32 v55, v2  }
0xed: {  	v57 =	vld [tilespmem:s31+$0xF30];
	[tilespmem:s31+$0x9220] =	vst v1  }
0xee: {  	[tilespmem:s31+$0x91A0] =	vst v3;
	v3 =	vld [tilespmem:s31+$0xEB0]  }
0xef: {  	v1 =	vld [tilespmem:s30+$0x230]  }
0xf0: {  	v59 =	vld [tilespmem:s31+$0x1030]  }
0xf1: {  	v2 =	vld [tilespmem:s30+$0x630]  }
0xf2: {  	v60 =	vld [tilespmem:s31+$0x10B0]  }
0xf3: {  	v61 =	vld [tilespmem:s31+$0x1130]  }
0xf4: {  	v62 =	vld [tilespmem:s31+$0x11B0];
	v3 =	vmul.f32 v3, v1  }
0xf5: {  	v63 =	vld [tilespmem:s31+$0x1230];
	v4 =	vmul.f32 v57, v1  }
0xf6: {  	v6 =	vmul.f32 v59, v1;
	v3 =	vadd.f32 v3, v2  }
0xf7: {  	v5 =	vmul.f32 v58, v1;
	v4 =	vadd.f32 v4, v2  }
0xf8: {  	v13 =	vmul.f32 v61, v1;
	v12 =	vadd.f32 v6, v2;
	[tilespmem:s31+$0x8EB0] =	vst v3  }
0xf9: {  	v11 =	vmul.f32 v60, v1;
	v3 =	vadd.f32 v5, v2;
	[tilespmem:s31+$0x8F30] =	vst v4  }
0xfa: {  	v14 =	vmul.f32 v62, v1;
	v1 =	vmul.f32 v63, v1;
	v15 =	vadd.f32 v13, v2;
	[tilespmem:s31+$0x9030] =	vst v12  }
0xfb: {  	[tilespmem:s31+$0x8FB0] =	vst v3;
	v3 =	vadd.f32 v11, v2  }
0xfc: {  	v1 =	vadd.f32 v1, v2;
	[tilespmem:s31+$0x9130] =	vst v15  }
0xfd: {  	v18 =	vld [tilespmem:s31+$0x1040];
	[tilespmem:s31+$0x90B0] =	vst v3;
	v3 =	vadd.f32 v14, v2  }
0xfe: {  	v17 =	vld [tilespmem:s31+$0xFC0];
	[tilespmem:s31+$0x9230] =	vst v1  }
0xff: {  	[tilespmem:s31+$0x91B0] =	vst v3;
	v3 =	vld [tilespmem:s31+$0xEC0]  }
0x100: {  	v1 =	vld [tilespmem:s30+$0x240]  }
0x101: {  	v16 =	vld [tilespmem:s31+$0xF40]  }
0x102: {  	v2 =	vld [tilespmem:s30+$0x640]  }
0x103: {  	v20 =	vld [tilespmem:s31+$0x1140]  }
0x104: {  	v19 =	vld [tilespmem:s31+$0x10C0]  }
0x105: {  	v21 =	vld [tilespmem:s31+$0x11C0];
	v3 =	vmul.f32 v3, v1  }
0x106: {  	v22 =	vld [tilespmem:s31+$0x1240];
	v4 =	vmul.f32 v16, v1  }
0x107: {  	v6 =	vmul.f32 v18, v1;
	v3 =	vadd.f32 v3, v2  }
0x108: {  	v5 =	vmul.f32 v17, v1;
	v4 =	vadd.f32 v4, v2  }
0x109: {  	v25 =	vmul.f32 v20, v1;
	v24 =	vadd.f32 v6, v2;
	[tilespmem:s31+$0x8EC0] =	vst v3  }
0x10a: {  	v23 =	vmul.f32 v19, v1;
	v3 =	vadd.f32 v5, v2;
	[tilespmem:s31+$0x8F40] =	vst v4  }
0x10b: {  	v26 =	vmul.f32 v21, v1;
	v1 =	vmul.f32 v22, v1;
	v27 =	vadd.f32 v25, v2;
	[tilespmem:s31+$0x9040] =	vst v24  }
0x10c: {  	[tilespmem:s31+$0x8FC0] =	vst v3;
	v3 =	vadd.f32 v23, v2  }
0x10d: {  	v1 =	vadd.f32 v1, v2;
	[tilespmem:s31+$0x9140] =	vst v27  }
0x10e: {  	v30 =	vld [tilespmem:s31+$0x1050];
	[tilespmem:s31+$0x90C0] =	vst v3;
	v3 =	vadd.f32 v26, v2  }
0x10f: {  	v29 =	vld [tilespmem:s31+$0xFD0];
	[tilespmem:s31+$0x9240] =	vst v1  }
0x110: {  	[tilespmem:s31+$0x91C0] =	vst v3;
	v3 =	vld [tilespmem:s31+$0xED0]  }
0x111: {  	v1 =	vld [tilespmem:s30+$0x250]  }
0x112: {  	v28 =	vld [tilespmem:s31+$0xF50]  }
0x113: {  	v2 =	vld [tilespmem:s30+$0x650]  }
0x114: {  	v32 =	vld [tilespmem:s31+$0x1150]  }
0x115: {  	v31 =	vld [tilespmem:s31+$0x10D0]  }
0x116: {  	v33 =	vld [tilespmem:s31+$0x11D0];
	v3 =	vmul.f32 v3, v1  }
0x117: {  	v34 =	vld [tilespmem:s31+$0x1250];
	v4 =	vmul.f32 v28, v1  }
0x118: {  	v6 =	vmul.f32 v30, v1;
	v3 =	vadd.f32 v3, v2  }
0x119: {  	v5 =	vmul.f32 v29, v1;
	v4 =	vadd.f32 v4, v2  }
0x11a: {  	v37 =	vmul.f32 v32, v1;
	v36 =	vadd.f32 v6, v2;
	[tilespmem:s31+$0x8ED0] =	vst v3  }
0x11b: {  	v35 =	vmul.f32 v31, v1;
	v3 =	vadd.f32 v5, v2;
	[tilespmem:s31+$0x8F50] =	vst v4  }
0x11c: {  	v38 =	vmul.f32 v33, v1;
	v1 =	vmul.f32 v34, v1;
	v39 =	vadd.f32 v37, v2;
	[tilespmem:s31+$0x9050] =	vst v36  }
0x11d: {  	[tilespmem:s31+$0x8FD0] =	vst v3;
	v3 =	vadd.f32 v35, v2  }
0x11e: {  	v1 =	vadd.f32 v1, v2;
	[tilespmem:s31+$0x9150] =	vst v39  }
0x11f: {  	v42 =	vld [tilespmem:s31+$0x1060];
	[tilespmem:s31+$0x90D0] =	vst v3;
	v3 =	vadd.f32 v38, v2  }
0x120: {  	v41 =	vld [tilespmem:s31+$0xFE0];
	[tilespmem:s31+$0x9250] =	vst v1  }
0x121: {  	[tilespmem:s31+$0x91D0] =	vst v3;
	v3 =	vld [tilespmem:s31+$0xEE0]  }
0x122: {  	v1 =	vld [tilespmem:s30+$0x260]  }
0x123: {  	v40 =	vld [tilespmem:s31+$0xF60]  }
0x124: {  	v2 =	vld [tilespmem:s30+$0x660]  }
0x125: {  	v44 =	vld [tilespmem:s31+$0x1160]  }
0x126: {  	v43 =	vld [tilespmem:s31+$0x10E0]  }
0x127: {  	v45 =	vld [tilespmem:s31+$0x11E0];
	v3 =	vmul.f32 v3, v1  }
0x128: {  	v46 =	vld [tilespmem:s31+$0x1260];
	v4 =	vmul.f32 v40, v1  }
0x129: {  	v6 =	vmul.f32 v42, v1;
	v3 =	vadd.f32 v3, v2  }
0x12a: {  	v5 =	vmul.f32 v41, v1;
	v4 =	vadd.f32 v4, v2  }
0x12b: {  	v49 =	vmul.f32 v44, v1;
	v48 =	vadd.f32 v6, v2;
	[tilespmem:s31+$0x8EE0] =	vst v3  }
0x12c: {  	v47 =	vmul.f32 v43, v1;
	v3 =	vadd.f32 v5, v2;
	[tilespmem:s31+$0x8F60] =	vst v4  }
0x12d: {  	v50 =	vmul.f32 v45, v1;
	v1 =	vmul.f32 v46, v1;
	v51 =	vadd.f32 v49, v2;
	[tilespmem:s31+$0x9060] =	vst v48  }
0x12e: {  	[tilespmem:s31+$0x8FE0] =	vst v3;
	v3 =	vadd.f32 v47, v2  }
0x12f: {  	v1 =	vadd.f32 v1, v2;
	[tilespmem:s31+$0x9160] =	vst v51  }
0x130: {  	v54 =	vld [tilespmem:s31+$0x1070];
	[tilespmem:s31+$0x90E0] =	vst v3;
	v3 =	vadd.f32 v50, v2  }
0x131: {  	v53 =	vld [tilespmem:s31+$0xFF0];
	[tilespmem:s31+$0x9260] =	vst v1  }
0x132: {  	[tilespmem:s31+$0x91E0] =	vst v3;
	v3 =	vld [tilespmem:s31+$0xEF0]  }
0x133: {  	v1 =	vld [tilespmem:s30+$0x270]  }
0x134: {  	v52 =	vld [tilespmem:s31+$0xF70]  }
0x135: {  	v2 =	vld [tilespmem:s30+$0x670]  }
0x136: {  	v56 =	vld [tilespmem:s31+$0x1170]  }
0x137: {  	v55 =	vld [tilespmem:s31+$0x10F0]  }
0x138: {  	v57 =	vld [tilespmem:s31+$0x11F0];
	v3 =	vmul.f32 v3, v1  }
0x139: {  	v58 =	vld [tilespmem:s31+$0x1270];
	v4 =	vmul.f32 v52, v1  }
0x13a: {  	v6 =	vmul.f32 v54, v1;
	v3 =	vadd.f32 v3, v2  }
0x13b: {  	v5 =	vmul.f32 v53, v1;
	v4 =	vadd.f32 v4, v2  }
0x13c: {  	v61 =	vmul.f32 v56, v1;
	v60 =	vadd.f32 v6, v2;
	[tilespmem:s31+$0x8EF0] =	vst v3  }
0x13d: {  	v59 =	vmul.f32 v55, v1;
	v3 =	vadd.f32 v5, v2;
	[tilespmem:s31+$0x8F70] =	vst v4  }
0x13e: {  	p1 =	sne.s32 s28, $0x7;
	v62 =	vmul.f32 v57, v1;
	v1 =	vmul.f32 v58, v1;
	v63 =	vadd.f32 v61, v2;
	[tilespmem:s31+$0x9070] =	vst v60  }
.Ltmp2:
0x13f: {  	[tilespmem:s31+$0x8FF0] =	vst v3;
	v3 =	vadd.f32 v59, v2;
	(pc) =	sbr.rel @p1 .LBB2_3-.Ltmp2, $4  }
0x140: {  	v1 =	vadd.f32 v1, v2;
	[tilespmem:s31+$0x9170] =	vst v63  }
0x141: {  	[tilespmem:s31+$0x90F0] =	vst v3;
	v3 =	vadd.f32 v62, v2  }
0x142: {  	[tilespmem:s31+$0x9270] =	vst v1  }
0x143: {  	s28 =	sadd.s32 $0x1, s28;
	[tilespmem:s31+$0x91F0] =	vst v3  }
0x144: {  	s26 =	sshll.u32 s26, $0x8  }
0x145: {  	p1 =	seq.s32 s24, $0x1F;
	s25 =	sor.u32 $0x8, s25;
	s28 =	sadd.s32 s4, s26  }
0x146: {  	[hbm4b:s28+s5] =	stream.linear.scatter [tilespmem:s18], [sflag:$0x3], $0x4000, $0x38;
	[tilespmem:$0x10A80] =	vst v63  }
0x147: {  	s26 =	sadd.s32 @!p1 s26, s10;
	s29 =	simm.s32 @!p1 $0xA80;
	s28 =	simm.s32 @!p1 $0x0  }
0x148: {  	[tilespmem:s29], [sflag:$0x1] =	stream.linear.gather @!p1 [hbm4b:s26+s28], $0x4000, $0x38;
	[tilespmem:$0x10A80] =	vst v63  }
0x149: {  	s31 =	sadd.s32 $0x800, s25;
	_ =	swait.ge [sflag:s19], $0x4000  }
0x14a: {  	v0 =	vmov s31;
	[sflag:s19] =	ssyncset.done $0x0  }
0x14b: {  	s26 =	simm.s32 @!p0 $0x4;
	[sflag:s19] =	ssyncadd.s32 $0xFFFFC000  }
0x14c: {  	_ =	swait.ge @!p0 [sflag:s26], $0x4000  }
0x14d: {  	[sflag:s26] =	ssyncset.done @!p0 $0x0  }
0x14e: {  	s25 =	sor.u32 s6, s25;
	[sflag:s26] =	ssyncadd.s32 @!p0 $0xFFFFC000;
	s26 =	simm.s32 $0x0  }
.LBB2_5:
0x14f: {  	v1 =	vld.idx.msk [tilespmem:v0+s26+$0x0 ss:$0x1], $0xffff;
	_ =	sdelay $0x4  }
0x150: {  	(v2sf) =	vpush v1, $0x0;
	_ =	sdelay $0xe  }
0x151: {  	s31 =	sshll.u32 s26, $0xB;
	s28 =	spop (v2sf)  }
0x152: {  	v3 =	vld [tilespmem:s31+$0x4A80];
	s29 =	sshll.u32 s28, $0x8;
	s28 =	sshll.u32 s28, $0x7  }
0x153: {  	v4 =	vld [tilespmem:s31+$0x4B00];
	s29 =	sand.u32 $0xFFFFFC00, s29;
	s28 =	sand.u32 $0x180, s28  }
0x154: {  	v5 =	vld [tilespmem:s31+$0x4B80];
	s29 =	sor.u32 s28, s29  }
0x155: {  	v1 =	vld [tilespmem:s29+$0x0]  }
0x156: {  	v6 =	vld [tilespmem:s31+$0x4C00]  }
0x157: {  	v2 =	vld [tilespmem:s29+$0x400]  }
0x158: {  	v7 =	vld [tilespmem:s31+$0x4C80]  }
0x159: {  	v8 =	vld [tilespmem:s31+$0x4D00]  }
0x15a: {  	v9 =	vld [tilespmem:s31+$0x4D80];
	v3 =	vmul.f32 v3, v1  }
0x15b: {  	v10 =	vld [tilespmem:s31+$0x4E00];
	v4 =	vmul.f32 v4, v1  }
0x15c: {  	v6 =	vmul.f32 v6, v1;
	v3 =	vadd.f32 v3, v2  }
0x15d: {  	v5 =	vmul.f32 v5, v1;
	v4 =	vadd.f32 v4, v2  }
0x15e: {  	v39 =	vmul.f32 v8, v1;
	v38 =	vadd.f32 v6, v2;
	[tilespmem:s31+$0xCA80] =	vst v3  }
0x15f: {  	v37 =	vmul.f32 v7, v1;
	v3 =	vadd.f32 v5, v2;
	[tilespmem:s31+$0xCB00] =	vst v4  }
0x160: {  	v40 =	vmul.f32 v9, v1;
	v1 =	vmul.f32 v10, v1;
	v41 =	vadd.f32 v39, v2;
	[tilespmem:s31+$0xCC00] =	vst v38  }
0x161: {  	[tilespmem:s31+$0xCB80] =	vst v3;
	v3 =	vadd.f32 v37, v2  }
0x162: {  	v1 =	vadd.f32 v1, v2;
	[tilespmem:s31+$0xCD00] =	vst v41  }
0x163: {  	v42 =	vld [tilespmem:s31+$0x4B10];
	[tilespmem:s31+$0xCC80] =	vst v3;
	v3 =	vadd.f32 v40, v2  }
0x164: {  	v43 =	vld [tilespmem:s31+$0x4B90];
	[tilespmem:s31+$0xCE00] =	vst v1  }
0x165: {  	[tilespmem:s31+$0xCD80] =	vst v3;
	v3 =	vld [tilespmem:s31+$0x4A90]  }
0x166: {  	v1 =	vld [tilespmem:s29+$0x10]  }
0x167: {  	v44 =	vld [tilespmem:s31+$0x4C10]  }
0x168: {  	v2 =	vld [tilespmem:s29+$0x410]  }
0x169: {  	v45 =	vld [tilespmem:s31+$0x4C90]  }
0x16a: {  	v46 =	vld [tilespmem:s31+$0x4D10]  }
0x16b: {  	v47 =	vld [tilespmem:s31+$0x4D90];
	v3 =	vmul.f32 v3, v1  }
0x16c: {  	v48 =	vld [tilespmem:s31+$0x4E10];
	v4 =	vmul.f32 v42, v1  }
0x16d: {  	v6 =	vmul.f32 v44, v1;
	v3 =	vadd.f32 v3, v2  }
0x16e: {  	v5 =	vmul.f32 v43, v1;
	v4 =	vadd.f32 v4, v2  }
0x16f: {  	v51 =	vmul.f32 v46, v1;
	v50 =	vadd.f32 v6, v2;
	[tilespmem:s31+$0xCA90] =	vst v3  }
0x170: {  	v49 =	vmul.f32 v45, v1;
	v3 =	vadd.f32 v5, v2;
	[tilespmem:s31+$0xCB10] =	vst v4  }
0x171: {  	v52 =	vmul.f32 v47, v1;
	v1 =	vmul.f32 v48, v1;
	v53 =	vadd.f32 v51, v2;
	[tilespmem:s31+$0xCC10] =	vst v50  }
0x172: {  	[tilespmem:s31+$0xCB90] =	vst v3;
	v3 =	vadd.f32 v49, v2  }
0x173: {  	v1 =	vadd.f32 v1, v2;
	[tilespmem:s31+$0xCD10] =	vst v53  }
0x174: {  	v54 =	vld [tilespmem:s31+$0x4B20];
	[tilespmem:s31+$0xCC90] =	vst v3;
	v3 =	vadd.f32 v52, v2  }
0x175: {  	v55 =	vld [tilespmem:s31+$0x4BA0];
	[tilespmem:s31+$0xCE10] =	vst v1  }
0x176: {  	[tilespmem:s31+$0xCD90] =	vst v3;
	v3 =	vld [tilespmem:s31+$0x4AA0]  }
0x177: {  	v1 =	vld [tilespmem:s29+$0x20]  }
0x178: {  	v56 =	vld [tilespmem:s31+$0x4C20]  }
0x179: {  	v2 =	vld [tilespmem:s29+$0x420]  }
0x17a: {  	v57 =	vld [tilespmem:s31+$0x4CA0]  }
0x17b: {  	v58 =	vld [tilespmem:s31+$0x4D20]  }
0x17c: {  	v59 =	vld [tilespmem:s31+$0x4DA0];
	v3 =	vmul.f32 v3, v1  }
0x17d: {  	v60 =	vld [tilespmem:s31+$0x4E20];
	v4 =	vmul.f32 v54, v1  }
0x17e: {  	v6 =	vmul.f32 v56, v1;
	v3 =	vadd.f32 v3, v2  }
0x17f: {  	v5 =	vmul.f32 v55, v1;
	v4 =	vadd.f32 v4, v2  }
0x180: {  	v63 =	vmul.f32 v58, v1;
	v62 =	vadd.f32 v6, v2;
	[tilespmem:s31+$0xCAA0] =	vst v3  }
0x181: {  	v61 =	vmul.f32 v57, v1;
	v3 =	vadd.f32 v5, v2;
	[tilespmem:s31+$0xCB20] =	vst v4  }
0x182: {  	v11 =	vmul.f32 v59, v1;
	v1 =	vmul.f32 v60, v1;
	v12 =	vadd.f32 v63, v2;
	[tilespmem:s31+$0xCC20] =	vst v62  }
0x183: {  	[tilespmem:s31+$0xCBA0] =	vst v3;
	v3 =	vadd.f32 v61, v2  }
0x184: {  	v1 =	vadd.f32 v1, v2;
	[tilespmem:s31+$0xCD20] =	vst v12  }
0x185: {  	v13 =	vld [tilespmem:s31+$0x4B30];
	[tilespmem:s31+$0xCCA0] =	vst v3;
	v3 =	vadd.f32 v11, v2  }
0x186: {  	v14 =	vld [tilespmem:s31+$0x4BB0];
	[tilespmem:s31+$0xCE20] =	vst v1  }
0x187: {  	[tilespmem:s31+$0xCDA0] =	vst v3;
	v3 =	vld [tilespmem:s31+$0x4AB0]  }
0x188: {  	v1 =	vld [tilespmem:s29+$0x30]  }
0x189: {  	v15 =	vld [tilespmem:s31+$0x4C30]  }
0x18a: {  	v2 =	vld [tilespmem:s29+$0x430]  }
0x18b: {  	v16 =	vld [tilespmem:s31+$0x4CB0]  }
0x18c: {  	v17 =	vld [tilespmem:s31+$0x4D30]  }
0x18d: {  	v18 =	vld [tilespmem:s31+$0x4DB0];
	v3 =	vmul.f32 v3, v1  }
0x18e: {  	v19 =	vld [tilespmem:s31+$0x4E30];
	v4 =	vmul.f32 v13, v1  }
0x18f: {  	v6 =	vmul.f32 v15, v1;
	v3 =	vadd.f32 v3, v2  }
0x190: {  	v5 =	vmul.f32 v14, v1;
	v4 =	vadd.f32 v4, v2  }
0x191: {  	v22 =	vmul.f32 v17, v1;
	v21 =	vadd.f32 v6, v2;
	[tilespmem:s31+$0xCAB0] =	vst v3  }
0x192: {  	v20 =	vmul.f32 v16, v1;
	v3 =	vadd.f32 v5, v2;
	[tilespmem:s31+$0xCB30] =	vst v4  }
0x193: {  	v23 =	vmul.f32 v18, v1;
	v1 =	vmul.f32 v19, v1;
	v24 =	vadd.f32 v22, v2;
	[tilespmem:s31+$0xCC30] =	vst v21  }
0x194: {  	[tilespmem:s31+$0xCBB0] =	vst v3;
	v3 =	vadd.f32 v20, v2  }
0x195: {  	v1 =	vadd.f32 v1, v2;
	[tilespmem:s31+$0xCD30] =	vst v24  }
0x196: {  	v25 =	vld [tilespmem:s31+$0x4B40];
	[tilespmem:s31+$0xCCB0] =	vst v3;
	v3 =	vadd.f32 v23, v2  }
0x197: {  	v26 =	vld [tilespmem:s31+$0x4BC0];
	[tilespmem:s31+$0xCE30] =	vst v1  }
0x198: {  	[tilespmem:s31+$0xCDB0] =	vst v3;
	v3 =	vld [tilespmem:s31+$0x4AC0]  }
0x199: {  	v1 =	vld [tilespmem:s29+$0x40]  }
0x19a: {  	v27 =	vld [tilespmem:s31+$0x4C40]  }
0x19b: {  	v2 =	vld [tilespmem:s29+$0x440]  }
0x19c: {  	v28 =	vld [tilespmem:s31+$0x4CC0]  }
0x19d: {  	v29 =	vld [tilespmem:s31+$0x4D40]  }
0x19e: {  	v30 =	vld [tilespmem:s31+$0x4DC0];
	v3 =	vmul.f32 v3, v1  }
0x19f: {  	v31 =	vld [tilespmem:s31+$0x4E40];
	v4 =	vmul.f32 v25, v1  }
0x1a0: {  	v6 =	vmul.f32 v27, v1;
	v3 =	vadd.f32 v3, v2  }
0x1a1: {  	v5 =	vmul.f32 v26, v1;
	v4 =	vadd.f32 v4, v2  }
0x1a2: {  	v34 =	vmul.f32 v29, v1;
	v33 =	vadd.f32 v6, v2;
	[tilespmem:s31+$0xCAC0] =	vst v3  }
0x1a3: {  	v32 =	vmul.f32 v28, v1;
	v3 =	vadd.f32 v5, v2;
	[tilespmem:s31+$0xCB40] =	vst v4  }
0x1a4: {  	v35 =	vmul.f32 v30, v1;
	v1 =	vmul.f32 v31, v1;
	v36 =	vadd.f32 v34, v2;
	[tilespmem:s31+$0xCC40] =	vst v33  }
0x1a5: {  	[tilespmem:s31+$0xCBC0] =	vst v3;
	v3 =	vadd.f32 v32, v2  }
0x1a6: {  	v1 =	vadd.f32 v1, v2;
	[tilespmem:s31+$0xCD40] =	vst v36  }
0x1a7: {  	v39 =	vld [tilespmem:s31+$0x4C50];
	[tilespmem:s31+$0xCCC0] =	vst v3;
	v3 =	vadd.f32 v35, v2  }
0x1a8: {  	v38 =	vld [tilespmem:s31+$0x4BD0];
	[tilespmem:s31+$0xCE40] =	vst v1  }
0x1a9: {  	[tilespmem:s31+$0xCDC0] =	vst v3;
	v3 =	vld [tilespmem:s31+$0x4AD0]  }
0x1aa: {  	v1 =	vld [tilespmem:s29+$0x50]  }
0x1ab: {  	v37 =	vld [tilespmem:s31+$0x4B50]  }
0x1ac: {  	v2 =	vld [tilespmem:s29+$0x450]  }
0x1ad: {  	v41 =	vld [tilespmem:s31+$0x4D50]  }
0x1ae: {  	v40 =	vld [tilespmem:s31+$0x4CD0]  }
0x1af: {  	v42 =	vld [tilespmem:s31+$0x4DD0];
	v3 =	vmul.f32 v3, v1  }
0x1b0: {  	v43 =	vld [tilespmem:s31+$0x4E50];
	v4 =	vmul.f32 v37, v1  }
0x1b1: {  	v6 =	vmul.f32 v39, v1;
	v3 =	vadd.f32 v3, v2  }
0x1b2: {  	v5 =	vmul.f32 v38, v1;
	v4 =	vadd.f32 v4, v2  }
0x1b3: {  	v46 =	vmul.f32 v41, v1;
	v45 =	vadd.f32 v6, v2;
	[tilespmem:s31+$0xCAD0] =	vst v3  }
0x1b4: {  	v44 =	vmul.f32 v40, v1;
	v3 =	vadd.f32 v5, v2;
	[tilespmem:s31+$0xCB50] =	vst v4  }
0x1b5: {  	v47 =	vmul.f32 v42, v1;
	v1 =	vmul.f32 v43, v1;
	v48 =	vadd.f32 v46, v2;
	[tilespmem:s31+$0xCC50] =	vst v45  }
0x1b6: {  	[tilespmem:s31+$0xCBD0] =	vst v3;
	v3 =	vadd.f32 v44, v2  }
0x1b7: {  	v1 =	vadd.f32 v1, v2;
	[tilespmem:s31+$0xCD50] =	vst v48  }
0x1b8: {  	v51 =	vld [tilespmem:s31+$0x4C60];
	[tilespmem:s31+$0xCCD0] =	vst v3;
	v3 =	vadd.f32 v47, v2  }
0x1b9: {  	v50 =	vld [tilespmem:s31+$0x4BE0];
	[tilespmem:s31+$0xCE50] =	vst v1  }
0x1ba: {  	[tilespmem:s31+$0xCDD0] =	vst v3;
	v3 =	vld [tilespmem:s31+$0x4AE0]  }
0x1bb: {  	v1 =	vld [tilespmem:s29+$0x60]  }
0x1bc: {  	v49 =	vld [tilespmem:s31+$0x4B60]  }
0x1bd: {  	v2 =	vld [tilespmem:s29+$0x460]  }
0x1be: {  	v53 =	vld [tilespmem:s31+$0x4D60]  }
0x1bf: {  	v52 =	vld [tilespmem:s31+$0x4CE0]  }
0x1c0: {  	v54 =	vld [tilespmem:s31+$0x4DE0];
	v3 =	vmul.f32 v3, v1  }
0x1c1: {  	v55 =	vld [tilespmem:s31+$0x4E60];
	v4 =	vmul.f32 v49, v1  }
0x1c2: {  	v6 =	vmul.f32 v51, v1;
	v3 =	vadd.f32 v3, v2  }
0x1c3: {  	v5 =	vmul.f32 v50, v1;
	v4 =	vadd.f32 v4, v2  }
0x1c4: {  	v58 =	vmul.f32 v53, v1;
	v57 =	vadd.f32 v6, v2;
	[tilespmem:s31+$0xCAE0] =	vst v3  }
0x1c5: {  	v56 =	vmul.f32 v52, v1;
	v3 =	vadd.f32 v5, v2;
	[tilespmem:s31+$0xCB60] =	vst v4  }
0x1c6: {  	v59 =	vmul.f32 v54, v1;
	v1 =	vmul.f32 v55, v1;
	v60 =	vadd.f32 v58, v2;
	[tilespmem:s31+$0xCC60] =	vst v57  }
0x1c7: {  	[tilespmem:s31+$0xCBE0] =	vst v3;
	v3 =	vadd.f32 v56, v2  }
0x1c8: {  	v1 =	vadd.f32 v1, v2;
	[tilespmem:s31+$0xCD60] =	vst v60  }
0x1c9: {  	v63 =	vld [tilespmem:s31+$0x4C70];
	[tilespmem:s31+$0xCCE0] =	vst v3;
	v3 =	vadd.f32 v59, v2  }
0x1ca: {  	v62 =	vld [tilespmem:s31+$0x4BF0];
	[tilespmem:s31+$0xCE60] =	vst v1  }
0x1cb: {  	[tilespmem:s31+$0xCDE0] =	vst v3;
	v3 =	vld [tilespmem:s31+$0x4AF0]  }
0x1cc: {  	v1 =	vld [tilespmem:s29+$0x70]  }
0x1cd: {  	v61 =	vld [tilespmem:s31+$0x4B70]  }
0x1ce: {  	v2 =	vld [tilespmem:s29+$0x470]  }
0x1cf: {  	v12 =	vld [tilespmem:s31+$0x4CF0]  }
0x1d0: {  	v13 =	vld [tilespmem:s31+$0x4D70]  }
0x1d1: {  	v14 =	vld [tilespmem:s31+$0x4DF0];
	v3 =	vmul.f32 v3, v1  }
0x1d2: {  	v15 =	vld [tilespmem:s31+$0x4E70];
	v4 =	vmul.f32 v61, v1  }
0x1d3: {  	v6 =	vmul.f32 v63, v1;
	v3 =	vadd.f32 v3, v2  }
0x1d4: {  	v5 =	vmul.f32 v62, v1;
	v4 =	vadd.f32 v4, v2  }
0x1d5: {  	v18 =	vmul.f32 v13, v1;
	v17 =	vadd.f32 v6, v2;
	[tilespmem:s31+$0xCAF0] =	vst v3  }
0x1d6: {  	v16 =	vmul.f32 v12, v1;
	v3 =	vadd.f32 v5, v2;
	[tilespmem:s31+$0xCB70] =	vst v4  }
0x1d7: {  	v19 =	vmul.f32 v14, v1;
	v1 =	vmul.f32 v15, v1;
	v20 =	vadd.f32 v18, v2;
	[tilespmem:s31+$0xCC70] =	vst v17  }
0x1d8: {  	[tilespmem:s31+$0xCBF0] =	vst v3;
	v3 =	vadd.f32 v16, v2  }
0x1d9: {  	v1 =	vadd.f32 v1, v2;
	[tilespmem:s31+$0xCD70] =	vst v20  }
0x1da: {  	v22 =	vld [tilespmem:s31+$0x4F80];
	[tilespmem:s31+$0xCCF0] =	vst v3;
	v3 =	vadd.f32 v19, v2  }
0x1db: {  	v21 =	vld [tilespmem:s31+$0x4F00];
	[tilespmem:s31+$0xCE70] =	vst v1  }
0x1dc: {  	[tilespmem:s31+$0xCDF0] =	vst v3;
	v3 =	vld [tilespmem:s31+$0x4E80]  }
0x1dd: {  	v1 =	vld [tilespmem:s29+$0x200]  }
0x1de: {  	v23 =	vld [tilespmem:s31+$0x5000]  }
0x1df: {  	v2 =	vld [tilespmem:s29+$0x600]  }
0x1e0: {  	v24 =	vld [tilespmem:s31+$0x5080]  }
0x1e1: {  	v25 =	vld [tilespmem:s31+$0x5100]  }
0x1e2: {  	v26 =	vld [tilespmem:s31+$0x5180];
	v3 =	vmul.f32 v3, v1  }
0x1e3: {  	v27 =	vld [tilespmem:s31+$0x5200];
	v4 =	vmul.f32 v21, v1  }
0x1e4: {  	v6 =	vmul.f32 v23, v1;
	v3 =	vadd.f32 v3, v2  }
0x1e5: {  	v5 =	vmul.f32 v22, v1;
	v4 =	vadd.f32 v4, v2  }
0x1e6: {  	v30 =	vmul.f32 v25, v1;
	v29 =	vadd.f32 v6, v2;
	[tilespmem:s31+$0xCE80] =	vst v3  }
0x1e7: {  	v28 =	vmul.f32 v24, v1;
	v3 =	vadd.f32 v5, v2;
	[tilespmem:s31+$0xCF00] =	vst v4  }
0x1e8: {  	v31 =	vmul.f32 v26, v1;
	v1 =	vmul.f32 v27, v1;
	v32 =	vadd.f32 v30, v2;
	[tilespmem:s31+$0xD000] =	vst v29  }
0x1e9: {  	[tilespmem:s31+$0xCF80] =	vst v3;
	v3 =	vadd.f32 v28, v2  }
0x1ea: {  	v1 =	vadd.f32 v1, v2;
	[tilespmem:s31+$0xD100] =	vst v32  }
0x1eb: {  	v34 =	vld [tilespmem:s31+$0x4F90];
	[tilespmem:s31+$0xD080] =	vst v3;
	v3 =	vadd.f32 v31, v2  }
0x1ec: {  	v33 =	vld [tilespmem:s31+$0x4F10];
	[tilespmem:s31+$0xD200] =	vst v1  }
0x1ed: {  	[tilespmem:s31+$0xD180] =	vst v3;
	v3 =	vld [tilespmem:s31+$0x4E90]  }
0x1ee: {  	v1 =	vld [tilespmem:s29+$0x210]  }
0x1ef: {  	v35 =	vld [tilespmem:s31+$0x5010]  }
0x1f0: {  	v2 =	vld [tilespmem:s29+$0x610]  }
0x1f1: {  	v36 =	vld [tilespmem:s31+$0x5090]  }
0x1f2: {  	v37 =	vld [tilespmem:s31+$0x5110]  }
0x1f3: {  	v38 =	vld [tilespmem:s31+$0x5190];
	v3 =	vmul.f32 v3, v1  }
0x1f4: {  	v39 =	vld [tilespmem:s31+$0x5210];
	v4 =	vmul.f32 v33, v1  }
0x1f5: {  	v6 =	vmul.f32 v35, v1;
	v3 =	vadd.f32 v3, v2  }
0x1f6: {  	v5 =	vmul.f32 v34, v1;
	v4 =	vadd.f32 v4, v2  }
0x1f7: {  	v42 =	vmul.f32 v37, v1;
	v41 =	vadd.f32 v6, v2;
	[tilespmem:s31+$0xCE90] =	vst v3  }
0x1f8: {  	v40 =	vmul.f32 v36, v1;
	v3 =	vadd.f32 v5, v2;
	[tilespmem:s31+$0xCF10] =	vst v4  }
0x1f9: {  	v43 =	vmul.f32 v38, v1;
	v1 =	vmul.f32 v39, v1;
	v44 =	vadd.f32 v42, v2;
	[tilespmem:s31+$0xD010] =	vst v41  }
0x1fa: {  	[tilespmem:s31+$0xCF90] =	vst v3;
	v3 =	vadd.f32 v40, v2  }
0x1fb: {  	v1 =	vadd.f32 v1, v2;
	[tilespmem:s31+$0xD110] =	vst v44  }
0x1fc: {  	v46 =	vld [tilespmem:s31+$0x4FA0];
	[tilespmem:s31+$0xD090] =	vst v3;
	v3 =	vadd.f32 v43, v2  }
0x1fd: {  	v45 =	vld [tilespmem:s31+$0x4F20];
	[tilespmem:s31+$0xD210] =	vst v1  }
0x1fe: {  	[tilespmem:s31+$0xD190] =	vst v3;
	v3 =	vld [tilespmem:s31+$0x4EA0]  }
0x1ff: {  	v1 =	vld [tilespmem:s29+$0x220]  }
0x200: {  	v47 =	vld [tilespmem:s31+$0x5020]  }
0x201: {  	v2 =	vld [tilespmem:s29+$0x620]  }
0x202: {  	v48 =	vld [tilespmem:s31+$0x50A0]  }
0x203: {  	v49 =	vld [tilespmem:s31+$0x5120]  }
0x204: {  	v50 =	vld [tilespmem:s31+$0x51A0];
	v3 =	vmul.f32 v3, v1  }
0x205: {  	v51 =	vld [tilespmem:s31+$0x5220];
	v4 =	vmul.f32 v45, v1  }
0x206: {  	v6 =	vmul.f32 v47, v1;
	v3 =	vadd.f32 v3, v2  }
0x207: {  	v5 =	vmul.f32 v46, v1;
	v4 =	vadd.f32 v4, v2  }
0x208: {  	v54 =	vmul.f32 v49, v1;
	v53 =	vadd.f32 v6, v2;
	[tilespmem:s31+$0xCEA0] =	vst v3  }
0x209: {  	v52 =	vmul.f32 v48, v1;
	v3 =	vadd.f32 v5, v2;
	[tilespmem:s31+$0xCF20] =	vst v4  }
0x20a: {  	v55 =	vmul.f32 v50, v1;
	v1 =	vmul.f32 v51, v1;
	v56 =	vadd.f32 v54, v2;
	[tilespmem:s31+$0xD020] =	vst v53  }
0x20b: {  	[tilespmem:s31+$0xCFA0] =	vst v3;
	v3 =	vadd.f32 v52, v2  }
0x20c: {  	v1 =	vadd.f32 v1, v2;
	[tilespmem:s31+$0xD120] =	vst v56  }
0x20d: {  	v58 =	vld [tilespmem:s31+$0x4FB0];
	[tilespmem:s31+$0xD0A0] =	vst v3;
	v3 =	vadd.f32 v55, v2  }
0x20e: {  	v57 =	vld [tilespmem:s31+$0x4F30];
	[tilespmem:s31+$0xD220] =	vst v1  }
0x20f: {  	[tilespmem:s31+$0xD1A0] =	vst v3;
	v3 =	vld [tilespmem:s31+$0x4EB0]  }
0x210: {  	v1 =	vld [tilespmem:s29+$0x230]  }
0x211: {  	v59 =	vld [tilespmem:s31+$0x5030]  }
0x212: {  	v2 =	vld [tilespmem:s29+$0x630]  }
0x213: {  	v60 =	vld [tilespmem:s31+$0x50B0]  }
0x214: {  	v61 =	vld [tilespmem:s31+$0x5130]  }
0x215: {  	v62 =	vld [tilespmem:s31+$0x51B0];
	v3 =	vmul.f32 v3, v1  }
0x216: {  	v63 =	vld [tilespmem:s31+$0x5230];
	v4 =	vmul.f32 v57, v1  }
0x217: {  	v6 =	vmul.f32 v59, v1;
	v3 =	vadd.f32 v3, v2  }
0x218: {  	v5 =	vmul.f32 v58, v1;
	v4 =	vadd.f32 v4, v2  }
0x219: {  	v13 =	vmul.f32 v61, v1;
	v12 =	vadd.f32 v6, v2;
	[tilespmem:s31+$0xCEB0] =	vst v3  }
0x21a: {  	v11 =	vmul.f32 v60, v1;
	v3 =	vadd.f32 v5, v2;
	[tilespmem:s31+$0xCF30] =	vst v4  }
0x21b: {  	v14 =	vmul.f32 v62, v1;
	v1 =	vmul.f32 v63, v1;
	v15 =	vadd.f32 v13, v2;
	[tilespmem:s31+$0xD030] =	vst v12  }
0x21c: {  	[tilespmem:s31+$0xCFB0] =	vst v3;
	v3 =	vadd.f32 v11, v2  }
0x21d: {  	v1 =	vadd.f32 v1, v2;
	[tilespmem:s31+$0xD130] =	vst v15  }
0x21e: {  	v18 =	vld [tilespmem:s31+$0x5040];
	[tilespmem:s31+$0xD0B0] =	vst v3;
	v3 =	vadd.f32 v14, v2  }
0x21f: {  	v17 =	vld [tilespmem:s31+$0x4FC0];
	[tilespmem:s31+$0xD230] =	vst v1  }
0x220: {  	[tilespmem:s31+$0xD1B0] =	vst v3;
	v3 =	vld [tilespmem:s31+$0x4EC0]  }
0x221: {  	v1 =	vld [tilespmem:s29+$0x240]  }
0x222: {  	v16 =	vld [tilespmem:s31+$0x4F40]  }
0x223: {  	v2 =	vld [tilespmem:s29+$0x640]  }
0x224: {  	v20 =	vld [tilespmem:s31+$0x5140]  }
0x225: {  	v19 =	vld [tilespmem:s31+$0x50C0]  }
0x226: {  	v21 =	vld [tilespmem:s31+$0x51C0];
	v3 =	vmul.f32 v3, v1  }
0x227: {  	v22 =	vld [tilespmem:s31+$0x5240];
	v4 =	vmul.f32 v16, v1  }
0x228: {  	v6 =	vmul.f32 v18, v1;
	v3 =	vadd.f32 v3, v2  }
0x229: {  	v5 =	vmul.f32 v17, v1;
	v4 =	vadd.f32 v4, v2  }
0x22a: {  	v25 =	vmul.f32 v20, v1;
	v24 =	vadd.f32 v6, v2;
	[tilespmem:s31+$0xCEC0] =	vst v3  }
0x22b: {  	v23 =	vmul.f32 v19, v1;
	v3 =	vadd.f32 v5, v2;
	[tilespmem:s31+$0xCF40] =	vst v4  }
0x22c: {  	v26 =	vmul.f32 v21, v1;
	v1 =	vmul.f32 v22, v1;
	v27 =	vadd.f32 v25, v2;
	[tilespmem:s31+$0xD040] =	vst v24  }
0x22d: {  	[tilespmem:s31+$0xCFC0] =	vst v3;
	v3 =	vadd.f32 v23, v2  }
0x22e: {  	v1 =	vadd.f32 v1, v2;
	[tilespmem:s31+$0xD140] =	vst v27  }
0x22f: {  	v30 =	vld [tilespmem:s31+$0x5050];
	[tilespmem:s31+$0xD0C0] =	vst v3;
	v3 =	vadd.f32 v26, v2  }
0x230: {  	v29 =	vld [tilespmem:s31+$0x4FD0];
	[tilespmem:s31+$0xD240] =	vst v1  }
0x231: {  	[tilespmem:s31+$0xD1C0] =	vst v3;
	v3 =	vld [tilespmem:s31+$0x4ED0]  }
0x232: {  	v1 =	vld [tilespmem:s29+$0x250]  }
0x233: {  	v28 =	vld [tilespmem:s31+$0x4F50]  }
0x234: {  	v2 =	vld [tilespmem:s29+$0x650]  }
0x235: {  	v32 =	vld [tilespmem:s31+$0x5150]  }
0x236: {  	v31 =	vld [tilespmem:s31+$0x50D0]  }
0x237: {  	v33 =	vld [tilespmem:s31+$0x51D0];
	v3 =	vmul.f32 v3, v1  }
0x238: {  	v34 =	vld [tilespmem:s31+$0x5250];
	v4 =	vmul.f32 v28, v1  }
0x239: {  	v6 =	vmul.f32 v30, v1;
	v3 =	vadd.f32 v3, v2  }
0x23a: {  	v5 =	vmul.f32 v29, v1;
	v4 =	vadd.f32 v4, v2  }
0x23b: {  	v37 =	vmul.f32 v32, v1;
	v36 =	vadd.f32 v6, v2;
	[tilespmem:s31+$0xCED0] =	vst v3  }
0x23c: {  	v35 =	vmul.f32 v31, v1;
	v3 =	vadd.f32 v5, v2;
	[tilespmem:s31+$0xCF50] =	vst v4  }
0x23d: {  	v38 =	vmul.f32 v33, v1;
	v1 =	vmul.f32 v34, v1;
	v39 =	vadd.f32 v37, v2;
	[tilespmem:s31+$0xD050] =	vst v36  }
0x23e: {  	[tilespmem:s31+$0xCFD0] =	vst v3;
	v3 =	vadd.f32 v35, v2  }
0x23f: {  	v1 =	vadd.f32 v1, v2;
	[tilespmem:s31+$0xD150] =	vst v39  }
0x240: {  	v42 =	vld [tilespmem:s31+$0x5060];
	[tilespmem:s31+$0xD0D0] =	vst v3;
	v3 =	vadd.f32 v38, v2  }
0x241: {  	v41 =	vld [tilespmem:s31+$0x4FE0];
	[tilespmem:s31+$0xD250] =	vst v1  }
0x242: {  	[tilespmem:s31+$0xD1D0] =	vst v3;
	v3 =	vld [tilespmem:s31+$0x4EE0]  }
0x243: {  	v1 =	vld [tilespmem:s29+$0x260]  }
0x244: {  	v40 =	vld [tilespmem:s31+$0x4F60]  }
0x245: {  	v2 =	vld [tilespmem:s29+$0x660]  }
0x246: {  	v44 =	vld [tilespmem:s31+$0x5160]  }
0x247: {  	v43 =	vld [tilespmem:s31+$0x50E0]  }
0x248: {  	v45 =	vld [tilespmem:s31+$0x51E0];
	v3 =	vmul.f32 v3, v1  }
0x249: {  	v46 =	vld [tilespmem:s31+$0x5260];
	v4 =	vmul.f32 v40, v1  }
0x24a: {  	v6 =	vmul.f32 v42, v1;
	v3 =	vadd.f32 v3, v2  }
0x24b: {  	v5 =	vmul.f32 v41, v1;
	v4 =	vadd.f32 v4, v2  }
0x24c: {  	v49 =	vmul.f32 v44, v1;
	v48 =	vadd.f32 v6, v2;
	[tilespmem:s31+$0xCEE0] =	vst v3  }
0x24d: {  	v47 =	vmul.f32 v43, v1;
	v3 =	vadd.f32 v5, v2;
	[tilespmem:s31+$0xCF60] =	vst v4  }
0x24e: {  	v50 =	vmul.f32 v45, v1;
	v1 =	vmul.f32 v46, v1;
	v51 =	vadd.f32 v49, v2;
	[tilespmem:s31+$0xD060] =	vst v48  }
0x24f: {  	[tilespmem:s31+$0xCFE0] =	vst v3;
	v3 =	vadd.f32 v47, v2  }
0x250: {  	v1 =	vadd.f32 v1, v2;
	[tilespmem:s31+$0xD160] =	vst v51  }
0x251: {  	v54 =	vld [tilespmem:s31+$0x5070];
	[tilespmem:s31+$0xD0E0] =	vst v3;
	v3 =	vadd.f32 v50, v2  }
0x252: {  	v53 =	vld [tilespmem:s31+$0x4FF0];
	[tilespmem:s31+$0xD260] =	vst v1  }
0x253: {  	[tilespmem:s31+$0xD1E0] =	vst v3;
	v3 =	vld [tilespmem:s31+$0x4EF0]  }
0x254: {  	v1 =	vld [tilespmem:s29+$0x270]  }
0x255: {  	v52 =	vld [tilespmem:s31+$0x4F70]  }
0x256: {  	v2 =	vld [tilespmem:s29+$0x670]  }
0x257: {  	v56 =	vld [tilespmem:s31+$0x5170]  }
0x258: {  	v55 =	vld [tilespmem:s31+$0x50F0]  }
0x259: {  	v57 =	vld [tilespmem:s31+$0x51F0];
	v3 =	vmul.f32 v3, v1  }
0x25a: {  	v58 =	vld [tilespmem:s31+$0x5270];
	v4 =	vmul.f32 v52, v1  }
0x25b: {  	v6 =	vmul.f32 v54, v1;
	v3 =	vadd.f32 v3, v2  }
0x25c: {  	v5 =	vmul.f32 v53, v1;
	v4 =	vadd.f32 v4, v2  }
0x25d: {  	v61 =	vmul.f32 v56, v1;
	v60 =	vadd.f32 v6, v2;
	[tilespmem:s31+$0xCEF0] =	vst v3  }
0x25e: {  	v59 =	vmul.f32 v55, v1;
	v3 =	vadd.f32 v5, v2;
	[tilespmem:s31+$0xCF70] =	vst v4  }
0x25f: {  	p0 =	sne.s32 s26, $0x7;
	v62 =	vmul.f32 v57, v1;
	v1 =	vmul.f32 v58, v1;
	v63 =	vadd.f32 v61, v2;
	[tilespmem:s31+$0xD070] =	vst v60  }
.Ltmp3:
0x260: {  	[tilespmem:s31+$0xCFF0] =	vst v3;
	v3 =	vadd.f32 v59, v2;
	(pc) =	sbr.rel @p0 .LBB2_5-.Ltmp3, $4  }
0x261: {  	v1 =	vadd.f32 v1, v2;
	[tilespmem:s31+$0xD170] =	vst v63  }
0x262: {  	[tilespmem:s31+$0xD0F0] =	vst v3;
	v3 =	vadd.f32 v62, v2  }
0x263: {  	[tilespmem:s31+$0xD270] =	vst v1  }
0x264: {  	s26 =	sadd.s32 $0x1, s26;
	[tilespmem:s31+$0xD1F0] =	vst v3  }
.Ltmp4:
0x265: {  	(pc) =	sbr.rel @p1 .LBB2_8-.Ltmp4, $4  }
0x266: {  	_ = 	snop  }
0x267: {  	s25 =	sshll.u32 s25, $0x8  }
0x268: {  	s26 =	sadd.s32 s4, s25  }
0x269: {  	[hbm4b:s26+s5] =	stream.linear.scatter [tilespmem:s20], [sflag:$0x4], $0x4000, $0x38;
	[tilespmem:$0x10A80] =	vst v63  }
.Ltmp5:
0x26a: {  	(pc) =	sbr.rel .LBB2_2-.Ltmp5, $3  }
0x26b: {  	_ =	sdelay $0x1  }
0x26c: {  	s25 =	sadd.s32 s25, s10;
	s24 =	sadd.s32 $0x1, s24  }
0x26d: {  	[tilespmem:s16], [sflag:$0x2] =	stream.linear.gather [hbm4b:s25+s5], $0x4000, $0x38;
	[tilespmem:$0x10A80] =	vst v63  }
.LBB2_9:
0x26e: {  	_ =	sfence.sel $0x180000  }
0x26f: {  	[bflag:$0x0] =	sbarrier.arrive $0xFFFF  }
0x270: {  	p0 =	sne.s32 s3, $0x0;
	_ =	strace $0x90000047  }
0x271: {  	s0 =	sadd.s32 @!p0 $0x100000, s0;
	[bflag:$0x2] =	sbarrier.arrive $0xFFFF  }
0x272: {  	[sflag:s0] =	ssyncadd.tile.s32 @!p0 $0x1;
	_ =	shalt  }
.Lfunc_end2:
_tile_overlayer_lowered:
.L_overlay_start_2:
0x273: {  	(tag) =	ssettag $0x2  }
0x274: {  	s0 =	rddreg [dreg:$0x0];
	s2 =	stileid.u32  }
0x275: {  	s1 =	rddreg [dreg:$0x1];
	p0 =	sne.s32 s2, $0x0  }
0x276: {  	s3 =	rddreg [dreg:$0x2];
	[bflag:$0x3] =	sbarrier.arrive $0xFFFF;
	s2 =	simm.s32 @!p0 $0x1C05  }
0x277: {  	[timem:s3], [sflag:s2] =	dma.local @!p0 [hbm:s0], s1  }
0x278: {  	s0 =	simm.s32 @!p0 $0x5  }
0x279: {  	_ =	swait.ge @!p0 [sflag:s0], s1  }
0x27a: {  	s1 =	ssub.s32 @!p0 $0x0, s1;
	[sflag:s0] =	ssyncset.done @!p0 $0x0  }
0x27b: {  	[sflag:s0] =	ssyncadd.s32 @!p0 s1  }
0x27c: {  	[bflag:$0x3] =	sbarrier.arrive $0xFFFF  }
0x27d: {  	_ =	shalt  }

</sc_bundles>
